<compile_context>
chip_gen: v7x
topology: tpu7x:2x2x1
jax: 0.10.2.dev20260603
libtpu: 0.0.44.dev20260713+nightly
codegen_flags: <defaults>
</compile_context>

<pallas_src>
import functools

import jax
import jax.numpy as jnp
from jax import lax
from jax.experimental import pallas as pl
from jax.experimental.pallas import tpu as pltpu
from jax.experimental.pallas import tpu_sc as plsc

_BT = 128
_PB = 512
_CHUNK = 64
_NW = 32


def _router_binning_body(x_ref, gw_ref, dst_ref, te_ref, wsp_ref,
                         *, n_e, max_tiles):
    n_t = x_ref.shape[0]
    n_pairs = 2 * n_t
    pb = min(_PB, n_pairs)
    nb = n_pairs // pb

    logits = lax.dot_general(
        x_ref[...], gw_ref[...], (((1,), (1,)), ((), ())),
        preferred_element_type=jnp.float32)
    ids = lax.broadcasted_iota(jnp.int32, logits.shape, 1)
    m1 = jnp.max(logits, axis=1, keepdims=True)
    i1 = jnp.min(jnp.where(logits == m1, ids, n_e), axis=1, keepdims=True)
    masked = jnp.where(ids == i1, -jnp.inf, logits)
    m2 = jnp.max(masked, axis=1, keepdims=True)
    i2 = jnp.min(jnp.where(masked == m2, ids, n_e), axis=1, keepdims=True)
    z = jnp.exp(m2 - m1)
    w1 = 1.0 / (1.0 + z)
    w_all = jnp.concatenate([w1, z * w1], axis=0)
    wsp_ref[...] = jnp.broadcast_to(w_all, (n_pairs, 16))

    e_all = jnp.concatenate([i1, i2], axis=0)
    lane = lax.broadcasted_iota(jnp.int32, (n_pairs, n_e), 1)
    onehot = (lane == e_all).astype(jnp.float32)

    tri = (lax.broadcasted_iota(jnp.int32, (pb, pb), 0)
           > lax.broadcasted_iota(jnp.int32, (pb, pb), 1)).astype(jnp.float32)
    carry = jnp.zeros((1, n_e), jnp.float32)
    ranks = []
    for blk in range(nb):
        ob = onehot[blk * pb:(blk + 1) * pb, :]
        within = lax.dot_general(
            tri, ob, (((1,), (0,)), ((), ())),
            preferred_element_type=jnp.float32)
        ranks.append(jnp.sum(ob * within, axis=1, keepdims=True)
                     + jnp.sum(ob * carry, axis=1, keepdims=True))
        carry = carry + jnp.sum(ob, axis=0, keepdims=True)
    rank = jnp.concatenate(ranks, axis=0)

    counts = carry
    tiles = jnp.floor((counts + (_BT - 1)) * (1.0 / _BT))
    le = (lax.broadcasted_iota(jnp.int32, (n_e, n_e), 0)
          <= lax.broadcasted_iota(jnp.int32, (n_e, n_e), 1)).astype(jnp.float32)
    tiles8 = jnp.broadcast_to(tiles, (8, n_e))
    cum8 = lax.dot_general(
        tiles8, le, (((1,), (0,)), ((), ())),
        preferred_element_type=jnp.float32)
    cum = cum8[0:1, :]
    ts_row = (cum - tiles) * _BT

    total = jnp.sum(tiles, axis=1, keepdims=True)
    g_col = lax.broadcasted_iota(jnp.int32, (max_tiles, 1), 0).astype(jnp.float32)
    g_mat = lax.broadcasted_iota(jnp.int32, (max_tiles, n_e), 0).astype(jnp.float32)
    te_cnt = jnp.sum((cum <= g_mat).astype(jnp.int32), axis=1, keepdims=True)
    te_ref[...] = jnp.where(g_col < total, jnp.minimum(te_cnt, n_e - 1), -1)

    ts_term = jnp.sum(onehot * ts_row, axis=1, keepdims=True)
    dst_ref[...] = (rank + ts_term).astype(jnp.int32)


def _router_binning(xf, gate_weight, max_tiles):
    n_t = xf.shape[0]
    n_e = gate_weight.shape[0]
    n_pairs = 2 * n_t
    sds = jax.ShapeDtypeStruct
    return pl.pallas_call(
        functools.partial(_router_binning_body, n_e=n_e, max_tiles=max_tiles),
        out_shape=[
            sds((n_pairs, 1), jnp.int32),
            sds((max_tiles, 1), jnp.int32),
            sds((n_pairs, 16), jnp.float32),
        ],
    )(xf, gate_weight)


def _sc_dispatch_body(xf_hbm, dst_hbm, gathered_hbm, idx0_v, idx1_v, rows_v,
                      sem, *, n_t, n_sub):
    wid = lax.axis_index("s") * 2 + lax.axis_index("c")
    for sub in range(n_sub):
        tok0 = wid * (_CHUNK * n_sub) + sub * _CHUNK
        pltpu.sync_copy(dst_hbm.at[pl.ds(tok0, _CHUNK)], idx0_v)
        pltpu.sync_copy(dst_hbm.at[pl.ds(n_t + tok0, _CHUNK)], idx1_v)
        pltpu.sync_copy(xf_hbm.at[pl.ds(tok0, _CHUNK)], rows_v)
        h0 = pltpu.async_copy(rows_v, gathered_hbm.at[idx0_v], sem)
        h1 = pltpu.async_copy(rows_v, gathered_hbm.at[idx1_v], sem)
        h0.wait()
        h1.wait()


def _sc_build_gathered(xf, dst_flat, max_rows):
    n_t, n_h = xf.shape
    n_sub = n_t // (_NW * _CHUNK)
    mesh = plsc.VectorSubcoreMesh(core_axis_name="c", subcore_axis_name="s")
    return pl.kernel(
        functools.partial(_sc_dispatch_body, n_t=n_t, n_sub=n_sub),
        mesh=mesh,
        out_type=jax.ShapeDtypeStruct((max_rows, n_h), jnp.float32),
        scratch_types=[
            pltpu.VMEM((_CHUNK,), jnp.int32),
            pltpu.VMEM((_CHUNK,), jnp.int32),
            pltpu.VMEM((_CHUNK, n_h), jnp.float32),
            pltpu.SemaphoreType.DMA,
        ],
    )(xf, dst_flat)


def _mlp_body(te_ref, xg_ref, ga_ref, up_ref, dp_ref, eo_ref, *, n_i):
    g = pl.program_id(0)

    @pl.when(te_ref[g] >= 0)
    def _():
        xb = xg_ref[...]
        gate = lax.dot_general(
            xb, ga_ref[0], (((1,), (1,)), ((), ())),
            preferred_element_type=jnp.float32)
        up = lax.dot_general(
            xb, up_ref[0], (((1,), (1,)), ((), ())),
            preferred_element_type=jnp.float32)
        h = gate * lax.logistic(gate) * up
        eo_ref[...] = lax.dot_general(
            h, dp_ref[0], (((1,), (1,)), ((), ())),
            preferred_element_type=jnp.float32)


def _grouped_mlp(te_flat, gathered, gate_up_proj, down_proj, max_tiles):
    n_h = gathered.shape[1]
    n_i = down_proj.shape[2]
    n_e = down_proj.shape[0]
    grid_spec = pltpu.PrefetchScalarGridSpec(
        num_scalar_prefetch=1,
        grid=(max_tiles,),
        in_specs=[
            pl.BlockSpec((_BT, n_h),
                         lambda g, te: (jnp.where(te[g] < 0, 0, g), 0)),
            pl.BlockSpec((1, n_i, n_h),
                         lambda g, te, le=n_e - 1:
                             (jnp.where(te[g] < 0, le, te[g]), 0, 0)),
            pl.BlockSpec((1, n_i, n_h),
                         lambda g, te, le=n_e - 1:
                             (jnp.where(te[g] < 0, le, te[g]), 1, 0)),
            pl.BlockSpec((1, n_h, n_i),
                         lambda g, te, le=n_e - 1:
                             (jnp.where(te[g] < 0, le, te[g]), 0, 0)),
        ],
        out_specs=pl.BlockSpec(
            (_BT, n_h),
            lambda g, te: (jnp.where(te[g] < 0, te.shape[0] - 1, g), 0)),
    )
    return pl.pallas_call(
        functools.partial(_mlp_body, n_i=n_i),
        grid_spec=grid_spec,
        out_shape=jax.ShapeDtypeStruct((gathered.shape[0], n_h), jnp.float32),
        compiler_params=pltpu.CompilerParams(
            dimension_semantics=("arbitrary",)),
    )(te_flat, gathered, gate_up_proj, gate_up_proj, down_proj)


def _sc_combine_body(eo_hbm, dst_hbm, wsp_hbm, out_hbm,
                     idxa_v, idxb_v, wa_v, wb_v, a_v, b_v, sem,
                     *, n_t, n_sub, n_h):
    wid = lax.axis_index("s") * 2 + lax.axis_index("c")
    n_c = n_h // 16
    for sub in range(n_sub):
        tok0 = wid * (_CHUNK * n_sub) + sub * _CHUNK
        pltpu.sync_copy(dst_hbm.at[pl.ds(tok0, _CHUNK)], idxa_v)
        pltpu.sync_copy(dst_hbm.at[pl.ds(n_t + tok0, _CHUNK)], idxb_v)
        ha = pltpu.async_copy(eo_hbm.at[idxa_v], a_v, sem)
        hb = pltpu.async_copy(eo_hbm.at[idxb_v], b_v, sem)
        pltpu.sync_copy(wsp_hbm.at[pl.ds(tok0, _CHUNK)], wa_v)
        pltpu.sync_copy(wsp_hbm.at[pl.ds(n_t + tok0, _CHUNK)], wb_v)
        ha.wait()
        hb.wait()

        def _wadd_row(r, carry):
            wa = wa_v[r, :]
            wb = wb_v[r, :]
            for c in range(n_c):
                sl = pl.ds(c * 16, 16)
                a_v[r, sl] = wa * a_v[r, sl] + wb * b_v[r, sl]
            return carry

        lax.fori_loop(0, _CHUNK, _wadd_row, 0)
        pltpu.sync_copy(a_v, out_hbm.at[pl.ds(tok0, _CHUNK)])


def _sc_combine(eo, dst_flat, wsp, n_t):
    n_h = eo.shape[1]
    n_sub = n_t // (_NW * _CHUNK)
    mesh = plsc.VectorSubcoreMesh(core_axis_name="c", subcore_axis_name="s")
    return pl.kernel(
        functools.partial(_sc_combine_body, n_t=n_t, n_sub=n_sub, n_h=n_h),
        mesh=mesh,
        out_type=jax.ShapeDtypeStruct((n_t, n_h), jnp.float32),
        scratch_types=[
            pltpu.VMEM((_CHUNK,), jnp.int32),
            pltpu.VMEM((_CHUNK,), jnp.int32),
            pltpu.VMEM((_CHUNK, 16), jnp.float32),
            pltpu.VMEM((_CHUNK, 16), jnp.float32),
            pltpu.VMEM((_CHUNK, n_h), jnp.float32),
            pltpu.VMEM((_CHUNK, n_h), jnp.float32),
            pltpu.SemaphoreType.DMA,
        ],
    )(eo, dst_flat, wsp)


def kernel(x, gate_weight, gate_up_proj, down_proj):
    n_h = x.shape[-1]
    xf = x.reshape(-1, n_h)
    n_t = xf.shape[0]
    n_e = gate_weight.shape[0]
    max_tiles = (2 * n_t) // _BT + n_e
    max_rows = max_tiles * _BT

    dst, te, wsp = _router_binning(xf, gate_weight, max_tiles)
    dst_flat = dst.reshape(-1)
    te_flat = te.reshape(-1)
    gathered = _sc_build_gathered(xf, dst_flat, max_rows)
    eo = _grouped_mlp(te_flat, gathered, gate_up_proj, down_proj, max_tiles)
    return _sc_combine(eo, dst_flat, wsp, n_t)

# --- scband reference (transcript-rebuilt; emitter-appended) ---
"""Pipeline reference for scband-fake-sparse-moe-block-9302899163575 (READ-ONLY COPY).

The authoritative reference and input builder live on the scoring server;
editing this copy changes nothing except your own understanding.
"""

import jax, jax.numpy as jnp
import numpy as np

E = 64
K = 2
H = 768
I = 768


def setup_inputs(seed: int = 0) -> dict:
    key = jax.random.key(seed)
    k1, k2, k3, k4 = jax.random.split(key, 4)
    x = jax.random.normal(k1, (2, 2048, H), dtype=jnp.float32)
    gate_weight = jax.random.normal(k2, (E, H), dtype=jnp.float32)
    gate_up_proj = jax.random.normal(k3, (E, 2 * I, H), dtype=jnp.float32) * 0.02
    down_proj = jax.random.normal(k4, (E, H, I), dtype=jnp.float32) * 0.02
    return {"x": x, "gate_weight": gate_weight, "gate_up_proj": gate_up_proj, "down_proj": down_proj}


def reference(x, gate_weight, gate_up_proj, down_proj):
    xf = x.reshape(-1, x.shape[-1])
    # router (_FakeTopKRouter)
    logits = xf @ gate_weight.T
    scores = jax.nn.softmax(logits.astype(jnp.float32), axis=-1)
    topv, topi = jax.lax.top_k(scores, K)
    topv = topv / jnp.sum(topv, axis=-1, keepdims=True)
    topv = topv.astype(logits.dtype)
    # packed experts (_FakePackedExperts)
    final = jnp.zeros_like(xf)

    def expert_step(final, inputs):
        e_gu, e_dp, e_id = inputs
        mask = topi == e_id  # [T, K]
        w = jnp.sum(jnp.where(mask, topv, jnp.zeros_like(topv)), axis=-1)  # [T]
        gu = xf @ e_gu.T
        gate, up = jnp.split(gu, 2, axis=-1)
        h = jax.nn.silu(gate) * up
        eo = h @ e_dp.T
        routed = eo * w[:, None]
        final = final + routed.astype(final.dtype)
        return final, None

    final, _ = jax.lax.scan(
        expert_step, final, (gate_up_proj, down_proj, jnp.arange(E, dtype=topi.dtype))
    )
    return final

if __name__ == "__main__":
    import jax
    _d = setup_inputs()
    print(jax.jit(kernel)(*tuple(_d.values())))

</pallas_src>

<mosaic_0001>
#map = affine_map<(d0, d1) -> (0, 0)>
#map1 = affine_map<(d0, d1) -> (0)>
module attributes {stable_mosaic.version = 14 : i64} {
  func.func @_sc_dispatch_body(%arg0: i32, %arg1: i32, %arg2: memref<4096x768xf32, #tpu.memory_space<hbm>>, %arg3: memref<8192xi32, #tpu.memory_space<hbm>>, %arg4: memref<16384x768xf32, #tpu.memory_space<hbm>>, %arg5: memref<64xi32, #tpu.memory_space<vmem>>, %arg6: memref<64xi32, #tpu.memory_space<vmem>>, %arg7: memref<64x768xf32, #tpu.memory_space<vmem>>, %arg8: memref<!tpu.dma_semaphore, #tpu.memory_space<semaphore_mem>>) attributes {dimension_semantics = [#tpu.dimension_semantics<core_parallel>, #tpu.dimension_semantics<subcore_parallel>], iteration_bounds = array<i64: 2, 16>, scalar_prefetch = 0 : i64, scratch_operands = 4 : i64, tpu.core_type = #tpu.core_type<sc_vector_subcore>, window_params = [{transform_indices = #map}, {transform_indices = #map1}, {transform_indices = #map}]} {
    %mul3A = arith.constant 2 : i32
    %mul3A_0 = arith.muli %arg1, %mul3A : i32
    %add3A = arith.addi %mul3A_0, %arg0 : i32
    %mul3A_1 = arith.constant 128 : i32
    %mul3A_2 = arith.muli %add3A, %mul3A_1 : i32
    %add3A_3 = arith.constant 0 : i32
    %add3A_4 = arith.addi %mul3A_2, %add3A_3 : i32
    "tpu.region"() ({
      %run_scoped3A = tpu.sem_alloc : memref<!tpu.dma_semaphore, #tpu.memory_space<semaphore_mem>>
      %dma_start3A_35 = tpu.memref_slice %arg3[%add3A_4] : memref<8192xi32, #tpu.memory_space<hbm>> -> memref<64xi32, #tpu.memory_space<hbm>>
      %dma_start3A_36 = tpu.memref_slice %arg3[%add3A_4] : memref<8192xi32, #tpu.memory_space<hbm>> -> memref<64xi32, #tpu.memory_space<hbm>>
      tpu.enqueue_dma source(%dma_start3A_36 : memref<64xi32, #tpu.memory_space<hbm>>) target(%arg5 : memref<64xi32, #tpu.memory_space<vmem>>) target_semaphore(%run_scoped3A : memref<!tpu.dma_semaphore, #tpu.memory_space<semaphore_mem>>)
      %dma_wait3A_37 = tpu.memref_slice %arg3[%add3A_4] : memref<8192xi32, #tpu.memory_space<hbm>> -> memref<64xi32, #tpu.memory_space<hbm>>
      %dma_wait3A_38 = tpu.memref_slice %arg3[%add3A_4] : memref<8192xi32, #tpu.memory_space<hbm>> -> memref<64xi32, #tpu.memory_space<hbm>>
      tpu.wait_dma2 semaphore(%run_scoped3A : memref<!tpu.dma_semaphore, #tpu.memory_space<semaphore_mem>>) src(%dma_wait3A_38 : memref<64xi32, #tpu.memory_space<hbm>>) dst(%arg5 : memref<64xi32, #tpu.memory_space<vmem>>)
      tpu.yield
    }) : () -> ()
    %add3A_5 = arith.constant 4096 : i32
    %add3A_6 = arith.addi %add3A_5, %add3A_4 : i32
    "tpu.region"() ({
      %run_scoped3A = tpu.sem_alloc : memref<!tpu.dma_semaphore, #tpu.memory_space<semaphore_mem>>
      %dma_start3A_35 = tpu.memref_slice %arg3[%add3A_6] : memref<8192xi32, #tpu.memory_space<hbm>> -> memref<64xi32, #tpu.memory_space<hbm>>
      %dma_start3A_36 = tpu.memref_slice %arg3[%add3A_6] : memref<8192xi32, #tpu.memory_space<hbm>> -> memref<64xi32, #tpu.memory_space<hbm>>
      tpu.enqueue_dma source(%dma_start3A_36 : memref<64xi32, #tpu.memory_space<hbm>>) target(%arg6 : memref<64xi32, #tpu.memory_space<vmem>>) target_semaphore(%run_scoped3A : memref<!tpu.dma_semaphore, #tpu.memory_space<semaphore_mem>>)
      %dma_wait3A_37 = tpu.memref_slice %arg3[%add3A_6] : memref<8192xi32, #tpu.memory_space<hbm>> -> memref<64xi32, #tpu.memory_space<hbm>>
      %dma_wait3A_38 = tpu.memref_slice %arg3[%add3A_6] : memref<8192xi32, #tpu.memory_space<hbm>> -> memref<64xi32, #tpu.memory_space<hbm>>
      tpu.wait_dma2 semaphore(%run_scoped3A : memref<!tpu.dma_semaphore, #tpu.memory_space<semaphore_mem>>) src(%dma_wait3A_38 : memref<64xi32, #tpu.memory_space<hbm>>) dst(%arg6 : memref<64xi32, #tpu.memory_space<vmem>>)
      tpu.yield
    }) : () -> ()
    "tpu.region"() ({
      %run_scoped3A = tpu.sem_alloc : memref<!tpu.dma_semaphore, #tpu.memory_space<semaphore_mem>>
      %dma_start3A_35 = arith.constant 0 : i32
      %dma_start3A_36 = tpu.memref_slice %arg2[%add3A_4, %dma_start3A_35] : memref<4096x768xf32, #tpu.memory_space<hbm>> -> memref<64x768xf32, #tpu.memory_space<hbm>>
      %dma_start3A_37 = arith.constant 0 : i32
      %dma_start3A_38 = tpu.memref_slice %arg2[%add3A_4, %dma_start3A_37] : memref<4096x768xf32, #tpu.memory_space<hbm>> -> memref<64x768xf32, #tpu.memory_space<hbm>>
      tpu.enqueue_dma source(%dma_start3A_38 : memref<64x768xf32, #tpu.memory_space<hbm>>) target(%arg7 : memref<64x768xf32, #tpu.memory_space<vmem>>) target_semaphore(%run_scoped3A : memref<!tpu.dma_semaphore, #tpu.memory_space<semaphore_mem>>)
      %dma_wait3A_39 = arith.constant 0 : i32
      %dma_wait3A_40 = tpu.memref_slice %arg2[%add3A_4, %dma_wait3A_39] : memref<4096x768xf32, #tpu.memory_space<hbm>> -> memref<64x768xf32, #tpu.memory_space<hbm>>
      %dma_wait3A_41 = arith.constant 0 : i32
      %dma_wait3A_42 = tpu.memref_slice %arg2[%add3A_4, %dma_wait3A_41] : memref<4096x768xf32, #tpu.memory_space<hbm>> -> memref<64x768xf32, #tpu.memory_space<hbm>>
      tpu.wait_dma2 semaphore(%run_scoped3A : memref<!tpu.dma_semaphore, #tpu.memory_space<semaphore_mem>>) src(%dma_wait3A_42 : memref<64x768xf32, #tpu.memory_space<hbm>>) dst(%arg7 : memref<64x768xf32, #tpu.memory_space<vmem>>)
      tpu.yield
    }) : () -> ()
    %dma_start3A = arith.constant 0 : i32
    %dma_start3A_7 = arith.constant 0 : i32
    %dma_start3A_8 = tpu.memref_slice %arg4[%dma_start3A, %dma_start3A_7] : memref<16384x768xf32, #tpu.memory_space<hbm>> -> memref<16384x768xf32, #tpu.memory_space<hbm>>
    tpu.enqueue_indirect_dma source(%arg7 : memref<64x768xf32, #tpu.memory_space<vmem>>) target(%dma_start3A_8 : memref<16384x768xf32, #tpu.memory_space<hbm>>) offsets(%arg5 : memref<64xi32, #tpu.memory_space<vmem>>) semaphore(%arg8 : memref<!tpu.dma_semaphore, #tpu.memory_space<semaphore_mem>>)
    %dma_start3A_9 = arith.constant 0 : i32
    %dma_start3A_10 = arith.constant 0 : i32
    %dma_start3A_11 = tpu.memref_slice %arg4[%dma_start3A_9, %dma_start3A_10] : memref<16384x768xf32, #tpu.memory_space<hbm>> -> memref<16384x768xf32, #tpu.memory_space<hbm>>
    tpu.enqueue_indirect_dma source(%arg7 : memref<64x768xf32, #tpu.memory_space<vmem>>) target(%dma_start3A_11 : memref<16384x768xf32, #tpu.memory_space<hbm>>) offsets(%arg6 : memref<64xi32, #tpu.memory_space<vmem>>) semaphore(%arg8 : memref<!tpu.dma_semaphore, #tpu.memory_space<semaphore_mem>>)
    %dma_wait3A = arith.constant 0 : i32
    %dma_wait3A_12 = arith.constant 0 : i32
    %dma_wait3A_13 = tpu.memref_slice %arg4[%dma_wait3A, %dma_wait3A_12] : memref<16384x768xf32, #tpu.memory_space<hbm>> -> memref<16384x768xf32, #tpu.memory_space<hbm>>
    tpu.wait_indirect_dma semaphore(%arg8 : memref<!tpu.dma_semaphore, #tpu.memory_space<semaphore_mem>>) src(%arg7 : memref<64x768xf32, #tpu.memory_space<vmem>>) dst(%dma_wait3A_13 : memref<16384x768xf32, #tpu.memory_space<hbm>>)
    %dma_wait3A_14 = arith.constant 0 : i32
    %dma_wait3A_15 = arith.constant 0 : i32
    %dma_wait3A_16 = tpu.memref_slice %arg4[%dma_wait3A_14, %dma_wait3A_15] : memref<16384x768xf32, #tpu.memory_space<hbm>> -> memref<16384x768xf32, #tpu.memory_space<hbm>>
    tpu.wait_indirect_dma semaphore(%arg8 : memref<!tpu.dma_semaphore, #tpu.memory_space<semaphore_mem>>) src(%arg7 : memref<64x768xf32, #tpu.memory_space<vmem>>) dst(%dma_wait3A_16 : memref<16384x768xf32, #tpu.memory_space<hbm>>)
    %mul3A_17 = arith.constant 128 : i32
    %mul3A_18 = arith.muli %add3A, %mul3A_17 : i32
    %add3A_19 = arith.constant 64 : i32
    %add3A_20 = arith.addi %mul3A_18, %add3A_19 : i32
    "tpu.region"() ({
      %run_scoped3A = tpu.sem_alloc : memref<!tpu.dma_semaphore, #tpu.memory_space<semaphore_mem>>
      %dma_start3A_35 = tpu.memref_slice %arg3[%add3A_20] : memref<8192xi32, #tpu.memory_space<hbm>> -> memref<64xi32, #tpu.memory_space<hbm>>
      %dma_start3A_36 = tpu.memref_slice %arg3[%add3A_20] : memref<8192xi32, #tpu.memory_space<hbm>> -> memref<64xi32, #tpu.memory_space<hbm>>
      tpu.enqueue_dma source(%dma_start3A_36 : memref<64xi32, #tpu.memory_space<hbm>>) target(%arg5 : memref<64xi32, #tpu.memory_space<vmem>>) target_semaphore(%run_scoped3A : memref<!tpu.dma_semaphore, #tpu.memory_space<semaphore_mem>>)
      %dma_wait3A_37 = tpu.memref_slice %arg3[%add3A_20] : memref<8192xi32, #tpu.memory_space<hbm>> -> memref<64xi32, #tpu.memory_space<hbm>>
      %dma_wait3A_38 = tpu.memref_slice %arg3[%add3A_20] : memref<8192xi32, #tpu.memory_space<hbm>> -> memref<64xi32, #tpu.memory_space<hbm>>
      tpu.wait_dma2 semaphore(%run_scoped3A : memref<!tpu.dma_semaphore, #tpu.memory_space<semaphore_mem>>) src(%dma_wait3A_38 : memref<64xi32, #tpu.memory_space<hbm>>) dst(%arg5 : memref<64xi32, #tpu.memory_space<vmem>>)
      tpu.yield
    }) : () -> ()
    %add3A_21 = arith.constant 4096 : i32
    %add3A_22 = arith.addi %add3A_21, %add3A_20 : i32
    "tpu.region"() ({
      %run_scoped3A = tpu.sem_alloc : memref<!tpu.dma_semaphore, #tpu.memory_space<semaphore_mem>>
      %dma_start3A_35 = tpu.memref_slice %arg3[%add3A_22] : memref<8192xi32, #tpu.memory_space<hbm>> -> memref<64xi32, #tpu.memory_space<hbm>>
      %dma_start3A_36 = tpu.memref_slice %arg3[%add3A_22] : memref<8192xi32, #tpu.memory_space<hbm>> -> memref<64xi32, #tpu.memory_space<hbm>>
      tpu.enqueue_dma source(%dma_start3A_36 : memref<64xi32, #tpu.memory_space<hbm>>) target(%arg6 : memref<64xi32, #tpu.memory_space<vmem>>) target_semaphore(%run_scoped3A : memref<!tpu.dma_semaphore, #tpu.memory_space<semaphore_mem>>)
      %dma_wait3A_37 = tpu.memref_slice %arg3[%add3A_22] : memref<8192xi32, #tpu.memory_space<hbm>> -> memref<64xi32, #tpu.memory_space<hbm>>
      %dma_wait3A_38 = tpu.memref_slice %arg3[%add3A_22] : memref<8192xi32, #tpu.memory_space<hbm>> -> memref<64xi32, #tpu.memory_space<hbm>>
      tpu.wait_dma2 semaphore(%run_scoped3A : memref<!tpu.dma_semaphore, #tpu.memory_space<semaphore_mem>>) src(%dma_wait3A_38 : memref<64xi32, #tpu.memory_space<hbm>>) dst(%arg6 : memref<64xi32, #tpu.memory_space<vmem>>)
      tpu.yield
    }) : () -> ()
    "tpu.region"() ({
      %run_scoped3A = tpu.sem_alloc : memref<!tpu.dma_semaphore, #tpu.memory_space<semaphore_mem>>
      %dma_start3A_35 = arith.constant 0 : i32
      %dma_start3A_36 = tpu.memref_slice %arg2[%add3A_20, %dma_start3A_35] : memref<4096x768xf32, #tpu.memory_space<hbm>> -> memref<64x768xf32, #tpu.memory_space<hbm>>
      %dma_start3A_37 = arith.constant 0 : i32
      %dma_start3A_38 = tpu.memref_slice %arg2[%add3A_20, %dma_start3A_37] : memref<4096x768xf32, #tpu.memory_space<hbm>> -> memref<64x768xf32, #tpu.memory_space<hbm>>
      tpu.enqueue_dma source(%dma_start3A_38 : memref<64x768xf32, #tpu.memory_space<hbm>>) target(%arg7 : memref<64x768xf32, #tpu.memory_space<vmem>>) target_semaphore(%run_scoped3A : memref<!tpu.dma_semaphore, #tpu.memory_space<semaphore_mem>>)
      %dma_wait3A_39 = arith.constant 0 : i32
      %dma_wait3A_40 = tpu.memref_slice %arg2[%add3A_20, %dma_wait3A_39] : memref<4096x768xf32, #tpu.memory_space<hbm>> -> memref<64x768xf32, #tpu.memory_space<hbm>>
      %dma_wait3A_41 = arith.constant 0 : i32
      %dma_wait3A_42 = tpu.memref_slice %arg2[%add3A_20, %dma_wait3A_41] : memref<4096x768xf32, #tpu.memory_space<hbm>> -> memref<64x768xf32, #tpu.memory_space<hbm>>
      tpu.wait_dma2 semaphore(%run_scoped3A : memref<!tpu.dma_semaphore, #tpu.memory_space<semaphore_mem>>) src(%dma_wait3A_42 : memref<64x768xf32, #tpu.memory_space<hbm>>) dst(%arg7 : memref<64x768xf32, #tpu.memory_space<vmem>>)
      tpu.yield
    }) : () -> ()
    %dma_start3A_23 = arith.constant 0 : i32
    %dma_start3A_24 = arith.constant 0 : i32
    %dma_start3A_25 = tpu.memref_slice %arg4[%dma_start3A_23, %dma_start3A_24] : memref<16384x768xf32, #tpu.memory_space<hbm>> -> memref<16384x768xf32, #tpu.memory_space<hbm>>
    tpu.enqueue_indirect_dma source(%arg7 : memref<64x768xf32, #tpu.memory_space<vmem>>) target(%dma_start3A_25 : memref<16384x768xf32, #tpu.memory_space<hbm>>) offsets(%arg5 : memref<64xi32, #tpu.memory_space<vmem>>) semaphore(%arg8 : memref<!tpu.dma_semaphore, #tpu.memory_space<semaphore_mem>>)
    %dma_start3A_26 = arith.constant 0 : i32
    %dma_start3A_27 = arith.constant 0 : i32
    %dma_start3A_28 = tpu.memref_slice %arg4[%dma_start3A_26, %dma_start3A_27] : memref<16384x768xf32, #tpu.memory_space<hbm>> -> memref<16384x768xf32, #tpu.memory_space<hbm>>
    tpu.enqueue_indirect_dma source(%arg7 : memref<64x768xf32, #tpu.memory_space<vmem>>) target(%dma_start3A_28 : memref<16384x768xf32, #tpu.memory_space<hbm>>) offsets(%arg6 : memref<64xi32, #tpu.memory_space<vmem>>) semaphore(%arg8 : memref<!tpu.dma_semaphore, #tpu.memory_space<semaphore_mem>>)
    %dma_wait3A_29 = arith.constant 0 : i32
    %dma_wait3A_30 = arith.constant 0 : i32
    %dma_wait3A_31 = tpu.memref_slice %arg4[%dma_wait3A_29, %dma_wait3A_30] : memref<16384x768xf32, #tpu.memory_space<hbm>> -> memref<16384x768xf32, #tpu.memory_space<hbm>>
    tpu.wait_indirect_dma semaphore(%arg8 : memref<!tpu.dma_semaphore, #tpu.memory_space<semaphore_mem>>) src(%arg7 : memref<64x768xf32, #tpu.memory_space<vmem>>) dst(%dma_wait3A_31 : memref<16384x768xf32, #tpu.memory_space<hbm>>)
    %dma_wait3A_32 = arith.constant 0 : i32
    %dma_wait3A_33 = arith.constant 0 : i32
    %dma_wait3A_34 = tpu.memref_slice %arg4[%dma_wait3A_32, %dma_wait3A_33] : memref<16384x768xf32, #tpu.memory_space<hbm>> -> memref<16384x768xf32, #tpu.memory_space<hbm>>
    tpu.wait_indirect_dma semaphore(%arg8 : memref<!tpu.dma_semaphore, #tpu.memory_space<semaphore_mem>>) src(%arg7 : memref<64x768xf32, #tpu.memory_space<vmem>>) dst(%dma_wait3A_34 : memref<16384x768xf32, #tpu.memory_space<hbm>>)
    return
  }
}

#map = affine_map<(d0, d1) -> (0, 0)>
#map1 = affine_map<(d0, d1) -> (0)>
module attributes {stable_mosaic.version = 14 : i64} {
  func.func @_sc_combine_body(%arg0: i32, %arg1: i32, %arg2: memref<16384x768xf32, #tpu.memory_space<hbm>>, %arg3: memref<8192xi32, #tpu.memory_space<hbm>>, %arg4: memref<8192x16xf32, #tpu.memory_space<hbm>>, %arg5: memref<4096x768xf32, #tpu.memory_space<hbm>>, %arg6: memref<64xi32, #tpu.memory_space<vmem>>, %arg7: memref<64xi32, #tpu.memory_space<vmem>>, %arg8: memref<64x16xf32, #tpu.memory_space<vmem>>, %arg9: memref<64x16xf32, #tpu.memory_space<vmem>>, %arg10: memref<64x768xf32, #tpu.memory_space<vmem>>, %arg11: memref<64x768xf32, #tpu.memory_space<vmem>>, %arg12: memref<!tpu.dma_semaphore, #tpu.memory_space<semaphore_mem>>) attributes {dimension_semantics = [#tpu.dimension_semantics<core_parallel>, #tpu.dimension_semantics<subcore_parallel>], iteration_bounds = array<i64: 2, 16>, scalar_prefetch = 0 : i64, scratch_operands = 7 : i64, tpu.core_type = #tpu.core_type<sc_vector_subcore>, window_params = [{transform_indices = #map}, {transform_indices = #map1}, {transform_indices = #map}, {transform_indices = #map}]} {
    %mul3A = arith.constant 2 : i32
    %mul3A_0 = arith.muli %arg1, %mul3A : i32
    %add3A = arith.addi %mul3A_0, %arg0 : i32
    %mul3A_1 = arith.constant 128 : i32
    %mul3A_2 = arith.muli %add3A, %mul3A_1 : i32
    %add3A_3 = arith.constant 0 : i32
    %add3A_4 = arith.addi %mul3A_2, %add3A_3 : i32
    "tpu.region"() ({
      %run_scoped3A = tpu.sem_alloc : memref<!tpu.dma_semaphore, #tpu.memory_space<semaphore_mem>>
      %dma_start3A_50 = tpu.memref_slice %arg3[%add3A_4] : memref<8192xi32, #tpu.memory_space<hbm>> -> memref<64xi32, #tpu.memory_space<hbm>>
      %dma_start3A_51 = tpu.memref_slice %arg3[%add3A_4] : memref<8192xi32, #tpu.memory_space<hbm>> -> memref<64xi32, #tpu.memory_space<hbm>>
      tpu.enqueue_dma source(%dma_start3A_51 : memref<64xi32, #tpu.memory_space<hbm>>) target(%arg6 : memref<64xi32, #tpu.memory_space<vmem>>) target_semaphore(%run_scoped3A : memref<!tpu.dma_semaphore, #tpu.memory_space<semaphore_mem>>)
      %dma_wait3A_52 = tpu.memref_slice %arg3[%add3A_4] : memref<8192xi32, #tpu.memory_space<hbm>> -> memref<64xi32, #tpu.memory_space<hbm>>
      %dma_wait3A_53 = tpu.memref_slice %arg3[%add3A_4] : memref<8192xi32, #tpu.memory_space<hbm>> -> memref<64xi32, #tpu.memory_space<hbm>>
      tpu.wait_dma2 semaphore(%run_scoped3A : memref<!tpu.dma_semaphore, #tpu.memory_space<semaphore_mem>>) src(%dma_wait3A_53 : memref<64xi32, #tpu.memory_space<hbm>>) dst(%arg6 : memref<64xi32, #tpu.memory_space<vmem>>)
      tpu.yield
    }) : () -> ()
    %add3A_5 = arith.constant 4096 : i32
    %add3A_6 = arith.addi %add3A_5, %add3A_4 : i32
    "tpu.region"() ({
      %run_scoped3A = tpu.sem_alloc : memref<!tpu.dma_semaphore, #tpu.memory_space<semaphore_mem>>
      %dma_start3A_50 = tpu.memref_slice %arg3[%add3A_6] : memref<8192xi32, #tpu.memory_space<hbm>> -> memref<64xi32, #tpu.memory_space<hbm>>
      %dma_start3A_51 = tpu.memref_slice %arg3[%add3A_6] : memref<8192xi32, #tpu.memory_space<hbm>> -> memref<64xi32, #tpu.memory_space<hbm>>
      tpu.enqueue_dma source(%dma_start3A_51 : memref<64xi32, #tpu.memory_space<hbm>>) target(%arg7 : memref<64xi32, #tpu.memory_space<vmem>>) target_semaphore(%run_scoped3A : memref<!tpu.dma_semaphore, #tpu.memory_space<semaphore_mem>>)
      %dma_wait3A_52 = tpu.memref_slice %arg3[%add3A_6] : memref<8192xi32, #tpu.memory_space<hbm>> -> memref<64xi32, #tpu.memory_space<hbm>>
      %dma_wait3A_53 = tpu.memref_slice %arg3[%add3A_6] : memref<8192xi32, #tpu.memory_space<hbm>> -> memref<64xi32, #tpu.memory_space<hbm>>
      tpu.wait_dma2 semaphore(%run_scoped3A : memref<!tpu.dma_semaphore, #tpu.memory_space<semaphore_mem>>) src(%dma_wait3A_53 : memref<64xi32, #tpu.memory_space<hbm>>) dst(%arg7 : memref<64xi32, #tpu.memory_space<vmem>>)
      tpu.yield
    }) : () -> ()
    %dma_start3A = arith.constant 0 : i32
    %dma_start3A_7 = arith.constant 0 : i32
    %dma_start3A_8 = tpu.memref_slice %arg2[%dma_start3A, %dma_start3A_7] : memref<16384x768xf32, #tpu.memory_space<hbm>> -> memref<16384x768xf32, #tpu.memory_space<hbm>>
    tpu.enqueue_indirect_dma source(%dma_start3A_8 : memref<16384x768xf32, #tpu.memory_space<hbm>>) target(%arg10 : memref<64x768xf32, #tpu.memory_space<vmem>>) offsets(%arg6 : memref<64xi32, #tpu.memory_space<vmem>>) semaphore(%arg12 : memref<!tpu.dma_semaphore, #tpu.memory_space<semaphore_mem>>)
    %dma_start3A_9 = arith.constant 0 : i32
    %dma_start3A_10 = arith.constant 0 : i32
    %dma_start3A_11 = tpu.memref_slice %arg2[%dma_start3A_9, %dma_start3A_10] : memref<16384x768xf32, #tpu.memory_space<hbm>> -> memref<16384x768xf32, #tpu.memory_space<hbm>>
    tpu.enqueue_indirect_dma source(%dma_start3A_11 : memref<16384x768xf32, #tpu.memory_space<hbm>>) target(%arg11 : memref<64x768xf32, #tpu.memory_space<vmem>>) offsets(%arg7 : memref<64xi32, #tpu.memory_space<vmem>>) semaphore(%arg12 : memref<!tpu.dma_semaphore, #tpu.memory_space<semaphore_mem>>)
    "tpu.region"() ({
      %run_scoped3A = tpu.sem_alloc : memref<!tpu.dma_semaphore, #tpu.memory_space<semaphore_mem>>
      %dma_start3A_50 = arith.constant 0 : i32
      %dma_start3A_51 = tpu.memref_slice %arg4[%add3A_4, %dma_start3A_50] : memref<8192x16xf32, #tpu.memory_space<hbm>> -> memref<64x16xf32, #tpu.memory_space<hbm>>
      %dma_start3A_52 = arith.constant 0 : i32
      %dma_start3A_53 = tpu.memref_slice %arg4[%add3A_4, %dma_start3A_52] : memref<8192x16xf32, #tpu.memory_space<hbm>> -> memref<64x16xf32, #tpu.memory_space<hbm>>
      tpu.enqueue_dma source(%dma_start3A_53 : memref<64x16xf32, #tpu.memory_space<hbm>>) target(%arg8 : memref<64x16xf32, #tpu.memory_space<vmem>>) target_semaphore(%run_scoped3A : memref<!tpu.dma_semaphore, #tpu.memory_space<semaphore_mem>>)
      %dma_wait3A_54 = arith.constant 0 : i32
      %dma_wait3A_55 = tpu.memref_slice %arg4[%add3A_4, %dma_wait3A_54] : memref<8192x16xf32, #tpu.memory_space<hbm>> -> memref<64x16xf32, #tpu.memory_space<hbm>>
      %dma_wait3A_56 = arith.constant 0 : i32
      %dma_wait3A_57 = tpu.memref_slice %arg4[%add3A_4, %dma_wait3A_56] : memref<8192x16xf32, #tpu.memory_space<hbm>> -> memref<64x16xf32, #tpu.memory_space<hbm>>
      tpu.wait_dma2 semaphore(%run_scoped3A : memref<!tpu.dma_semaphore, #tpu.memory_space<semaphore_mem>>) src(%dma_wait3A_57 : memref<64x16xf32, #tpu.memory_space<hbm>>) dst(%arg8 : memref<64x16xf32, #tpu.memory_space<vmem>>)
      tpu.yield
    }) : () -> ()
    %add3A_12 = arith.constant 4096 : i32
    %add3A_13 = arith.addi %add3A_12, %add3A_4 : i32
    "tpu.region"() ({
      %run_scoped3A = tpu.sem_alloc : memref<!tpu.dma_semaphore, #tpu.memory_space<semaphore_mem>>
      %dma_start3A_50 = arith.constant 0 : i32
      %dma_start3A_51 = tpu.memref_slice %arg4[%add3A_13, %dma_start3A_50] : memref<8192x16xf32, #tpu.memory_space<hbm>> -> memref<64x16xf32, #tpu.memory_space<hbm>>
      %dma_start3A_52 = arith.constant 0 : i32
      %dma_start3A_53 = tpu.memref_slice %arg4[%add3A_13, %dma_start3A_52] : memref<8192x16xf32, #tpu.memory_space<hbm>> -> memref<64x16xf32, #tpu.memory_space<hbm>>
      tpu.enqueue_dma source(%dma_start3A_53 : memref<64x16xf32, #tpu.memory_space<hbm>>) target(%arg9 : memref<64x16xf32, #tpu.memory_space<vmem>>) target_semaphore(%run_scoped3A : memref<!tpu.dma_semaphore, #tpu.memory_space<semaphore_mem>>)
      %dma_wait3A_54 = arith.constant 0 : i32
      %dma_wait3A_55 = tpu.memref_slice %arg4[%add3A_13, %dma_wait3A_54] : memref<8192x16xf32, #tpu.memory_space<hbm>> -> memref<64x16xf32, #tpu.memory_space<hbm>>
      %dma_wait3A_56 = arith.constant 0 : i32
      %dma_wait3A_57 = tpu.memref_slice %arg4[%add3A_13, %dma_wait3A_56] : memref<8192x16xf32, #tpu.memory_space<hbm>> -> memref<64x16xf32, #tpu.memory_space<hbm>>
      tpu.wait_dma2 semaphore(%run_scoped3A : memref<!tpu.dma_semaphore, #tpu.memory_space<semaphore_mem>>) src(%dma_wait3A_57 : memref<64x16xf32, #tpu.memory_space<hbm>>) dst(%arg9 : memref<64x16xf32, #tpu.memory_space<vmem>>)
      tpu.yield
    }) : () -> ()
    %dma_wait3A = arith.constant 0 : i32
    %dma_wait3A_14 = arith.constant 0 : i32
    %dma_wait3A_15 = tpu.memref_slice %arg2[%dma_wait3A, %dma_wait3A_14] : memref<16384x768xf32, #tpu.memory_space<hbm>> -> memref<16384x768xf32, #tpu.memory_space<hbm>>
    tpu.wait_indirect_dma semaphore(%arg12 : memref<!tpu.dma_semaphore, #tpu.memory_space<semaphore_mem>>) src(%dma_wait3A_15 : memref<16384x768xf32, #tpu.memory_space<hbm>>) dst(%arg10 : memref<64x768xf32, #tpu.memory_space<vmem>>)
    %dma_wait3A_16 = arith.constant 0 : i32
    %dma_wait3A_17 = arith.constant 0 : i32
    %dma_wait3A_18 = tpu.memref_slice %arg2[%dma_wait3A_16, %dma_wait3A_17] : memref<16384x768xf32, #tpu.memory_space<hbm>> -> memref<16384x768xf32, #tpu.memory_space<hbm>>
    tpu.wait_indirect_dma semaphore(%arg12 : memref<!tpu.dma_semaphore, #tpu.memory_space<semaphore_mem>>) src(%dma_wait3A_18 : memref<16384x768xf32, #tpu.memory_space<hbm>>) dst(%arg11 : memref<64x768xf32, #tpu.memory_space<vmem>>)
    %scan3A = arith.constant 0 : i32
    %scan3A_19 = arith.constant 0 : i32
    %scan3A_20 = arith.constant 64 : i32
    %scan3A_21 = arith.addi %scan3A_19, %scan3A_20 : i32
    %scan3A_22 = arith.constant 1 : i32
    scf.for %scan3A_50 = %scan3A_19 to %scan3A_21 step %scan3A_22  : i32 {
      %get3A = arith.index_cast %scan3A_50 : i32 to index
      %get3A_51 = arith.constant 0 : index
      %get3A_52 = tpu.vector_load %arg8[%get3A, %get3A_51] {strides = array<i32>} : memref<64x16xf32, #tpu.memory_space<vmem>>, vector<1x16xf32>,
      %get3A_53 = vector.shape_cast %get3A_52 : vector<1x16xf32> to vector<16xf32>
      %get3A_54 = arith.index_cast %scan3A_50 : i32 to index
      %get3A_55 = arith.constant 0 : index
      %get3A_56 = tpu.vector_load %arg9[%get3A_54, %get3A_55] {strides = array<i32>} : memref<64x16xf32, #tpu.memory_space<vmem>>, vector<1x16xf32>,
      %get3A_57 = vector.shape_cast %get3A_56 : vector<1x16xf32> to vector<16xf32>
      %get3A_58 = arith.index_cast %scan3A_50 : i32 to index
      %get3A_59 = arith.constant 0 : index
      %get3A_60 = tpu.vector_load %arg10[%get3A_58, %get3A_59] {strides = array<i32>} : memref<64x768xf32, #tpu.memory_space<vmem>>, vector<1x16xf32>,
      %get3A_61 = vector.shape_cast %get3A_60 : vector<1x16xf32> to vector<16xf32>
      %mul3A_62 = arith.mulf %get3A_53, %get3A_61 : vector<16xf32>
      %get3A_63 = arith.index_cast %scan3A_50 : i32 to index
      %get3A_64 = arith.constant 0 : index
      %get3A_65 = tpu.vector_load %arg11[%get3A_63, %get3A_64] {strides = array<i32>} : memref<64x768xf32, #tpu.memory_space<vmem>>, vector<1x16xf32>,
      %get3A_66 = vector.shape_cast %get3A_65 : vector<1x16xf32> to vector<16xf32>
      %mul3A_67 = arith.mulf %get3A_57, %get3A_66 : vector<16xf32>
      %add3A_68 = arith.addf %mul3A_62, %mul3A_67 : vector<16xf32>
      %swap3A = arith.index_cast %scan3A_50 : i32 to index
      %swap3A_69 = arith.constant 0 : index
      %swap3A_70 = tpu.vector_load %arg10[%swap3A, %swap3A_69] {strides = array<i32>} : memref<64x768xf32, #tpu.memory_space<vmem>>, vector<1x16xf32>,
      %swap3A_71 = vector.shape_cast %swap3A_70 : vector<1x16xf32> to vector<16xf32>
      %swap3A_72 = vector.shape_cast %add3A_68 : vector<16xf32> to vector<1x16xf32>
      tpu.vector_store %arg10[%swap3A, %swap3A_69], %swap3A_72 {strides = array<i32>} : memref<64x768xf32, #tpu.memory_space<vmem>>, vector<1x16xf32>,
      %get3A_73 = arith.index_cast %scan3A_50 : i32 to index
      %get3A_74 = arith.constant 16 : index
      %get3A_75 = tpu.vector_load %arg10[%get3A_73, %get3A_74] {strides = array<i32>} : memref<64x768xf32, #tpu.memory_space<vmem>>, vector<1x16xf32>,
      %get3A_76 = vector.shape_cast %get3A_75 : vector<1x16xf32> to vector<16xf32>
      %mul3A_77 = arith.mulf %get3A_53, %get3A_76 : vector<16xf32>
      %get3A_78 = arith.index_cast %scan3A_50 : i32 to index
      %get3A_79 = arith.constant 16 : index
      %get3A_80 = tpu.vector_load %arg11[%get3A_78, %get3A_79] {strides = array<i32>} : memref<64x768xf32, #tpu.memory_space<vmem>>, vector<1x16xf32>,
      %get3A_81 = vector.shape_cast %get3A_80 : vector<1x16xf32> to vector<16xf32>
      %mul3A_82 = arith.mulf %get3A_57, %get3A_81 : vector<16xf32>
      %add3A_83 = arith.addf %mul3A_77, %mul3A_82 : vector<16xf32>
      %swap3A_84 = arith.index_cast %scan3A_50 : i32 to index
      %swap3A_85 = arith.constant 16 : index
      %swap3A_86 = tpu.vector_load %arg10[%swap3A_84, %swap3A_85] {strides = array<i32>} : memref<64x768xf32, #tpu.memory_space<vmem>>, vector<1x16xf32>,
      %swap3A_87 = vector.shape_cast %swap3A_86 : vector<1x16xf32> to vector<16xf32>
      %swap3A_88 = vector.shape_cast %add3A_83 : vector<16xf32> to vector<1x16xf32>
      tpu.vector_store %arg10[%swap3A_84, %swap3A_85], %swap3A_88 {strides = array<i32>} : memref<64x768xf32, #tpu.memory_space<vmem>>, vector<1x16xf32>,
      %get3A_89 = arith.index_cast %scan3A_50 : i32 to index
      %get3A_90 = arith.constant 32 : index
      %get3A_91 = tpu.vector_load %arg10[%get3A_89, %get3A_90] {strides = array<i32>} : memref<64x768xf32, #tpu.memory_space<vmem>>, vector<1x16xf32>,
      %get3A_92 = vector.shape_cast %get3A_91 : vector<1x16xf32> to vector<16xf32>
      %mul3A_93 = arith.mulf %get3A_53, %get3A_92 : vector<16xf32>
      %get3A_94 = arith.index_cast %scan3A_50 : i32 to index
      %get3A_95 = arith.constant 32 : index
      %get3A_96 = tpu.vector_load %arg11[%get3A_94, %get3A_95] {strides = array<i32>} : memref<64x768xf32, #tpu.memory_space<vmem>>, vector<1x16xf32>,
      %get3A_97 = vector.shape_cast %get3A_96 : vector<1x16xf32> to vector<16xf32>
      %mul3A_98 = arith.mulf %get3A_57, %get3A_97 : vector<16xf32>
      %add3A_99 = arith.addf %mul3A_93, %mul3A_98 : vector<16xf32>
      %swap3A_100 = arith.index_cast %scan3A_50 : i32 to index
      %swap3A_101 = arith.constant 32 : index
      %swap3A_102 = tpu.vector_load %arg10[%swap3A_100, %swap3A_101] {strides = array<i32>} : memref<64x768xf32, #tpu.memory_space<vmem>>, vector<1x16xf32>,
      %swap3A_103 = vector.shape_cast %swap3A_102 : vector<1x16xf32> to vector<16xf32>
      %swap3A_104 = vector.shape_cast %add3A_99 : vector<16xf32> to vector<1x16xf32>
      tpu.vector_store %arg10[%swap3A_100, %swap3A_101], %swap3A_104 {strides = array<i32>} : memref<64x768xf32, #tpu.memory_space<vmem>>, vector<1x16xf32>,
      %get3A_105 = arith.index_cast %scan3A_50 : i32 to index
      %get3A_106 = arith.constant 48 : index
      %get3A_107 = tpu.vector_load %arg10[%get3A_105, %get3A_106] {strides = array<i32>} : memref<64x768xf32, #tpu.memory_space<vmem>>, vector<1x16xf32>,
      %get3A_108 = vector.shape_cast %get3A_107 : vector<1x16xf32> to vector<16xf32>
      %mul3A_109 = arith.mulf %get3A_53, %get3A_108 : vector<16xf32>
      %get3A_110 = arith.index_cast %scan3A_50 : i32 to index
      %get3A_111 = arith.constant 48 : index
      %get3A_112 = tpu.vector_load %arg11[%get3A_110, %get3A_111] {strides = array<i32>} : memref<64x768xf32, #tpu.memory_space<vmem>>, vector<1x16xf32>,
      %get3A_113 = vector.shape_cast %get3A_112 : vector<1x16xf32> to vector<16xf32>
      %mul3A_114 = arith.mulf %get3A_57, %get3A_113 : vector<16xf32>
      %add3A_115 = arith.addf %mul3A_109, %mul3A_114 : vector<16xf32>
      %swap3A_116 = arith.index_cast %scan3A_50 : i32 to index
      %swap3A_117 = arith.constant 48 : index
      %swap3A_118 = tpu.vector_load %arg10[%swap3A_116, %swap3A_117] {strides = array<i32>} : memref<64x768xf32, #tpu.memory_space<vmem>>, vector<1x16xf32>,
      %swap3A_119 = vector.shape_cast %swap3A_118 : vector<1x16xf32> to vector<16xf32>
      %swap3A_120 = vector.shape_cast %add3A_115 : vector<16xf32> to vector<1x16xf32>
      tpu.vector_store %arg10[%swap3A_116, %swap3A_117], %swap3A_120 {strides = array<i32>} : memref<64x768xf32, #tpu.memory_space<vmem>>, vector<1x16xf32>,
      %get3A_121 = arith.index_cast %scan3A_50 : i32 to index
      %get3A_122 = arith.constant 64 : index
      %get3A_123 = tpu.vector_load %arg10[%get3A_121, %get3A_122] {strides = array<i32>} : memref<64x768xf32, #tpu.memory_space<vmem>>, vector<1x16xf32>,
      %get3A_124 = vector.shape_cast %get3A_123 : vector<1x16xf32> to vector<16xf32>
      %mul3A_125 = arith.mulf %get3A_53, %get3A_124 : vector<16xf32>
      %get3A_126 = arith.index_cast %scan3A_50 : i32 to index
      %get3A_127 = arith.constant 64 : index
      %get3A_128 = tpu.vector_load %arg11[%get3A_126, %get3A_127] {strides = array<i32>} : memref<64x768xf32, #tpu.memory_space<vmem>>, vector<1x16xf32>,
      %get3A_129 = vector.shape_cast %get3A_128 : vector<1x16xf32> to vector<16xf32>
      %mul3A_130 = arith.mulf %get3A_57, %get3A_129 : vector<16xf32>
      %add3A_131 = arith.addf %mul3A_125, %mul3A_130 : vector<16xf32>
      %swap3A_132 = arith.index_cast %scan3A_50 : i32 to index
      %swap3A_133 = arith.constant 64 : index
      %swap3A_134 = tpu.vector_load %arg10[%swap3A_132, %swap3A_133] {strides = array<i32>} : memref<64x768xf32, #tpu.memory_space<vmem>>, vector<1x16xf32>,
      %swap3A_135 = vector.shape_cast %swap3A_134 : vector<1x16xf32> to vector<16xf32>
      %swap3A_136 = vector.shape_cast %add3A_131 : vector<16xf32> to vector<1x16xf32>
      tpu.vector_store %arg10[%swap3A_132, %swap3A_133], %swap3A_136 {strides = array<i32>} : memref<64x768xf32, #tpu.memory_space<vmem>>, vector<1x16xf32>,
      %get3A_137 = arith.index_cast %scan3A_50 : i32 to index
      %get3A_138 = arith.constant 80 : index
      %get3A_139 = tpu.vector_load %arg10[%get3A_137, %get3A_138] {strides = array<i32>} : memref<64x768xf32, #tpu.memory_space<vmem>>, vector<1x16xf32>,
      %get3A_140 = vector.shape_cast %get3A_139 : vector<1x16xf32> to vector<16xf32>
      %mul3A_141 = arith.mulf %get3A_53, %get3A_140 : vector<16xf32>
      %get3A_142 = arith.index_cast %scan3A_50 : i32 to index
      %get3A_143 = arith.constant 80 : index
      %get3A_144 = tpu.vector_load %arg11[%get3A_142, %get3A_143] {strides = array<i32>} : memref<64x768xf32, #tpu.memory_space<vmem>>, vector<1x16xf32>,
      %get3A_145 = vector.shape_cast %get3A_144 : vector<1x16xf32> to vector<16xf32>
      %mul3A_146 = arith.mulf %get3A_57, %get3A_145 : vector<16xf32>
      %add3A_147 = arith.addf %mul3A_141, %mul3A_146 : vector<16xf32>
      %swap3A_148 = arith.index_cast %scan3A_50 : i32 to index
      %swap3A_149 = arith.constant 80 : index
      %swap3A_150 = tpu.vector_load %arg10[%swap3A_148, %swap3A_149] {strides = array<i32>} : memref<64x768xf32, #tpu.memory_space<vmem>>, vector<1x16xf32>,
      %swap3A_151 = vector.shape_cast %swap3A_150 : vector<1x16xf32> to vector<16xf32>
      %swap3A_152 = vector.shape_cast %add3A_147 : vector<16xf32> to vector<1x16xf32>
      tpu.vector_store %arg10[%swap3A_148, %swap3A_149], %swap3A_152 {strides = array<i32>} : memref<64x768xf32, #tpu.memory_space<vmem>>, vector<1x16xf32>,
      %get3A_153 = arith.index_cast %scan3A_50 : i32 to index
      %get3A_154 = arith.constant 96 : index
      %get3A_155 = tpu.vector_load %arg10[%get3A_153, %get3A_154] {strides = array<i32>} : memref<64x768xf32, #tpu.memory_space<vmem>>, vector<1x16xf32>,
      %get3A_156 = vector.shape_cast %get3A_155 : vector<1x16xf32> to vector<16xf32>
      %mul3A_157 = arith.mulf %get3A_53, %get3A_156 : vector<16xf32>
      %get3A_158 = arith.index_cast %scan3A_50 : i32 to index
      %get3A_159 = arith.constant 96 : index
      %get3A_160 = tpu.vector_load %arg11[%get3A_158, %get3A_159] {strides = array<i32>} : memref<64x768xf32, #tpu.memory_space<vmem>>, vector<1x16xf32>,
      %get3A_161 = vector.shape_cast %get3A_160 : vector<1x16xf32> to vector<16xf32>
      %mul3A_162 = arith.mulf %get3A_57, %get3A_161 : vector<16xf32>
      %add3A_163 = arith.addf %mul3A_157, %mul3A_162 : vector<16xf32>
      %swap3A_164 = arith.index_cast %scan3A_50 : i32 to index
      %swap3A_165 = arith.constant 96 : index
      %swap3A_166 = tpu.vector_load %arg10[%swap3A_164, %swap3A_165] {strides = array<i32>} : memref<64x768xf32, #tpu.memory_space<vmem>>, vector<1x16xf32>,
      %swap3A_167 = vector.shape_cast %swap3A_166 : vector<1x16xf32> to vector<16xf32>
      %swap3A_168 = vector.shape_cast %add3A_163 : vector<16xf32> to vector<1x16xf32>
      tpu.vector_store %arg10[%swap3A_164, %swap3A_165], %swap3A_168 {strides = array<i32>} : memref<64x768xf32, #tpu.memory_space<vmem>>, vector<1x16xf32>,
      %get3A_169 = arith.index_cast %scan3A_50 : i32 to index
      %get3A_170 = arith.constant 112 : index
      %get3A_171 = tpu.vector_load %arg10[%get3A_169, %get3A_170] {strides = array<i32>} : memref<64x768xf32, #tpu.memory_space<vmem>>, vector<1x16xf32>,
      %get3A_172 = vector.shape_cast %get3A_171 : vector<1x16xf32> to vector<16xf32>
      %mul3A_173 = arith.mulf %get3A_53, %get3A_172 : vector<16xf32>
      %get3A_174 = arith.index_cast %scan3A_50 : i32 to index
      %get3A_175 = arith.constant 112 : index
      %get3A_176 = tpu.vector_load %arg11[%get3A_174, %get3A_175] {strides = array<i32>} : memref<64x768xf32, #tpu.memory_space<vmem>>, vector<1x16xf32>,
      %get3A_177 = vector.shape_cast %get3A_176 : vector<1x16xf32> to vector<16xf32>
      %mul3A_178 = arith.mulf %get3A_57, %get3A_177 : vector<16xf32>
      %add3A_179 = arith.addf %mul3A_173, %mul3A_178 : vector<16xf32>
      %swap3A_180 = arith.index_cast %scan3A_50 : i32 to index
      %swap3A_181 = arith.constant 112 : index
      %swap3A_182 = tpu.vector_load %arg10[%swap3A_180, %swap3A_181] {strides = array<i32>} : memref<64x768xf32, #tpu.memory_space<vmem>>, vector<1x16xf32>,
      %swap3A_183 = vector.shape_cast %swap3A_182 : vector<1x16xf32> to vector<16xf32>
      %swap3A_184 = vector.shape_cast %add3A_179 : vector<16xf32> to vector<1x16xf32>
      tpu.vector_store %arg10[%swap3A_180, %swap3A_181], %swap3A_184 {strides = array<i32>} : memref<64x768xf32, #tpu.memory_space<vmem>>, vector<1x16xf32>,
      %get3A_185 = arith.index_cast %scan3A_50 : i32 to index
      %get3A_186 = arith.constant 128 : index
      %get3A_187 = tpu.vector_load %arg10[%get3A_185, %get3A_186] {strides = array<i32>} : memref<64x768xf32, #tpu.memory_space<vmem>>, vector<1x16xf32>,
      %get3A_188 = vector.shape_cast %get3A_187 : vector<1x16xf32> to vector<16xf32>
      %mul3A_189 = arith.mulf %get3A_53, %get3A_188 : vector<16xf32>
      %get3A_190 = arith.index_cast %scan3A_50 : i32 to index
      %get3A_191 = arith.constant 128 : index
      %get3A_192 = tpu.vector_load %arg11[%get3A_190, %get3A_191] {strides = array<i32>} : memref<64x768xf32, #tpu.memory_space<vmem>>, vector<1x16xf32>,
      %get3A_193 = vector.shape_cast %get3A_192 : vector<1x16xf32> to vector<16xf32>
      %mul3A_194 = arith.mulf %get3A_57, %get3A_193 : vector<16xf32>
      %add3A_195 = arith.addf %mul3A_189, %mul3A_194 : vector<16xf32>
      %swap3A_196 = arith.index_cast %scan3A_50 : i32 to index
      %swap3A_197 = arith.constant 128 : index
      %swap3A_198 = tpu.vector_load %arg10[%swap3A_196, %swap3A_197] {strides = array<i32>} : memref<64x768xf32, #tpu.memory_space<vmem>>, vector<1x16xf32>,
      %swap3A_199 = vector.shape_cast %swap3A_198 : vector<1x16xf32> to vector<16xf32>
      %swap3A_200 = vector.shape_cast %add3A_195 : vector<16xf32> to vector<1x16xf32>
      tpu.vector_store %arg10[%swap3A_196, %swap3A_197], %swap3A_200 {strides = array<i32>} : memref<64x768xf32, #tpu.memory_space<vmem>>, vector<1x16xf32>,
      %get3A_201 = arith.index_cast %scan3A_50 : i32 to index
      %get3A_202 = arith.constant 144 : index
      %get3A_203 = tpu.vector_load %arg10[%get3A_201, %get3A_202] {strides = array<i32>} : memref<64x768xf32, #tpu.memory_space<vmem>>, vector<1x16xf32>,
      %get3A_204 = vector.shape_cast %get3A_203 : vector<1x16xf32> to vector<16xf32>
      %mul3A_205 = arith.mulf %get3A_53, %get3A_204 : vector<16xf32>
      %get3A_206 = arith.index_cast %scan3A_50 : i32 to index
      %get3A_207 = arith.constant 144 : index
      %get3A_208 = tpu.vector_load %arg11[%get3A_206, %get3A_207] {strides = array<i32>} : memref<64x768xf32, #tpu.memory_space<vmem>>, vector<1x16xf32>,
      %get3A_209 = vector.shape_cast %get3A_208 : vector<1x16xf32> to vector<16xf32>
      %mul3A_210 = arith.mulf %get3A_57, %get3A_209 : vector<16xf32>
      %add3A_211 = arith.addf %mul3A_205, %mul3A_210 : vector<16xf32>
      %swap3A_212 = arith.index_cast %scan3A_50 : i32 to index
      %swap3A_213 = arith.constant 144 : index
      %swap3A_214 = tpu.vector_load %arg10[%swap3A_212, %swap3A_213] {strides = array<i32>} : memref<64x768xf32, #tpu.memory_space<vmem>>, vector<1x16xf32>,
      %swap3A_215 = vector.shape_cast %swap3A_214 : vector<1x16xf32> to vector<16xf32>
      %swap3A_216 = vector.shape_cast %add3A_211 : vector<16xf32> to vector<1x16xf32>
      tpu.vector_store %arg10[%swap3A_212, %swap3A_213], %swap3A_216 {strides = array<i32>} : memref<64x768xf32, #tpu.memory_space<vmem>>, vector<1x16xf32>,
      %get3A_217 = arith.index_cast %scan3A_50 : i32 to index
      %get3A_218 = arith.constant 160 : index
      %get3A_219 = tpu.vector_load %arg10[%get3A_217, %get3A_218] {strides = array<i32>} : memref<64x768xf32, #tpu.memory_space<vmem>>, vector<1x16xf32>,
      %get3A_220 = vector.shape_cast %get3A_219 : vector<1x16xf32> to vector<16xf32>
      %mul3A_221 = arith.mulf %get3A_53, %get3A_220 : vector<16xf32>
      %get3A_222 = arith.index_cast %scan3A_50 : i32 to index
      %get3A_223 = arith.constant 160 : index
      %get3A_224 = tpu.vector_load %arg11[%get3A_222, %get3A_223] {strides = array<i32>} : memref<64x768xf32, #tpu.memory_space<vmem>>, vector<1x16xf32>,
      %get3A_225 = vector.shape_cast %get3A_224 : vector<1x16xf32> to vector<16xf32>
      %mul3A_226 = arith.mulf %get3A_57, %get3A_225 : vector<16xf32>
      %add3A_227 = arith.addf %mul3A_221, %mul3A_226 : vector<16xf32>
      %swap3A_228 = arith.index_cast %scan3A_50 : i32 to index
      %swap3A_229 = arith.constant 160 : index
      %swap3A_230 = tpu.vector_load %arg10[%swap3A_228, %swap3A_229] {strides = array<i32>} : memref<64x768xf32, #tpu.memory_space<vmem>>, vector<1x16xf32>,
      %swap3A_231 = vector.shape_cast %swap3A_230 : vector<1x16xf32> to vector<16xf32>
      %swap3A_232 = vector.shape_cast %add3A_227 : vector<16xf32> to vector<1x16xf32>
      tpu.vector_store %arg10[%swap3A_228, %swap3A_229], %swap3A_232 {strides = array<i32>} : memref<64x768xf32, #tpu.memory_space<vmem>>, vector<1x16xf32>,
      %get3A_233 = arith.index_cast %scan3A_50 : i32 to index
      %get3A_234 = arith.constant 176 : index
      %get3A_235 = tpu.vector_load %arg10[%get3A_233, %get3A_234] {strides = array<i32>} : memref<64x768xf32, #tpu.memory_space<vmem>>, vector<1x16xf32>,
      %get3A_236 = vector.shape_cast %get3A_235 : vector<1x16xf32> to vector<16xf32>
      %mul3A_237 = arith.mulf %get3A_53, %get3A_236 : vector<16xf32>
      %get3A_238 = arith.index_cast %scan3A_50 : i32 to index
      %get3A_239 = arith.constant 176 : index
      %get3A_240 = tpu.vector_load %arg11[%get3A_238, %get3A_239] {strides = array<i32>} : memref<64x768xf32, #tpu.memory_space<vmem>>, vector<1x16xf32>,
      %get3A_241 = vector.shape_cast %get3A_240 : vector<1x16xf32> to vector<16xf32>
      %mul3A_242 = arith.mulf %get3A_57, %get3A_241 : vector<16xf32>
      %add3A_243 = arith.addf %mul3A_237, %mul3A_242 : vector<16xf32>
      %swap3A_244 = arith.index_cast %scan3A_50 : i32 to index
      %swap3A_245 = arith.constant 176 : index
      %swap3A_246 = tpu.vector_load %arg10[%swap3A_244, %swap3A_245] {strides = array<i32>} : memref<64x768xf32, #tpu.memory_space<vmem>>, vector<1x16xf32>,
      %swap3A_247 = vector.shape_cast %swap3A_246 : vector<1x16xf32> to vector<16xf32>
      %swap3A_248 = vector.shape_cast %add3A_243 : vector<16xf32> to vector<1x16xf32>
      tpu.vector_store %arg10[%swap3A_244, %swap3A_245], %swap3A_248 {strides = array<i32>} : memref<64x768xf32, #tpu.memory_space<vmem>>, vector<1x16xf32>,
      %get3A_249 = arith.index_cast %scan3A_50 : i32 to index
      %get3A_250 = arith.constant 192 : index
      %get3A_251 = tpu.vector_load %arg10[%get3A_249, %get3A_250] {strides = array<i32>} : memref<64x768xf32, #tpu.memory_space<vmem>>, vector<1x16xf32>,
      %get3A_252 = vector.shape_cast %get3A_251 : vector<1x16xf32> to vector<16xf32>
      %mul3A_253 = arith.mulf %get3A_53, %get3A_252 : vector<16xf32>
      %get3A_254 = arith.index_cast %scan3A_50 : i32 to index
      %get3A_255 = arith.constant 192 : index
      %get3A_256 = tpu.vector_load %arg11[%get3A_254, %get3A_255] {strides = array<i32>} : memref<64x768xf32, #tpu.memory_space<vmem>>, vector<1x16xf32>,
      %get3A_257 = vector.shape_cast %get3A_256 : vector<1x16xf32> to vector<16xf32>
      %mul3A_258 = arith.mulf %get3A_57, %get3A_257 : vector<16xf32>
      %add3A_259 = arith.addf %mul3A_253, %mul3A_258 : vector<16xf32>
      %swap3A_260 = arith.index_cast %scan3A_50 : i32 to index
      %swap3A_261 = arith.constant 192 : index
      %swap3A_262 = tpu.vector_load %arg10[%swap3A_260, %swap3A_261] {strides = array<i32>} : memref<64x768xf32, #tpu.memory_space<vmem>>, vector<1x16xf32>,
      %swap3A_263 = vector.shape_cast %swap3A_262 : vector<1x16xf32> to vector<16xf32>
      %swap3A_264 = vector.shape_cast %add3A_259 : vector<16xf32> to vector<1x16xf32>
      tpu.vector_store %arg10[%swap3A_260, %swap3A_261], %swap3A_264 {strides = array<i32>} : memref<64x768xf32, #tpu.memory_space<vmem>>, vector<1x16xf32>,
      %get3A_265 = arith.index_cast %scan3A_50 : i32 to index
      %get3A_266 = arith.constant 208 : index
      %get3A_267 = tpu.vector_load %arg10[%get3A_265, %get3A_266] {strides = array<i32>} : memref<64x768xf32, #tpu.memory_space<vmem>>, vector<1x16xf32>,
      %get3A_268 = vector.shape_cast %get3A_267 : vector<1x16xf32> to vector<16xf32>
      %mul3A_269 = arith.mulf %get3A_53, %get3A_268 : vector<16xf32>
      %get3A_270 = arith.index_cast %scan3A_50 : i32 to index
      %get3A_271 = arith.constant 208 : index
      %get3A_272 = tpu.vector_load %arg11[%get3A_270, %get3A_271] {strides = array<i32>} : memref<64x768xf32, #tpu.memory_space<vmem>>, vector<1x16xf32>,
      %get3A_273 = vector.shape_cast %get3A_272 : vector<1x16xf32> to vector<16xf32>
      %mul3A_274 = arith.mulf %get3A_57, %get3A_273 : vector<16xf32>
      %add3A_275 = arith.addf %mul3A_269, %mul3A_274 : vector<16xf32>
      %swap3A_276 = arith.index_cast %scan3A_50 : i32 to index
      %swap3A_277 = arith.constant 208 : index
      %swap3A_278 = tpu.vector_load %arg10[%swap3A_276, %swap3A_277] {strides = array<i32>} : memref<64x768xf32, #tpu.memory_space<vmem>>, vector<1x16xf32>,
      %swap3A_279 = vector.shape_cast %swap3A_278 : vector<1x16xf32> to vector<16xf32>
      %swap3A_280 = vector.shape_cast %add3A_275 : vector<16xf32> to vector<1x16xf32>
      tpu.vector_store %arg10[%swap3A_276, %swap3A_277], %swap3A_280 {strides = array<i32>} : memref<64x768xf32, #tpu.memory_space<vmem>>, vector<1x16xf32>,
      %get3A_281 = arith.index_cast %scan3A_50 : i32 to index
      %get3A_282 = arith.constant 224 : index
      %get3A_283 = tpu.vector_load %arg10[%get3A_281, %get3A_282] {strides = array<i32>} : memref<64x768xf32, #tpu.memory_space<vmem>>, vector<1x16xf32>,
      %get3A_284 = vector.shape_cast %get3A_283 : vector<1x16xf32> to vector<16xf32>
      %mul3A_285 = arith.mulf %get3A_53, %get3A_284 : vector<16xf32>
      %get3A_286 = arith.index_cast %scan3A_50 : i32 to index
      %get3A_287 = arith.constant 224 : index
      %get3A_288 = tpu.vector_load %arg11[%get3A_286, %get3A_287] {strides = array<i32>} : memref<64x768xf32, #tpu.memory_space<vmem>>, vector<1x16xf32>,
      %get3A_289 = vector.shape_cast %get3A_288 : vector<1x16xf32> to vector<16xf32>
      %mul3A_290 = arith.mulf %get3A_57, %get3A_289 : vector<16xf32>
      %add3A_291 = arith.addf %mul3A_285, %mul3A_290 : vector<16xf32>
      %swap3A_292 = arith.index_cast %scan3A_50 : i32 to index
      %swap3A_293 = arith.constant 224 : index
      %swap3A_294 = tpu.vector_load %arg10[%swap3A_292, %swap3A_293] {strides = array<i32>} : memref<64x768xf32, #tpu.memory_space<vmem>>, vector<1x16xf32>,
      %swap3A_295 = vector.shape_cast %swap3A_294 : vector<1x16xf32> to vector<16xf32>
      %swap3A_296 = vector.shape_cast %add3A_291 : vector<16xf32> to vector<1x16xf32>
      tpu.vector_store %arg10[%swap3A_292, %swap3A_293], %swap3A_296 {strides = array<i32>} : memref<64x768xf32, #tpu.memory_space<vmem>>, vector<1x16xf32>,
      %get3A_297 = arith.index_cast %scan3A_50 : i32 to index
      %get3A_298 = arith.constant 240 : index
      %get3A_299 = tpu.vector_load %arg10[%get3A_297, %get3A_298] {strides = array<i32>} : memref<64x768xf32, #tpu.memory_space<vmem>>, vector<1x16xf32>,
      %get3A_300 = vector.shape_cast %get3A_299 : vector<1x16xf32> to vector<16xf32>
      %mul3A_301 = arith.mulf %get3A_53, %get3A_300 : vector<16xf32>
      %get3A_302 = arith.index_cast %scan3A_50 : i32 to index
      %get3A_303 = arith.constant 240 : index
      %get3A_304 = tpu.vector_load %arg11[%get3A_302, %get3A_303] {strides = array<i32>} : memref<64x768xf32, #tpu.memory_space<vmem>>, vector<1x16xf32>,
      %get3A_305 = vector.shape_cast %get3A_304 : vector<1x16xf32> to vector<16xf32>
      %mul3A_306 = arith.mulf %get3A_57, %get3A_305 : vector<16xf32>
      %add3A_307 = arith.addf %mul3A_301, %mul3A_306 : vector<16xf32>
      %swap3A_308 = arith.index_cast %scan3A_50 : i32 to index
      %swap3A_309 = arith.constant 240 : index
      %swap3A_310 = tpu.vector_load %arg10[%swap3A_308, %swap3A_309] {strides = array<i32>} : memref<64x768xf32, #tpu.memory_space<vmem>>, vector<1x16xf32>,
      %swap3A_311 = vector.shape_cast %swap3A_310 : vector<1x16xf32> to vector<16xf32>
      %swap3A_312 = vector.shape_cast %add3A_307 : vector<16xf32> to vector<1x16xf32>
      tpu.vector_store %arg10[%swap3A_308, %swap3A_309], %swap3A_312 {strides = array<i32>} : memref<64x768xf32, #tpu.memory_space<vmem>>, vector<1x16xf32>,
      %get3A_313 = arith.index_cast %scan3A_50 : i32 to index
      %get3A_314 = arith.constant 256 : index
      %get3A_315 = tpu.vector_load %arg10[%get3A_313, %get3A_314] {strides = array<i32>} : memref<64x768xf32, #tpu.memory_space<vmem>>, vector<1x16xf32>,
      %get3A_316 = vector.shape_cast %get3A_315 : vector<1x16xf32> to vector<16xf32>
      %mul3A_317 = arith.mulf %get3A_53, %get3A_316 : vector<16xf32>
      %get3A_318 = arith.index_cast %scan3A_50 : i32 to index
      %get3A_319 = arith.constant 256 : index
      %get3A_320 = tpu.vector_load %arg11[%get3A_318, %get3A_319] {strides = array<i32>} : memref<64x768xf32, #tpu.memory_space<vmem>>, vector<1x16xf32>,
      %get3A_321 = vector.shape_cast %get3A_320 : vector<1x16xf32> to vector<16xf32>
      %mul3A_322 = arith.mulf %get3A_57, %get3A_321 : vector<16xf32>
      %add3A_323 = arith.addf %mul3A_317, %mul3A_322 : vector<16xf32>
      %swap3A_324 = arith.index_cast %scan3A_50 : i32 to index
      %swap3A_325 = arith.constant 256 : index
      %swap3A_326 = tpu.vector_load %arg10[%swap3A_324, %swap3A_325] {strides = array<i32>} : memref<64x768xf32, #tpu.memory_space<vmem>>, vector<1x16xf32>,
      %swap3A_327 = vector.shape_cast %swap3A_326 : vector<1x16xf32> to vector<16xf32>
      %swap3A_328 = vector.shape_cast %add3A_323 : vector<16xf32> to vector<1x16xf32>
      tpu.vector_store %arg10[%swap3A_324, %swap3A_325], %swap3A_328 {strides = array<i32>} : memref<64x768xf32, #tpu.memory_space<vmem>>, vector<1x16xf32>,
      %get3A_329 = arith.index_cast %scan3A_50 : i32 to index
      %get3A_330 = arith.constant 272 : index
      %get3A_331 = tpu.vector_load %arg10[%get3A_329, %get3A_330] {strides = array<i32>} : memref<64x768xf32, #tpu.memory_space<vmem>>, vector<1x16xf32>,
      %get3A_332 = vector.shape_cast %get3A_331 : vector<1x16xf32> to vector<16xf32>
      %mul3A_333 = arith.mulf %get3A_53, %get3A_332 : vector<16xf32>
      %get3A_334 = arith.index_cast %scan3A_50 : i32 to index
      %get3A_335 = arith.constant 272 : index
      %get3A_336 = tpu.vector_load %arg11[%get3A_334, %get3A_335] {strides = array<i32>} : memref<64x768xf32, #tpu.memory_space<vmem>>, vector<1x16xf32>,
      %get3A_337 = vector.shape_cast %get3A_336 : vector<1x16xf32> to vector<16xf32>
      %mul3A_338 = arith.mulf %get3A_57, %get3A_337 : vector<16xf32>
      %add3A_339 = arith.addf %mul3A_333, %mul3A_338 : vector<16xf32>
      %swap3A_340 = arith.index_cast %scan3A_50 : i32 to index
      %swap3A_341 = arith.constant 272 : index
      %swap3A_342 = tpu.vector_load %arg10[%swap3A_340, %swap3A_341] {strides = array<i32>} : memref<64x768xf32, #tpu.memory_space<vmem>>, vector<1x16xf32>,
      %swap3A_343 = vector.shape_cast %swap3A_342 : vector<1x16xf32> to vector<16xf32>
      %swap3A_344 = vector.shape_cast %add3A_339 : vector<16xf32> to vector<1x16xf32>
      tpu.vector_store %arg10[%swap3A_340, %swap3A_341], %swap3A_344 {strides = array<i32>} : memref<64x768xf32, #tpu.memory_space<vmem>>, vector<1x16xf32>,
      %get3A_345 = arith.index_cast %scan3A_50 : i32 to index
      %get3A_346 = arith.constant 288 : index
      %get3A_347 = tpu.vector_load %arg10[%get3A_345, %get3A_346] {strides = array<i32>} : memref<64x768xf32, #tpu.memory_space<vmem>>, vector<1x16xf32>,
      %get3A_348 = vector.shape_cast %get3A_347 : vector<1x16xf32> to vector<16xf32>
      %mul3A_349 = arith.mulf %get3A_53, %get3A_348 : vector<16xf32>
      %get3A_350 = arith.index_cast %scan3A_50 : i32 to index
      %get3A_351 = arith.constant 288 : index
      %get3A_352 = tpu.vector_load %arg11[%get3A_350, %get3A_351] {strides = array<i32>} : memref<64x768xf32, #tpu.memory_space<vmem>>, vector<1x16xf32>,
      %get3A_353 = vector.shape_cast %get3A_352 : vector<1x16xf32> to vector<16xf32>
      %mul3A_354 = arith.mulf %get3A_57, %get3A_353 : vector<16xf32>
      %add3A_355 = arith.addf %mul3A_349, %mul3A_354 : vector<16xf32>
      %swap3A_356 = arith.index_cast %scan3A_50 : i32 to index
      %swap3A_357 = arith.constant 288 : index
      %swap3A_358 = tpu.vector_load %arg10[%swap3A_356, %swap3A_357] {strides = array<i32>} : memref<64x768xf32, #tpu.memory_space<vmem>>, vector<1x16xf32>,
      %swap3A_359 = vector.shape_cast %swap3A_358 : vector<1x16xf32> to vector<16xf32>
      %swap3A_360 = vector.shape_cast %add3A_355 : vector<16xf32> to vector<1x16xf32>
      tpu.vector_store %arg10[%swap3A_356, %swap3A_357], %swap3A_360 {strides = array<i32>} : memref<64x768xf32, #tpu.memory_space<vmem>>, vector<1x16xf32>,
      %get3A_361 = arith.index_cast %scan3A_50 : i32 to index
      %get3A_362 = arith.constant 304 : index
      %get3A_363 = tpu.vector_load %arg10[%get3A_361, %get3A_362] {strides = array<i32>} : memref<64x768xf32, #tpu.memory_space<vmem>>, vector<1x16xf32>,
      %get3A_364 = vector.shape_cast %get3A_363 : vector<1x16xf32> to vector<16xf32>
      %mul3A_365 = arith.mulf %get3A_53, %get3A_364 : vector<16xf32>
      %get3A_366 = arith.index_cast %scan3A_50 : i32 to index
      %get3A_367 = arith.constant 304 : index
      %get3A_368 = tpu.vector_load %arg11[%get3A_366, %get3A_367] {strides = array<i32>} : memref<64x768xf32, #tpu.memory_space<vmem>>, vector<1x16xf32>,
      %get3A_369 = vector.shape_cast %get3A_368 : vector<1x16xf32> to vector<16xf32>
      %mul3A_370 = arith.mulf %get3A_57, %get3A_369 : vector<16xf32>
      %add3A_371 = arith.addf %mul3A_365, %mul3A_370 : vector<16xf32>
      %swap3A_372 = arith.index_cast %scan3A_50 : i32 to index
      %swap3A_373 = arith.constant 304 : index
      %swap3A_374 = tpu.vector_load %arg10[%swap3A_372, %swap3A_373] {strides = array<i32>} : memref<64x768xf32, #tpu.memory_space<vmem>>, vector<1x16xf32>,
      %swap3A_375 = vector.shape_cast %swap3A_374 : vector<1x16xf32> to vector<16xf32>
      %swap3A_376 = vector.shape_cast %add3A_371 : vector<16xf32> to vector<1x16xf32>
      tpu.vector_store %arg10[%swap3A_372, %swap3A_373], %swap3A_376 {strides = array<i32>} : memref<64x768xf32, #tpu.memory_space<vmem>>, vector<1x16xf32>,
      %get3A_377 = arith.index_cast %scan3A_50 : i32 to index
      %get3A_378 = arith.constant 320 : index
      %get3A_379 = tpu.vector_load %arg10[%get3A_377, %get3A_378] {strides = array<i32>} : memref<64x768xf32, #tpu.memory_space<vmem>>, vector<1x16xf32>,
      %get3A_380 = vector.shape_cast %get3A_379 : vector<1x16xf32> to vector<16xf32>
      %mul3A_381 = arith.mulf %get3A_53, %get3A_380 : vector<16xf32>
      %get3A_382 = arith.index_cast %scan3A_50 : i32 to index
      %get3A_383 = arith.constant 320 : index
      %get3A_384 = tpu.vector_load %arg11[%get3A_382, %get3A_383] {strides = array<i32>} : memref<64x768xf32, #tpu.memory_space<vmem>>, vector<1x16xf32>,
      %get3A_385 = vector.shape_cast %get3A_384 : vector<1x16xf32> to vector<16xf32>
      %mul3A_386 = arith.mulf %get3A_57, %get3A_385 : vector<16xf32>
      %add3A_387 = arith.addf %mul3A_381, %mul3A_386 : vector<16xf32>
      %swap3A_388 = arith.index_cast %scan3A_50 : i32 to index
      %swap3A_389 = arith.constant 320 : index
      %swap3A_390 = tpu.vector_load %arg10[%swap3A_388, %swap3A_389] {strides = array<i32>} : memref<64x768xf32, #tpu.memory_space<vmem>>, vector<1x16xf32>,
      %swap3A_391 = vector.shape_cast %swap3A_390 : vector<1x16xf32> to vector<16xf32>
      %swap3A_392 = vector.shape_cast %add3A_387 : vector<16xf32> to vector<1x16xf32>
      tpu.vector_store %arg10[%swap3A_388, %swap3A_389], %swap3A_392 {strides = array<i32>} : memref<64x768xf32, #tpu.memory_space<vmem>>, vector<1x16xf32>,
      %get3A_393 = arith.index_cast %scan3A_50 : i32 to index
      %get3A_394 = arith.constant 336 : index
      %get3A_395 = tpu.vector_load %arg10[%get3A_393, %get3A_394] {strides = array<i32>} : memref<64x768xf32, #tpu.memory_space<vmem>>, vector<1x16xf32>,
      %get3A_396 = vector.shape_cast %get3A_395 : vector<1x16xf32> to vector<16xf32>
      %mul3A_397 = arith.mulf %get3A_53, %get3A_396 : vector<16xf32>
      %get3A_398 = arith.index_cast %scan3A_50 : i32 to index
      %get3A_399 = arith.constant 336 : index
      %get3A_400 = tpu.vector_load %arg11[%get3A_398, %get3A_399] {strides = array<i32>} : memref<64x768xf32, #tpu.memory_space<vmem>>, vector<1x16xf32>,
      %get3A_401 = vector.shape_cast %get3A_400 : vector<1x16xf32> to vector<16xf32>
      %mul3A_402 = arith.mulf %get3A_57, %get3A_401 : vector<16xf32>
      %add3A_403 = arith.addf %mul3A_397, %mul3A_402 : vector<16xf32>
      %swap3A_404 = arith.index_cast %scan3A_50 : i32 to index
      %swap3A_405 = arith.constant 336 : index
      %swap3A_406 = tpu.vector_load %arg10[%swap3A_404, %swap3A_405] {strides = array<i32>} : memref<64x768xf32, #tpu.memory_space<vmem>>, vector<1x16xf32>,
      %swap3A_407 = vector.shape_cast %swap3A_406 : vector<1x16xf32> to vector<16xf32>
      %swap3A_408 = vector.shape_cast %add3A_403 : vector<16xf32> to vector<1x16xf32>
      tpu.vector_store %arg10[%swap3A_404, %swap3A_405], %swap3A_408 {strides = array<i32>} : memref<64x768xf32, #tpu.memory_space<vmem>>, vector<1x16xf32>,
      %get3A_409 = arith.index_cast %scan3A_50 : i32 to index
      %get3A_410 = arith.constant 352 : index
      %get3A_411 = tpu.vector_load %arg10[%get3A_409, %get3A_410] {strides = array<i32>} : memref<64x768xf32, #tpu.memory_space<vmem>>, vector<1x16xf32>,
      %get3A_412 = vector.shape_cast %get3A_411 : vector<1x16xf32> to vector<16xf32>
      %mul3A_413 = arith.mulf %get3A_53, %get3A_412 : vector<16xf32>
      %get3A_414 = arith.index_cast %scan3A_50 : i32 to index
      %get3A_415 = arith.constant 352 : index
      %get3A_416 = tpu.vector_load %arg11[%get3A_414, %get3A_415] {strides = array<i32>} : memref<64x768xf32, #tpu.memory_space<vmem>>, vector<1x16xf32>,
      %get3A_417 = vector.shape_cast %get3A_416 : vector<1x16xf32> to vector<16xf32>
      %mul3A_418 = arith.mulf %get3A_57, %get3A_417 : vector<16xf32>
      %add3A_419 = arith.addf %mul3A_413, %mul3A_418 : vector<16xf32>
      %swap3A_420 = arith.index_cast %scan3A_50 : i32 to index
      %swap3A_421 = arith.constant 352 : index
      %swap3A_422 = tpu.vector_load %arg10[%swap3A_420, %swap3A_421] {strides = array<i32>} : memref<64x768xf32, #tpu.memory_space<vmem>>, vector<1x16xf32>,
      %swap3A_423 = vector.shape_cast %swap3A_422 : vector<1x16xf32> to vector<16xf32>
      %swap3A_424 = vector.shape_cast %add3A_419 : vector<16xf32> to vector<1x16xf32>
      tpu.vector_store %arg10[%swap3A_420, %swap3A_421], %swap3A_424 {strides = array<i32>} : memref<64x768xf32, #tpu.memory_space<vmem>>, vector<1x16xf32>,
      %get3A_425 = arith.index_cast %scan3A_50 : i32 to index
      %get3A_426 = arith.constant 368 : index
      %get3A_427 = tpu.vector_load %arg10[%get3A_425, %get3A_426] {strides = array<i32>} : memref<64x768xf32, #tpu.memory_space<vmem>>, vector<1x16xf32>,
      %get3A_428 = vector.shape_cast %get3A_427 : vector<1x16xf32> to vector<16xf32>
      %mul3A_429 = arith.mulf %get3A_53, %get3A_428 : vector<16xf32>
      %get3A_430 = arith.index_cast %scan3A_50 : i32 to index
      %get3A_431 = arith.constant 368 : index
      %get3A_432 = tpu.vector_load %arg11[%get3A_430, %get3A_431] {strides = array<i32>} : memref<64x768xf32, #tpu.memory_space<vmem>>, vector<1x16xf32>,
      %get3A_433 = vector.shape_cast %get3A_432 : vector<1x16xf32> to vector<16xf32>
      %mul3A_434 = arith.mulf %get3A_57, %get3A_433 : vector<16xf32>
      %add3A_435 = arith.addf %mul3A_429, %mul3A_434 : vector<16xf32>
      %swap3A_436 = arith.index_cast %scan3A_50 : i32 to index
      %swap3A_437 = arith.constant 368 : index
      %swap3A_438 = tpu.vector_load %arg10[%swap3A_436, %swap3A_437] {strides = array<i32>} : memref<64x768xf32, #tpu.memory_space<vmem>>, vector<1x16xf32>,
      %swap3A_439 = vector.shape_cast %swap3A_438 : vector<1x16xf32> to vector<16xf32>
      %swap3A_440 = vector.shape_cast %add3A_435 : vector<16xf32> to vector<1x16xf32>
      tpu.vector_store %arg10[%swap3A_436, %swap3A_437], %swap3A_440 {strides = array<i32>} : memref<64x768xf32, #tpu.memory_space<vmem>>, vector<1x16xf32>,
      %get3A_441 = arith.index_cast %scan3A_50 : i32 to index
      %get3A_442 = arith.constant 384 : index
      %get3A_443 = tpu.vector_load %arg10[%get3A_441, %get3A_442] {strides = array<i32>} : memref<64x768xf32, #tpu.memory_space<vmem>>, vector<1x16xf32>,
      %get3A_444 = vector.shape_cast %get3A_443 : vector<1x16xf32> to vector<16xf32>
      %mul3A_445 = arith.mulf %get3A_53, %get3A_444 : vector<16xf32>
      %get3A_446 = arith.index_cast %scan3A_50 : i32 to index
      %get3A_447 = arith.constant 384 : index
      %get3A_448 = tpu.vector_load %arg11[%get3A_446, %get3A_447] {strides = array<i32>} : memref<64x768xf32, #tpu.memory_space<vmem>>, vector<1x16xf32>,
      %get3A_449 = vector.shape_cast %get3A_448 : vector<1x16xf32> to vector<16xf32>
      %mul3A_450 = arith.mulf %get3A_57, %get3A_449 : vector<16xf32>
      %add3A_451 = arith.addf %mul3A_445, %mul3A_450 : vector<16xf32>
      %swap3A_452 = arith.index_cast %scan3A_50 : i32 to index
      %swap3A_453 = arith.constant 384 : index
      %swap3A_454 = tpu.vector_load %arg10[%swap3A_452, %swap3A_453] {strides = array<i32>} : memref<64x768xf32, #tpu.memory_space<vmem>>, vector<1x16xf32>,
      %swap3A_455 = vector.shape_cast %swap3A_454 : vector<1x16xf32> to vector<16xf32>
      %swap3A_456 = vector.shape_cast %add3A_451 : vector<16xf32> to vector<1x16xf32>
      tpu.vector_store %arg10[%swap3A_452, %swap3A_453], %swap3A_456 {strides = array<i32>} : memref<64x768xf32, #tpu.memory_space<vmem>>, vector<1x16xf32>,
      %get3A_457 = arith.index_cast %scan3A_50 : i32 to index
      %get3A_458 = arith.constant 400 : index
      %get3A_459 = tpu.vector_load %arg10[%get3A_457, %get3A_458] {strides = array<i32>} : memref<64x768xf32, #tpu.memory_space<vmem>>, vector<1x16xf32>,
      %get3A_460 = vector.shape_cast %get3A_459 : vector<1x16xf32> to vector<16xf32>
      %mul3A_461 = arith.mulf %get3A_53, %get3A_460 : vector<16xf32>
      %get3A_462 = arith.index_cast %scan3A_50 : i32 to index
      %get3A_463 = arith.constant 400 : index
      %get3A_464 = tpu.vector_load %arg11[%get3A_462, %get3A_463] {strides = array<i32>} : memref<64x768xf32, #tpu.memory_space<vmem>>, vector<1x16xf32>,
      %get3A_465 = vector.shape_cast %get3A_464 : vector<1x16xf32> to vector<16xf32>
      %mul3A_466 = arith.mulf %get3A_57, %get3A_465 : vector<16xf32>
      %add3A_467 = arith.addf %mul3A_461, %mul3A_466 : vector<16xf32>
      %swap3A_468 = arith.index_cast %scan3A_50 : i32 to index
      %swap3A_469 = arith.constant 400 : index
      %swap3A_470 = tpu.vector_load %arg10[%swap3A_468, %swap3A_469] {strides = array<i32>} : memref<64x768xf32, #tpu.memory_space<vmem>>, vector<1x16xf32>,
      %swap3A_471 = vector.shape_cast %swap3A_470 : vector<1x16xf32> to vector<16xf32>
      %swap3A_472 = vector.shape_cast %add3A_467 : vector<16xf32> to vector<1x16xf32>
      tpu.vector_store %arg10[%swap3A_468, %swap3A_469], %swap3A_472 {strides = array<i32>} : memref<64x768xf32, #tpu.memory_space<vmem>>, vector<1x16xf32>,
      %get3A_473 = arith.index_cast %scan3A_50 : i32 to index
      %get3A_474 = arith.constant 416 : index
      %get3A_475 = tpu.vector_load %arg10[%get3A_473, %get3A_474] {strides = array<i32>} : memref<64x768xf32, #tpu.memory_space<vmem>>, vector<1x16xf32>,
      %get3A_476 = vector.shape_cast %get3A_475 : vector<1x16xf32> to vector<16xf32>
      %mul3A_477 = arith.mulf %get3A_53, %get3A_476 : vector<16xf32>
      %get3A_478 = arith.index_cast %scan3A_50 : i32 to index
      %get3A_479 = arith.constant 416 : index
      %get3A_480 = tpu.vector_load %arg11[%get3A_478, %get3A_479] {strides = array<i32>} : memref<64x768xf32, #tpu.memory_space<vmem>>, vector<1x16xf32>,
      %get3A_481 = vector.shape_cast %get3A_480 : vector<1x16xf32> to vector<16xf32>
      %mul3A_482 = arith.mulf %get3A_57, %get3A_481 : vector<16xf32>
      %add3A_483 = arith.addf %mul3A_477, %mul3A_482 : vector<16xf32>
      %swap3A_484 = arith.index_cast %scan3A_50 : i32 to index
      %swap3A_485 = arith.constant 416 : index
      %swap3A_486 = tpu.vector_load %arg10[%swap3A_484, %swap3A_485] {strides = array<i32>} : memref<64x768xf32, #tpu.memory_space<vmem>>, vector<1x16xf32>,
      %swap3A_487 = vector.shape_cast %swap3A_486 : vector<1x16xf32> to vector<16xf32>
      %swap3A_488 = vector.shape_cast %add3A_483 : vector<16xf32> to vector<1x16xf32>
      tpu.vector_store %arg10[%swap3A_484, %swap3A_485], %swap3A_488 {strides = array<i32>} : memref<64x768xf32, #tpu.memory_space<vmem>>, vector<1x16xf32>,
      %get3A_489 = arith.index_cast %scan3A_50 : i32 to index
      %get3A_490 = arith.constant 432 : index
      %get3A_491 = tpu.vector_load %arg10[%get3A_489, %get3A_490] {strides = array<i32>} : memref<64x768xf32, #tpu.memory_space<vmem>>, vector<1x16xf32>,
      %get3A_492 = vector.shape_cast %get3A_491 : vector<1x16xf32> to vector<16xf32>
      %mul3A_493 = arith.mulf %get3A_53, %get3A_492 : vector<16xf32>
      %get3A_494 = arith.index_cast %scan3A_50 : i32 to index
      %get3A_495 = arith.constant 432 : index
      %get3A_496 = tpu.vector_load %arg11[%get3A_494, %get3A_495] {strides = array<i32>} : memref<64x768xf32, #tpu.memory_space<vmem>>, vector<1x16xf32>,
      %get3A_497 = vector.shape_cast %get3A_496 : vector<1x16xf32> to vector<16xf32>
      %mul3A_498 = arith.mulf %get3A_57, %get3A_497 : vector<16xf32>
      %add3A_499 = arith.addf %mul3A_493, %mul3A_498 : vector<16xf32>
      %swap3A_500 = arith.index_cast %scan3A_50 : i32 to index
      %swap3A_501 = arith.constant 432 : index
      %swap3A_502 = tpu.vector_load %arg10[%swap3A_500, %swap3A_501] {strides = array<i32>} : memref<64x768xf32, #tpu.memory_space<vmem>>, vector<1x16xf32>,
      %swap3A_503 = vector.shape_cast %swap3A_502 : vector<1x16xf32> to vector<16xf32>
      %swap3A_504 = vector.shape_cast %add3A_499 : vector<16xf32> to vector<1x16xf32>
      tpu.vector_store %arg10[%swap3A_500, %swap3A_501], %swap3A_504 {strides = array<i32>} : memref<64x768xf32, #tpu.memory_space<vmem>>, vector<1x16xf32>,
      %get3A_505 = arith.index_cast %scan3A_50 : i32 to index
      %get3A_506 = arith.constant 448 : index
      %get3A_507 = tpu.vector_load %arg10[%get3A_505, %get3A_506] {strides = array<i32>} : memref<64x768xf32, #tpu.memory_space<vmem>>, vector<1x16xf32>,
      %get3A_508 = vector.shape_cast %get3A_507 : vector<1x16xf32> to vector<16xf32>
      %mul3A_509 = arith.mulf %get3A_53, %get3A_508 : vector<16xf32>
      %get3A_510 = arith.index_cast %scan3A_50 : i32 to index
      %get3A_511 = arith.constant 448 : index
      %get3A_512 = tpu.vector_load %arg11[%get3A_510, %get3A_511] {strides = array<i32>} : memref<64x768xf32, #tpu.memory_space<vmem>>, vector<1x16xf32>,
      %get3A_513 = vector.shape_cast %get3A_512 : vector<1x16xf32> to vector<16xf32>
      %mul3A_514 = arith.mulf %get3A_57, %get3A_513 : vector<16xf32>
      %add3A_515 = arith.addf %mul3A_509, %mul3A_514 : vector<16xf32>
      %swap3A_516 = arith.index_cast %scan3A_50 : i32 to index
      %swap3A_517 = arith.constant 448 : index
      %swap3A_518 = tpu.vector_load %arg10[%swap3A_516, %swap3A_517] {strides = array<i32>} : memref<64x768xf32, #tpu.memory_space<vmem>>, vector<1x16xf32>,
      %swap3A_519 = vector.shape_cast %swap3A_518 : vector<1x16xf32> to vector<16xf32>
      %swap3A_520 = vector.shape_cast %add3A_515 : vector<16xf32> to vector<1x16xf32>
      tpu.vector_store %arg10[%swap3A_516, %swap3A_517], %swap3A_520 {strides = array<i32>} : memref<64x768xf32, #tpu.memory_space<vmem>>, vector<1x16xf32>,
      %get3A_521 = arith.index_cast %scan3A_50 : i32 to index
      %get3A_522 = arith.constant 464 : index
      %get3A_523 = tpu.vector_load %arg10[%get3A_521, %get3A_522] {strides = array<i32>} : memref<64x768xf32, #tpu.memory_space<vmem>>, vector<1x16xf32>,
      %get3A_524 = vector.shape_cast %get3A_523 : vector<1x16xf32> to vector<16xf32>
      %mul3A_525 = arith.mulf %get3A_53, %get3A_524 : vector<16xf32>
      %get3A_526 = arith.index_cast %scan3A_50 : i32 to index
      %get3A_527 = arith.constant 464 : index
      %get3A_528 = tpu.vector_load %arg11[%get3A_526, %get3A_527] {strides = array<i32>} : memref<64x768xf32, #tpu.memory_space<vmem>>, vector<1x16xf32>,
      %get3A_529 = vector.shape_cast %get3A_528 : vector<1x16xf32> to vector<16xf32>
      %mul3A_530 = arith.mulf %get3A_57, %get3A_529 : vector<16xf32>
      %add3A_531 = arith.addf %mul3A_525, %mul3A_530 : vector<16xf32>
      %swap3A_532 = arith.index_cast %scan3A_50 : i32 to index
      %swap3A_533 = arith.constant 464 : index
      %swap3A_534 = tpu.vector_load %arg10[%swap3A_532, %swap3A_533] {strides = array<i32>} : memref<64x768xf32, #tpu.memory_space<vmem>>, vector<1x16xf32>,
      %swap3A_535 = vector.shape_cast %swap3A_534 : vector<1x16xf32> to vector<16xf32>
      %swap3A_536 = vector.shape_cast %add3A_531 : vector<16xf32> to vector<1x16xf32>
      tpu.vector_store %arg10[%swap3A_532, %swap3A_533], %swap3A_536 {strides = array<i32>} : memref<64x768xf32, #tpu.memory_space<vmem>>, vector<1x16xf32>,
      %get3A_537 = arith.index_cast %scan3A_50 : i32 to index
      %get3A_538 = arith.constant 480 : index
      %get3A_539 = tpu.vector_load %arg10[%get3A_537, %get3A_538] {strides = array<i32>} : memref<64x768xf32, #tpu.memory_space<vmem>>, vector<1x16xf32>,
      %get3A_540 = vector.shape_cast %get3A_539 : vector<1x16xf32> to vector<16xf32>
      %mul3A_541 = arith.mulf %get3A_53, %get3A_540 : vector<16xf32>
      %get3A_542 = arith.index_cast %scan3A_50 : i32 to index
      %get3A_543 = arith.constant 480 : index
      %get3A_544 = tpu.vector_load %arg11[%get3A_542, %get3A_543] {strides = array<i32>} : memref<64x768xf32, #tpu.memory_space<vmem>>, vector<1x16xf32>,
      %get3A_545 = vector.shape_cast %get3A_544 : vector<1x16xf32> to vector<16xf32>
      %mul3A_546 = arith.mulf %get3A_57, %get3A_545 : vector<16xf32>
      %add3A_547 = arith.addf %mul3A_541, %mul3A_546 : vector<16xf32>
      %swap3A_548 = arith.index_cast %scan3A_50 : i32 to index
      %swap3A_549 = arith.constant 480 : index
      %swap3A_550 = tpu.vector_load %arg10[%swap3A_548, %swap3A_549] {strides = array<i32>} : memref<64x768xf32, #tpu.memory_space<vmem>>, vector<1x16xf32>,
      %swap3A_551 = vector.shape_cast %swap3A_550 : vector<1x16xf32> to vector<16xf32>
      %swap3A_552 = vector.shape_cast %add3A_547 : vector<16xf32> to vector<1x16xf32>
      tpu.vector_store %arg10[%swap3A_548, %swap3A_549], %swap3A_552 {strides = array<i32>} : memref<64x768xf32, #tpu.memory_space<vmem>>, vector<1x16xf32>,
      %get3A_553 = arith.index_cast %scan3A_50 : i32 to index
      %get3A_554 = arith.constant 496 : index
      %get3A_555 = tpu.vector_load %arg10[%get3A_553, %get3A_554] {strides = array<i32>} : memref<64x768xf32, #tpu.memory_space<vmem>>, vector<1x16xf32>,
      %get3A_556 = vector.shape_cast %get3A_555 : vector<1x16xf32> to vector<16xf32>
      %mul3A_557 = arith.mulf %get3A_53, %get3A_556 : vector<16xf32>
      %get3A_558 = arith.index_cast %scan3A_50 : i32 to index
      %get3A_559 = arith.constant 496 : index
      %get3A_560 = tpu.vector_load %arg11[%get3A_558, %get3A_559] {strides = array<i32>} : memref<64x768xf32, #tpu.memory_space<vmem>>, vector<1x16xf32>,
      %get3A_561 = vector.shape_cast %get3A_560 : vector<1x16xf32> to vector<16xf32>
      %mul3A_562 = arith.mulf %get3A_57, %get3A_561 : vector<16xf32>
      %add3A_563 = arith.addf %mul3A_557, %mul3A_562 : vector<16xf32>
      %swap3A_564 = arith.index_cast %scan3A_50 : i32 to index
      %swap3A_565 = arith.constant 496 : index
      %swap3A_566 = tpu.vector_load %arg10[%swap3A_564, %swap3A_565] {strides = array<i32>} : memref<64x768xf32, #tpu.memory_space<vmem>>, vector<1x16xf32>,
      %swap3A_567 = vector.shape_cast %swap3A_566 : vector<1x16xf32> to vector<16xf32>
      %swap3A_568 = vector.shape_cast %add3A_563 : vector<16xf32> to vector<1x16xf32>
      tpu.vector_store %arg10[%swap3A_564, %swap3A_565], %swap3A_568 {strides = array<i32>} : memref<64x768xf32, #tpu.memory_space<vmem>>, vector<1x16xf32>,
      %get3A_569 = arith.index_cast %scan3A_50 : i32 to index
      %get3A_570 = arith.constant 512 : index
      %get3A_571 = tpu.vector_load %arg10[%get3A_569, %get3A_570] {strides = array<i32>} : memref<64x768xf32, #tpu.memory_space<vmem>>, vector<1x16xf32>,
      %get3A_572 = vector.shape_cast %get3A_571 : vector<1x16xf32> to vector<16xf32>
      %mul3A_573 = arith.mulf %get3A_53, %get3A_572 : vector<16xf32>
      %get3A_574 = arith.index_cast %scan3A_50 : i32 to index
      %get3A_575 = arith.constant 512 : index
      %get3A_576 = tpu.vector_load %arg11[%get3A_574, %get3A_575] {strides = array<i32>} : memref<64x768xf32, #tpu.memory_space<vmem>>, vector<1x16xf32>,
      %get3A_577 = vector.shape_cast %get3A_576 : vector<1x16xf32> to vector<16xf32>
      %mul3A_578 = arith.mulf %get3A_57, %get3A_577 : vector<16xf32>
      %add3A_579 = arith.addf %mul3A_573, %mul3A_578 : vector<16xf32>
      %swap3A_580 = arith.index_cast %scan3A_50 : i32 to index
      %swap3A_581 = arith.constant 512 : index
      %swap3A_582 = tpu.vector_load %arg10[%swap3A_580, %swap3A_581] {strides = array<i32>} : memref<64x768xf32, #tpu.memory_space<vmem>>, vector<1x16xf32>,
      %swap3A_583 = vector.shape_cast %swap3A_582 : vector<1x16xf32> to vector<16xf32>
      %swap3A_584 = vector.shape_cast %add3A_579 : vector<16xf32> to vector<1x16xf32>
      tpu.vector_store %arg10[%swap3A_580, %swap3A_581], %swap3A_584 {strides = array<i32>} : memref<64x768xf32, #tpu.memory_space<vmem>>, vector<1x16xf32>,
      %get3A_585 = arith.index_cast %scan3A_50 : i32 to index
      %get3A_586 = arith.constant 528 : index
      %get3A_587 = tpu.vector_load %arg10[%get3A_585, %get3A_586] {strides = array<i32>} : memref<64x768xf32, #tpu.memory_space<vmem>>, vector<1x16xf32>,
      %get3A_588 = vector.shape_cast %get3A_587 : vector<1x16xf32> to vector<16xf32>
      %mul3A_589 = arith.mulf %get3A_53, %get3A_588 : vector<16xf32>
      %get3A_590 = arith.index_cast %scan3A_50 : i32 to index
      %get3A_591 = arith.constant 528 : index
      %get3A_592 = tpu.vector_load %arg11[%get3A_590, %get3A_591] {strides = array<i32>} : memref<64x768xf32, #tpu.memory_space<vmem>>, vector<1x16xf32>,
      %get3A_593 = vector.shape_cast %get3A_592 : vector<1x16xf32> to vector<16xf32>
      %mul3A_594 = arith.mulf %get3A_57, %get3A_593 : vector<16xf32>
      %add3A_595 = arith.addf %mul3A_589, %mul3A_594 : vector<16xf32>
      %swap3A_596 = arith.index_cast %scan3A_50 : i32 to index
      %swap3A_597 = arith.constant 528 : index
      %swap3A_598 = tpu.vector_load %arg10[%swap3A_596, %swap3A_597] {strides = array<i32>} : memref<64x768xf32, #tpu.memory_space<vmem>>, vector<1x16xf32>,
      %swap3A_599 = vector.shape_cast %swap3A_598 : vector<1x16xf32> to vector<16xf32>
      %swap3A_600 = vector.shape_cast %add3A_595 : vector<16xf32> to vector<1x16xf32>
      tpu.vector_store %arg10[%swap3A_596, %swap3A_597], %swap3A_600 {strides = array<i32>} : memref<64x768xf32, #tpu.memory_space<vmem>>, vector<1x16xf32>,
      %get3A_601 = arith.index_cast %scan3A_50 : i32 to index
      %get3A_602 = arith.constant 544 : index
      %get3A_603 = tpu.vector_load %arg10[%get3A_601, %get3A_602] {strides = array<i32>} : memref<64x768xf32, #tpu.memory_space<vmem>>, vector<1x16xf32>,
      %get3A_604 = vector.shape_cast %get3A_603 : vector<1x16xf32> to vector<16xf32>
      %mul3A_605 = arith.mulf %get3A_53, %get3A_604 : vector<16xf32>
      %get3A_606 = arith.index_cast %scan3A_50 : i32 to index
      %get3A_607 = arith.constant 544 : index
      %get3A_608 = tpu.vector_load %arg11[%get3A_606, %get3A_607] {strides = array<i32>} : memref<64x768xf32, #tpu.memory_space<vmem>>, vector<1x16xf32>,
      %get3A_609 = vector.shape_cast %get3A_608 : vector<1x16xf32> to vector<16xf32>
      %mul3A_610 = arith.mulf %get3A_57, %get3A_609 : vector<16xf32>
      %add3A_611 = arith.addf %mul3A_605, %mul3A_610 : vector<16xf32>
      %swap3A_612 = arith.index_cast %scan3A_50 : i32 to index
      %swap3A_613 = arith.constant 544 : index
      %swap3A_614 = tpu.vector_load %arg10[%swap3A_612, %swap3A_613] {strides = array<i32>} : memref<64x768xf32, #tpu.memory_space<vmem>>, vector<1x16xf32>,
      %swap3A_615 = vector.shape_cast %swap3A_614 : vector<1x16xf32> to vector<16xf32>
      %swap3A_616 = vector.shape_cast %add3A_611 : vector<16xf32> to vector<1x16xf32>
      tpu.vector_store %arg10[%swap3A_612, %swap3A_613], %swap3A_616 {strides = array<i32>} : memref<64x768xf32, #tpu.memory_space<vmem>>, vector<1x16xf32>,
      %get3A_617 = arith.index_cast %scan3A_50 : i32 to index
      %get3A_618 = arith.constant 560 : index
      %get3A_619 = tpu.vector_load %arg10[%get3A_617, %get3A_618] {strides = array<i32>} : memref<64x768xf32, #tpu.memory_space<vmem>>, vector<1x16xf32>,
      %get3A_620 = vector.shape_cast %get3A_619 : vector<1x16xf32> to vector<16xf32>
      %mul3A_621 = arith.mulf %get3A_53, %get3A_620 : vector<16xf32>
      %get3A_622 = arith.index_cast %scan3A_50 : i32 to index
      %get3A_623 = arith.constant 560 : index
      %get3A_624 = tpu.vector_load %arg11[%get3A_622, %get3A_623] {strides = array<i32>} : memref<64x768xf32, #tpu.memory_space<vmem>>, vector<1x16xf32>,
      %get3A_625 = vector.shape_cast %get3A_624 : vector<1x16xf32> to vector<16xf32>
      %mul3A_626 = arith.mulf %get3A_57, %get3A_625 : vector<16xf32>
      %add3A_627 = arith.addf %mul3A_621, %mul3A_626 : vector<16xf32>
      %swap3A_628 = arith.index_cast %scan3A_50 : i32 to index
      %swap3A_629 = arith.constant 560 : index
      %swap3A_630 = tpu.vector_load %arg10[%swap3A_628, %swap3A_629] {strides = array<i32>} : memref<64x768xf32, #tpu.memory_space<vmem>>, vector<1x16xf32>,
      %swap3A_631 = vector.shape_cast %swap3A_630 : vector<1x16xf32> to vector<16xf32>
      %swap3A_632 = vector.shape_cast %add3A_627 : vector<16xf32> to vector<1x16xf32>
      tpu.vector_store %arg10[%swap3A_628, %swap3A_629], %swap3A_632 {strides = array<i32>} : memref<64x768xf32, #tpu.memory_space<vmem>>, vector<1x16xf32>,
      %get3A_633 = arith.index_cast %scan3A_50 : i32 to index
      %get3A_634 = arith.constant 576 : index
      %get3A_635 = tpu.vector_load %arg10[%get3A_633, %get3A_634] {strides = array<i32>} : memref<64x768xf32, #tpu.memory_space<vmem>>, vector<1x16xf32>,
      %get3A_636 = vector.shape_cast %get3A_635 : vector<1x16xf32> to vector<16xf32>
      %mul3A_637 = arith.mulf %get3A_53, %get3A_636 : vector<16xf32>
      %get3A_638 = arith.index_cast %scan3A_50 : i32 to index
      %get3A_639 = arith.constant 576 : index
      %get3A_640 = tpu.vector_load %arg11[%get3A_638, %get3A_639] {strides = array<i32>} : memref<64x768xf32, #tpu.memory_space<vmem>>, vector<1x16xf32>,
      %get3A_641 = vector.shape_cast %get3A_640 : vector<1x16xf32> to vector<16xf32>
      %mul3A_642 = arith.mulf %get3A_57, %get3A_641 : vector<16xf32>
      %add3A_643 = arith.addf %mul3A_637, %mul3A_642 : vector<16xf32>
      %swap3A_644 = arith.index_cast %scan3A_50 : i32 to index
      %swap3A_645 = arith.constant 576 : index
      %swap3A_646 = tpu.vector_load %arg10[%swap3A_644, %swap3A_645] {strides = array<i32>} : memref<64x768xf32, #tpu.memory_space<vmem>>, vector<1x16xf32>,
      %swap3A_647 = vector.shape_cast %swap3A_646 : vector<1x16xf32> to vector<16xf32>
      %swap3A_648 = vector.shape_cast %add3A_643 : vector<16xf32> to vector<1x16xf32>
      tpu.vector_store %arg10[%swap3A_644, %swap3A_645], %swap3A_648 {strides = array<i32>} : memref<64x768xf32, #tpu.memory_space<vmem>>, vector<1x16xf32>,
      %get3A_649 = arith.index_cast %scan3A_50 : i32 to index
      %get3A_650 = arith.constant 592 : index
      %get3A_651 = tpu.vector_load %arg10[%get3A_649, %get3A_650] {strides = array<i32>} : memref<64x768xf32, #tpu.memory_space<vmem>>, vector<1x16xf32>,
      %get3A_652 = vector.shape_cast %get3A_651 : vector<1x16xf32> to vector<16xf32>
      %mul3A_653 = arith.mulf %get3A_53, %get3A_652 : vector<16xf32>
      %get3A_654 = arith.index_cast %scan3A_50 : i32 to index
      %get3A_655 = arith.constant 592 : index
      %get3A_656 = tpu.vector_load %arg11[%get3A_654, %get3A_655] {strides = array<i32>} : memref<64x768xf32, #tpu.memory_space<vmem>>, vector<1x16xf32>,
      %get3A_657 = vector.shape_cast %get3A_656 : vector<1x16xf32> to vector<16xf32>
      %mul3A_658 = arith.mulf %get3A_57, %get3A_657 : vector<16xf32>
      %add3A_659 = arith.addf %mul3A_653, %mul3A_658 : vector<16xf32>
      %swap3A_660 = arith.index_cast %scan3A_50 : i32 to index
      %swap3A_661 = arith.constant 592 : index
      %swap3A_662 = tpu.vector_load %arg10[%swap3A_660, %swap3A_661] {strides = array<i32>} : memref<64x768xf32, #tpu.memory_space<vmem>>, vector<1x16xf32>,
      %swap3A_663 = vector.shape_cast %swap3A_662 : vector<1x16xf32> to vector<16xf32>
      %swap3A_664 = vector.shape_cast %add3A_659 : vector<16xf32> to vector<1x16xf32>
      tpu.vector_store %arg10[%swap3A_660, %swap3A_661], %swap3A_664 {strides = array<i32>} : memref<64x768xf32, #tpu.memory_space<vmem>>, vector<1x16xf32>,
      %get3A_665 = arith.index_cast %scan3A_50 : i32 to index
      %get3A_666 = arith.constant 608 : index
      %get3A_667 = tpu.vector_load %arg10[%get3A_665, %get3A_666] {strides = array<i32>} : memref<64x768xf32, #tpu.memory_space<vmem>>, vector<1x16xf32>,
      %get3A_668 = vector.shape_cast %get3A_667 : vector<1x16xf32> to vector<16xf32>
      %mul3A_669 = arith.mulf %get3A_53, %get3A_668 : vector<16xf32>
      %get3A_670 = arith.index_cast %scan3A_50 : i32 to index
      %get3A_671 = arith.constant 608 : index
      %get3A_672 = tpu.vector_load %arg11[%get3A_670, %get3A_671] {strides = array<i32>} : memref<64x768xf32, #tpu.memory_space<vmem>>, vector<1x16xf32>,
      %get3A_673 = vector.shape_cast %get3A_672 : vector<1x16xf32> to vector<16xf32>
      %mul3A_674 = arith.mulf %get3A_57, %get3A_673 : vector<16xf32>
      %add3A_675 = arith.addf %mul3A_669, %mul3A_674 : vector<16xf32>
      %swap3A_676 = arith.index_cast %scan3A_50 : i32 to index
      %swap3A_677 = arith.constant 608 : index
      %swap3A_678 = tpu.vector_load %arg10[%swap3A_676, %swap3A_677] {strides = array<i32>} : memref<64x768xf32, #tpu.memory_space<vmem>>, vector<1x16xf32>,
      %swap3A_679 = vector.shape_cast %swap3A_678 : vector<1x16xf32> to vector<16xf32>
      %swap3A_680 = vector.shape_cast %add3A_675 : vector<16xf32> to vector<1x16xf32>
      tpu.vector_store %arg10[%swap3A_676, %swap3A_677], %swap3A_680 {strides = array<i32>} : memref<64x768xf32, #tpu.memory_space<vmem>>, vector<1x16xf32>,
      %get3A_681 = arith.index_cast %scan3A_50 : i32 to index
      %get3A_682 = arith.constant 624 : index
      %get3A_683 = tpu.vector_load %arg10[%get3A_681, %get3A_682] {strides = array<i32>} : memref<64x768xf32, #tpu.memory_space<vmem>>, vector<1x16xf32>,
      %get3A_684 = vector.shape_cast %get3A_683 : vector<1x16xf32> to vector<16xf32>
      %mul3A_685 = arith.mulf %get3A_53, %get3A_684 : vector<16xf32>
      %get3A_686 = arith.index_cast %scan3A_50 : i32 to index
      %get3A_687 = arith.constant 624 : index
      %get3A_688 = tpu.vector_load %arg11[%get3A_686, %get3A_687] {strides = array<i32>} : memref<64x768xf32, #tpu.memory_space<vmem>>, vector<1x16xf32>,
      %get3A_689 = vector.shape_cast %get3A_688 : vector<1x16xf32> to vector<16xf32>
      %mul3A_690 = arith.mulf %get3A_57, %get3A_689 : vector<16xf32>
      %add3A_691 = arith.addf %mul3A_685, %mul3A_690 : vector<16xf32>
      %swap3A_692 = arith.index_cast %scan3A_50 : i32 to index
      %swap3A_693 = arith.constant 624 : index
      %swap3A_694 = tpu.vector_load %arg10[%swap3A_692, %swap3A_693] {strides = array<i32>} : memref<64x768xf32, #tpu.memory_space<vmem>>, vector<1x16xf32>,
      %swap3A_695 = vector.shape_cast %swap3A_694 : vector<1x16xf32> to vector<16xf32>
      %swap3A_696 = vector.shape_cast %add3A_691 : vector<16xf32> to vector<1x16xf32>
      tpu.vector_store %arg10[%swap3A_692, %swap3A_693], %swap3A_696 {strides = array<i32>} : memref<64x768xf32, #tpu.memory_space<vmem>>, vector<1x16xf32>,
      %get3A_697 = arith.index_cast %scan3A_50 : i32 to index
      %get3A_698 = arith.constant 640 : index
      %get3A_699 = tpu.vector_load %arg10[%get3A_697, %get3A_698] {strides = array<i32>} : memref<64x768xf32, #tpu.memory_space<vmem>>, vector<1x16xf32>,
      %get3A_700 = vector.shape_cast %get3A_699 : vector<1x16xf32> to vector<16xf32>
      %mul3A_701 = arith.mulf %get3A_53, %get3A_700 : vector<16xf32>
      %get3A_702 = arith.index_cast %scan3A_50 : i32 to index
      %get3A_703 = arith.constant 640 : index
      %get3A_704 = tpu.vector_load %arg11[%get3A_702, %get3A_703] {strides = array<i32>} : memref<64x768xf32, #tpu.memory_space<vmem>>, vector<1x16xf32>,
      %get3A_705 = vector.shape_cast %get3A_704 : vector<1x16xf32> to vector<16xf32>
      %mul3A_706 = arith.mulf %get3A_57, %get3A_705 : vector<16xf32>
      %add3A_707 = arith.addf %mul3A_701, %mul3A_706 : vector<16xf32>
      %swap3A_708 = arith.index_cast %scan3A_50 : i32 to index
      %swap3A_709 = arith.constant 640 : index
      %swap3A_710 = tpu.vector_load %arg10[%swap3A_708, %swap3A_709] {strides = array<i32>} : memref<64x768xf32, #tpu.memory_space<vmem>>, vector<1x16xf32>,
      %swap3A_711 = vector.shape_cast %swap3A_710 : vector<1x16xf32> to vector<16xf32>
      %swap3A_712 = vector.shape_cast %add3A_707 : vector<16xf32> to vector<1x16xf32>
      tpu.vector_store %arg10[%swap3A_708, %swap3A_709], %swap3A_712 {strides = array<i32>} : memref<64x768xf32, #tpu.memory_space<vmem>>, vector<1x16xf32>,
      %get3A_713 = arith.index_cast %scan3A_50 : i32 to index
      %get3A_714 = arith.constant 656 : index
      %get3A_715 = tpu.vector_load %arg10[%get3A_713, %get3A_714] {strides = array<i32>} : memref<64x768xf32, #tpu.memory_space<vmem>>, vector<1x16xf32>,
      %get3A_716 = vector.shape_cast %get3A_715 : vector<1x16xf32> to vector<16xf32>
      %mul3A_717 = arith.mulf %get3A_53, %get3A_716 : vector<16xf32>
      %get3A_718 = arith.index_cast %scan3A_50 : i32 to index
      %get3A_719 = arith.constant 656 : index
      %get3A_720 = tpu.vector_load %arg11[%get3A_718, %get3A_719] {strides = array<i32>} : memref<64x768xf32, #tpu.memory_space<vmem>>, vector<1x16xf32>,
      %get3A_721 = vector.shape_cast %get3A_720 : vector<1x16xf32> to vector<16xf32>
      %mul3A_722 = arith.mulf %get3A_57, %get3A_721 : vector<16xf32>
      %add3A_723 = arith.addf %mul3A_717, %mul3A_722 : vector<16xf32>
      %swap3A_724 = arith.index_cast %scan3A_50 : i32 to index
      %swap3A_725 = arith.constant 656 : index
      %swap3A_726 = tpu.vector_load %arg10[%swap3A_724, %swap3A_725] {strides = array<i32>} : memref<64x768xf32, #tpu.memory_space<vmem>>, vector<1x16xf32>,
      %swap3A_727 = vector.shape_cast %swap3A_726 : vector<1x16xf32> to vector<16xf32>
      %swap3A_728 = vector.shape_cast %add3A_723 : vector<16xf32> to vector<1x16xf32>
      tpu.vector_store %arg10[%swap3A_724, %swap3A_725], %swap3A_728 {strides = array<i32>} : memref<64x768xf32, #tpu.memory_space<vmem>>, vector<1x16xf32>,
      %get3A_729 = arith.index_cast %scan3A_50 : i32 to index
      %get3A_730 = arith.constant 672 : index
      %get3A_731 = tpu.vector_load %arg10[%get3A_729, %get3A_730] {strides = array<i32>} : memref<64x768xf32, #tpu.memory_space<vmem>>, vector<1x16xf32>,
      %get3A_732 = vector.shape_cast %get3A_731 : vector<1x16xf32> to vector<16xf32>
      %mul3A_733 = arith.mulf %get3A_53, %get3A_732 : vector<16xf32>
      %get3A_734 = arith.index_cast %scan3A_50 : i32 to index
      %get3A_735 = arith.constant 672 : index
      %get3A_736 = tpu.vector_load %arg11[%get3A_734, %get3A_735] {strides = array<i32>} : memref<64x768xf32, #tpu.memory_space<vmem>>, vector<1x16xf32>,
      %get3A_737 = vector.shape_cast %get3A_736 : vector<1x16xf32> to vector<16xf32>
      %mul3A_738 = arith.mulf %get3A_57, %get3A_737 : vector<16xf32>
      %add3A_739 = arith.addf %mul3A_733, %mul3A_738 : vector<16xf32>
      %swap3A_740 = arith.index_cast %scan3A_50 : i32 to index
      %swap3A_741 = arith.constant 672 : index
      %swap3A_742 = tpu.vector_load %arg10[%swap3A_740, %swap3A_741] {strides = array<i32>} : memref<64x768xf32, #tpu.memory_space<vmem>>, vector<1x16xf32>,
      %swap3A_743 = vector.shape_cast %swap3A_742 : vector<1x16xf32> to vector<16xf32>
      %swap3A_744 = vector.shape_cast %add3A_739 : vector<16xf32> to vector<1x16xf32>
      tpu.vector_store %arg10[%swap3A_740, %swap3A_741], %swap3A_744 {strides = array<i32>} : memref<64x768xf32, #tpu.memory_space<vmem>>, vector<1x16xf32>,
      %get3A_745 = arith.index_cast %scan3A_50 : i32 to index
      %get3A_746 = arith.constant 688 : index
      %get3A_747 = tpu.vector_load %arg10[%get3A_745, %get3A_746] {strides = array<i32>} : memref<64x768xf32, #tpu.memory_space<vmem>>, vector<1x16xf32>,
      %get3A_748 = vector.shape_cast %get3A_747 : vector<1x16xf32> to vector<16xf32>
      %mul3A_749 = arith.mulf %get3A_53, %get3A_748 : vector<16xf32>
      %get3A_750 = arith.index_cast %scan3A_50 : i32 to index
      %get3A_751 = arith.constant 688 : index
      %get3A_752 = tpu.vector_load %arg11[%get3A_750, %get3A_751] {strides = array<i32>} : memref<64x768xf32, #tpu.memory_space<vmem>>, vector<1x16xf32>,
      %get3A_753 = vector.shape_cast %get3A_752 : vector<1x16xf32> to vector<16xf32>
      %mul3A_754 = arith.mulf %get3A_57, %get3A_753 : vector<16xf32>
      %add3A_755 = arith.addf %mul3A_749, %mul3A_754 : vector<16xf32>
      %swap3A_756 = arith.index_cast %scan3A_50 : i32 to index
      %swap3A_757 = arith.constant 688 : index
      %swap3A_758 = tpu.vector_load %arg10[%swap3A_756, %swap3A_757] {strides = array<i32>} : memref<64x768xf32, #tpu.memory_space<vmem>>, vector<1x16xf32>,
      %swap3A_759 = vector.shape_cast %swap3A_758 : vector<1x16xf32> to vector<16xf32>
      %swap3A_760 = vector.shape_cast %add3A_755 : vector<16xf32> to vector<1x16xf32>
      tpu.vector_store %arg10[%swap3A_756, %swap3A_757], %swap3A_760 {strides = array<i32>} : memref<64x768xf32, #tpu.memory_space<vmem>>, vector<1x16xf32>,
      %get3A_761 = arith.index_cast %scan3A_50 : i32 to index
      %get3A_762 = arith.constant 704 : index
      %get3A_763 = tpu.vector_load %arg10[%get3A_761, %get3A_762] {strides = array<i32>} : memref<64x768xf32, #tpu.memory_space<vmem>>, vector<1x16xf32>,
      %get3A_764 = vector.shape_cast %get3A_763 : vector<1x16xf32> to vector<16xf32>
      %mul3A_765 = arith.mulf %get3A_53, %get3A_764 : vector<16xf32>
      %get3A_766 = arith.index_cast %scan3A_50 : i32 to index
      %get3A_767 = arith.constant 704 : index
      %get3A_768 = tpu.vector_load %arg11[%get3A_766, %get3A_767] {strides = array<i32>} : memref<64x768xf32, #tpu.memory_space<vmem>>, vector<1x16xf32>,
      %get3A_769 = vector.shape_cast %get3A_768 : vector<1x16xf32> to vector<16xf32>
      %mul3A_770 = arith.mulf %get3A_57, %get3A_769 : vector<16xf32>
      %add3A_771 = arith.addf %mul3A_765, %mul3A_770 : vector<16xf32>
      %swap3A_772 = arith.index_cast %scan3A_50 : i32 to index
      %swap3A_773 = arith.constant 704 : index
      %swap3A_774 = tpu.vector_load %arg10[%swap3A_772, %swap3A_773] {strides = array<i32>} : memref<64x768xf32, #tpu.memory_space<vmem>>, vector<1x16xf32>,
      %swap3A_775 = vector.shape_cast %swap3A_774 : vector<1x16xf32> to vector<16xf32>
      %swap3A_776 = vector.shape_cast %add3A_771 : vector<16xf32> to vector<1x16xf32>
      tpu.vector_store %arg10[%swap3A_772, %swap3A_773], %swap3A_776 {strides = array<i32>} : memref<64x768xf32, #tpu.memory_space<vmem>>, vector<1x16xf32>,
      %get3A_777 = arith.index_cast %scan3A_50 : i32 to index
      %get3A_778 = arith.constant 720 : index
      %get3A_779 = tpu.vector_load %arg10[%get3A_777, %get3A_778] {strides = array<i32>} : memref<64x768xf32, #tpu.memory_space<vmem>>, vector<1x16xf32>,
      %get3A_780 = vector.shape_cast %get3A_779 : vector<1x16xf32> to vector<16xf32>
      %mul3A_781 = arith.mulf %get3A_53, %get3A_780 : vector<16xf32>
      %get3A_782 = arith.index_cast %scan3A_50 : i32 to index
      %get3A_783 = arith.constant 720 : index
      %get3A_784 = tpu.vector_load %arg11[%get3A_782, %get3A_783] {strides = array<i32>} : memref<64x768xf32, #tpu.memory_space<vmem>>, vector<1x16xf32>,
      %get3A_785 = vector.shape_cast %get3A_784 : vector<1x16xf32> to vector<16xf32>
      %mul3A_786 = arith.mulf %get3A_57, %get3A_785 : vector<16xf32>
      %add3A_787 = arith.addf %mul3A_781, %mul3A_786 : vector<16xf32>
      %swap3A_788 = arith.index_cast %scan3A_50 : i32 to index
      %swap3A_789 = arith.constant 720 : index
      %swap3A_790 = tpu.vector_load %arg10[%swap3A_788, %swap3A_789] {strides = array<i32>} : memref<64x768xf32, #tpu.memory_space<vmem>>, vector<1x16xf32>,
      %swap3A_791 = vector.shape_cast %swap3A_790 : vector<1x16xf32> to vector<16xf32>
      %swap3A_792 = vector.shape_cast %add3A_787 : vector<16xf32> to vector<1x16xf32>
      tpu.vector_store %arg10[%swap3A_788, %swap3A_789], %swap3A_792 {strides = array<i32>} : memref<64x768xf32, #tpu.memory_space<vmem>>, vector<1x16xf32>,
      %get3A_793 = arith.index_cast %scan3A_50 : i32 to index
      %get3A_794 = arith.constant 736 : index
      %get3A_795 = tpu.vector_load %arg10[%get3A_793, %get3A_794] {strides = array<i32>} : memref<64x768xf32, #tpu.memory_space<vmem>>, vector<1x16xf32>,
      %get3A_796 = vector.shape_cast %get3A_795 : vector<1x16xf32> to vector<16xf32>
      %mul3A_797 = arith.mulf %get3A_53, %get3A_796 : vector<16xf32>
      %get3A_798 = arith.index_cast %scan3A_50 : i32 to index
      %get3A_799 = arith.constant 736 : index
      %get3A_800 = tpu.vector_load %arg11[%get3A_798, %get3A_799] {strides = array<i32>} : memref<64x768xf32, #tpu.memory_space<vmem>>, vector<1x16xf32>,
      %get3A_801 = vector.shape_cast %get3A_800 : vector<1x16xf32> to vector<16xf32>
      %mul3A_802 = arith.mulf %get3A_57, %get3A_801 : vector<16xf32>
      %add3A_803 = arith.addf %mul3A_797, %mul3A_802 : vector<16xf32>
      %swap3A_804 = arith.index_cast %scan3A_50 : i32 to index
      %swap3A_805 = arith.constant 736 : index
      %swap3A_806 = tpu.vector_load %arg10[%swap3A_804, %swap3A_805] {strides = array<i32>} : memref<64x768xf32, #tpu.memory_space<vmem>>, vector<1x16xf32>,
      %swap3A_807 = vector.shape_cast %swap3A_806 : vector<1x16xf32> to vector<16xf32>
      %swap3A_808 = vector.shape_cast %add3A_803 : vector<16xf32> to vector<1x16xf32>
      tpu.vector_store %arg10[%swap3A_804, %swap3A_805], %swap3A_808 {strides = array<i32>} : memref<64x768xf32, #tpu.memory_space<vmem>>, vector<1x16xf32>,
      %get3A_809 = arith.index_cast %scan3A_50 : i32 to index
      %get3A_810 = arith.constant 752 : index
      %get3A_811 = tpu.vector_load %arg10[%get3A_809, %get3A_810] {strides = array<i32>} : memref<64x768xf32, #tpu.memory_space<vmem>>, vector<1x16xf32>,
      %get3A_812 = vector.shape_cast %get3A_811 : vector<1x16xf32> to vector<16xf32>
      %mul3A_813 = arith.mulf %get3A_53, %get3A_812 : vector<16xf32>
      %get3A_814 = arith.index_cast %scan3A_50 : i32 to index
      %get3A_815 = arith.constant 752 : index
      %get3A_816 = tpu.vector_load %arg11[%get3A_814, %get3A_815] {strides = array<i32>} : memref<64x768xf32, #tpu.memory_space<vmem>>, vector<1x16xf32>,
      %get3A_817 = vector.shape_cast %get3A_816 : vector<1x16xf32> to vector<16xf32>
      %mul3A_818 = arith.mulf %get3A_57, %get3A_817 : vector<16xf32>
      %add3A_819 = arith.addf %mul3A_813, %mul3A_818 : vector<16xf32>
      %swap3A_820 = arith.index_cast %scan3A_50 : i32 to index
      %swap3A_821 = arith.constant 752 : index
      %swap3A_822 = tpu.vector_load %arg10[%swap3A_820, %swap3A_821] {strides = array<i32>} : memref<64x768xf32, #tpu.memory_space<vmem>>, vector<1x16xf32>,
      %swap3A_823 = vector.shape_cast %swap3A_822 : vector<1x16xf32> to vector<16xf32>
      %swap3A_824 = vector.shape_cast %add3A_819 : vector<16xf32> to vector<1x16xf32>
      tpu.vector_store %arg10[%swap3A_820, %swap3A_821], %swap3A_824 {strides = array<i32>} : memref<64x768xf32, #tpu.memory_space<vmem>>, vector<1x16xf32>,
    }
    %scan3A_23 = arith.constant 64 : i32
    "tpu.region"() ({
      %run_scoped3A = tpu.sem_alloc : memref<!tpu.dma_semaphore, #tpu.memory_space<semaphore_mem>>
      %dma_start3A_50 = arith.constant 0 : i32
      %dma_start3A_51 = tpu.memref_slice %arg5[%add3A_4, %dma_start3A_50] : memref<4096x768xf32, #tpu.memory_space<hbm>> -> memref<64x768xf32, #tpu.memory_space<hbm>>
      %dma_start3A_52 = arith.constant 0 : i32
      %dma_start3A_53 = tpu.memref_slice %arg5[%add3A_4, %dma_start3A_52] : memref<4096x768xf32, #tpu.memory_space<hbm>> -> memref<64x768xf32, #tpu.memory_space<hbm>>
      tpu.enqueue_dma source(%arg10 : memref<64x768xf32, #tpu.memory_space<vmem>>) target(%dma_start3A_53 : memref<64x768xf32, #tpu.memory_space<hbm>>) target_semaphore(%run_scoped3A : memref<!tpu.dma_semaphore, #tpu.memory_space<semaphore_mem>>)
      %dma_wait3A_54 = arith.constant 0 : i32
      %dma_wait3A_55 = tpu.memref_slice %arg5[%add3A_4, %dma_wait3A_54] : memref<4096x768xf32, #tpu.memory_space<hbm>> -> memref<64x768xf32, #tpu.memory_space<hbm>>
      %dma_wait3A_56 = arith.constant 0 : i32
      %dma_wait3A_57 = tpu.memref_slice %arg5[%add3A_4, %dma_wait3A_56] : memref<4096x768xf32, #tpu.memory_space<hbm>> -> memref<64x768xf32, #tpu.memory_space<hbm>>
      tpu.wait_dma2 semaphore(%run_scoped3A : memref<!tpu.dma_semaphore, #tpu.memory_space<semaphore_mem>>) src(%arg10 : memref<64x768xf32, #tpu.memory_space<vmem>>) dst(%dma_wait3A_57 : memref<64x768xf32, #tpu.memory_space<hbm>>)
      tpu.yield
    }) : () -> ()
    %mul3A_24 = arith.constant 128 : i32
    %mul3A_25 = arith.muli %add3A, %mul3A_24 : i32
    %add3A_26 = arith.constant 64 : i32
    %add3A_27 = arith.addi %mul3A_25, %add3A_26 : i32
    "tpu.region"() ({
      %run_scoped3A = tpu.sem_alloc : memref<!tpu.dma_semaphore, #tpu.memory_space<semaphore_mem>>
      %dma_start3A_50 = tpu.memref_slice %arg3[%add3A_27] : memref<8192xi32, #tpu.memory_space<hbm>> -> memref<64xi32, #tpu.memory_space<hbm>>
      %dma_start3A_51 = tpu.memref_slice %arg3[%add3A_27] : memref<8192xi32, #tpu.memory_space<hbm>> -> memref<64xi32, #tpu.memory_space<hbm>>
      tpu.enqueue_dma source(%dma_start3A_51 : memref<64xi32, #tpu.memory_space<hbm>>) target(%arg6 : memref<64xi32, #tpu.memory_space<vmem>>) target_semaphore(%run_scoped3A : memref<!tpu.dma_semaphore, #tpu.memory_space<semaphore_mem>>)
      %dma_wait3A_52 = tpu.memref_slice %arg3[%add3A_27] : memref<8192xi32, #tpu.memory_space<hbm>> -> memref<64xi32, #tpu.memory_space<hbm>>
      %dma_wait3A_53 = tpu.memref_slice %arg3[%add3A_27] : memref<8192xi32, #tpu.memory_space<hbm>> -> memref<64xi32, #tpu.memory_space<hbm>>
      tpu.wait_dma2 semaphore(%run_scoped3A : memref<!tpu.dma_semaphore, #tpu.memory_space<semaphore_mem>>) src(%dma_wait3A_53 : memref<64xi32, #tpu.memory_space<hbm>>) dst(%arg6 : memref<64xi32, #tpu.memory_space<vmem>>)
      tpu.yield
    }) : () -> ()
    %add3A_28 = arith.constant 4096 : i32
    %add3A_29 = arith.addi %add3A_28, %add3A_27 : i32
    "tpu.region"() ({
      %run_scoped3A = tpu.sem_alloc : memref<!tpu.dma_semaphore, #tpu.memory_space<semaphore_mem>>
      %dma_start3A_50 = tpu.memref_slice %arg3[%add3A_29] : memref<8192xi32, #tpu.memory_space<hbm>> -> memref<64xi32, #tpu.memory_space<hbm>>
      %dma_start3A_51 = tpu.memref_slice %arg3[%add3A_29] : memref<8192xi32, #tpu.memory_space<hbm>> -> memref<64xi32, #tpu.memory_space<hbm>>
      tpu.enqueue_dma source(%dma_start3A_51 : memref<64xi32, #tpu.memory_space<hbm>>) target(%arg7 : memref<64xi32, #tpu.memory_space<vmem>>) target_semaphore(%run_scoped3A : memref<!tpu.dma_semaphore, #tpu.memory_space<semaphore_mem>>)
      %dma_wait3A_52 = tpu.memref_slice %arg3[%add3A_29] : memref<8192xi32, #tpu.memory_space<hbm>> -> memref<64xi32, #tpu.memory_space<hbm>>
      %dma_wait3A_53 = tpu.memref_slice %arg3[%add3A_29] : memref<8192xi32, #tpu.memory_space<hbm>> -> memref<64xi32, #tpu.memory_space<hbm>>
      tpu.wait_dma2 semaphore(%run_scoped3A : memref<!tpu.dma_semaphore, #tpu.memory_space<semaphore_mem>>) src(%dma_wait3A_53 : memref<64xi32, #tpu.memory_space<hbm>>) dst(%arg7 : memref<64xi32, #tpu.memory_space<vmem>>)
      tpu.yield
    }) : () -> ()
    %dma_start3A_30 = arith.constant 0 : i32
    %dma_start3A_31 = arith.constant 0 : i32
    %dma_start3A_32 = tpu.memref_slice %arg2[%dma_start3A_30, %dma_start3A_31] : memref<16384x768xf32, #tpu.memory_space<hbm>> -> memref<16384x768xf32, #tpu.memory_space<hbm>>
    tpu.enqueue_indirect_dma source(%dma_start3A_32 : memref<16384x768xf32, #tpu.memory_space<hbm>>) target(%arg10 : memref<64x768xf32, #tpu.memory_space<vmem>>) offsets(%arg6 : memref<64xi32, #tpu.memory_space<vmem>>) semaphore(%arg12 : memref<!tpu.dma_semaphore, #tpu.memory_space<semaphore_mem>>)
    %dma_start3A_33 = arith.constant 0 : i32
    %dma_start3A_34 = arith.constant 0 : i32
    %dma_start3A_35 = tpu.memref_slice %arg2[%dma_start3A_33, %dma_start3A_34] : memref<16384x768xf32, #tpu.memory_space<hbm>> -> memref<16384x768xf32, #tpu.memory_space<hbm>>
    tpu.enqueue_indirect_dma source(%dma_start3A_35 : memref<16384x768xf32, #tpu.memory_space<hbm>>) target(%arg11 : memref<64x768xf32, #tpu.memory_space<vmem>>) offsets(%arg7 : memref<64xi32, #tpu.memory_space<vmem>>) semaphore(%arg12 : memref<!tpu.dma_semaphore, #tpu.memory_space<semaphore_mem>>)
    "tpu.region"() ({
      %run_scoped3A = tpu.sem_alloc : memref<!tpu.dma_semaphore, #tpu.memory_space<semaphore_mem>>
      %dma_start3A_50 = arith.constant 0 : i32
      %dma_start3A_51 = tpu.memref_slice %arg4[%add3A_27, %dma_start3A_50] : memref<8192x16xf32, #tpu.memory_space<hbm>> -> memref<64x16xf32, #tpu.memory_space<hbm>>
      %dma_start3A_52 = arith.constant 0 : i32
      %dma_start3A_53 = tpu.memref_slice %arg4[%add3A_27, %dma_start3A_52] : memref<8192x16xf32, #tpu.memory_space<hbm>> -> memref<64x16xf32, #tpu.memory_space<hbm>>
      tpu.enqueue_dma source(%dma_start3A_53 : memref<64x16xf32, #tpu.memory_space<hbm>>) target(%arg8 : memref<64x16xf32, #tpu.memory_space<vmem>>) target_semaphore(%run_scoped3A : memref<!tpu.dma_semaphore, #tpu.memory_space<semaphore_mem>>)
      %dma_wait3A_54 = arith.constant 0 : i32
      %dma_wait3A_55 = tpu.memref_slice %arg4[%add3A_27, %dma_wait3A_54] : memref<8192x16xf32, #tpu.memory_space<hbm>> -> memref<64x16xf32, #tpu.memory_space<hbm>>
      %dma_wait3A_56 = arith.constant 0 : i32
      %dma_wait3A_57 = tpu.memref_slice %arg4[%add3A_27, %dma_wait3A_56] : memref<8192x16xf32, #tpu.memory_space<hbm>> -> memref<64x16xf32, #tpu.memory_space<hbm>>
      tpu.wait_dma2 semaphore(%run_scoped3A : memref<!tpu.dma_semaphore, #tpu.memory_space<semaphore_mem>>) src(%dma_wait3A_57 : memref<64x16xf32, #tpu.memory_space<hbm>>) dst(%arg8 : memref<64x16xf32, #tpu.memory_space<vmem>>)
      tpu.yield
    }) : () -> ()
    %add3A_36 = arith.constant 4096 : i32
    %add3A_37 = arith.addi %add3A_36, %add3A_27 : i32
    "tpu.region"() ({
      %run_scoped3A = tpu.sem_alloc : memref<!tpu.dma_semaphore, #tpu.memory_space<semaphore_mem>>
      %dma_start3A_50 = arith.constant 0 : i32
      %dma_start3A_51 = tpu.memref_slice %arg4[%add3A_37, %dma_start3A_50] : memref<8192x16xf32, #tpu.memory_space<hbm>> -> memref<64x16xf32, #tpu.memory_space<hbm>>
      %dma_start3A_52 = arith.constant 0 : i32
      %dma_start3A_53 = tpu.memref_slice %arg4[%add3A_37, %dma_start3A_52] : memref<8192x16xf32, #tpu.memory_space<hbm>> -> memref<64x16xf32, #tpu.memory_space<hbm>>
      tpu.enqueue_dma source(%dma_start3A_53 : memref<64x16xf32, #tpu.memory_space<hbm>>) target(%arg9 : memref<64x16xf32, #tpu.memory_space<vmem>>) target_semaphore(%run_scoped3A : memref<!tpu.dma_semaphore, #tpu.memory_space<semaphore_mem>>)
      %dma_wait3A_54 = arith.constant 0 : i32
      %dma_wait3A_55 = tpu.memref_slice %arg4[%add3A_37, %dma_wait3A_54] : memref<8192x16xf32, #tpu.memory_space<hbm>> -> memref<64x16xf32, #tpu.memory_space<hbm>>
      %dma_wait3A_56 = arith.constant 0 : i32
      %dma_wait3A_57 = tpu.memref_slice %arg4[%add3A_37, %dma_wait3A_56] : memref<8192x16xf32, #tpu.memory_space<hbm>> -> memref<64x16xf32, #tpu.memory_space<hbm>>
      tpu.wait_dma2 semaphore(%run_scoped3A : memref<!tpu.dma_semaphore, #tpu.memory_space<semaphore_mem>>) src(%dma_wait3A_57 : memref<64x16xf32, #tpu.memory_space<hbm>>) dst(%arg9 : memref<64x16xf32, #tpu.memory_space<vmem>>)
      tpu.yield
    }) : () -> ()
    %dma_wait3A_38 = arith.constant 0 : i32
    %dma_wait3A_39 = arith.constant 0 : i32
    %dma_wait3A_40 = tpu.memref_slice %arg2[%dma_wait3A_38, %dma_wait3A_39] : memref<16384x768xf32, #tpu.memory_space<hbm>> -> memref<16384x768xf32, #tpu.memory_space<hbm>>
    tpu.wait_indirect_dma semaphore(%arg12 : memref<!tpu.dma_semaphore, #tpu.memory_space<semaphore_mem>>) src(%dma_wait3A_40 : memref<16384x768xf32, #tpu.memory_space<hbm>>) dst(%arg10 : memref<64x768xf32, #tpu.memory_space<vmem>>)
    %dma_wait3A_41 = arith.constant 0 : i32
    %dma_wait3A_42 = arith.constant 0 : i32
    %dma_wait3A_43 = tpu.memref_slice %arg2[%dma_wait3A_41, %dma_wait3A_42] : memref<16384x768xf32, #tpu.memory_space<hbm>> -> memref<16384x768xf32, #tpu.memory_space<hbm>>
    tpu.wait_indirect_dma semaphore(%arg12 : memref<!tpu.dma_semaphore, #tpu.memory_space<semaphore_mem>>) src(%dma_wait3A_43 : memref<16384x768xf32, #tpu.memory_space<hbm>>) dst(%arg11 : memref<64x768xf32, #tpu.memory_space<vmem>>)
    %scan3A_44 = arith.constant 0 : i32
    %scan3A_45 = arith.constant 0 : i32
    %scan3A_46 = arith.constant 64 : i32
    %scan3A_47 = arith.addi %scan3A_45, %scan3A_46 : i32
    %scan3A_48 = arith.constant 1 : i32
    scf.for %scan3A_50 = %scan3A_45 to %scan3A_47 step %scan3A_48  : i32 {
      %get3A = arith.index_cast %scan3A_50 : i32 to index
      %get3A_51 = arith.constant 0 : index
      %get3A_52 = tpu.vector_load %arg8[%get3A, %get3A_51] {strides = array<i32>} : memref<64x16xf32, #tpu.memory_space<vmem>>, vector<1x16xf32>,
      %get3A_53 = vector.shape_cast %get3A_52 : vector<1x16xf32> to vector<16xf32>
      %get3A_54 = arith.index_cast %scan3A_50 : i32 to index
      %get3A_55 = arith.constant 0 : index
      %get3A_56 = tpu.vector_load %arg9[%get3A_54, %get3A_55] {strides = array<i32>} : memref<64x16xf32, #tpu.memory_space<vmem>>, vector<1x16xf32>,
      %get3A_57 = vector.shape_cast %get3A_56 : vector<1x16xf32> to vector<16xf32>
      %get3A_58 = arith.index_cast %scan3A_50 : i32 to index
      %get3A_59 = arith.constant 0 : index
      %get3A_60 = tpu.vector_load %arg10[%get3A_58, %get3A_59] {strides = array<i32>} : memref<64x768xf32, #tpu.memory_space<vmem>>, vector<1x16xf32>,
      %get3A_61 = vector.shape_cast %get3A_60 : vector<1x16xf32> to vector<16xf32>
      %mul3A_62 = arith.mulf %get3A_53, %get3A_61 : vector<16xf32>
      %get3A_63 = arith.index_cast %scan3A_50 : i32 to index
      %get3A_64 = arith.constant 0 : index
      %get3A_65 = tpu.vector_load %arg11[%get3A_63, %get3A_64] {strides = array<i32>} : memref<64x768xf32, #tpu.memory_space<vmem>>, vector<1x16xf32>,
      %get3A_66 = vector.shape_cast %get3A_65 : vector<1x16xf32> to vector<16xf32>
      %mul3A_67 = arith.mulf %get3A_57, %get3A_66 : vector<16xf32>
      %add3A_68 = arith.addf %mul3A_62, %mul3A_67 : vector<16xf32>
      %swap3A = arith.index_cast %scan3A_50 : i32 to index
      %swap3A_69 = arith.constant 0 : index
      %swap3A_70 = tpu.vector_load %arg10[%swap3A, %swap3A_69] {strides = array<i32>} : memref<64x768xf32, #tpu.memory_space<vmem>>, vector<1x16xf32>,
      %swap3A_71 = vector.shape_cast %swap3A_70 : vector<1x16xf32> to vector<16xf32>
      %swap3A_72 = vector.shape_cast %add3A_68 : vector<16xf32> to vector<1x16xf32>
      tpu.vector_store %arg10[%swap3A, %swap3A_69], %swap3A_72 {strides = array<i32>} : memref<64x768xf32, #tpu.memory_space<vmem>>, vector<1x16xf32>,
      %get3A_73 = arith.index_cast %scan3A_50 : i32 to index
      %get3A_74 = arith.constant 16 : index
      %get3A_75 = tpu.vector_load %arg10[%get3A_73, %get3A_74] {strides = array<i32>} : memref<64x768xf32, #tpu.memory_space<vmem>>, vector<1x16xf32>,
      %get3A_76 = vector.shape_cast %get3A_75 : vector<1x16xf32> to vector<16xf32>
      %mul3A_77 = arith.mulf %get3A_53, %get3A_76 : vector<16xf32>
      %get3A_78 = arith.index_cast %scan3A_50 : i32 to index
      %get3A_79 = arith.constant 16 : index
      %get3A_80 = tpu.vector_load %arg11[%get3A_78, %get3A_79] {strides = array<i32>} : memref<64x768xf32, #tpu.memory_space<vmem>>, vector<1x16xf32>,
      %get3A_81 = vector.shape_cast %get3A_80 : vector<1x16xf32> to vector<16xf32>
      %mul3A_82 = arith.mulf %get3A_57, %get3A_81 : vector<16xf32>
      %add3A_83 = arith.addf %mul3A_77, %mul3A_82 : vector<16xf32>
      %swap3A_84 = arith.index_cast %scan3A_50 : i32 to index
      %swap3A_85 = arith.constant 16 : index
      %swap3A_86 = tpu.vector_load %arg10[%swap3A_84, %swap3A_85] {strides = array<i32>} : memref<64x768xf32, #tpu.memory_space<vmem>>, vector<1x16xf32>,
      %swap3A_87 = vector.shape_cast %swap3A_86 : vector<1x16xf32> to vector<16xf32>
      %swap3A_88 = vector.shape_cast %add3A_83 : vector<16xf32> to vector<1x16xf32>
      tpu.vector_store %arg10[%swap3A_84, %swap3A_85], %swap3A_88 {strides = array<i32>} : memref<64x768xf32, #tpu.memory_space<vmem>>, vector<1x16xf32>,
      %get3A_89 = arith.index_cast %scan3A_50 : i32 to index
      %get3A_90 = arith.constant 32 : index
      %get3A_91 = tpu.vector_load %arg10[%get3A_89, %get3A_90] {strides = array<i32>} : memref<64x768xf32, #tpu.memory_space<vmem>>, vector<1x16xf32>,
      %get3A_92 = vector.shape_cast %get3A_91 : vector<1x16xf32> to vector<16xf32>
      %mul3A_93 = arith.mulf %get3A_53, %get3A_92 : vector<16xf32>
      %get3A_94 = arith.index_cast %scan3A_50 : i32 to index
      %get3A_95 = arith.constant 32 : index
      %get3A_96 = tpu.vector_load %arg11[%get3A_94, %get3A_95] {strides = array<i32>} : memref<64x768xf32, #tpu.memory_space<vmem>>, vector<1x16xf32>,
      %get3A_97 = vector.shape_cast %get3A_96 : vector<1x16xf32> to vector<16xf32>
      %mul3A_98 = arith.mulf %get3A_57, %get3A_97 : vector<16xf32>
      %add3A_99 = arith.addf %mul3A_93, %mul3A_98 : vector<16xf32>
      %swap3A_100 = arith.index_cast %scan3A_50 : i32 to index
      %swap3A_101 = arith.constant 32 : index
      %swap3A_102 = tpu.vector_load %arg10[%swap3A_100, %swap3A_101] {strides = array<i32>} : memref<64x768xf32, #tpu.memory_space<vmem>>, vector<1x16xf32>,
      %swap3A_103 = vector.shape_cast %swap3A_102 : vector<1x16xf32> to vector<16xf32>
      %swap3A_104 = vector.shape_cast %add3A_99 : vector<16xf32> to vector<1x16xf32>
      tpu.vector_store %arg10[%swap3A_100, %swap3A_101], %swap3A_104 {strides = array<i32>} : memref<64x768xf32, #tpu.memory_space<vmem>>, vector<1x16xf32>,
      %get3A_105 = arith.index_cast %scan3A_50 : i32 to index
      %get3A_106 = arith.constant 48 : index
      %get3A_107 = tpu.vector_load %arg10[%get3A_105, %get3A_106] {strides = array<i32>} : memref<64x768xf32, #tpu.memory_space<vmem>>, vector<1x16xf32>,
      %get3A_108 = vector.shape_cast %get3A_107 : vector<1x16xf32> to vector<16xf32>
      %mul3A_109 = arith.mulf %get3A_53, %get3A_108 : vector<16xf32>
      %get3A_110 = arith.index_cast %scan3A_50 : i32 to index
      %get3A_111 = arith.constant 48 : index
      %get3A_112 = tpu.vector_load %arg11[%get3A_110, %get3A_111] {strides = array<i32>} : memref<64x768xf32, #tpu.memory_space<vmem>>, vector<1x16xf32>,
      %get3A_113 = vector.shape_cast %get3A_112 : vector<1x16xf32> to vector<16xf32>
      %mul3A_114 = arith.mulf %get3A_57, %get3A_113 : vector<16xf32>
      %add3A_115 = arith.addf %mul3A_109, %mul3A_114 : vector<16xf32>
      %swap3A_116 = arith.index_cast %scan3A_50 : i32 to index
      %swap3A_117 = arith.constant 48 : index
      %swap3A_118 = tpu.vector_load %arg10[%swap3A_116, %swap3A_117] {strides = array<i32>} : memref<64x768xf32, #tpu.memory_space<vmem>>, vector<1x16xf32>,
      %swap3A_119 = vector.shape_cast %swap3A_118 : vector<1x16xf32> to vector<16xf32>
      %swap3A_120 = vector.shape_cast %add3A_115 : vector<16xf32> to vector<1x16xf32>
      tpu.vector_store %arg10[%swap3A_116, %swap3A_117], %swap3A_120 {strides = array<i32>} : memref<64x768xf32, #tpu.memory_space<vmem>>, vector<1x16xf32>,
      %get3A_121 = arith.index_cast %scan3A_50 : i32 to index
      %get3A_122 = arith.constant 64 : index
      %get3A_123 = tpu.vector_load %arg10[%get3A_121, %get3A_122] {strides = array<i32>} : memref<64x768xf32, #tpu.memory_space<vmem>>, vector<1x16xf32>,
      %get3A_124 = vector.shape_cast %get3A_123 : vector<1x16xf32> to vector<16xf32>
      %mul3A_125 = arith.mulf %get3A_53, %get3A_124 : vector<16xf32>
      %get3A_126 = arith.index_cast %scan3A_50 : i32 to index
      %get3A_127 = arith.constant 64 : index
      %get3A_128 = tpu.vector_load %arg11[%get3A_126, %get3A_127] {strides = array<i32>} : memref<64x768xf32, #tpu.memory_space<vmem>>, vector<1x16xf32>,
      %get3A_129 = vector.shape_cast %get3A_128 : vector<1x16xf32> to vector<16xf32>
      %mul3A_130 = arith.mulf %get3A_57, %get3A_129 : vector<16xf32>
      %add3A_131 = arith.addf %mul3A_125, %mul3A_130 : vector<16xf32>
      %swap3A_132 = arith.index_cast %scan3A_50 : i32 to index
      %swap3A_133 = arith.constant 64 : index
      %swap3A_134 = tpu.vector_load %arg10[%swap3A_132, %swap3A_133] {strides = array<i32>} : memref<64x768xf32, #tpu.memory_space<vmem>>, vector<1x16xf32>,
      %swap3A_135 = vector.shape_cast %swap3A_134 : vector<1x16xf32> to vector<16xf32>
      %swap3A_136 = vector.shape_cast %add3A_131 : vector<16xf32> to vector<1x16xf32>
      tpu.vector_store %arg10[%swap3A_132, %swap3A_133], %swap3A_136 {strides = array<i32>} : memref<64x768xf32, #tpu.memory_space<vmem>>, vector<1x16xf32>,
      %get3A_137 = arith.index_cast %scan3A_50 : i32 to index
      %get3A_138 = arith.constant 80 : index
      %get3A_139 = tpu.vector_load %arg10[%get3A_137, %get3A_138] {strides = array<i32>} : memref<64x768xf32, #tpu.memory_space<vmem>>, vector<1x16xf32>,
      %get3A_140 = vector.shape_cast %get3A_139 : vector<1x16xf32> to vector<16xf32>
      %mul3A_141 = arith.mulf %get3A_53, %get3A_140 : vector<16xf32>
      %get3A_142 = arith.index_cast %scan3A_50 : i32 to index
      %get3A_143 = arith.constant 80 : index
      %get3A_144 = tpu.vector_load %arg11[%get3A_142, %get3A_143] {strides = array<i32>} : memref<64x768xf32, #tpu.memory_space<vmem>>, vector<1x16xf32>,
      %get3A_145 = vector.shape_cast %get3A_144 : vector<1x16xf32> to vector<16xf32>
      %mul3A_146 = arith.mulf %get3A_57, %get3A_145 : vector<16xf32>
      %add3A_147 = arith.addf %mul3A_141, %mul3A_146 : vector<16xf32>
      %swap3A_148 = arith.index_cast %scan3A_50 : i32 to index
      %swap3A_149 = arith.constant 80 : index
      %swap3A_150 = tpu.vector_load %arg10[%swap3A_148, %swap3A_149] {strides = array<i32>} : memref<64x768xf32, #tpu.memory_space<vmem>>, vector<1x16xf32>,
      %swap3A_151 = vector.shape_cast %swap3A_150 : vector<1x16xf32> to vector<16xf32>
      %swap3A_152 = vector.shape_cast %add3A_147 : vector<16xf32> to vector<1x16xf32>
      tpu.vector_store %arg10[%swap3A_148, %swap3A_149], %swap3A_152 {strides = array<i32>} : memref<64x768xf32, #tpu.memory_space<vmem>>, vector<1x16xf32>,
      %get3A_153 = arith.index_cast %scan3A_50 : i32 to index
      %get3A_154 = arith.constant 96 : index
      %get3A_155 = tpu.vector_load %arg10[%get3A_153, %get3A_154] {strides = array<i32>} : memref<64x768xf32, #tpu.memory_space<vmem>>, vector<1x16xf32>,
      %get3A_156 = vector.shape_cast %get3A_155 : vector<1x16xf32> to vector<16xf32>
      %mul3A_157 = arith.mulf %get3A_53, %get3A_156 : vector<16xf32>
      %get3A_158 = arith.index_cast %scan3A_50 : i32 to index
      %get3A_159 = arith.constant 96 : index
      %get3A_160 = tpu.vector_load %arg11[%get3A_158, %get3A_159] {strides = array<i32>} : memref<64x768xf32, #tpu.memory_space<vmem>>, vector<1x16xf32>,
      %get3A_161 = vector.shape_cast %get3A_160 : vector<1x16xf32> to vector<16xf32>
      %mul3A_162 = arith.mulf %get3A_57, %get3A_161 : vector<16xf32>
      %add3A_163 = arith.addf %mul3A_157, %mul3A_162 : vector<16xf32>
      %swap3A_164 = arith.index_cast %scan3A_50 : i32 to index
      %swap3A_165 = arith.constant 96 : index
      %swap3A_166 = tpu.vector_load %arg10[%swap3A_164, %swap3A_165] {strides = array<i32>} : memref<64x768xf32, #tpu.memory_space<vmem>>, vector<1x16xf32>,
      %swap3A_167 = vector.shape_cast %swap3A_166 : vector<1x16xf32> to vector<16xf32>
      %swap3A_168 = vector.shape_cast %add3A_163 : vector<16xf32> to vector<1x16xf32>
      tpu.vector_store %arg10[%swap3A_164, %swap3A_165], %swap3A_168 {strides = array<i32>} : memref<64x768xf32, #tpu.memory_space<vmem>>, vector<1x16xf32>,
      %get3A_169 = arith.index_cast %scan3A_50 : i32 to index
      %get3A_170 = arith.constant 112 : index
      %get3A_171 = tpu.vector_load %arg10[%get3A_169, %get3A_170] {strides = array<i32>} : memref<64x768xf32, #tpu.memory_space<vmem>>, vector<1x16xf32>,
      %get3A_172 = vector.shape_cast %get3A_171 : vector<1x16xf32> to vector<16xf32>
      %mul3A_173 = arith.mulf %get3A_53, %get3A_172 : vector<16xf32>
      %get3A_174 = arith.index_cast %scan3A_50 : i32 to index
      %get3A_175 = arith.constant 112 : index
      %get3A_176 = tpu.vector_load %arg11[%get3A_174, %get3A_175] {strides = array<i32>} : memref<64x768xf32, #tpu.memory_space<vmem>>, vector<1x16xf32>,
      %get3A_177 = vector.shape_cast %get3A_176 : vector<1x16xf32> to vector<16xf32>
      %mul3A_178 = arith.mulf %get3A_57, %get3A_177 : vector<16xf32>
      %add3A_179 = arith.addf %mul3A_173, %mul3A_178 : vector<16xf32>
      %swap3A_180 = arith.index_cast %scan3A_50 : i32 to index
      %swap3A_181 = arith.constant 112 : index
      %swap3A_182 = tpu.vector_load %arg10[%swap3A_180, %swap3A_181] {strides = array<i32>} : memref<64x768xf32, #tpu.memory_space<vmem>>, vector<1x16xf32>,
      %swap3A_183 = vector.shape_cast %swap3A_182 : vector<1x16xf32> to vector<16xf32>
      %swap3A_184 = vector.shape_cast %add3A_179 : vector<16xf32> to vector<1x16xf32>
      tpu.vector_store %arg10[%swap3A_180, %swap3A_181], %swap3A_184 {strides = array<i32>} : memref<64x768xf32, #tpu.memory_space<vmem>>, vector<1x16xf32>,
      %get3A_185 = arith.index_cast %scan3A_50 : i32 to index
      %get3A_186 = arith.constant 128 : index
      %get3A_187 = tpu.vector_load %arg10[%get3A_185, %get3A_186] {strides = array<i32>} : memref<64x768xf32, #tpu.memory_space<vmem>>, vector<1x16xf32>,
      %get3A_188 = vector.shape_cast %get3A_187 : vector<1x16xf32> to vector<16xf32>
      %mul3A_189 = arith.mulf %get3A_53, %get3A_188 : vector<16xf32>
      %get3A_190 = arith.index_cast %scan3A_50 : i32 to index
      %get3A_191 = arith.constant 128 : index
      %get3A_192 = tpu.vector_load %arg11[%get3A_190, %get3A_191] {strides = array<i32>} : memref<64x768xf32, #tpu.memory_space<vmem>>, vector<1x16xf32>,
      %get3A_193 = vector.shape_cast %get3A_192 : vector<1x16xf32> to vector<16xf32>
      %mul3A_194 = arith.mulf %get3A_57, %get3A_193 : vector<16xf32>
      %add3A_195 = arith.addf %mul3A_189, %mul3A_194 : vector<16xf32>
      %swap3A_196 = arith.index_cast %scan3A_50 : i32 to index
      %swap3A_197 = arith.constant 128 : index
      %swap3A_198 = tpu.vector_load %arg10[%swap3A_196, %swap3A_197] {strides = array<i32>} : memref<64x768xf32, #tpu.memory_space<vmem>>, vector<1x16xf32>,
      %swap3A_199 = vector.shape_cast %swap3A_198 : vector<1x16xf32> to vector<16xf32>
      %swap3A_200 = vector.shape_cast %add3A_195 : vector<16xf32> to vector<1x16xf32>
      tpu.vector_store %arg10[%swap3A_196, %swap3A_197], %swap3A_200 {strides = array<i32>} : memref<64x768xf32, #tpu.memory_space<vmem>>, vector<1x16xf32>,
      %get3A_201 = arith.index_cast %scan3A_50 : i32 to index
      %get3A_202 = arith.constant 144 : index
      %get3A_203 = tpu.vector_load %arg10[%get3A_201, %get3A_202] {strides = array<i32>} : memref<64x768xf32, #tpu.memory_space<vmem>>, vector<1x16xf32>,
      %get3A_204 = vector.shape_cast %get3A_203 : vector<1x16xf32> to vector<16xf32>
      %mul3A_205 = arith.mulf %get3A_53, %get3A_204 : vector<16xf32>
      %get3A_206 = arith.index_cast %scan3A_50 : i32 to index
      %get3A_207 = arith.constant 144 : index
      %get3A_208 = tpu.vector_load %arg11[%get3A_206, %get3A_207] {strides = array<i32>} : memref<64x768xf32, #tpu.memory_space<vmem>>, vector<1x16xf32>,
      %get3A_209 = vector.shape_cast %get3A_208 : vector<1x16xf32> to vector<16xf32>
      %mul3A_210 = arith.mulf %get3A_57, %get3A_209 : vector<16xf32>
      %add3A_211 = arith.addf %mul3A_205, %mul3A_210 : vector<16xf32>
      %swap3A_212 = arith.index_cast %scan3A_50 : i32 to index
      %swap3A_213 = arith.constant 144 : index
      %swap3A_214 = tpu.vector_load %arg10[%swap3A_212, %swap3A_213] {strides = array<i32>} : memref<64x768xf32, #tpu.memory_space<vmem>>, vector<1x16xf32>,
      %swap3A_215 = vector.shape_cast %swap3A_214 : vector<1x16xf32> to vector<16xf32>
      %swap3A_216 = vector.shape_cast %add3A_211 : vector<16xf32> to vector<1x16xf32>
      tpu.vector_store %arg10[%swap3A_212, %swap3A_213], %swap3A_216 {strides = array<i32>} : memref<64x768xf32, #tpu.memory_space<vmem>>, vector<1x16xf32>,
      %get3A_217 = arith.index_cast %scan3A_50 : i32 to index
      %get3A_218 = arith.constant 160 : index
      %get3A_219 = tpu.vector_load %arg10[%get3A_217, %get3A_218] {strides = array<i32>} : memref<64x768xf32, #tpu.memory_space<vmem>>, vector<1x16xf32>,
      %get3A_220 = vector.shape_cast %get3A_219 : vector<1x16xf32> to vector<16xf32>
      %mul3A_221 = arith.mulf %get3A_53, %get3A_220 : vector<16xf32>
      %get3A_222 = arith.index_cast %scan3A_50 : i32 to index
      %get3A_223 = arith.constant 160 : index
      %get3A_224 = tpu.vector_load %arg11[%get3A_222, %get3A_223] {strides = array<i32>} : memref<64x768xf32, #tpu.memory_space<vmem>>, vector<1x16xf32>,
      %get3A_225 = vector.shape_cast %get3A_224 : vector<1x16xf32> to vector<16xf32>
      %mul3A_226 = arith.mulf %get3A_57, %get3A_225 : vector<16xf32>
      %add3A_227 = arith.addf %mul3A_221, %mul3A_226 : vector<16xf32>
      %swap3A_228 = arith.index_cast %scan3A_50 : i32 to index
      %swap3A_229 = arith.constant 160 : index
      %swap3A_230 = tpu.vector_load %arg10[%swap3A_228, %swap3A_229] {strides = array<i32>} : memref<64x768xf32, #tpu.memory_space<vmem>>, vector<1x16xf32>,
      %swap3A_231 = vector.shape_cast %swap3A_230 : vector<1x16xf32> to vector<16xf32>
      %swap3A_232 = vector.shape_cast %add3A_227 : vector<16xf32> to vector<1x16xf32>
      tpu.vector_store %arg10[%swap3A_228, %swap3A_229], %swap3A_232 {strides = array<i32>} : memref<64x768xf32, #tpu.memory_space<vmem>>, vector<1x16xf32>,
      %get3A_233 = arith.index_cast %scan3A_50 : i32 to index
      %get3A_234 = arith.constant 176 : index
      %get3A_235 = tpu.vector_load %arg10[%get3A_233, %get3A_234] {strides = array<i32>} : memref<64x768xf32, #tpu.memory_space<vmem>>, vector<1x16xf32>,
      %get3A_236 = vector.shape_cast %get3A_235 : vector<1x16xf32> to vector<16xf32>
      %mul3A_237 = arith.mulf %get3A_53, %get3A_236 : vector<16xf32>
      %get3A_238 = arith.index_cast %scan3A_50 : i32 to index
      %get3A_239 = arith.constant 176 : index
      %get3A_240 = tpu.vector_load %arg11[%get3A_238, %get3A_239] {strides = array<i32>} : memref<64x768xf32, #tpu.memory_space<vmem>>, vector<1x16xf32>,
      %get3A_241 = vector.shape_cast %get3A_240 : vector<1x16xf32> to vector<16xf32>
      %mul3A_242 = arith.mulf %get3A_57, %get3A_241 : vector<16xf32>
      %add3A_243 = arith.addf %mul3A_237, %mul3A_242 : vector<16xf32>
      %swap3A_244 = arith.index_cast %scan3A_50 : i32 to index
      %swap3A_245 = arith.constant 176 : index
      %swap3A_246 = tpu.vector_load %arg10[%swap3A_244, %swap3A_245] {strides = array<i32>} : memref<64x768xf32, #tpu.memory_space<vmem>>, vector<1x16xf32>,
      %swap3A_247 = vector.shape_cast %swap3A_246 : vector<1x16xf32> to vector<16xf32>
      %swap3A_248 = vector.shape_cast %add3A_243 : vector<16xf32> to vector<1x16xf32>
      tpu.vector_store %arg10[%swap3A_244, %swap3A_245], %swap3A_248 {strides = array<i32>} : memref<64x768xf32, #tpu.memory_space<vmem>>, vector<1x16xf32>,
      %get3A_249 = arith.index_cast %scan3A_50 : i32 to index
      %get3A_250 = arith.constant 192 : index
      %get3A_251 = tpu.vector_load %arg10[%get3A_249, %get3A_250] {strides = array<i32>} : memref<64x768xf32, #tpu.memory_space<vmem>>, vector<1x16xf32>,
      %get3A_252 = vector.shape_cast %get3A_251 : vector<1x16xf32> to vector<16xf32>
      %mul3A_253 = arith.mulf %get3A_53, %get3A_252 : vector<16xf32>
      %get3A_254 = arith.index_cast %scan3A_50 : i32 to index
      %get3A_255 = arith.constant 192 : index
      %get3A_256 = tpu.vector_load %arg11[%get3A_254, %get3A_255] {strides = array<i32>} : memref<64x768xf32, #tpu.memory_space<vmem>>, vector<1x16xf32>,
      %get3A_257 = vector.shape_cast %get3A_256 : vector<1x16xf32> to vector<16xf32>
      %mul3A_258 = arith.mulf %get3A_57, %get3A_257 : vector<16xf32>
      %add3A_259 = arith.addf %mul3A_253, %mul3A_258 : vector<16xf32>
      %swap3A_260 = arith.index_cast %scan3A_50 : i32 to index
      %swap3A_261 = arith.constant 192 : index
      %swap3A_262 = tpu.vector_load %arg10[%swap3A_260, %swap3A_261] {strides = array<i32>} : memref<64x768xf32, #tpu.memory_space<vmem>>, vector<1x16xf32>,
      %swap3A_263 = vector.shape_cast %swap3A_262 : vector<1x16xf32> to vector<16xf32>
      %swap3A_264 = vector.shape_cast %add3A_259 : vector<16xf32> to vector<1x16xf32>
      tpu.vector_store %arg10[%swap3A_260, %swap3A_261], %swap3A_264 {strides = array<i32>} : memref<64x768xf32, #tpu.memory_space<vmem>>, vector<1x16xf32>,
      %get3A_265 = arith.index_cast %scan3A_50 : i32 to index
      %get3A_266 = arith.constant 208 : index
      %get3A_267 = tpu.vector_load %arg10[%get3A_265, %get3A_266] {strides = array<i32>} : memref<64x768xf32, #tpu.memory_space<vmem>>, vector<1x16xf32>,
      %get3A_268 = vector.shape_cast %get3A_267 : vector<1x16xf32> to vector<16xf32>
      %mul3A_269 = arith.mulf %get3A_53, %get3A_268 : vector<16xf32>
      %get3A_270 = arith.index_cast %scan3A_50 : i32 to index
      %get3A_271 = arith.constant 208 : index
      %get3A_272 = tpu.vector_load %arg11[%get3A_270, %get3A_271] {strides = array<i32>} : memref<64x768xf32, #tpu.memory_space<vmem>>, vector<1x16xf32>,
      %get3A_273 = vector.shape_cast %get3A_272 : vector<1x16xf32> to vector<16xf32>
      %mul3A_274 = arith.mulf %get3A_57, %get3A_273 : vector<16xf32>
      %add3A_275 = arith.addf %mul3A_269, %mul3A_274 : vector<16xf32>
      %swap3A_276 = arith.index_cast %scan3A_50 : i32 to index
      %swap3A_277 = arith.constant 208 : index
      %swap3A_278 = tpu.vector_load %arg10[%swap3A_276, %swap3A_277] {strides = array<i32>} : memref<64x768xf32, #tpu.memory_space<vmem>>, vector<1x16xf32>,
      %swap3A_279 = vector.shape_cast %swap3A_278 : vector<1x16xf32> to vector<16xf32>
      %swap3A_280 = vector.shape_cast %add3A_275 : vector<16xf32> to vector<1x16xf32>
      tpu.vector_store %arg10[%swap3A_276, %swap3A_277], %swap3A_280 {strides = array<i32>} : memref<64x768xf32, #tpu.memory_space<vmem>>, vector<1x16xf32>,
      %get3A_281 = arith.index_cast %scan3A_50 : i32 to index
      %get3A_282 = arith.constant 224 : index
      %get3A_283 = tpu.vector_load %arg10[%get3A_281, %get3A_282] {strides = array<i32>} : memref<64x768xf32, #tpu.memory_space<vmem>>, vector<1x16xf32>,
      %get3A_284 = vector.shape_cast %get3A_283 : vector<1x16xf32> to vector<16xf32>
      %mul3A_285 = arith.mulf %get3A_53, %get3A_284 : vector<16xf32>
      %get3A_286 = arith.index_cast %scan3A_50 : i32 to index
      %get3A_287 = arith.constant 224 : index
      %get3A_288 = tpu.vector_load %arg11[%get3A_286, %get3A_287] {strides = array<i32>} : memref<64x768xf32, #tpu.memory_space<vmem>>, vector<1x16xf32>,
      %get3A_289 = vector.shape_cast %get3A_288 : vector<1x16xf32> to vector<16xf32>
      %mul3A_290 = arith.mulf %get3A_57, %get3A_289 : vector<16xf32>
      %add3A_291 = arith.addf %mul3A_285, %mul3A_290 : vector<16xf32>
      %swap3A_292 = arith.index_cast %scan3A_50 : i32 to index
      %swap3A_293 = arith.constant 224 : index
      %swap3A_294 = tpu.vector_load %arg10[%swap3A_292, %swap3A_293] {strides = array<i32>} : memref<64x768xf32, #tpu.memory_space<vmem>>, vector<1x16xf32>,
      %swap3A_295 = vector.shape_cast %swap3A_294 : vector<1x16xf32> to vector<16xf32>
      %swap3A_296 = vector.shape_cast %add3A_291 : vector<16xf32> to vector<1x16xf32>
      tpu.vector_store %arg10[%swap3A_292, %swap3A_293], %swap3A_296 {strides = array<i32>} : memref<64x768xf32, #tpu.memory_space<vmem>>, vector<1x16xf32>,
      %get3A_297 = arith.index_cast %scan3A_50 : i32 to index
      %get3A_298 = arith.constant 240 : index
      %get3A_299 = tpu.vector_load %arg10[%get3A_297, %get3A_298] {strides = array<i32>} : memref<64x768xf32, #tpu.memory_space<vmem>>, vector<1x16xf32>,
      %get3A_300 = vector.shape_cast %get3A_299 : vector<1x16xf32> to vector<16xf32>
      %mul3A_301 = arith.mulf %get3A_53, %get3A_300 : vector<16xf32>
      %get3A_302 = arith.index_cast %scan3A_50 : i32 to index
      %get3A_303 = arith.constant 240 : index
      %get3A_304 = tpu.vector_load %arg11[%get3A_302, %get3A_303] {strides = array<i32>} : memref<64x768xf32, #tpu.memory_space<vmem>>, vector<1x16xf32>,
      %get3A_305 = vector.shape_cast %get3A_304 : vector<1x16xf32> to vector<16xf32>
      %mul3A_306 = arith.mulf %get3A_57, %get3A_305 : vector<16xf32>
      %add3A_307 = arith.addf %mul3A_301, %mul3A_306 : vector<16xf32>
      %swap3A_308 = arith.index_cast %scan3A_50 : i32 to index
      %swap3A_309 = arith.constant 240 : index
      %swap3A_310 = tpu.vector_load %arg10[%swap3A_308, %swap3A_309] {strides = array<i32>} : memref<64x768xf32, #tpu.memory_space<vmem>>, vector<1x16xf32>,
      %swap3A_311 = vector.shape_cast %swap3A_310 : vector<1x16xf32> to vector<16xf32>
      %swap3A_312 = vector.shape_cast %add3A_307 : vector<16xf32> to vector<1x16xf32>
      tpu.vector_store %arg10[%swap3A_308, %swap3A_309], %swap3A_312 {strides = array<i32>} : memref<64x768xf32, #tpu.memory_space<vmem>>, vector<1x16xf32>,
      %get3A_313 = arith.index_cast %scan3A_50 : i32 to index
      %get3A_314 = arith.constant 256 : index
      %get3A_315 = tpu.vector_load %arg10[%get3A_313, %get3A_314] {strides = array<i32>} : memref<64x768xf32, #tpu.memory_space<vmem>>, vector<1x16xf32>,
      %get3A_316 = vector.shape_cast %get3A_315 : vector<1x16xf32> to vector<16xf32>
      %mul3A_317 = arith.mulf %get3A_53, %get3A_316 : vector<16xf32>
      %get3A_318 = arith.index_cast %scan3A_50 : i32 to index
      %get3A_319 = arith.constant 256 : index
      %get3A_320 = tpu.vector_load %arg11[%get3A_318, %get3A_319] {strides = array<i32>} : memref<64x768xf32, #tpu.memory_space<vmem>>, vector<1x16xf32>,
      %get3A_321 = vector.shape_cast %get3A_320 : vector<1x16xf32> to vector<16xf32>
      %mul3A_322 = arith.mulf %get3A_57, %get3A_321 : vector<16xf32>
      %add3A_323 = arith.addf %mul3A_317, %mul3A_322 : vector<16xf32>
      %swap3A_324 = arith.index_cast %scan3A_50 : i32 to index
      %swap3A_325 = arith.constant 256 : index
      %swap3A_326 = tpu.vector_load %arg10[%swap3A_324, %swap3A_325] {strides = array<i32>} : memref<64x768xf32, #tpu.memory_space<vmem>>, vector<1x16xf32>,
      %swap3A_327 = vector.shape_cast %swap3A_326 : vector<1x16xf32> to vector<16xf32>
      %swap3A_328 = vector.shape_cast %add3A_323 : vector<16xf32> to vector<1x16xf32>
      tpu.vector_store %arg10[%swap3A_324, %swap3A_325], %swap3A_328 {strides = array<i32>} : memref<64x768xf32, #tpu.memory_space<vmem>>, vector<1x16xf32>,
      %get3A_329 = arith.index_cast %scan3A_50 : i32 to index
      %get3A_330 = arith.constant 272 : index
      %get3A_331 = tpu.vector_load %arg10[%get3A_329, %get3A_330] {strides = array<i32>} : memref<64x768xf32, #tpu.memory_space<vmem>>, vector<1x16xf32>,
      %get3A_332 = vector.shape_cast %get3A_331 : vector<1x16xf32> to vector<16xf32>
      %mul3A_333 = arith.mulf %get3A_53, %get3A_332 : vector<16xf32>
      %get3A_334 = arith.index_cast %scan3A_50 : i32 to index
      %get3A_335 = arith.constant 272 : index
      %get3A_336 = tpu.vector_load %arg11[%get3A_334, %get3A_335] {strides = array<i32>} : memref<64x768xf32, #tpu.memory_space<vmem>>, vector<1x16xf32>,
      %get3A_337 = vector.shape_cast %get3A_336 : vector<1x16xf32> to vector<16xf32>
      %mul3A_338 = arith.mulf %get3A_57, %get3A_337 : vector<16xf32>
      %add3A_339 = arith.addf %mul3A_333, %mul3A_338 : vector<16xf32>
      %swap3A_340 = arith.index_cast %scan3A_50 : i32 to index
      %swap3A_341 = arith.constant 272 : index
      %swap3A_342 = tpu.vector_load %arg10[%swap3A_340, %swap3A_341] {strides = array<i32>} : memref<64x768xf32, #tpu.memory_space<vmem>>, vector<1x16xf32>,
      %swap3A_343 = vector.shape_cast %swap3A_342 : vector<1x16xf32> to vector<16xf32>
      %swap3A_344 = vector.shape_cast %add3A_339 : vector<16xf32> to vector<1x16xf32>
      tpu.vector_store %arg10[%swap3A_340, %swap3A_341], %swap3A_344 {strides = array<i32>} : memref<64x768xf32, #tpu.memory_space<vmem>>, vector<1x16xf32>,
      %get3A_345 = arith.index_cast %scan3A_50 : i32 to index
      %get3A_346 = arith.constant 288 : index
      %get3A_347 = tpu.vector_load %arg10[%get3A_345, %get3A_346] {strides = array<i32>} : memref<64x768xf32, #tpu.memory_space<vmem>>, vector<1x16xf32>,
      %get3A_348 = vector.shape_cast %get3A_347 : vector<1x16xf32> to vector<16xf32>
      %mul3A_349 = arith.mulf %get3A_53, %get3A_348 : vector<16xf32>
      %get3A_350 = arith.index_cast %scan3A_50 : i32 to index
      %get3A_351 = arith.constant 288 : index
      %get3A_352 = tpu.vector_load %arg11[%get3A_350, %get3A_351] {strides = array<i32>} : memref<64x768xf32, #tpu.memory_space<vmem>>, vector<1x16xf32>,
      %get3A_353 = vector.shape_cast %get3A_352 : vector<1x16xf32> to vector<16xf32>
      %mul3A_354 = arith.mulf %get3A_57, %get3A_353 : vector<16xf32>
      %add3A_355 = arith.addf %mul3A_349, %mul3A_354 : vector<16xf32>
      %swap3A_356 = arith.index_cast %scan3A_50 : i32 to index
      %swap3A_357 = arith.constant 288 : index
      %swap3A_358 = tpu.vector_load %arg10[%swap3A_356, %swap3A_357] {strides = array<i32>} : memref<64x768xf32, #tpu.memory_space<vmem>>, vector<1x16xf32>,
      %swap3A_359 = vector.shape_cast %swap3A_358 : vector<1x16xf32> to vector<16xf32>
      %swap3A_360 = vector.shape_cast %add3A_355 : vector<16xf32> to vector<1x16xf32>
      tpu.vector_store %arg10[%swap3A_356, %swap3A_357], %swap3A_360 {strides = array<i32>} : memref<64x768xf32, #tpu.memory_space<vmem>>, vector<1x16xf32>,
      %get3A_361 = arith.index_cast %scan3A_50 : i32 to index
      %get3A_362 = arith.constant 304 : index
      %get3A_363 = tpu.vector_load %arg10[%get3A_361, %get3A_362] {strides = array<i32>} : memref<64x768xf32, #tpu.memory_space<vmem>>, vector<1x16xf32>,
      %get3A_364 = vector.shape_cast %get3A_363 : vector<1x16xf32> to vector<16xf32>
      %mul3A_365 = arith.mulf %get3A_53, %get3A_364 : vector<16xf32>
      %get3A_366 = arith.index_cast %scan3A_50 : i32 to index
      %get3A_367 = arith.constant 304 : index
      %get3A_368 = tpu.vector_load %arg11[%get3A_366, %get3A_367] {strides = array<i32>} : memref<64x768xf32, #tpu.memory_space<vmem>>, vector<1x16xf32>,
      %get3A_369 = vector.shape_cast %get3A_368 : vector<1x16xf32> to vector<16xf32>
      %mul3A_370 = arith.mulf %get3A_57, %get3A_369 : vector<16xf32>
      %add3A_371 = arith.addf %mul3A_365, %mul3A_370 : vector<16xf32>
      %swap3A_372 = arith.index_cast %scan3A_50 : i32 to index
      %swap3A_373 = arith.constant 304 : index
      %swap3A_374 = tpu.vector_load %arg10[%swap3A_372, %swap3A_373] {strides = array<i32>} : memref<64x768xf32, #tpu.memory_space<vmem>>, vector<1x16xf32>,
      %swap3A_375 = vector.shape_cast %swap3A_374 : vector<1x16xf32> to vector<16xf32>
      %swap3A_376 = vector.shape_cast %add3A_371 : vector<16xf32> to vector<1x16xf32>
      tpu.vector_store %arg10[%swap3A_372, %swap3A_373], %swap3A_376 {strides = array<i32>} : memref<64x768xf32, #tpu.memory_space<vmem>>, vector<1x16xf32>,
      %get3A_377 = arith.index_cast %scan3A_50 : i32 to index
      %get3A_378 = arith.constant 320 : index
      %get3A_379 = tpu.vector_load %arg10[%get3A_377, %get3A_378] {strides = array<i32>} : memref<64x768xf32, #tpu.memory_space<vmem>>, vector<1x16xf32>,
      %get3A_380 = vector.shape_cast %get3A_379 : vector<1x16xf32> to vector<16xf32>
      %mul3A_381 = arith.mulf %get3A_53, %get3A_380 : vector<16xf32>
      %get3A_382 = arith.index_cast %scan3A_50 : i32 to index
      %get3A_383 = arith.constant 320 : index
      %get3A_384 = tpu.vector_load %arg11[%get3A_382, %get3A_383] {strides = array<i32>} : memref<64x768xf32, #tpu.memory_space<vmem>>, vector<1x16xf32>,
      %get3A_385 = vector.shape_cast %get3A_384 : vector<1x16xf32> to vector<16xf32>
      %mul3A_386 = arith.mulf %get3A_57, %get3A_385 : vector<16xf32>
      %add3A_387 = arith.addf %mul3A_381, %mul3A_386 : vector<16xf32>
      %swap3A_388 = arith.index_cast %scan3A_50 : i32 to index
      %swap3A_389 = arith.constant 320 : index
      %swap3A_390 = tpu.vector_load %arg10[%swap3A_388, %swap3A_389] {strides = array<i32>} : memref<64x768xf32, #tpu.memory_space<vmem>>, vector<1x16xf32>,
      %swap3A_391 = vector.shape_cast %swap3A_390 : vector<1x16xf32> to vector<16xf32>
      %swap3A_392 = vector.shape_cast %add3A_387 : vector<16xf32> to vector<1x16xf32>
      tpu.vector_store %arg10[%swap3A_388, %swap3A_389], %swap3A_392 {strides = array<i32>} : memref<64x768xf32, #tpu.memory_space<vmem>>, vector<1x16xf32>,
      %get3A_393 = arith.index_cast %scan3A_50 : i32 to index
      %get3A_394 = arith.constant 336 : index
      %get3A_395 = tpu.vector_load %arg10[%get3A_393, %get3A_394] {strides = array<i32>} : memref<64x768xf32, #tpu.memory_space<vmem>>, vector<1x16xf32>,
      %get3A_396 = vector.shape_cast %get3A_395 : vector<1x16xf32> to vector<16xf32>
      %mul3A_397 = arith.mulf %get3A_53, %get3A_396 : vector<16xf32>
      %get3A_398 = arith.index_cast %scan3A_50 : i32 to index
      %get3A_399 = arith.constant 336 : index
      %get3A_400 = tpu.vector_load %arg11[%get3A_398, %get3A_399] {strides = array<i32>} : memref<64x768xf32, #tpu.memory_space<vmem>>, vector<1x16xf32>,
      %get3A_401 = vector.shape_cast %get3A_400 : vector<1x16xf32> to vector<16xf32>
      %mul3A_402 = arith.mulf %get3A_57, %get3A_401 : vector<16xf32>
      %add3A_403 = arith.addf %mul3A_397, %mul3A_402 : vector<16xf32>
      %swap3A_404 = arith.index_cast %scan3A_50 : i32 to index
      %swap3A_405 = arith.constant 336 : index
      %swap3A_406 = tpu.vector_load %arg10[%swap3A_404, %swap3A_405] {strides = array<i32>} : memref<64x768xf32, #tpu.memory_space<vmem>>, vector<1x16xf32>,
      %swap3A_407 = vector.shape_cast %swap3A_406 : vector<1x16xf32> to vector<16xf32>
      %swap3A_408 = vector.shape_cast %add3A_403 : vector<16xf32> to vector<1x16xf32>
      tpu.vector_store %arg10[%swap3A_404, %swap3A_405], %swap3A_408 {strides = array<i32>} : memref<64x768xf32, #tpu.memory_space<vmem>>, vector<1x16xf32>,
      %get3A_409 = arith.index_cast %scan3A_50 : i32 to index
      %get3A_410 = arith.constant 352 : index
      %get3A_411 = tpu.vector_load %arg10[%get3A_409, %get3A_410] {strides = array<i32>} : memref<64x768xf32, #tpu.memory_space<vmem>>, vector<1x16xf32>,
      %get3A_412 = vector.shape_cast %get3A_411 : vector<1x16xf32> to vector<16xf32>
      %mul3A_413 = arith.mulf %get3A_53, %get3A_412 : vector<16xf32>
      %get3A_414 = arith.index_cast %scan3A_50 : i32 to index
      %get3A_415 = arith.constant 352 : index
      %get3A_416 = tpu.vector_load %arg11[%get3A_414, %get3A_415] {strides = array<i32>} : memref<64x768xf32, #tpu.memory_space<vmem>>, vector<1x16xf32>,
      %get3A_417 = vector.shape_cast %get3A_416 : vector<1x16xf32> to vector<16xf32>
      %mul3A_418 = arith.mulf %get3A_57, %get3A_417 : vector<16xf32>
      %add3A_419 = arith.addf %mul3A_413, %mul3A_418 : vector<16xf32>
      %swap3A_420 = arith.index_cast %scan3A_50 : i32 to index
      %swap3A_421 = arith.constant 352 : index
      %swap3A_422 = tpu.vector_load %arg10[%swap3A_420, %swap3A_421] {strides = array<i32>} : memref<64x768xf32, #tpu.memory_space<vmem>>, vector<1x16xf32>,
      %swap3A_423 = vector.shape_cast %swap3A_422 : vector<1x16xf32> to vector<16xf32>
      %swap3A_424 = vector.shape_cast %add3A_419 : vector<16xf32> to vector<1x16xf32>
      tpu.vector_store %arg10[%swap3A_420, %swap3A_421], %swap3A_424 {strides = array<i32>} : memref<64x768xf32, #tpu.memory_space<vmem>>, vector<1x16xf32>,
      %get3A_425 = arith.index_cast %scan3A_50 : i32 to index
      %get3A_426 = arith.constant 368 : index
      %get3A_427 = tpu.vector_load %arg10[%get3A_425, %get3A_426] {strides = array<i32>} : memref<64x768xf32, #tpu.memory_space<vmem>>, vector<1x16xf32>,
      %get3A_428 = vector.shape_cast %get3A_427 : vector<1x16xf32> to vector<16xf32>
      %mul3A_429 = arith.mulf %get3A_53, %get3A_428 : vector<16xf32>
      %get3A_430 = arith.index_cast %scan3A_50 : i32 to index
      %get3A_431 = arith.constant 368 : index
      %get3A_432 = tpu.vector_load %arg11[%get3A_430, %get3A_431] {strides = array<i32>} : memref<64x768xf32, #tpu.memory_space<vmem>>, vector<1x16xf32>,
      %get3A_433 = vector.shape_cast %get3A_432 : vector<1x16xf32> to vector<16xf32>
      %mul3A_434 = arith.mulf %get3A_57, %get3A_433 : vector<16xf32>
      %add3A_435 = arith.addf %mul3A_429, %mul3A_434 : vector<16xf32>
      %swap3A_436 = arith.index_cast %scan3A_50 : i32 to index
      %swap3A_437 = arith.constant 368 : index
      %swap3A_438 = tpu.vector_load %arg10[%swap3A_436, %swap3A_437] {strides = array<i32>} : memref<64x768xf32, #tpu.memory_space<vmem>>, vector<1x16xf32>,
      %swap3A_439 = vector.shape_cast %swap3A_438 : vector<1x16xf32> to vector<16xf32>
      %swap3A_440 = vector.shape_cast %add3A_435 : vector<16xf32> to vector<1x16xf32>
      tpu.vector_store %arg10[%swap3A_436, %swap3A_437], %swap3A_440 {strides = array<i32>} : memref<64x768xf32, #tpu.memory_space<vmem>>, vector<1x16xf32>,
      %get3A_441 = arith.index_cast %scan3A_50 : i32 to index
      %get3A_442 = arith.constant 384 : index
      %get3A_443 = tpu.vector_load %arg10[%get3A_441, %get3A_442] {strides = array<i32>} : memref<64x768xf32, #tpu.memory_space<vmem>>, vector<1x16xf32>,
      %get3A_444 = vector.shape_cast %get3A_443 : vector<1x16xf32> to vector<16xf32>
      %mul3A_445 = arith.mulf %get3A_53, %get3A_444 : vector<16xf32>
      %get3A_446 = arith.index_cast %scan3A_50 : i32 to index
      %get3A_447 = arith.constant 384 : index
      %get3A_448 = tpu.vector_load %arg11[%get3A_446, %get3A_447] {strides = array<i32>} : memref<64x768xf32, #tpu.memory_space<vmem>>, vector<1x16xf32>,
      %get3A_449 = vector.shape_cast %get3A_448 : vector<1x16xf32> to vector<16xf32>
      %mul3A_450 = arith.mulf %get3A_57, %get3A_449 : vector<16xf32>
      %add3A_451 = arith.addf %mul3A_445, %mul3A_450 : vector<16xf32>
      %swap3A_452 = arith.index_cast %scan3A_50 : i32 to index
      %swap3A_453 = arith.constant 384 : index
      %swap3A_454 = tpu.vector_load %arg10[%swap3A_452, %swap3A_453] {strides = array<i32>} : memref<64x768xf32, #tpu.memory_space<vmem>>, vector<1x16xf32>,
      %swap3A_455 = vector.shape_cast %swap3A_454 : vector<1x16xf32> to vector<16xf32>
      %swap3A_456 = vector.shape_cast %add3A_451 : vector<16xf32> to vector<1x16xf32>
      tpu.vector_store %arg10[%swap3A_452, %swap3A_453], %swap3A_456 {strides = array<i32>} : memref<64x768xf32, #tpu.memory_space<vmem>>, vector<1x16xf32>,
      %get3A_457 = arith.index_cast %scan3A_50 : i32 to index
      %get3A_458 = arith.constant 400 : index
      %get3A_459 = tpu.vector_load %arg10[%get3A_457, %get3A_458] {strides = array<i32>} : memref<64x768xf32, #tpu.memory_space<vmem>>, vector<1x16xf32>,
      %get3A_460 = vector.shape_cast %get3A_459 : vector<1x16xf32> to vector<16xf32>
      %mul3A_461 = arith.mulf %get3A_53, %get3A_460 : vector<16xf32>
      %get3A_462 = arith.index_cast %scan3A_50 : i32 to index
      %get3A_463 = arith.constant 400 : index
      %get3A_464 = tpu.vector_load %arg11[%get3A_462, %get3A_463] {strides = array<i32>} : memref<64x768xf32, #tpu.memory_space<vmem>>, vector<1x16xf32>,
      %get3A_465 = vector.shape_cast %get3A_464 : vector<1x16xf32> to vector<16xf32>
      %mul3A_466 = arith.mulf %get3A_57, %get3A_465 : vector<16xf32>
      %add3A_467 = arith.addf %mul3A_461, %mul3A_466 : vector<16xf32>
      %swap3A_468 = arith.index_cast %scan3A_50 : i32 to index
      %swap3A_469 = arith.constant 400 : index
      %swap3A_470 = tpu.vector_load %arg10[%swap3A_468, %swap3A_469] {strides = array<i32>} : memref<64x768xf32, #tpu.memory_space<vmem>>, vector<1x16xf32>,
      %swap3A_471 = vector.shape_cast %swap3A_470 : vector<1x16xf32> to vector<16xf32>
      %swap3A_472 = vector.shape_cast %add3A_467 : vector<16xf32> to vector<1x16xf32>
      tpu.vector_store %arg10[%swap3A_468, %swap3A_469], %swap3A_472 {strides = array<i32>} : memref<64x768xf32, #tpu.memory_space<vmem>>, vector<1x16xf32>,
      %get3A_473 = arith.index_cast %scan3A_50 : i32 to index
      %get3A_474 = arith.constant 416 : index
      %get3A_475 = tpu.vector_load %arg10[%get3A_473, %get3A_474] {strides = array<i32>} : memref<64x768xf32, #tpu.memory_space<vmem>>, vector<1x16xf32>,
      %get3A_476 = vector.shape_cast %get3A_475 : vector<1x16xf32> to vector<16xf32>
      %mul3A_477 = arith.mulf %get3A_53, %get3A_476 : vector<16xf32>
      %get3A_478 = arith.index_cast %scan3A_50 : i32 to index
      %get3A_479 = arith.constant 416 : index
      %get3A_480 = tpu.vector_load %arg11[%get3A_478, %get3A_479] {strides = array<i32>} : memref<64x768xf32, #tpu.memory_space<vmem>>, vector<1x16xf32>,
      %get3A_481 = vector.shape_cast %get3A_480 : vector<1x16xf32> to vector<16xf32>
      %mul3A_482 = arith.mulf %get3A_57, %get3A_481 : vector<16xf32>
      %add3A_483 = arith.addf %mul3A_477, %mul3A_482 : vector<16xf32>
      %swap3A_484 = arith.index_cast %scan3A_50 : i32 to index
      %swap3A_485 = arith.constant 416 : index
      %swap3A_486 = tpu.vector_load %arg10[%swap3A_484, %swap3A_485] {strides = array<i32>} : memref<64x768xf32, #tpu.memory_space<vmem>>, vector<1x16xf32>,
      %swap3A_487 = vector.shape_cast %swap3A_486 : vector<1x16xf32> to vector<16xf32>
      %swap3A_488 = vector.shape_cast %add3A_483 : vector<16xf32> to vector<1x16xf32>
      tpu.vector_store %arg10[%swap3A_484, %swap3A_485], %swap3A_488 {strides = array<i32>} : memref<64x768xf32, #tpu.memory_space<vmem>>, vector<1x16xf32>,
      %get3A_489 = arith.index_cast %scan3A_50 : i32 to index
      %get3A_490 = arith.constant 432 : index
      %get3A_491 = tpu.vector_load %arg10[%get3A_489, %get3A_490] {strides = array<i32>} : memref<64x768xf32, #tpu.memory_space<vmem>>, vector<1x16xf32>,
      %get3A_492 = vector.shape_cast %get3A_491 : vector<1x16xf32> to vector<16xf32>
      %mul3A_493 = arith.mulf %get3A_53, %get3A_492 : vector<16xf32>
      %get3A_494 = arith.index_cast %scan3A_50 : i32 to index
      %get3A_495 = arith.constant 432 : index
      %get3A_496 = tpu.vector_load %arg11[%get3A_494, %get3A_495] {strides = array<i32>} : memref<64x768xf32, #tpu.memory_space<vmem>>, vector<1x16xf32>,
      %get3A_497 = vector.shape_cast %get3A_496 : vector<1x16xf32> to vector<16xf32>
      %mul3A_498 = arith.mulf %get3A_57, %get3A_497 : vector<16xf32>
      %add3A_499 = arith.addf %mul3A_493, %mul3A_498 : vector<16xf32>
      %swap3A_500 = arith.index_cast %scan3A_50 : i32 to index
      %swap3A_501 = arith.constant 432 : index
      %swap3A_502 = tpu.vector_load %arg10[%swap3A_500, %swap3A_501] {strides = array<i32>} : memref<64x768xf32, #tpu.memory_space<vmem>>, vector<1x16xf32>,
      %swap3A_503 = vector.shape_cast %swap3A_502 : vector<1x16xf32> to vector<16xf32>
      %swap3A_504 = vector.shape_cast %add3A_499 : vector<16xf32> to vector<1x16xf32>
      tpu.vector_store %arg10[%swap3A_500, %swap3A_501], %swap3A_504 {strides = array<i32>} : memref<64x768xf32, #tpu.memory_space<vmem>>, vector<1x16xf32>,
      %get3A_505 = arith.index_cast %scan3A_50 : i32 to index
      %get3A_506 = arith.constant 448 : index
      %get3A_507 = tpu.vector_load %arg10[%get3A_505, %get3A_506] {strides = array<i32>} : memref<64x768xf32, #tpu.memory_space<vmem>>, vector<1x16xf32>,
      %get3A_508 = vector.shape_cast %get3A_507 : vector<1x16xf32> to vector<16xf32>
      %mul3A_509 = arith.mulf %get3A_53, %get3A_508 : vector<16xf32>
      %get3A_510 = arith.index_cast %scan3A_50 : i32 to index
      %get3A_511 = arith.constant 448 : index
      %get3A_512 = tpu.vector_load %arg11[%get3A_510, %get3A_511] {strides = array<i32>} : memref<64x768xf32, #tpu.memory_space<vmem>>, vector<1x16xf32>,
      %get3A_513 = vector.shape_cast %get3A_512 : vector<1x16xf32> to vector<16xf32>
      %mul3A_514 = arith.mulf %get3A_57, %get3A_513 : vector<16xf32>
      %add3A_515 = arith.addf %mul3A_509, %mul3A_514 : vector<16xf32>
      %swap3A_516 = arith.index_cast %scan3A_50 : i32 to index
      %swap3A_517 = arith.constant 448 : index
      %swap3A_518 = tpu.vector_load %arg10[%swap3A_516, %swap3A_517] {strides = array<i32>} : memref<64x768xf32, #tpu.memory_space<vmem>>, vector<1x16xf32>,
      %swap3A_519 = vector.shape_cast %swap3A_518 : vector<1x16xf32> to vector<16xf32>
      %swap3A_520 = vector.shape_cast %add3A_515 : vector<16xf32> to vector<1x16xf32>
      tpu.vector_store %arg10[%swap3A_516, %swap3A_517], %swap3A_520 {strides = array<i32>} : memref<64x768xf32, #tpu.memory_space<vmem>>, vector<1x16xf32>,
      %get3A_521 = arith.index_cast %scan3A_50 : i32 to index
      %get3A_522 = arith.constant 464 : index
      %get3A_523 = tpu.vector_load %arg10[%get3A_521, %get3A_522] {strides = array<i32>} : memref<64x768xf32, #tpu.memory_space<vmem>>, vector<1x16xf32>,
      %get3A_524 = vector.shape_cast %get3A_523 : vector<1x16xf32> to vector<16xf32>
      %mul3A_525 = arith.mulf %get3A_53, %get3A_524 : vector<16xf32>
      %get3A_526 = arith.index_cast %scan3A_50 : i32 to index
      %get3A_527 = arith.constant 464 : index
      %get3A_528 = tpu.vector_load %arg11[%get3A_526, %get3A_527] {strides = array<i32>} : memref<64x768xf32, #tpu.memory_space<vmem>>, vector<1x16xf32>,
      %get3A_529 = vector.shape_cast %get3A_528 : vector<1x16xf32> to vector<16xf32>
      %mul3A_530 = arith.mulf %get3A_57, %get3A_529 : vector<16xf32>
      %add3A_531 = arith.addf %mul3A_525, %mul3A_530 : vector<16xf32>
      %swap3A_532 = arith.index_cast %scan3A_50 : i32 to index
      %swap3A_533 = arith.constant 464 : index
      %swap3A_534 = tpu.vector_load %arg10[%swap3A_532, %swap3A_533] {strides = array<i32>} : memref<64x768xf32, #tpu.memory_space<vmem>>, vector<1x16xf32>,
      %swap3A_535 = vector.shape_cast %swap3A_534 : vector<1x16xf32> to vector<16xf32>
      %swap3A_536 = vector.shape_cast %add3A_531 : vector<16xf32> to vector<1x16xf32>
      tpu.vector_store %arg10[%swap3A_532, %swap3A_533], %swap3A_536 {strides = array<i32>} : memref<64x768xf32, #tpu.memory_space<vmem>>, vector<1x16xf32>,
      %get3A_537 = arith.index_cast %scan3A_50 : i32 to index
      %get3A_538 = arith.constant 480 : index
      %get3A_539 = tpu.vector_load %arg10[%get3A_537, %get3A_538] {strides = array<i32>} : memref<64x768xf32, #tpu.memory_space<vmem>>, vector<1x16xf32>,
      %get3A_540 = vector.shape_cast %get3A_539 : vector<1x16xf32> to vector<16xf32>
      %mul3A_541 = arith.mulf %get3A_53, %get3A_540 : vector<16xf32>
      %get3A_542 = arith.index_cast %scan3A_50 : i32 to index
      %get3A_543 = arith.constant 480 : index
      %get3A_544 = tpu.vector_load %arg11[%get3A_542, %get3A_543] {strides = array<i32>} : memref<64x768xf32, #tpu.memory_space<vmem>>, vector<1x16xf32>,
      %get3A_545 = vector.shape_cast %get3A_544 : vector<1x16xf32> to vector<16xf32>
      %mul3A_546 = arith.mulf %get3A_57, %get3A_545 : vector<16xf32>
      %add3A_547 = arith.addf %mul3A_541, %mul3A_546 : vector<16xf32>
      %swap3A_548 = arith.index_cast %scan3A_50 : i32 to index
      %swap3A_549 = arith.constant 480 : index
      %swap3A_550 = tpu.vector_load %arg10[%swap3A_548, %swap3A_549] {strides = array<i32>} : memref<64x768xf32, #tpu.memory_space<vmem>>, vector<1x16xf32>,
      %swap3A_551 = vector.shape_cast %swap3A_550 : vector<1x16xf32> to vector<16xf32>
      %swap3A_552 = vector.shape_cast %add3A_547 : vector<16xf32> to vector<1x16xf32>
      tpu.vector_store %arg10[%swap3A_548, %swap3A_549], %swap3A_552 {strides = array<i32>} : memref<64x768xf32, #tpu.memory_space<vmem>>, vector<1x16xf32>,
      %get3A_553 = arith.index_cast %scan3A_50 : i32 to index
      %get3A_554 = arith.constant 496 : index
      %get3A_555 = tpu.vector_load %arg10[%get3A_553, %get3A_554] {strides = array<i32>} : memref<64x768xf32, #tpu.memory_space<vmem>>, vector<1x16xf32>,
      %get3A_556 = vector.shape_cast %get3A_555 : vector<1x16xf32> to vector<16xf32>
      %mul3A_557 = arith.mulf %get3A_53, %get3A_556 : vector<16xf32>
      %get3A_558 = arith.index_cast %scan3A_50 : i32 to index
      %get3A_559 = arith.constant 496 : index
      %get3A_560 = tpu.vector_load %arg11[%get3A_558, %get3A_559] {strides = array<i32>} : memref<64x768xf32, #tpu.memory_space<vmem>>, vector<1x16xf32>,
      %get3A_561 = vector.shape_cast %get3A_560 : vector<1x16xf32> to vector<16xf32>
      %mul3A_562 = arith.mulf %get3A_57, %get3A_561 : vector<16xf32>
      %add3A_563 = arith.addf %mul3A_557, %mul3A_562 : vector<16xf32>
      %swap3A_564 = arith.index_cast %scan3A_50 : i32 to index
      %swap3A_565 = arith.constant 496 : index
      %swap3A_566 = tpu.vector_load %arg10[%swap3A_564, %swap3A_565] {strides = array<i32>} : memref<64x768xf32, #tpu.memory_space<vmem>>, vector<1x16xf32>,
      %swap3A_567 = vector.shape_cast %swap3A_566 : vector<1x16xf32> to vector<16xf32>
      %swap3A_568 = vector.shape_cast %add3A_563 : vector<16xf32> to vector<1x16xf32>
      tpu.vector_store %arg10[%swap3A_564, %swap3A_565], %swap3A_568 {strides = array<i32>} : memref<64x768xf32, #tpu.memory_space<vmem>>, vector<1x16xf32>,
      %get3A_569 = arith.index_cast %scan3A_50 : i32 to index
      %get3A_570 = arith.constant 512 : index
      %get3A_571 = tpu.vector_load %arg10[%get3A_569, %get3A_570] {strides = array<i32>} : memref<64x768xf32, #tpu.memory_space<vmem>>, vector<1x16xf32>,
      %get3A_572 = vector.shape_cast %get3A_571 : vector<1x16xf32> to vector<16xf32>
      %mul3A_573 = arith.mulf %get3A_53, %get3A_572 : vector<16xf32>
      %get3A_574 = arith.index_cast %scan3A_50 : i32 to index
      %get3A_575 = arith.constant 512 : index
      %get3A_576 = tpu.vector_load %arg11[%get3A_574, %get3A_575] {strides = array<i32>} : memref<64x768xf32, #tpu.memory_space<vmem>>, vector<1x16xf32>,
      %get3A_577 = vector.shape_cast %get3A_576 : vector<1x16xf32> to vector<16xf32>
      %mul3A_578 = arith.mulf %get3A_57, %get3A_577 : vector<16xf32>
      %add3A_579 = arith.addf %mul3A_573, %mul3A_578 : vector<16xf32>
      %swap3A_580 = arith.index_cast %scan3A_50 : i32 to index
      %swap3A_581 = arith.constant 512 : index
      %swap3A_582 = tpu.vector_load %arg10[%swap3A_580, %swap3A_581] {strides = array<i32>} : memref<64x768xf32, #tpu.memory_space<vmem>>, vector<1x16xf32>,
      %swap3A_583 = vector.shape_cast %swap3A_582 : vector<1x16xf32> to vector<16xf32>
      %swap3A_584 = vector.shape_cast %add3A_579 : vector<16xf32> to vector<1x16xf32>
      tpu.vector_store %arg10[%swap3A_580, %swap3A_581], %swap3A_584 {strides = array<i32>} : memref<64x768xf32, #tpu.memory_space<vmem>>, vector<1x16xf32>,
      %get3A_585 = arith.index_cast %scan3A_50 : i32 to index
      %get3A_586 = arith.constant 528 : index
      %get3A_587 = tpu.vector_load %arg10[%get3A_585, %get3A_586] {strides = array<i32>} : memref<64x768xf32, #tpu.memory_space<vmem>>, vector<1x16xf32>,
      %get3A_588 = vector.shape_cast %get3A_587 : vector<1x16xf32> to vector<16xf32>
      %mul3A_589 = arith.mulf %get3A_53, %get3A_588 : vector<16xf32>
      %get3A_590 = arith.index_cast %scan3A_50 : i32 to index
      %get3A_591 = arith.constant 528 : index
      %get3A_592 = tpu.vector_load %arg11[%get3A_590, %get3A_591] {strides = array<i32>} : memref<64x768xf32, #tpu.memory_space<vmem>>, vector<1x16xf32>,
      %get3A_593 = vector.shape_cast %get3A_592 : vector<1x16xf32> to vector<16xf32>
      %mul3A_594 = arith.mulf %get3A_57, %get3A_593 : vector<16xf32>
      %add3A_595 = arith.addf %mul3A_589, %mul3A_594 : vector<16xf32>
      %swap3A_596 = arith.index_cast %scan3A_50 : i32 to index
      %swap3A_597 = arith.constant 528 : index
      %swap3A_598 = tpu.vector_load %arg10[%swap3A_596, %swap3A_597] {strides = array<i32>} : memref<64x768xf32, #tpu.memory_space<vmem>>, vector<1x16xf32>,
      %swap3A_599 = vector.shape_cast %swap3A_598 : vector<1x16xf32> to vector<16xf32>
      %swap3A_600 = vector.shape_cast %add3A_595 : vector<16xf32> to vector<1x16xf32>
      tpu.vector_store %arg10[%swap3A_596, %swap3A_597], %swap3A_600 {strides = array<i32>} : memref<64x768xf32, #tpu.memory_space<vmem>>, vector<1x16xf32>,
      %get3A_601 = arith.index_cast %scan3A_50 : i32 to index
      %get3A_602 = arith.constant 544 : index
      %get3A_603 = tpu.vector_load %arg10[%get3A_601, %get3A_602] {strides = array<i32>} : memref<64x768xf32, #tpu.memory_space<vmem>>, vector<1x16xf32>,
      %get3A_604 = vector.shape_cast %get3A_603 : vector<1x16xf32> to vector<16xf32>
      %mul3A_605 = arith.mulf %get3A_53, %get3A_604 : vector<16xf32>
      %get3A_606 = arith.index_cast %scan3A_50 : i32 to index
      %get3A_607 = arith.constant 544 : index
      %get3A_608 = tpu.vector_load %arg11[%get3A_606, %get3A_607] {strides = array<i32>} : memref<64x768xf32, #tpu.memory_space<vmem>>, vector<1x16xf32>,
      %get3A_609 = vector.shape_cast %get3A_608 : vector<1x16xf32> to vector<16xf32>
      %mul3A_610 = arith.mulf %get3A_57, %get3A_609 : vector<16xf32>
      %add3A_611 = arith.addf %mul3A_605, %mul3A_610 : vector<16xf32>
      %swap3A_612 = arith.index_cast %scan3A_50 : i32 to index
      %swap3A_613 = arith.constant 544 : index
      %swap3A_614 = tpu.vector_load %arg10[%swap3A_612, %swap3A_613] {strides = array<i32>} : memref<64x768xf32, #tpu.memory_space<vmem>>, vector<1x16xf32>,
      %swap3A_615 = vector.shape_cast %swap3A_614 : vector<1x16xf32> to vector<16xf32>
      %swap3A_616 = vector.shape_cast %add3A_611 : vector<16xf32> to vector<1x16xf32>
      tpu.vector_store %arg10[%swap3A_612, %swap3A_613], %swap3A_616 {strides = array<i32>} : memref<64x768xf32, #tpu.memory_space<vmem>>, vector<1x16xf32>,
      %get3A_617 = arith.index_cast %scan3A_50 : i32 to index
      %get3A_618 = arith.constant 560 : index
      %get3A_619 = tpu.vector_load %arg10[%get3A_617, %get3A_618] {strides = array<i32>} : memref<64x768xf32, #tpu.memory_space<vmem>>, vector<1x16xf32>,
      %get3A_620 = vector.shape_cast %get3A_619 : vector<1x16xf32> to vector<16xf32>
      %mul3A_621 = arith.mulf %get3A_53, %get3A_620 : vector<16xf32>
      %get3A_622 = arith.index_cast %scan3A_50 : i32 to index
      %get3A_623 = arith.constant 560 : index
      %get3A_624 = tpu.vector_load %arg11[%get3A_622, %get3A_623] {strides = array<i32>} : memref<64x768xf32, #tpu.memory_space<vmem>>, vector<1x16xf32>,
      %get3A_625 = vector.shape_cast %get3A_624 : vector<1x16xf32> to vector<16xf32>
      %mul3A_626 = arith.mulf %get3A_57, %get3A_625 : vector<16xf32>
      %add3A_627 = arith.addf %mul3A_621, %mul3A_626 : vector<16xf32>
      %swap3A_628 = arith.index_cast %scan3A_50 : i32 to index
      %swap3A_629 = arith.constant 560 : index
      %swap3A_630 = tpu.vector_load %arg10[%swap3A_628, %swap3A_629] {strides = array<i32>} : memref<64x768xf32, #tpu.memory_space<vmem>>, vector<1x16xf32>,
      %swap3A_631 = vector.shape_cast %swap3A_630 : vector<1x16xf32> to vector<16xf32>
      %swap3A_632 = vector.shape_cast %add3A_627 : vector<16xf32> to vector<1x16xf32>
      tpu.vector_store %arg10[%swap3A_628, %swap3A_629], %swap3A_632 {strides = array<i32>} : memref<64x768xf32, #tpu.memory_space<vmem>>, vector<1x16xf32>,
      %get3A_633 = arith.index_cast %scan3A_50 : i32 to index
      %get3A_634 = arith.constant 576 : index
      %get3A_635 = tpu.vector_load %arg10[%get3A_633, %get3A_634] {strides = array<i32>} : memref<64x768xf32, #tpu.memory_space<vmem>>, vector<1x16xf32>,
      %get3A_636 = vector.shape_cast %get3A_635 : vector<1x16xf32> to vector<16xf32>
      %mul3A_637 = arith.mulf %get3A_53, %get3A_636 : vector<16xf32>
      %get3A_638 = arith.index_cast %scan3A_50 : i32 to index
      %get3A_639 = arith.constant 576 : index
      %get3A_640 = tpu.vector_load %arg11[%get3A_638, %get3A_639] {strides = array<i32>} : memref<64x768xf32, #tpu.memory_space<vmem>>, vector<1x16xf32>,
      %get3A_641 = vector.shape_cast %get3A_640 : vector<1x16xf32> to vector<16xf32>
      %mul3A_642 = arith.mulf %get3A_57, %get3A_641 : vector<16xf32>
      %add3A_643 = arith.addf %mul3A_637, %mul3A_642 : vector<16xf32>
      %swap3A_644 = arith.index_cast %scan3A_50 : i32 to index
      %swap3A_645 = arith.constant 576 : index
      %swap3A_646 = tpu.vector_load %arg10[%swap3A_644, %swap3A_645] {strides = array<i32>} : memref<64x768xf32, #tpu.memory_space<vmem>>, vector<1x16xf32>,
      %swap3A_647 = vector.shape_cast %swap3A_646 : vector<1x16xf32> to vector<16xf32>
      %swap3A_648 = vector.shape_cast %add3A_643 : vector<16xf32> to vector<1x16xf32>
      tpu.vector_store %arg10[%swap3A_644, %swap3A_645], %swap3A_648 {strides = array<i32>} : memref<64x768xf32, #tpu.memory_space<vmem>>, vector<1x16xf32>,
      %get3A_649 = arith.index_cast %scan3A_50 : i32 to index
      %get3A_650 = arith.constant 592 : index
      %get3A_651 = tpu.vector_load %arg10[%get3A_649, %get3A_650] {strides = array<i32>} : memref<64x768xf32, #tpu.memory_space<vmem>>, vector<1x16xf32>,
      %get3A_652 = vector.shape_cast %get3A_651 : vector<1x16xf32> to vector<16xf32>
      %mul3A_653 = arith.mulf %get3A_53, %get3A_652 : vector<16xf32>
      %get3A_654 = arith.index_cast %scan3A_50 : i32 to index
      %get3A_655 = arith.constant 592 : index
      %get3A_656 = tpu.vector_load %arg11[%get3A_654, %get3A_655] {strides = array<i32>} : memref<64x768xf32, #tpu.memory_space<vmem>>, vector<1x16xf32>,
      %get3A_657 = vector.shape_cast %get3A_656 : vector<1x16xf32> to vector<16xf32>
      %mul3A_658 = arith.mulf %get3A_57, %get3A_657 : vector<16xf32>
      %add3A_659 = arith.addf %mul3A_653, %mul3A_658 : vector<16xf32>
      %swap3A_660 = arith.index_cast %scan3A_50 : i32 to index
      %swap3A_661 = arith.constant 592 : index
      %swap3A_662 = tpu.vector_load %arg10[%swap3A_660, %swap3A_661] {strides = array<i32>} : memref<64x768xf32, #tpu.memory_space<vmem>>, vector<1x16xf32>,
      %swap3A_663 = vector.shape_cast %swap3A_662 : vector<1x16xf32> to vector<16xf32>
      %swap3A_664 = vector.shape_cast %add3A_659 : vector<16xf32> to vector<1x16xf32>
      tpu.vector_store %arg10[%swap3A_660, %swap3A_661], %swap3A_664 {strides = array<i32>} : memref<64x768xf32, #tpu.memory_space<vmem>>, vector<1x16xf32>,
      %get3A_665 = arith.index_cast %scan3A_50 : i32 to index
      %get3A_666 = arith.constant 608 : index
      %get3A_667 = tpu.vector_load %arg10[%get3A_665, %get3A_666] {strides = array<i32>} : memref<64x768xf32, #tpu.memory_space<vmem>>, vector<1x16xf32>,
      %get3A_668 = vector.shape_cast %get3A_667 : vector<1x16xf32> to vector<16xf32>
      %mul3A_669 = arith.mulf %get3A_53, %get3A_668 : vector<16xf32>
      %get3A_670 = arith.index_cast %scan3A_50 : i32 to index
      %get3A_671 = arith.constant 608 : index
      %get3A_672 = tpu.vector_load %arg11[%get3A_670, %get3A_671] {strides = array<i32>} : memref<64x768xf32, #tpu.memory_space<vmem>>, vector<1x16xf32>,
      %get3A_673 = vector.shape_cast %get3A_672 : vector<1x16xf32> to vector<16xf32>
      %mul3A_674 = arith.mulf %get3A_57, %get3A_673 : vector<16xf32>
      %add3A_675 = arith.addf %mul3A_669, %mul3A_674 : vector<16xf32>
      %swap3A_676 = arith.index_cast %scan3A_50 : i32 to index
      %swap3A_677 = arith.constant 608 : index
      %swap3A_678 = tpu.vector_load %arg10[%swap3A_676, %swap3A_677] {strides = array<i32>} : memref<64x768xf32, #tpu.memory_space<vmem>>, vector<1x16xf32>,
      %swap3A_679 = vector.shape_cast %swap3A_678 : vector<1x16xf32> to vector<16xf32>
      %swap3A_680 = vector.shape_cast %add3A_675 : vector<16xf32> to vector<1x16xf32>
      tpu.vector_store %arg10[%swap3A_676, %swap3A_677], %swap3A_680 {strides = array<i32>} : memref<64x768xf32, #tpu.memory_space<vmem>>, vector<1x16xf32>,
      %get3A_681 = arith.index_cast %scan3A_50 : i32 to index
      %get3A_682 = arith.constant 624 : index
      %get3A_683 = tpu.vector_load %arg10[%get3A_681, %get3A_682] {strides = array<i32>} : memref<64x768xf32, #tpu.memory_space<vmem>>, vector<1x16xf32>,
      %get3A_684 = vector.shape_cast %get3A_683 : vector<1x16xf32> to vector<16xf32>
      %mul3A_685 = arith.mulf %get3A_53, %get3A_684 : vector<16xf32>
      %get3A_686 = arith.index_cast %scan3A_50 : i32 to index
      %get3A_687 = arith.constant 624 : index
      %get3A_688 = tpu.vector_load %arg11[%get3A_686, %get3A_687] {strides = array<i32>} : memref<64x768xf32, #tpu.memory_space<vmem>>, vector<1x16xf32>,
      %get3A_689 = vector.shape_cast %get3A_688 : vector<1x16xf32> to vector<16xf32>
      %mul3A_690 = arith.mulf %get3A_57, %get3A_689 : vector<16xf32>
      %add3A_691 = arith.addf %mul3A_685, %mul3A_690 : vector<16xf32>
      %swap3A_692 = arith.index_cast %scan3A_50 : i32 to index
      %swap3A_693 = arith.constant 624 : index
      %swap3A_694 = tpu.vector_load %arg10[%swap3A_692, %swap3A_693] {strides = array<i32>} : memref<64x768xf32, #tpu.memory_space<vmem>>, vector<1x16xf32>,
      %swap3A_695 = vector.shape_cast %swap3A_694 : vector<1x16xf32> to vector<16xf32>
      %swap3A_696 = vector.shape_cast %add3A_691 : vector<16xf32> to vector<1x16xf32>
      tpu.vector_store %arg10[%swap3A_692, %swap3A_693], %swap3A_696 {strides = array<i32>} : memref<64x768xf32, #tpu.memory_space<vmem>>, vector<1x16xf32>,
      %get3A_697 = arith.index_cast %scan3A_50 : i32 to index
      %get3A_698 = arith.constant 640 : index
      %get3A_699 = tpu.vector_load %arg10[%get3A_697, %get3A_698] {strides = array<i32>} : memref<64x768xf32, #tpu.memory_space<vmem>>, vector<1x16xf32>,
      %get3A_700 = vector.shape_cast %get3A_699 : vector<1x16xf32> to vector<16xf32>
      %mul3A_701 = arith.mulf %get3A_53, %get3A_700 : vector<16xf32>
      %get3A_702 = arith.index_cast %scan3A_50 : i32 to index
      %get3A_703 = arith.constant 640 : index
      %get3A_704 = tpu.vector_load %arg11[%get3A_702, %get3A_703] {strides = array<i32>} : memref<64x768xf32, #tpu.memory_space<vmem>>, vector<1x16xf32>,
      %get3A_705 = vector.shape_cast %get3A_704 : vector<1x16xf32> to vector<16xf32>
      %mul3A_706 = arith.mulf %get3A_57, %get3A_705 : vector<16xf32>
      %add3A_707 = arith.addf %mul3A_701, %mul3A_706 : vector<16xf32>
      %swap3A_708 = arith.index_cast %scan3A_50 : i32 to index
      %swap3A_709 = arith.constant 640 : index
      %swap3A_710 = tpu.vector_load %arg10[%swap3A_708, %swap3A_709] {strides = array<i32>} : memref<64x768xf32, #tpu.memory_space<vmem>>, vector<1x16xf32>,
      %swap3A_711 = vector.shape_cast %swap3A_710 : vector<1x16xf32> to vector<16xf32>
      %swap3A_712 = vector.shape_cast %add3A_707 : vector<16xf32> to vector<1x16xf32>
      tpu.vector_store %arg10[%swap3A_708, %swap3A_709], %swap3A_712 {strides = array<i32>} : memref<64x768xf32, #tpu.memory_space<vmem>>, vector<1x16xf32>,
      %get3A_713 = arith.index_cast %scan3A_50 : i32 to index
      %get3A_714 = arith.constant 656 : index
      %get3A_715 = tpu.vector_load %arg10[%get3A_713, %get3A_714] {strides = array<i32>} : memref<64x768xf32, #tpu.memory_space<vmem>>, vector<1x16xf32>,
      %get3A_716 = vector.shape_cast %get3A_715 : vector<1x16xf32> to vector<16xf32>
      %mul3A_717 = arith.mulf %get3A_53, %get3A_716 : vector<16xf32>
      %get3A_718 = arith.index_cast %scan3A_50 : i32 to index
      %get3A_719 = arith.constant 656 : index
      %get3A_720 = tpu.vector_load %arg11[%get3A_718, %get3A_719] {strides = array<i32>} : memref<64x768xf32, #tpu.memory_space<vmem>>, vector<1x16xf32>,
      %get3A_721 = vector.shape_cast %get3A_720 : vector<1x16xf32> to vector<16xf32>
      %mul3A_722 = arith.mulf %get3A_57, %get3A_721 : vector<16xf32>
      %add3A_723 = arith.addf %mul3A_717, %mul3A_722 : vector<16xf32>
      %swap3A_724 = arith.index_cast %scan3A_50 : i32 to index
      %swap3A_725 = arith.constant 656 : index
      %swap3A_726 = tpu.vector_load %arg10[%swap3A_724, %swap3A_725] {strides = array<i32>} : memref<64x768xf32, #tpu.memory_space<vmem>>, vector<1x16xf32>,
      %swap3A_727 = vector.shape_cast %swap3A_726 : vector<1x16xf32> to vector<16xf32>
      %swap3A_728 = vector.shape_cast %add3A_723 : vector<16xf32> to vector<1x16xf32>
      tpu.vector_store %arg10[%swap3A_724, %swap3A_725], %swap3A_728 {strides = array<i32>} : memref<64x768xf32, #tpu.memory_space<vmem>>, vector<1x16xf32>,
      %get3A_729 = arith.index_cast %scan3A_50 : i32 to index
      %get3A_730 = arith.constant 672 : index
      %get3A_731 = tpu.vector_load %arg10[%get3A_729, %get3A_730] {strides = array<i32>} : memref<64x768xf32, #tpu.memory_space<vmem>>, vector<1x16xf32>,
      %get3A_732 = vector.shape_cast %get3A_731 : vector<1x16xf32> to vector<16xf32>
      %mul3A_733 = arith.mulf %get3A_53, %get3A_732 : vector<16xf32>
      %get3A_734 = arith.index_cast %scan3A_50 : i32 to index
      %get3A_735 = arith.constant 672 : index
      %get3A_736 = tpu.vector_load %arg11[%get3A_734, %get3A_735] {strides = array<i32>} : memref<64x768xf32, #tpu.memory_space<vmem>>, vector<1x16xf32>,
      %get3A_737 = vector.shape_cast %get3A_736 : vector<1x16xf32> to vector<16xf32>
      %mul3A_738 = arith.mulf %get3A_57, %get3A_737 : vector<16xf32>
      %add3A_739 = arith.addf %mul3A_733, %mul3A_738 : vector<16xf32>
      %swap3A_740 = arith.index_cast %scan3A_50 : i32 to index
      %swap3A_741 = arith.constant 672 : index
      %swap3A_742 = tpu.vector_load %arg10[%swap3A_740, %swap3A_741] {strides = array<i32>} : memref<64x768xf32, #tpu.memory_space<vmem>>, vector<1x16xf32>,
      %swap3A_743 = vector.shape_cast %swap3A_742 : vector<1x16xf32> to vector<16xf32>
      %swap3A_744 = vector.shape_cast %add3A_739 : vector<16xf32> to vector<1x16xf32>
      tpu.vector_store %arg10[%swap3A_740, %swap3A_741], %swap3A_744 {strides = array<i32>} : memref<64x768xf32, #tpu.memory_space<vmem>>, vector<1x16xf32>,
      %get3A_745 = arith.index_cast %scan3A_50 : i32 to index
      %get3A_746 = arith.constant 688 : index
      %get3A_747 = tpu.vector_load %arg10[%get3A_745, %get3A_746] {strides = array<i32>} : memref<64x768xf32, #tpu.memory_space<vmem>>, vector<1x16xf32>,
      %get3A_748 = vector.shape_cast %get3A_747 : vector<1x16xf32> to vector<16xf32>
      %mul3A_749 = arith.mulf %get3A_53, %get3A_748 : vector<16xf32>
      %get3A_750 = arith.index_cast %scan3A_50 : i32 to index
      %get3A_751 = arith.constant 688 : index
      %get3A_752 = tpu.vector_load %arg11[%get3A_750, %get3A_751] {strides = array<i32>} : memref<64x768xf32, #tpu.memory_space<vmem>>, vector<1x16xf32>,
      %get3A_753 = vector.shape_cast %get3A_752 : vector<1x16xf32> to vector<16xf32>
      %mul3A_754 = arith.mulf %get3A_57, %get3A_753 : vector<16xf32>
      %add3A_755 = arith.addf %mul3A_749, %mul3A_754 : vector<16xf32>
      %swap3A_756 = arith.index_cast %scan3A_50 : i32 to index
      %swap3A_757 = arith.constant 688 : index
      %swap3A_758 = tpu.vector_load %arg10[%swap3A_756, %swap3A_757] {strides = array<i32>} : memref<64x768xf32, #tpu.memory_space<vmem>>, vector<1x16xf32>,
      %swap3A_759 = vector.shape_cast %swap3A_758 : vector<1x16xf32> to vector<16xf32>
      %swap3A_760 = vector.shape_cast %add3A_755 : vector<16xf32> to vector<1x16xf32>
      tpu.vector_store %arg10[%swap3A_756, %swap3A_757], %swap3A_760 {strides = array<i32>} : memref<64x768xf32, #tpu.memory_space<vmem>>, vector<1x16xf32>,
      %get3A_761 = arith.index_cast %scan3A_50 : i32 to index
      %get3A_762 = arith.constant 704 : index
      %get3A_763 = tpu.vector_load %arg10[%get3A_761, %get3A_762] {strides = array<i32>} : memref<64x768xf32, #tpu.memory_space<vmem>>, vector<1x16xf32>,
      %get3A_764 = vector.shape_cast %get3A_763 : vector<1x16xf32> to vector<16xf32>
      %mul3A_765 = arith.mulf %get3A_53, %get3A_764 : vector<16xf32>
      %get3A_766 = arith.index_cast %scan3A_50 : i32 to index
      %get3A_767 = arith.constant 704 : index
      %get3A_768 = tpu.vector_load %arg11[%get3A_766, %get3A_767] {strides = array<i32>} : memref<64x768xf32, #tpu.memory_space<vmem>>, vector<1x16xf32>,
      %get3A_769 = vector.shape_cast %get3A_768 : vector<1x16xf32> to vector<16xf32>
      %mul3A_770 = arith.mulf %get3A_57, %get3A_769 : vector<16xf32>
      %add3A_771 = arith.addf %mul3A_765, %mul3A_770 : vector<16xf32>
      %swap3A_772 = arith.index_cast %scan3A_50 : i32 to index
      %swap3A_773 = arith.constant 704 : index
      %swap3A_774 = tpu.vector_load %arg10[%swap3A_772, %swap3A_773] {strides = array<i32>} : memref<64x768xf32, #tpu.memory_space<vmem>>, vector<1x16xf32>,
      %swap3A_775 = vector.shape_cast %swap3A_774 : vector<1x16xf32> to vector<16xf32>
      %swap3A_776 = vector.shape_cast %add3A_771 : vector<16xf32> to vector<1x16xf32>
      tpu.vector_store %arg10[%swap3A_772, %swap3A_773], %swap3A_776 {strides = array<i32>} : memref<64x768xf32, #tpu.memory_space<vmem>>, vector<1x16xf32>,
      %get3A_777 = arith.index_cast %scan3A_50 : i32 to index
      %get3A_778 = arith.constant 720 : index
      %get3A_779 = tpu.vector_load %arg10[%get3A_777, %get3A_778] {strides = array<i32>} : memref<64x768xf32, #tpu.memory_space<vmem>>, vector<1x16xf32>,
      %get3A_780 = vector.shape_cast %get3A_779 : vector<1x16xf32> to vector<16xf32>
      %mul3A_781 = arith.mulf %get3A_53, %get3A_780 : vector<16xf32>
      %get3A_782 = arith.index_cast %scan3A_50 : i32 to index
      %get3A_783 = arith.constant 720 : index
      %get3A_784 = tpu.vector_load %arg11[%get3A_782, %get3A_783] {strides = array<i32>} : memref<64x768xf32, #tpu.memory_space<vmem>>, vector<1x16xf32>,
      %get3A_785 = vector.shape_cast %get3A_784 : vector<1x16xf32> to vector<16xf32>
      %mul3A_786 = arith.mulf %get3A_57, %get3A_785 : vector<16xf32>
      %add3A_787 = arith.addf %mul3A_781, %mul3A_786 : vector<16xf32>
      %swap3A_788 = arith.index_cast %scan3A_50 : i32 to index
      %swap3A_789 = arith.constant 720 : index
      %swap3A_790 = tpu.vector_load %arg10[%swap3A_788, %swap3A_789] {strides = array<i32>} : memref<64x768xf32, #tpu.memory_space<vmem>>, vector<1x16xf32>,
      %swap3A_791 = vector.shape_cast %swap3A_790 : vector<1x16xf32> to vector<16xf32>
      %swap3A_792 = vector.shape_cast %add3A_787 : vector<16xf32> to vector<1x16xf32>
      tpu.vector_store %arg10[%swap3A_788, %swap3A_789], %swap3A_792 {strides = array<i32>} : memref<64x768xf32, #tpu.memory_space<vmem>>, vector<1x16xf32>,
      %get3A_793 = arith.index_cast %scan3A_50 : i32 to index
      %get3A_794 = arith.constant 736 : index
      %get3A_795 = tpu.vector_load %arg10[%get3A_793, %get3A_794] {strides = array<i32>} : memref<64x768xf32, #tpu.memory_space<vmem>>, vector<1x16xf32>,
      %get3A_796 = vector.shape_cast %get3A_795 : vector<1x16xf32> to vector<16xf32>
      %mul3A_797 = arith.mulf %get3A_53, %get3A_796 : vector<16xf32>
      %get3A_798 = arith.index_cast %scan3A_50 : i32 to index
      %get3A_799 = arith.constant 736 : index
      %get3A_800 = tpu.vector_load %arg11[%get3A_798, %get3A_799] {strides = array<i32>} : memref<64x768xf32, #tpu.memory_space<vmem>>, vector<1x16xf32>,
      %get3A_801 = vector.shape_cast %get3A_800 : vector<1x16xf32> to vector<16xf32>
      %mul3A_802 = arith.mulf %get3A_57, %get3A_801 : vector<16xf32>
      %add3A_803 = arith.addf %mul3A_797, %mul3A_802 : vector<16xf32>
      %swap3A_804 = arith.index_cast %scan3A_50 : i32 to index
      %swap3A_805 = arith.constant 736 : index
      %swap3A_806 = tpu.vector_load %arg10[%swap3A_804, %swap3A_805] {strides = array<i32>} : memref<64x768xf32, #tpu.memory_space<vmem>>, vector<1x16xf32>,
      %swap3A_807 = vector.shape_cast %swap3A_806 : vector<1x16xf32> to vector<16xf32>
      %swap3A_808 = vector.shape_cast %add3A_803 : vector<16xf32> to vector<1x16xf32>
      tpu.vector_store %arg10[%swap3A_804, %swap3A_805], %swap3A_808 {strides = array<i32>} : memref<64x768xf32, #tpu.memory_space<vmem>>, vector<1x16xf32>,
      %get3A_809 = arith.index_cast %scan3A_50 : i32 to index
      %get3A_810 = arith.constant 752 : index
      %get3A_811 = tpu.vector_load %arg10[%get3A_809, %get3A_810] {strides = array<i32>} : memref<64x768xf32, #tpu.memory_space<vmem>>, vector<1x16xf32>,
      %get3A_812 = vector.shape_cast %get3A_811 : vector<1x16xf32> to vector<16xf32>
      %mul3A_813 = arith.mulf %get3A_53, %get3A_812 : vector<16xf32>
      %get3A_814 = arith.index_cast %scan3A_50 : i32 to index
      %get3A_815 = arith.constant 752 : index
      %get3A_816 = tpu.vector_load %arg11[%get3A_814, %get3A_815] {strides = array<i32>} : memref<64x768xf32, #tpu.memory_space<vmem>>, vector<1x16xf32>,
      %get3A_817 = vector.shape_cast %get3A_816 : vector<1x16xf32> to vector<16xf32>
      %mul3A_818 = arith.mulf %get3A_57, %get3A_817 : vector<16xf32>
      %add3A_819 = arith.addf %mul3A_813, %mul3A_818 : vector<16xf32>
      %swap3A_820 = arith.index_cast %scan3A_50 : i32 to index
      %swap3A_821 = arith.constant 752 : index
      %swap3A_822 = tpu.vector_load %arg10[%swap3A_820, %swap3A_821] {strides = array<i32>} : memref<64x768xf32, #tpu.memory_space<vmem>>, vector<1x16xf32>,
      %swap3A_823 = vector.shape_cast %swap3A_822 : vector<1x16xf32> to vector<16xf32>
      %swap3A_824 = vector.shape_cast %add3A_819 : vector<16xf32> to vector<1x16xf32>
      tpu.vector_store %arg10[%swap3A_820, %swap3A_821], %swap3A_824 {strides = array<i32>} : memref<64x768xf32, #tpu.memory_space<vmem>>, vector<1x16xf32>,
    }
    %scan3A_49 = arith.constant 64 : i32
    "tpu.region"() ({
      %run_scoped3A = tpu.sem_alloc : memref<!tpu.dma_semaphore, #tpu.memory_space<semaphore_mem>>
      %dma_start3A_50 = arith.constant 0 : i32
      %dma_start3A_51 = tpu.memref_slice %arg5[%add3A_27, %dma_start3A_50] : memref<4096x768xf32, #tpu.memory_space<hbm>> -> memref<64x768xf32, #tpu.memory_space<hbm>>
      %dma_start3A_52 = arith.constant 0 : i32
      %dma_start3A_53 = tpu.memref_slice %arg5[%add3A_27, %dma_start3A_52] : memref<4096x768xf32, #tpu.memory_space<hbm>> -> memref<64x768xf32, #tpu.memory_space<hbm>>
      tpu.enqueue_dma source(%arg10 : memref<64x768xf32, #tpu.memory_space<vmem>>) target(%dma_start3A_53 : memref<64x768xf32, #tpu.memory_space<hbm>>) target_semaphore(%run_scoped3A : memref<!tpu.dma_semaphore, #tpu.memory_space<semaphore_mem>>)
      %dma_wait3A_54 = arith.constant 0 : i32
      %dma_wait3A_55 = tpu.memref_slice %arg5[%add3A_27, %dma_wait3A_54] : memref<4096x768xf32, #tpu.memory_space<hbm>> -> memref<64x768xf32, #tpu.memory_space<hbm>>
      %dma_wait3A_56 = arith.constant 0 : i32
      %dma_wait3A_57 = tpu.memref_slice %arg5[%add3A_27, %dma_wait3A_56] : memref<4096x768xf32, #tpu.memory_space<hbm>> -> memref<64x768xf32, #tpu.memory_space<hbm>>
      tpu.wait_dma2 semaphore(%run_scoped3A : memref<!tpu.dma_semaphore, #tpu.memory_space<semaphore_mem>>) src(%arg10 : memref<64x768xf32, #tpu.memory_space<vmem>>) dst(%dma_wait3A_57 : memref<64x768xf32, #tpu.memory_space<hbm>>)
      tpu.yield
    }) : () -> ()
    return
  }
}

module attributes {stable_mosaic.version = 14 : i64} {
  func.func @_mlp_body(%arg0: i32, %arg1: memref<128xi32, #tpu.memory_space<smem>>, %arg2: memref<128x768xf32, #tpu.memory_space<vmem>>, %arg3: memref<1x768x768xf32, #tpu.memory_space<vmem>>, %arg4: memref<1x768x768xf32, #tpu.memory_space<vmem>>, %arg5: memref<1x768x768xf32, #tpu.memory_space<vmem>>, %arg6: memref<128x768xf32, #tpu.memory_space<vmem>>) attributes {dimension_semantics = [#tpu.dimension_semantics<arbitrary>], iteration_bounds = array<i64: 128>, scalar_prefetch = 1 : i64, scratch_operands = 0 : i64, tpu.core_type = #tpu.core_type<tc>, window_params = [{transform_indices = @transform_0, window_bounds = array<i64: 128, 768>}, {transform_indices = @transform_1, window_bounds = array<i64: 1, 768, 768>}, {transform_indices = @transform_2, window_bounds = array<i64: 1, 768, 768>}, {transform_indices = @transform_3, window_bounds = array<i64: 1, 768, 768>}, {transform_indices = @transform_4, window_bounds = array<i64: 128, 768>}]} {
    %get3A = arith.index_cast %arg0 : i32 to index
    %get3A_0 = memref.load %arg1[%get3A] : memref<128xi32, #tpu.memory_space<smem>>
    %ge3A = arith.constant 0 : i32
    %ge3A_1 = arith.cmpi sge, %get3A_0, %ge3A : i32
    %convert_element_type3A = arith.extui %ge3A_1 : i1 to i32
    %cond3A = arith.constant 0 : i32
    %cond3A_2 = arith.cmpi ne, %convert_element_type3A, %cond3A : i32
    scf.if %cond3A_2 {
      %get3A_3 = arith.constant 0 : index
      %get3A_4 = arith.constant 0 : index
      %get3A_5 = vector.load %arg2[%get3A_3, %get3A_4] : memref<128x768xf32, #tpu.memory_space<vmem>>, vector<128x768xf32>
      %get3A_6 = arith.constant 0 : index
      %get3A_7 = arith.constant 0 : index
      %get3A_8 = arith.constant 0 : index
      %get3A_9 = vector.load %arg3[%get3A_6, %get3A_7, %get3A_8] : memref<1x768x768xf32, #tpu.memory_space<vmem>>, vector<1x768x768xf32>
      %get3A_10 = vector.shape_cast %get3A_9 : vector<1x768x768xf32> to vector<768x768xf32>
      %dot_general3A = arith.constant dense<0.000000e+00> : vector<128x768xf32>
      %dot_general3A_11 = tpu.matmul %get3A_5, %get3A_10, %dot_general3A {dimension_numbers = #tpu.dot_dimension_numbers<[1], [1], [0], [0], [0, 0, 1, 0], [], []>, transpose_lhs_hint = false} : vector<128x768xf32>, vector<768x768xf32>, vector<128x768xf32> -> vector<128x768xf32>
      %get3A_12 = arith.constant 0 : index
      %get3A_13 = arith.constant 0 : index
      %get3A_14 = arith.constant 0 : index
      %get3A_15 = vector.load %arg4[%get3A_12, %get3A_13, %get3A_14] : memref<1x768x768xf32, #tpu.memory_space<vmem>>, vector<1x768x768xf32>
      %get3A_16 = vector.shape_cast %get3A_15 : vector<1x768x768xf32> to vector<768x768xf32>
      %dot_general3A_17 = arith.constant dense<0.000000e+00> : vector<128x768xf32>
      %dot_general3A_18 = tpu.matmul %get3A_5, %get3A_16, %dot_general3A_17 {dimension_numbers = #tpu.dot_dimension_numbers<[1], [1], [0], [0], [0, 0, 1, 0], [], []>, transpose_lhs_hint = false} : vector<128x768xf32>, vector<768x768xf32>, vector<128x768xf32> -> vector<128x768xf32>
      %logistic3A = arith.negf %dot_general3A_11 : vector<128x768xf32>
      %logistic3A_19 = math.exp %logistic3A : vector<128x768xf32>
      %logistic3A_20 = arith.constant 1.000000e+00 : f32
      %logistic3A_21 = vector.broadcast %logistic3A_20 : f32 to vector<128x768xf32>
      %logistic3A_22 = arith.addf %logistic3A_21, %logistic3A_19 : vector<128x768xf32>
      %logistic3A_23 = arith.divf %logistic3A_21, %logistic3A_22 : vector<128x768xf32>
      %mul3A = arith.mulf %dot_general3A_11, %logistic3A_23 : vector<128x768xf32>
      %mul3A_24 = arith.mulf %mul3A, %dot_general3A_18 : vector<128x768xf32>
      %get3A_25 = arith.constant 0 : index
      %get3A_26 = arith.constant 0 : index
      %get3A_27 = arith.constant 0 : index
      %get3A_28 = vector.load %arg5[%get3A_25, %get3A_26, %get3A_27] : memref<1x768x768xf32, #tpu.memory_space<vmem>>, vector<1x768x768xf32>
      %get3A_29 = vector.shape_cast %get3A_28 : vector<1x768x768xf32> to vector<768x768xf32>
      %dot_general3A_30 = arith.constant dense<0.000000e+00> : vector<128x768xf32>
      %dot_general3A_31 = tpu.matmul %mul3A_24, %get3A_29, %dot_general3A_30 {dimension_numbers = #tpu.dot_dimension_numbers<[1], [1], [0], [0], [0, 0, 1, 0], [], []>, transpose_lhs_hint = false} : vector<128x768xf32>, vector<768x768xf32>, vector<128x768xf32> -> vector<128x768xf32>
      %swap3A = arith.constant 0 : index
      %swap3A_32 = arith.constant 0 : index
      %swap3A_33 = vector.load %arg6[%swap3A, %swap3A_32] : memref<128x768xf32, #tpu.memory_space<vmem>>, vector<128x768xf32>
      tpu.vector_store %arg6[%swap3A, %swap3A_32], %dot_general3A_31 {strides = array<i32>} : memref<128x768xf32, #tpu.memory_space<vmem>>, vector<128x768xf32>,
    } else {
    }
    return
  }
  func.func @transform_0(%arg0: i32, %arg1: memref<128xi32, #tpu.memory_space<smem>>) -> (i32, i32) {
    %get3A = arith.index_cast %arg0 : i32 to index
    %get3A_0 = memref.load %arg1[%get3A] : memref<128xi32, #tpu.memory_space<smem>>
    %lt3A = arith.constant 0 : i32
    %lt3A_1 = arith.cmpi slt, %get3A_0, %lt3A : i32
    %jit3A = arith.constant 0 : i32
    %select_n3A = arith.select %lt3A_1, %jit3A, %arg0 : i32
    %c0_i32 = arith.constant 0 : i32
    %c0_i32_2 = arith.constant 0 : i32
    return %select_n3A, %c0_i32 : i32, i32
  }
  func.func @transform_1(%arg0: i32, %arg1: memref<128xi32, #tpu.memory_space<smem>>) -> (i32, i32, i32) {
    %get3A = arith.index_cast %arg0 : i32 to index
    %get3A_0 = memref.load %arg1[%get3A] : memref<128xi32, #tpu.memory_space<smem>>
    %lt3A = arith.constant 0 : i32
    %lt3A_1 = arith.cmpi slt, %get3A_0, %lt3A : i32
    %get3A_2 = arith.index_cast %arg0 : i32 to index
    %get3A_3 = memref.load %arg1[%get3A_2] : memref<128xi32, #tpu.memory_space<smem>>
    %jit3A = arith.constant 63 : i32
    %select_n3A = arith.select %lt3A_1, %jit3A, %get3A_3 : i32
    %c0_i32 = arith.constant 0 : i32
    %c0_i32_4 = arith.constant 0 : i32
    %c0_i32_5 = arith.constant 0 : i32
    return %select_n3A, %c0_i32, %c0_i32_4 : i32, i32, i32
  }
  func.func @transform_2(%arg0: i32, %arg1: memref<128xi32, #tpu.memory_space<smem>>) -> (i32, i32, i32) {
    %get3A = arith.index_cast %arg0 : i32 to index
    %get3A_0 = memref.load %arg1[%get3A] : memref<128xi32, #tpu.memory_space<smem>>
    %lt3A = arith.constant 0 : i32
    %lt3A_1 = arith.cmpi slt, %get3A_0, %lt3A : i32
    %get3A_2 = arith.index_cast %arg0 : i32 to index
    %get3A_3 = memref.load %arg1[%get3A_2] : memref<128xi32, #tpu.memory_space<smem>>
    %jit3A = arith.constant 63 : i32
    %select_n3A = arith.select %lt3A_1, %jit3A, %get3A_3 : i32
    %c1_i32 = arith.constant 1 : i32
    %c0_i32 = arith.constant 0 : i32
    %c0_i32_4 = arith.constant 0 : i32
    return %select_n3A, %c1_i32, %c0_i32 : i32, i32, i32
  }
  func.func @transform_3(%arg0: i32, %arg1: memref<128xi32, #tpu.memory_space<smem>>) -> (i32, i32, i32) {
    %get3A = arith.index_cast %arg0 : i32 to index
    %get3A_0 = memref.load %arg1[%get3A] : memref<128xi32, #tpu.memory_space<smem>>
    %lt3A = arith.constant 0 : i32
    %lt3A_1 = arith.cmpi slt, %get3A_0, %lt3A : i32
    %get3A_2 = arith.index_cast %arg0 : i32 to index
    %get3A_3 = memref.load %arg1[%get3A_2] : memref<128xi32, #tpu.memory_space<smem>>
    %jit3A = arith.constant 63 : i32
    %select_n3A = arith.select %lt3A_1, %jit3A, %get3A_3 : i32
    %c0_i32 = arith.constant 0 : i32
    %c0_i32_4 = arith.constant 0 : i32
    %c0_i32_5 = arith.constant 0 : i32
    return %select_n3A, %c0_i32, %c0_i32_4 : i32, i32, i32
  }
  func.func @transform_4(%arg0: i32, %arg1: memref<128xi32, #tpu.memory_space<smem>>) -> (i32, i32) {
    %get3A = arith.index_cast %arg0 : i32 to index
    %get3A_0 = memref.load %arg1[%get3A] : memref<128xi32, #tpu.memory_space<smem>>
    %lt3A = arith.constant 0 : i32
    %lt3A_1 = arith.cmpi slt, %get3A_0, %lt3A : i32
    %jit3A = arith.constant 127 : i32
    %select_n3A = arith.select %lt3A_1, %jit3A, %arg0 : i32
    %c0_i32 = arith.constant 0 : i32
    %c0_i32_2 = arith.constant 0 : i32
    return %select_n3A, %c0_i32 : i32, i32
  }
}

module attributes {stable_mosaic.version = 14 : i64} {
  func.func @_router_binning_body(%arg0: memref<4096x768xf32, #tpu.memory_space<vmem>>, %arg1: memref<64x768xf32, #tpu.memory_space<vmem>>, %arg2: memref<8192x1xi32, #tpu.memory_space<vmem>>, %arg3: memref<128x1xi32, #tpu.memory_space<vmem>>, %arg4: memref<8192x16xf32, #tpu.memory_space<vmem>>) attributes {dimension_semantics = [], scalar_prefetch = 0 : i64, scratch_operands = 0 : i64, tpu.core_type = #tpu.core_type<tc>} {
    %get3A = arith.constant 0 : index
    %get3A_0 = arith.constant 0 : index
    %get3A_1 = vector.load %arg0[%get3A, %get3A_0] : memref<4096x768xf32, #tpu.memory_space<vmem>>, vector<4096x768xf32>
    %get3A_2 = arith.constant 0 : index
    %get3A_3 = arith.constant 0 : index
    %get3A_4 = vector.load %arg1[%get3A_2, %get3A_3] : memref<64x768xf32, #tpu.memory_space<vmem>>, vector<64x768xf32>
    %dot_general3A = arith.constant dense<0.000000e+00> : vector<4096x64xf32>
    %dot_general3A_5 = tpu.matmul %get3A_1, %get3A_4, %dot_general3A {dimension_numbers = #tpu.dot_dimension_numbers<[1], [1], [0], [0], [0, 0, 1, 0], [], []>, transpose_lhs_hint = false} : vector<4096x768xf32>, vector<64x768xf32>, vector<4096x64xf32> -> vector<4096x64xf32>
    %iota3A = tpu.iota {dimensions = array<i32: 1>} : vector<4096x64xi32>
    %reduce_max3A = arith.constant dense<0xFF800000> : vector<4096xf32>
    %reduce_max3A_6 = vector.multi_reduction <maximumf>, %dot_general3A_5, %reduce_max3A [1] : vector<4096x64xf32> to vector<4096xf32>
    %broadcast_in_dim3A = vector.shape_cast %reduce_max3A_6 : vector<4096xf32> to vector<4096x1xf32>
    %eq3A = vector.broadcast %broadcast_in_dim3A : vector<4096x1xf32> to vector<4096x64xf32>
    %eq3A_7 = arith.cmpf oeq, %dot_general3A_5, %eq3A : vector<4096x64xf32>
    %jit3A = arith.constant 64 : i32
    %broadcast_in_dim3A_8 = vector.broadcast %jit3A : i32 to vector<4096x64xi32>
    %select_n3A = arith.select %eq3A_7, %iota3A, %broadcast_in_dim3A_8 : vector<4096x64xi1>, vector<4096x64xi32>
    %reduce_min3A = arith.constant dense<2147483647> : vector<4096xi32>
    %reduce_min3A_9 = vector.multi_reduction <minsi>, %select_n3A, %reduce_min3A [1] : vector<4096x64xi32> to vector<4096xi32>
    %broadcast_in_dim3A_10 = vector.shape_cast %reduce_min3A_9 : vector<4096xi32> to vector<4096x1xi32>
    %eq3A_11 = vector.broadcast %broadcast_in_dim3A_10 : vector<4096x1xi32> to vector<4096x64xi32>
    %eq3A_12 = arith.cmpi eq, %iota3A, %eq3A_11 : vector<4096x64xi32>
    %jit3A_13 = arith.constant 0xFF800000 : f32
    %broadcast_in_dim3A_14 = vector.broadcast %jit3A_13 : f32 to vector<4096x64xf32>
    %select_n3A_15 = arith.select %eq3A_12, %broadcast_in_dim3A_14, %dot_general3A_5 : vector<4096x64xi1>, vector<4096x64xf32>
    %reduce_max3A_16 = arith.constant dense<0xFF800000> : vector<4096xf32>
    %reduce_max3A_17 = vector.multi_reduction <maximumf>, %select_n3A_15, %reduce_max3A_16 [1] : vector<4096x64xf32> to vector<4096xf32>
    %broadcast_in_dim3A_18 = vector.shape_cast %reduce_max3A_17 : vector<4096xf32> to vector<4096x1xf32>
    %eq3A_19 = vector.broadcast %broadcast_in_dim3A_18 : vector<4096x1xf32> to vector<4096x64xf32>
    %eq3A_20 = arith.cmpf oeq, %select_n3A_15, %eq3A_19 : vector<4096x64xf32>
    %jit3A_21 = arith.constant 64 : i32
    %broadcast_in_dim3A_22 = vector.broadcast %jit3A_21 : i32 to vector<4096x64xi32>
    %select_n3A_23 = arith.select %eq3A_20, %iota3A, %broadcast_in_dim3A_22 : vector<4096x64xi1>, vector<4096x64xi32>
    %reduce_min3A_24 = arith.constant dense<2147483647> : vector<4096xi32>
    %reduce_min3A_25 = vector.multi_reduction <minsi>, %select_n3A_23, %reduce_min3A_24 [1] : vector<4096x64xi32> to vector<4096xi32>
    %broadcast_in_dim3A_26 = vector.shape_cast %reduce_min3A_25 : vector<4096xi32> to vector<4096x1xi32>
    %sub3A = arith.subf %broadcast_in_dim3A_18, %broadcast_in_dim3A : vector<4096x1xf32>
    %exp3A = math.exp %sub3A : vector<4096x1xf32>
    %add3A = arith.constant 1.000000e+00 : f32
    %add3A_27 = vector.broadcast %add3A : f32 to vector<4096x1xf32>
    %add3A_28 = arith.addf %add3A_27, %exp3A : vector<4096x1xf32>
    %div3A = arith.constant 1.000000e+00 : f32
    %div3A_29 = vector.broadcast %div3A : f32 to vector<4096x1xf32>
    %div3A_30 = arith.divf %div3A_29, %add3A_28 : vector<4096x1xf32>
    %mul3A = arith.mulf %exp3A, %div3A_30 : vector<4096x1xf32>
    %concatenate3A = tpu.concatenate %div3A_30, %mul3A in 0 : vector<4096x1xf32>, vector<4096x1xf32> -> vector<8192x1xf32>
    %broadcast_in_dim3A_31 = vector.shape_cast %concatenate3A : vector<8192x1xf32> to vector<8192x1xf32>
    %broadcast_in_dim3A_32 = vector.broadcast %broadcast_in_dim3A_31 : vector<8192x1xf32> to vector<8192x16xf32>
    %swap3A = arith.constant 0 : index
    %swap3A_33 = arith.constant 0 : index
    %swap3A_34 = vector.load %arg4[%swap3A, %swap3A_33] : memref<8192x16xf32, #tpu.memory_space<vmem>>, vector<8192x16xf32>
    tpu.vector_store %arg4[%swap3A, %swap3A_33], %broadcast_in_dim3A_32 {strides = array<i32>} : memref<8192x16xf32, #tpu.memory_space<vmem>>, vector<8192x16xf32>,
    %concatenate3A_35 = tpu.concatenate %broadcast_in_dim3A_10, %broadcast_in_dim3A_26 in 0 : vector<4096x1xi32>, vector<4096x1xi32> -> vector<8192x1xi32>
    %iota3A_36 = tpu.iota {dimensions = array<i32: 1>} : vector<8192x64xi32>
    %eq3A_37 = vector.broadcast %concatenate3A_35 : vector<8192x1xi32> to vector<8192x64xi32>
    %eq3A_38 = arith.cmpi eq, %iota3A_36, %eq3A_37 : vector<8192x64xi32>
    %convert_element_type3A = arith.extui %eq3A_38 : vector<8192x64xi1> to vector<8192x64xi32>
    %convert_element_type3A_39 = arith.sitofp %convert_element_type3A : vector<8192x64xi32> to vector<8192x64xf32>
    %iota3A_40 = tpu.iota {dimensions = array<i32: 0>} : vector<512x512xi32>
    %iota3A_41 = tpu.iota {dimensions = array<i32: 1>} : vector<512x512xi32>
    %gt3A = arith.cmpi sgt, %iota3A_40, %iota3A_41 : vector<512x512xi32>
    %convert_element_type3A_42 = arith.extui %gt3A : vector<512x512xi1> to vector<512x512xi32>
    %convert_element_type3A_43 = arith.sitofp %convert_element_type3A_42 : vector<512x512xi32> to vector<512x512xf32>
    %broadcast_in_dim3A_44 = arith.constant 0.000000e+00 : f32
    %broadcast_in_dim3A_45 = vector.broadcast %broadcast_in_dim3A_44 : f32 to vector<1x64xf32>
    %slice3A = vector.extract_strided_slice %convert_element_type3A_39 {offsets = [0, 0], sizes = [512, 64], strides = [1, 1]} : vector<8192x64xf32> to vector<512x64xf32>
    %dot_general3A_46 = arith.constant dense<0.000000e+00> : vector<512x64xf32>
    %dot_general3A_47 = tpu.matmul %convert_element_type3A_43, %slice3A, %dot_general3A_46 {dimension_numbers = #tpu.dot_dimension_numbers<[1], [0], [0], [1], [0, 0, 1, 1], [], []>, transpose_lhs_hint = false} : vector<512x512xf32>, vector<512x64xf32>, vector<512x64xf32> -> vector<512x64xf32>
    %mul3A_48 = arith.mulf %slice3A, %dot_general3A_47 : vector<512x64xf32>
    %reduce_sum3A = arith.constant dense<0.000000e+00> : vector<512xf32>
    %reduce_sum3A_49 = vector.multi_reduction <add>, %mul3A_48, %reduce_sum3A [1] : vector<512x64xf32> to vector<512xf32>
    %broadcast_in_dim3A_50 = vector.shape_cast %reduce_sum3A_49 : vector<512xf32> to vector<512x1xf32>
    %mul3A_51 = vector.broadcast %broadcast_in_dim3A_45 : vector<1x64xf32> to vector<512x64xf32>
    %mul3A_52 = arith.mulf %slice3A, %mul3A_51 : vector<512x64xf32>
    %reduce_sum3A_53 = arith.constant dense<0.000000e+00> : vector<512xf32>
    %reduce_sum3A_54 = vector.multi_reduction <add>, %mul3A_52, %reduce_sum3A_53 [1] : vector<512x64xf32> to vector<512xf32>
    %broadcast_in_dim3A_55 = vector.shape_cast %reduce_sum3A_54 : vector<512xf32> to vector<512x1xf32>
    %add3A_56 = arith.addf %broadcast_in_dim3A_50, %broadcast_in_dim3A_55 : vector<512x1xf32>
    %reduce_sum3A_57 = arith.constant dense<0.000000e+00> : vector<64xf32>
    %reduce_sum3A_58 = vector.multi_reduction <add>, %slice3A, %reduce_sum3A_57 [0] : vector<512x64xf32> to vector<64xf32>
    %broadcast_in_dim3A_59 = vector.shape_cast %reduce_sum3A_58 : vector<64xf32> to vector<1x64xf32>
    %add3A_60 = arith.addf %broadcast_in_dim3A_45, %broadcast_in_dim3A_59 : vector<1x64xf32>
    %slice3A_61 = vector.extract_strided_slice %convert_element_type3A_39 {offsets = [512, 0], sizes = [512, 64], strides = [1, 1]} : vector<8192x64xf32> to vector<512x64xf32>
    %dot_general3A_62 = arith.constant dense<0.000000e+00> : vector<512x64xf32>
    %dot_general3A_63 = tpu.matmul %convert_element_type3A_43, %slice3A_61, %dot_general3A_62 {dimension_numbers = #tpu.dot_dimension_numbers<[1], [0], [0], [1], [0, 0, 1, 1], [], []>, transpose_lhs_hint = false} : vector<512x512xf32>, vector<512x64xf32>, vector<512x64xf32> -> vector<512x64xf32>
    %mul3A_64 = arith.mulf %slice3A_61, %dot_general3A_63 : vector<512x64xf32>
    %reduce_sum3A_65 = arith.constant dense<0.000000e+00> : vector<512xf32>
    %reduce_sum3A_66 = vector.multi_reduction <add>, %mul3A_64, %reduce_sum3A_65 [1] : vector<512x64xf32> to vector<512xf32>
    %broadcast_in_dim3A_67 = vector.shape_cast %reduce_sum3A_66 : vector<512xf32> to vector<512x1xf32>
    %mul3A_68 = vector.broadcast %add3A_60 : vector<1x64xf32> to vector<512x64xf32>
    %mul3A_69 = arith.mulf %slice3A_61, %mul3A_68 : vector<512x64xf32>
    %reduce_sum3A_70 = arith.constant dense<0.000000e+00> : vector<512xf32>
    %reduce_sum3A_71 = vector.multi_reduction <add>, %mul3A_69, %reduce_sum3A_70 [1] : vector<512x64xf32> to vector<512xf32>
    %broadcast_in_dim3A_72 = vector.shape_cast %reduce_sum3A_71 : vector<512xf32> to vector<512x1xf32>
    %add3A_73 = arith.addf %broadcast_in_dim3A_67, %broadcast_in_dim3A_72 : vector<512x1xf32>
    %reduce_sum3A_74 = arith.constant dense<0.000000e+00> : vector<64xf32>
    %reduce_sum3A_75 = vector.multi_reduction <add>, %slice3A_61, %reduce_sum3A_74 [0] : vector<512x64xf32> to vector<64xf32>
    %broadcast_in_dim3A_76 = vector.shape_cast %reduce_sum3A_75 : vector<64xf32> to vector<1x64xf32>
    %add3A_77 = arith.addf %add3A_60, %broadcast_in_dim3A_76 : vector<1x64xf32>
    %slice3A_78 = vector.extract_strided_slice %convert_element_type3A_39 {offsets = [1024, 0], sizes = [512, 64], strides = [1, 1]} : vector<8192x64xf32> to vector<512x64xf32>
    %dot_general3A_79 = arith.constant dense<0.000000e+00> : vector<512x64xf32>
    %dot_general3A_80 = tpu.matmul %convert_element_type3A_43, %slice3A_78, %dot_general3A_79 {dimension_numbers = #tpu.dot_dimension_numbers<[1], [0], [0], [1], [0, 0, 1, 1], [], []>, transpose_lhs_hint = false} : vector<512x512xf32>, vector<512x64xf32>, vector<512x64xf32> -> vector<512x64xf32>
    %mul3A_81 = arith.mulf %slice3A_78, %dot_general3A_80 : vector<512x64xf32>
    %reduce_sum3A_82 = arith.constant dense<0.000000e+00> : vector<512xf32>
    %reduce_sum3A_83 = vector.multi_reduction <add>, %mul3A_81, %reduce_sum3A_82 [1] : vector<512x64xf32> to vector<512xf32>
    %broadcast_in_dim3A_84 = vector.shape_cast %reduce_sum3A_83 : vector<512xf32> to vector<512x1xf32>
    %mul3A_85 = vector.broadcast %add3A_77 : vector<1x64xf32> to vector<512x64xf32>
    %mul3A_86 = arith.mulf %slice3A_78, %mul3A_85 : vector<512x64xf32>
    %reduce_sum3A_87 = arith.constant dense<0.000000e+00> : vector<512xf32>
    %reduce_sum3A_88 = vector.multi_reduction <add>, %mul3A_86, %reduce_sum3A_87 [1] : vector<512x64xf32> to vector<512xf32>
    %broadcast_in_dim3A_89 = vector.shape_cast %reduce_sum3A_88 : vector<512xf32> to vector<512x1xf32>
    %add3A_90 = arith.addf %broadcast_in_dim3A_84, %broadcast_in_dim3A_89 : vector<512x1xf32>
    %reduce_sum3A_91 = arith.constant dense<0.000000e+00> : vector<64xf32>
    %reduce_sum3A_92 = vector.multi_reduction <add>, %slice3A_78, %reduce_sum3A_91 [0] : vector<512x64xf32> to vector<64xf32>
    %broadcast_in_dim3A_93 = vector.shape_cast %reduce_sum3A_92 : vector<64xf32> to vector<1x64xf32>
    %add3A_94 = arith.addf %add3A_77, %broadcast_in_dim3A_93 : vector<1x64xf32>
    %slice3A_95 = vector.extract_strided_slice %convert_element_type3A_39 {offsets = [1536, 0], sizes = [512, 64], strides = [1, 1]} : vector<8192x64xf32> to vector<512x64xf32>
    %dot_general3A_96 = arith.constant dense<0.000000e+00> : vector<512x64xf32>
    %dot_general3A_97 = tpu.matmul %convert_element_type3A_43, %slice3A_95, %dot_general3A_96 {dimension_numbers = #tpu.dot_dimension_numbers<[1], [0], [0], [1], [0, 0, 1, 1], [], []>, transpose_lhs_hint = false} : vector<512x512xf32>, vector<512x64xf32>, vector<512x64xf32> -> vector<512x64xf32>
    %mul3A_98 = arith.mulf %slice3A_95, %dot_general3A_97 : vector<512x64xf32>
    %reduce_sum3A_99 = arith.constant dense<0.000000e+00> : vector<512xf32>
    %reduce_sum3A_100 = vector.multi_reduction <add>, %mul3A_98, %reduce_sum3A_99 [1] : vector<512x64xf32> to vector<512xf32>
    %broadcast_in_dim3A_101 = vector.shape_cast %reduce_sum3A_100 : vector<512xf32> to vector<512x1xf32>
    %mul3A_102 = vector.broadcast %add3A_94 : vector<1x64xf32> to vector<512x64xf32>
    %mul3A_103 = arith.mulf %slice3A_95, %mul3A_102 : vector<512x64xf32>
    %reduce_sum3A_104 = arith.constant dense<0.000000e+00> : vector<512xf32>
    %reduce_sum3A_105 = vector.multi_reduction <add>, %mul3A_103, %reduce_sum3A_104 [1] : vector<512x64xf32> to vector<512xf32>
    %broadcast_in_dim3A_106 = vector.shape_cast %reduce_sum3A_105 : vector<512xf32> to vector<512x1xf32>
    %add3A_107 = arith.addf %broadcast_in_dim3A_101, %broadcast_in_dim3A_106 : vector<512x1xf32>
    %reduce_sum3A_108 = arith.constant dense<0.000000e+00> : vector<64xf32>
    %reduce_sum3A_109 = vector.multi_reduction <add>, %slice3A_95, %reduce_sum3A_108 [0] : vector<512x64xf32> to vector<64xf32>
    %broadcast_in_dim3A_110 = vector.shape_cast %reduce_sum3A_109 : vector<64xf32> to vector<1x64xf32>
    %add3A_111 = arith.addf %add3A_94, %broadcast_in_dim3A_110 : vector<1x64xf32>
    %slice3A_112 = vector.extract_strided_slice %convert_element_type3A_39 {offsets = [2048, 0], sizes = [512, 64], strides = [1, 1]} : vector<8192x64xf32> to vector<512x64xf32>
    %dot_general3A_113 = arith.constant dense<0.000000e+00> : vector<512x64xf32>
    %dot_general3A_114 = tpu.matmul %convert_element_type3A_43, %slice3A_112, %dot_general3A_113 {dimension_numbers = #tpu.dot_dimension_numbers<[1], [0], [0], [1], [0, 0, 1, 1], [], []>, transpose_lhs_hint = false} : vector<512x512xf32>, vector<512x64xf32>, vector<512x64xf32> -> vector<512x64xf32>
    %mul3A_115 = arith.mulf %slice3A_112, %dot_general3A_114 : vector<512x64xf32>
    %reduce_sum3A_116 = arith.constant dense<0.000000e+00> : vector<512xf32>
    %reduce_sum3A_117 = vector.multi_reduction <add>, %mul3A_115, %reduce_sum3A_116 [1] : vector<512x64xf32> to vector<512xf32>
    %broadcast_in_dim3A_118 = vector.shape_cast %reduce_sum3A_117 : vector<512xf32> to vector<512x1xf32>
    %mul3A_119 = vector.broadcast %add3A_111 : vector<1x64xf32> to vector<512x64xf32>
    %mul3A_120 = arith.mulf %slice3A_112, %mul3A_119 : vector<512x64xf32>
    %reduce_sum3A_121 = arith.constant dense<0.000000e+00> : vector<512xf32>
    %reduce_sum3A_122 = vector.multi_reduction <add>, %mul3A_120, %reduce_sum3A_121 [1] : vector<512x64xf32> to vector<512xf32>
    %broadcast_in_dim3A_123 = vector.shape_cast %reduce_sum3A_122 : vector<512xf32> to vector<512x1xf32>
    %add3A_124 = arith.addf %broadcast_in_dim3A_118, %broadcast_in_dim3A_123 : vector<512x1xf32>
    %reduce_sum3A_125 = arith.constant dense<0.000000e+00> : vector<64xf32>
    %reduce_sum3A_126 = vector.multi_reduction <add>, %slice3A_112, %reduce_sum3A_125 [0] : vector<512x64xf32> to vector<64xf32>
    %broadcast_in_dim3A_127 = vector.shape_cast %reduce_sum3A_126 : vector<64xf32> to vector<1x64xf32>
    %add3A_128 = arith.addf %add3A_111, %broadcast_in_dim3A_127 : vector<1x64xf32>
    %slice3A_129 = vector.extract_strided_slice %convert_element_type3A_39 {offsets = [2560, 0], sizes = [512, 64], strides = [1, 1]} : vector<8192x64xf32> to vector<512x64xf32>
    %dot_general3A_130 = arith.constant dense<0.000000e+00> : vector<512x64xf32>
    %dot_general3A_131 = tpu.matmul %convert_element_type3A_43, %slice3A_129, %dot_general3A_130 {dimension_numbers = #tpu.dot_dimension_numbers<[1], [0], [0], [1], [0, 0, 1, 1], [], []>, transpose_lhs_hint = false} : vector<512x512xf32>, vector<512x64xf32>, vector<512x64xf32> -> vector<512x64xf32>
    %mul3A_132 = arith.mulf %slice3A_129, %dot_general3A_131 : vector<512x64xf32>
    %reduce_sum3A_133 = arith.constant dense<0.000000e+00> : vector<512xf32>
    %reduce_sum3A_134 = vector.multi_reduction <add>, %mul3A_132, %reduce_sum3A_133 [1] : vector<512x64xf32> to vector<512xf32>
    %broadcast_in_dim3A_135 = vector.shape_cast %reduce_sum3A_134 : vector<512xf32> to vector<512x1xf32>
    %mul3A_136 = vector.broadcast %add3A_128 : vector<1x64xf32> to vector<512x64xf32>
    %mul3A_137 = arith.mulf %slice3A_129, %mul3A_136 : vector<512x64xf32>
    %reduce_sum3A_138 = arith.constant dense<0.000000e+00> : vector<512xf32>
    %reduce_sum3A_139 = vector.multi_reduction <add>, %mul3A_137, %reduce_sum3A_138 [1] : vector<512x64xf32> to vector<512xf32>
    %broadcast_in_dim3A_140 = vector.shape_cast %reduce_sum3A_139 : vector<512xf32> to vector<512x1xf32>
    %add3A_141 = arith.addf %broadcast_in_dim3A_135, %broadcast_in_dim3A_140 : vector<512x1xf32>
    %reduce_sum3A_142 = arith.constant dense<0.000000e+00> : vector<64xf32>
    %reduce_sum3A_143 = vector.multi_reduction <add>, %slice3A_129, %reduce_sum3A_142 [0] : vector<512x64xf32> to vector<64xf32>
    %broadcast_in_dim3A_144 = vector.shape_cast %reduce_sum3A_143 : vector<64xf32> to vector<1x64xf32>
    %add3A_145 = arith.addf %add3A_128, %broadcast_in_dim3A_144 : vector<1x64xf32>
    %slice3A_146 = vector.extract_strided_slice %convert_element_type3A_39 {offsets = [3072, 0], sizes = [512, 64], strides = [1, 1]} : vector<8192x64xf32> to vector<512x64xf32>
    %dot_general3A_147 = arith.constant dense<0.000000e+00> : vector<512x64xf32>
    %dot_general3A_148 = tpu.matmul %convert_element_type3A_43, %slice3A_146, %dot_general3A_147 {dimension_numbers = #tpu.dot_dimension_numbers<[1], [0], [0], [1], [0, 0, 1, 1], [], []>, transpose_lhs_hint = false} : vector<512x512xf32>, vector<512x64xf32>, vector<512x64xf32> -> vector<512x64xf32>
    %mul3A_149 = arith.mulf %slice3A_146, %dot_general3A_148 : vector<512x64xf32>
    %reduce_sum3A_150 = arith.constant dense<0.000000e+00> : vector<512xf32>
    %reduce_sum3A_151 = vector.multi_reduction <add>, %mul3A_149, %reduce_sum3A_150 [1] : vector<512x64xf32> to vector<512xf32>
    %broadcast_in_dim3A_152 = vector.shape_cast %reduce_sum3A_151 : vector<512xf32> to vector<512x1xf32>
    %mul3A_153 = vector.broadcast %add3A_145 : vector<1x64xf32> to vector<512x64xf32>
    %mul3A_154 = arith.mulf %slice3A_146, %mul3A_153 : vector<512x64xf32>
    %reduce_sum3A_155 = arith.constant dense<0.000000e+00> : vector<512xf32>
    %reduce_sum3A_156 = vector.multi_reduction <add>, %mul3A_154, %reduce_sum3A_155 [1] : vector<512x64xf32> to vector<512xf32>
    %broadcast_in_dim3A_157 = vector.shape_cast %reduce_sum3A_156 : vector<512xf32> to vector<512x1xf32>
    %add3A_158 = arith.addf %broadcast_in_dim3A_152, %broadcast_in_dim3A_157 : vector<512x1xf32>
    %reduce_sum3A_159 = arith.constant dense<0.000000e+00> : vector<64xf32>
    %reduce_sum3A_160 = vector.multi_reduction <add>, %slice3A_146, %reduce_sum3A_159 [0] : vector<512x64xf32> to vector<64xf32>
    %broadcast_in_dim3A_161 = vector.shape_cast %reduce_sum3A_160 : vector<64xf32> to vector<1x64xf32>
    %add3A_162 = arith.addf %add3A_145, %broadcast_in_dim3A_161 : vector<1x64xf32>
    %slice3A_163 = vector.extract_strided_slice %convert_element_type3A_39 {offsets = [3584, 0], sizes = [512, 64], strides = [1, 1]} : vector<8192x64xf32> to vector<512x64xf32>
    %dot_general3A_164 = arith.constant dense<0.000000e+00> : vector<512x64xf32>
    %dot_general3A_165 = tpu.matmul %convert_element_type3A_43, %slice3A_163, %dot_general3A_164 {dimension_numbers = #tpu.dot_dimension_numbers<[1], [0], [0], [1], [0, 0, 1, 1], [], []>, transpose_lhs_hint = false} : vector<512x512xf32>, vector<512x64xf32>, vector<512x64xf32> -> vector<512x64xf32>
    %mul3A_166 = arith.mulf %slice3A_163, %dot_general3A_165 : vector<512x64xf32>
    %reduce_sum3A_167 = arith.constant dense<0.000000e+00> : vector<512xf32>
    %reduce_sum3A_168 = vector.multi_reduction <add>, %mul3A_166, %reduce_sum3A_167 [1] : vector<512x64xf32> to vector<512xf32>
    %broadcast_in_dim3A_169 = vector.shape_cast %reduce_sum3A_168 : vector<512xf32> to vector<512x1xf32>
    %mul3A_170 = vector.broadcast %add3A_162 : vector<1x64xf32> to vector<512x64xf32>
    %mul3A_171 = arith.mulf %slice3A_163, %mul3A_170 : vector<512x64xf32>
    %reduce_sum3A_172 = arith.constant dense<0.000000e+00> : vector<512xf32>
    %reduce_sum3A_173 = vector.multi_reduction <add>, %mul3A_171, %reduce_sum3A_172 [1] : vector<512x64xf32> to vector<512xf32>
    %broadcast_in_dim3A_174 = vector.shape_cast %reduce_sum3A_173 : vector<512xf32> to vector<512x1xf32>
    %add3A_175 = arith.addf %broadcast_in_dim3A_169, %broadcast_in_dim3A_174 : vector<512x1xf32>
    %reduce_sum3A_176 = arith.constant dense<0.000000e+00> : vector<64xf32>
    %reduce_sum3A_177 = vector.multi_reduction <add>, %slice3A_163, %reduce_sum3A_176 [0] : vector<512x64xf32> to vector<64xf32>
    %broadcast_in_dim3A_178 = vector.shape_cast %reduce_sum3A_177 : vector<64xf32> to vector<1x64xf32>
    %add3A_179 = arith.addf %add3A_162, %broadcast_in_dim3A_178 : vector<1x64xf32>
    %slice3A_180 = vector.extract_strided_slice %convert_element_type3A_39 {offsets = [4096, 0], sizes = [512, 64], strides = [1, 1]} : vector<8192x64xf32> to vector<512x64xf32>
    %dot_general3A_181 = arith.constant dense<0.000000e+00> : vector<512x64xf32>
    %dot_general3A_182 = tpu.matmul %convert_element_type3A_43, %slice3A_180, %dot_general3A_181 {dimension_numbers = #tpu.dot_dimension_numbers<[1], [0], [0], [1], [0, 0, 1, 1], [], []>, transpose_lhs_hint = false} : vector<512x512xf32>, vector<512x64xf32>, vector<512x64xf32> -> vector<512x64xf32>
    %mul3A_183 = arith.mulf %slice3A_180, %dot_general3A_182 : vector<512x64xf32>
    %reduce_sum3A_184 = arith.constant dense<0.000000e+00> : vector<512xf32>
    %reduce_sum3A_185 = vector.multi_reduction <add>, %mul3A_183, %reduce_sum3A_184 [1] : vector<512x64xf32> to vector<512xf32>
    %broadcast_in_dim3A_186 = vector.shape_cast %reduce_sum3A_185 : vector<512xf32> to vector<512x1xf32>
    %mul3A_187 = vector.broadcast %add3A_179 : vector<1x64xf32> to vector<512x64xf32>
    %mul3A_188 = arith.mulf %slice3A_180, %mul3A_187 : vector<512x64xf32>
    %reduce_sum3A_189 = arith.constant dense<0.000000e+00> : vector<512xf32>
    %reduce_sum3A_190 = vector.multi_reduction <add>, %mul3A_188, %reduce_sum3A_189 [1] : vector<512x64xf32> to vector<512xf32>
    %broadcast_in_dim3A_191 = vector.shape_cast %reduce_sum3A_190 : vector<512xf32> to vector<512x1xf32>
    %add3A_192 = arith.addf %broadcast_in_dim3A_186, %broadcast_in_dim3A_191 : vector<512x1xf32>
    %reduce_sum3A_193 = arith.constant dense<0.000000e+00> : vector<64xf32>
    %reduce_sum3A_194 = vector.multi_reduction <add>, %slice3A_180, %reduce_sum3A_193 [0] : vector<512x64xf32> to vector<64xf32>
    %broadcast_in_dim3A_195 = vector.shape_cast %reduce_sum3A_194 : vector<64xf32> to vector<1x64xf32>
    %add3A_196 = arith.addf %add3A_179, %broadcast_in_dim3A_195 : vector<1x64xf32>
    %slice3A_197 = vector.extract_strided_slice %convert_element_type3A_39 {offsets = [4608, 0], sizes = [512, 64], strides = [1, 1]} : vector<8192x64xf32> to vector<512x64xf32>
    %dot_general3A_198 = arith.constant dense<0.000000e+00> : vector<512x64xf32>
    %dot_general3A_199 = tpu.matmul %convert_element_type3A_43, %slice3A_197, %dot_general3A_198 {dimension_numbers = #tpu.dot_dimension_numbers<[1], [0], [0], [1], [0, 0, 1, 1], [], []>, transpose_lhs_hint = false} : vector<512x512xf32>, vector<512x64xf32>, vector<512x64xf32> -> vector<512x64xf32>
    %mul3A_200 = arith.mulf %slice3A_197, %dot_general3A_199 : vector<512x64xf32>
    %reduce_sum3A_201 = arith.constant dense<0.000000e+00> : vector<512xf32>
    %reduce_sum3A_202 = vector.multi_reduction <add>, %mul3A_200, %reduce_sum3A_201 [1] : vector<512x64xf32> to vector<512xf32>
    %broadcast_in_dim3A_203 = vector.shape_cast %reduce_sum3A_202 : vector<512xf32> to vector<512x1xf32>
    %mul3A_204 = vector.broadcast %add3A_196 : vector<1x64xf32> to vector<512x64xf32>
    %mul3A_205 = arith.mulf %slice3A_197, %mul3A_204 : vector<512x64xf32>
    %reduce_sum3A_206 = arith.constant dense<0.000000e+00> : vector<512xf32>
    %reduce_sum3A_207 = vector.multi_reduction <add>, %mul3A_205, %reduce_sum3A_206 [1] : vector<512x64xf32> to vector<512xf32>
    %broadcast_in_dim3A_208 = vector.shape_cast %reduce_sum3A_207 : vector<512xf32> to vector<512x1xf32>
    %add3A_209 = arith.addf %broadcast_in_dim3A_203, %broadcast_in_dim3A_208 : vector<512x1xf32>
    %reduce_sum3A_210 = arith.constant dense<0.000000e+00> : vector<64xf32>
    %reduce_sum3A_211 = vector.multi_reduction <add>, %slice3A_197, %reduce_sum3A_210 [0] : vector<512x64xf32> to vector<64xf32>
    %broadcast_in_dim3A_212 = vector.shape_cast %reduce_sum3A_211 : vector<64xf32> to vector<1x64xf32>
    %add3A_213 = arith.addf %add3A_196, %broadcast_in_dim3A_212 : vector<1x64xf32>
    %slice3A_214 = vector.extract_strided_slice %convert_element_type3A_39 {offsets = [5120, 0], sizes = [512, 64], strides = [1, 1]} : vector<8192x64xf32> to vector<512x64xf32>
    %dot_general3A_215 = arith.constant dense<0.000000e+00> : vector<512x64xf32>
    %dot_general3A_216 = tpu.matmul %convert_element_type3A_43, %slice3A_214, %dot_general3A_215 {dimension_numbers = #tpu.dot_dimension_numbers<[1], [0], [0], [1], [0, 0, 1, 1], [], []>, transpose_lhs_hint = false} : vector<512x512xf32>, vector<512x64xf32>, vector<512x64xf32> -> vector<512x64xf32>
    %mul3A_217 = arith.mulf %slice3A_214, %dot_general3A_216 : vector<512x64xf32>
    %reduce_sum3A_218 = arith.constant dense<0.000000e+00> : vector<512xf32>
    %reduce_sum3A_219 = vector.multi_reduction <add>, %mul3A_217, %reduce_sum3A_218 [1] : vector<512x64xf32> to vector<512xf32>
    %broadcast_in_dim3A_220 = vector.shape_cast %reduce_sum3A_219 : vector<512xf32> to vector<512x1xf32>
    %mul3A_221 = vector.broadcast %add3A_213 : vector<1x64xf32> to vector<512x64xf32>
    %mul3A_222 = arith.mulf %slice3A_214, %mul3A_221 : vector<512x64xf32>
    %reduce_sum3A_223 = arith.constant dense<0.000000e+00> : vector<512xf32>
    %reduce_sum3A_224 = vector.multi_reduction <add>, %mul3A_222, %reduce_sum3A_223 [1] : vector<512x64xf32> to vector<512xf32>
    %broadcast_in_dim3A_225 = vector.shape_cast %reduce_sum3A_224 : vector<512xf32> to vector<512x1xf32>
    %add3A_226 = arith.addf %broadcast_in_dim3A_220, %broadcast_in_dim3A_225 : vector<512x1xf32>
    %reduce_sum3A_227 = arith.constant dense<0.000000e+00> : vector<64xf32>
    %reduce_sum3A_228 = vector.multi_reduction <add>, %slice3A_214, %reduce_sum3A_227 [0] : vector<512x64xf32> to vector<64xf32>
    %broadcast_in_dim3A_229 = vector.shape_cast %reduce_sum3A_228 : vector<64xf32> to vector<1x64xf32>
    %add3A_230 = arith.addf %add3A_213, %broadcast_in_dim3A_229 : vector<1x64xf32>
    %slice3A_231 = vector.extract_strided_slice %convert_element_type3A_39 {offsets = [5632, 0], sizes = [512, 64], strides = [1, 1]} : vector<8192x64xf32> to vector<512x64xf32>
    %dot_general3A_232 = arith.constant dense<0.000000e+00> : vector<512x64xf32>
    %dot_general3A_233 = tpu.matmul %convert_element_type3A_43, %slice3A_231, %dot_general3A_232 {dimension_numbers = #tpu.dot_dimension_numbers<[1], [0], [0], [1], [0, 0, 1, 1], [], []>, transpose_lhs_hint = false} : vector<512x512xf32>, vector<512x64xf32>, vector<512x64xf32> -> vector<512x64xf32>
    %mul3A_234 = arith.mulf %slice3A_231, %dot_general3A_233 : vector<512x64xf32>
    %reduce_sum3A_235 = arith.constant dense<0.000000e+00> : vector<512xf32>
    %reduce_sum3A_236 = vector.multi_reduction <add>, %mul3A_234, %reduce_sum3A_235 [1] : vector<512x64xf32> to vector<512xf32>
    %broadcast_in_dim3A_237 = vector.shape_cast %reduce_sum3A_236 : vector<512xf32> to vector<512x1xf32>
    %mul3A_238 = vector.broadcast %add3A_230 : vector<1x64xf32> to vector<512x64xf32>
    %mul3A_239 = arith.mulf %slice3A_231, %mul3A_238 : vector<512x64xf32>
    %reduce_sum3A_240 = arith.constant dense<0.000000e+00> : vector<512xf32>
    %reduce_sum3A_241 = vector.multi_reduction <add>, %mul3A_239, %reduce_sum3A_240 [1] : vector<512x64xf32> to vector<512xf32>
    %broadcast_in_dim3A_242 = vector.shape_cast %reduce_sum3A_241 : vector<512xf32> to vector<512x1xf32>
    %add3A_243 = arith.addf %broadcast_in_dim3A_237, %broadcast_in_dim3A_242 : vector<512x1xf32>
    %reduce_sum3A_244 = arith.constant dense<0.000000e+00> : vector<64xf32>
    %reduce_sum3A_245 = vector.multi_reduction <add>, %slice3A_231, %reduce_sum3A_244 [0] : vector<512x64xf32> to vector<64xf32>
    %broadcast_in_dim3A_246 = vector.shape_cast %reduce_sum3A_245 : vector<64xf32> to vector<1x64xf32>
    %add3A_247 = arith.addf %add3A_230, %broadcast_in_dim3A_246 : vector<1x64xf32>
    %slice3A_248 = vector.extract_strided_slice %convert_element_type3A_39 {offsets = [6144, 0], sizes = [512, 64], strides = [1, 1]} : vector<8192x64xf32> to vector<512x64xf32>
    %dot_general3A_249 = arith.constant dense<0.000000e+00> : vector<512x64xf32>
    %dot_general3A_250 = tpu.matmul %convert_element_type3A_43, %slice3A_248, %dot_general3A_249 {dimension_numbers = #tpu.dot_dimension_numbers<[1], [0], [0], [1], [0, 0, 1, 1], [], []>, transpose_lhs_hint = false} : vector<512x512xf32>, vector<512x64xf32>, vector<512x64xf32> -> vector<512x64xf32>
    %mul3A_251 = arith.mulf %slice3A_248, %dot_general3A_250 : vector<512x64xf32>
    %reduce_sum3A_252 = arith.constant dense<0.000000e+00> : vector<512xf32>
    %reduce_sum3A_253 = vector.multi_reduction <add>, %mul3A_251, %reduce_sum3A_252 [1] : vector<512x64xf32> to vector<512xf32>
    %broadcast_in_dim3A_254 = vector.shape_cast %reduce_sum3A_253 : vector<512xf32> to vector<512x1xf32>
    %mul3A_255 = vector.broadcast %add3A_247 : vector<1x64xf32> to vector<512x64xf32>
    %mul3A_256 = arith.mulf %slice3A_248, %mul3A_255 : vector<512x64xf32>
    %reduce_sum3A_257 = arith.constant dense<0.000000e+00> : vector<512xf32>
    %reduce_sum3A_258 = vector.multi_reduction <add>, %mul3A_256, %reduce_sum3A_257 [1] : vector<512x64xf32> to vector<512xf32>
    %broadcast_in_dim3A_259 = vector.shape_cast %reduce_sum3A_258 : vector<512xf32> to vector<512x1xf32>
    %add3A_260 = arith.addf %broadcast_in_dim3A_254, %broadcast_in_dim3A_259 : vector<512x1xf32>
    %reduce_sum3A_261 = arith.constant dense<0.000000e+00> : vector<64xf32>
    %reduce_sum3A_262 = vector.multi_reduction <add>, %slice3A_248, %reduce_sum3A_261 [0] : vector<512x64xf32> to vector<64xf32>
    %broadcast_in_dim3A_263 = vector.shape_cast %reduce_sum3A_262 : vector<64xf32> to vector<1x64xf32>
    %add3A_264 = arith.addf %add3A_247, %broadcast_in_dim3A_263 : vector<1x64xf32>
    %slice3A_265 = vector.extract_strided_slice %convert_element_type3A_39 {offsets = [6656, 0], sizes = [512, 64], strides = [1, 1]} : vector<8192x64xf32> to vector<512x64xf32>
    %dot_general3A_266 = arith.constant dense<0.000000e+00> : vector<512x64xf32>
    %dot_general3A_267 = tpu.matmul %convert_element_type3A_43, %slice3A_265, %dot_general3A_266 {dimension_numbers = #tpu.dot_dimension_numbers<[1], [0], [0], [1], [0, 0, 1, 1], [], []>, transpose_lhs_hint = false} : vector<512x512xf32>, vector<512x64xf32>, vector<512x64xf32> -> vector<512x64xf32>
    %mul3A_268 = arith.mulf %slice3A_265, %dot_general3A_267 : vector<512x64xf32>
    %reduce_sum3A_269 = arith.constant dense<0.000000e+00> : vector<512xf32>
    %reduce_sum3A_270 = vector.multi_reduction <add>, %mul3A_268, %reduce_sum3A_269 [1] : vector<512x64xf32> to vector<512xf32>
    %broadcast_in_dim3A_271 = vector.shape_cast %reduce_sum3A_270 : vector<512xf32> to vector<512x1xf32>
    %mul3A_272 = vector.broadcast %add3A_264 : vector<1x64xf32> to vector<512x64xf32>
    %mul3A_273 = arith.mulf %slice3A_265, %mul3A_272 : vector<512x64xf32>
    %reduce_sum3A_274 = arith.constant dense<0.000000e+00> : vector<512xf32>
    %reduce_sum3A_275 = vector.multi_reduction <add>, %mul3A_273, %reduce_sum3A_274 [1] : vector<512x64xf32> to vector<512xf32>
    %broadcast_in_dim3A_276 = vector.shape_cast %reduce_sum3A_275 : vector<512xf32> to vector<512x1xf32>
    %add3A_277 = arith.addf %broadcast_in_dim3A_271, %broadcast_in_dim3A_276 : vector<512x1xf32>
    %reduce_sum3A_278 = arith.constant dense<0.000000e+00> : vector<64xf32>
    %reduce_sum3A_279 = vector.multi_reduction <add>, %slice3A_265, %reduce_sum3A_278 [0] : vector<512x64xf32> to vector<64xf32>
    %broadcast_in_dim3A_280 = vector.shape_cast %reduce_sum3A_279 : vector<64xf32> to vector<1x64xf32>
    %add3A_281 = arith.addf %add3A_264, %broadcast_in_dim3A_280 : vector<1x64xf32>
    %slice3A_282 = vector.extract_strided_slice %convert_element_type3A_39 {offsets = [7168, 0], sizes = [512, 64], strides = [1, 1]} : vector<8192x64xf32> to vector<512x64xf32>
    %dot_general3A_283 = arith.constant dense<0.000000e+00> : vector<512x64xf32>
    %dot_general3A_284 = tpu.matmul %convert_element_type3A_43, %slice3A_282, %dot_general3A_283 {dimension_numbers = #tpu.dot_dimension_numbers<[1], [0], [0], [1], [0, 0, 1, 1], [], []>, transpose_lhs_hint = false} : vector<512x512xf32>, vector<512x64xf32>, vector<512x64xf32> -> vector<512x64xf32>
    %mul3A_285 = arith.mulf %slice3A_282, %dot_general3A_284 : vector<512x64xf32>
    %reduce_sum3A_286 = arith.constant dense<0.000000e+00> : vector<512xf32>
    %reduce_sum3A_287 = vector.multi_reduction <add>, %mul3A_285, %reduce_sum3A_286 [1] : vector<512x64xf32> to vector<512xf32>
    %broadcast_in_dim3A_288 = vector.shape_cast %reduce_sum3A_287 : vector<512xf32> to vector<512x1xf32>
    %mul3A_289 = vector.broadcast %add3A_281 : vector<1x64xf32> to vector<512x64xf32>
    %mul3A_290 = arith.mulf %slice3A_282, %mul3A_289 : vector<512x64xf32>
    %reduce_sum3A_291 = arith.constant dense<0.000000e+00> : vector<512xf32>
    %reduce_sum3A_292 = vector.multi_reduction <add>, %mul3A_290, %reduce_sum3A_291 [1] : vector<512x64xf32> to vector<512xf32>
    %broadcast_in_dim3A_293 = vector.shape_cast %reduce_sum3A_292 : vector<512xf32> to vector<512x1xf32>
    %add3A_294 = arith.addf %broadcast_in_dim3A_288, %broadcast_in_dim3A_293 : vector<512x1xf32>
    %reduce_sum3A_295 = arith.constant dense<0.000000e+00> : vector<64xf32>
    %reduce_sum3A_296 = vector.multi_reduction <add>, %slice3A_282, %reduce_sum3A_295 [0] : vector<512x64xf32> to vector<64xf32>
    %broadcast_in_dim3A_297 = vector.shape_cast %reduce_sum3A_296 : vector<64xf32> to vector<1x64xf32>
    %add3A_298 = arith.addf %add3A_281, %broadcast_in_dim3A_297 : vector<1x64xf32>
    %slice3A_299 = vector.extract_strided_slice %convert_element_type3A_39 {offsets = [7680, 0], sizes = [512, 64], strides = [1, 1]} : vector<8192x64xf32> to vector<512x64xf32>
    %dot_general3A_300 = arith.constant dense<0.000000e+00> : vector<512x64xf32>
    %dot_general3A_301 = tpu.matmul %convert_element_type3A_43, %slice3A_299, %dot_general3A_300 {dimension_numbers = #tpu.dot_dimension_numbers<[1], [0], [0], [1], [0, 0, 1, 1], [], []>, transpose_lhs_hint = false} : vector<512x512xf32>, vector<512x64xf32>, vector<512x64xf32> -> vector<512x64xf32>
    %mul3A_302 = arith.mulf %slice3A_299, %dot_general3A_301 : vector<512x64xf32>
    %reduce_sum3A_303 = arith.constant dense<0.000000e+00> : vector<512xf32>
    %reduce_sum3A_304 = vector.multi_reduction <add>, %mul3A_302, %reduce_sum3A_303 [1] : vector<512x64xf32> to vector<512xf32>
    %broadcast_in_dim3A_305 = vector.shape_cast %reduce_sum3A_304 : vector<512xf32> to vector<512x1xf32>
    %mul3A_306 = vector.broadcast %add3A_298 : vector<1x64xf32> to vector<512x64xf32>
    %mul3A_307 = arith.mulf %slice3A_299, %mul3A_306 : vector<512x64xf32>
    %reduce_sum3A_308 = arith.constant dense<0.000000e+00> : vector<512xf32>
    %reduce_sum3A_309 = vector.multi_reduction <add>, %mul3A_307, %reduce_sum3A_308 [1] : vector<512x64xf32> to vector<512xf32>
    %broadcast_in_dim3A_310 = vector.shape_cast %reduce_sum3A_309 : vector<512xf32> to vector<512x1xf32>
    %add3A_311 = arith.addf %broadcast_in_dim3A_305, %broadcast_in_dim3A_310 : vector<512x1xf32>
    %reduce_sum3A_312 = arith.constant dense<0.000000e+00> : vector<64xf32>
    %reduce_sum3A_313 = vector.multi_reduction <add>, %slice3A_299, %reduce_sum3A_312 [0] : vector<512x64xf32> to vector<64xf32>
    %broadcast_in_dim3A_314 = vector.shape_cast %reduce_sum3A_313 : vector<64xf32> to vector<1x64xf32>
    %add3A_315 = arith.addf %add3A_298, %broadcast_in_dim3A_314 : vector<1x64xf32>
    %concatenate3A_316 = tpu.concatenate %add3A_56, %add3A_73, %add3A_90, %add3A_107, %add3A_124, %add3A_141, %add3A_158, %add3A_175, %add3A_192, %add3A_209, %add3A_226, %add3A_243, %add3A_260, %add3A_277, %add3A_294, %add3A_311 in 0 : vector<512x1xf32>, vector<512x1xf32>, vector<512x1xf32>, vector<512x1xf32>, vector<512x1xf32>, vector<512x1xf32>, vector<512x1xf32>, vector<512x1xf32>, vector<512x1xf32>, vector<512x1xf32>, vector<512x1xf32>, vector<512x1xf32>, vector<512x1xf32>, vector<512x1xf32>, vector<512x1xf32>, vector<512x1xf32> -> vector<8192x1xf32>
    %add3A_317 = arith.constant 1.270000e+02 : f32
    %add3A_318 = vector.broadcast %add3A_317 : f32 to vector<1x64xf32>
    %add3A_319 = arith.addf %add3A_315, %add3A_318 : vector<1x64xf32>
    %mul3A_320 = arith.constant 7.812500e-03 : f32
    %mul3A_321 = vector.broadcast %mul3A_320 : f32 to vector<1x64xf32>
    %mul3A_322 = arith.mulf %add3A_319, %mul3A_321 : vector<1x64xf32>
    %floor3A = math.floor %mul3A_322 : vector<1x64xf32>
    %iota3A_323 = tpu.iota {dimensions = array<i32: 0>} : vector<64x64xi32>
    %iota3A_324 = tpu.iota {dimensions = array<i32: 1>} : vector<64x64xi32>
    %le3A = arith.cmpi sle, %iota3A_323, %iota3A_324 : vector<64x64xi32>
    %convert_element_type3A_325 = arith.extui %le3A : vector<64x64xi1> to vector<64x64xi32>
    %convert_element_type3A_326 = arith.sitofp %convert_element_type3A_325 : vector<64x64xi32> to vector<64x64xf32>
    %broadcast_in_dim3A_327 = vector.shape_cast %floor3A : vector<1x64xf32> to vector<1x64xf32>
    %broadcast_in_dim3A_328 = vector.broadcast %broadcast_in_dim3A_327 : vector<1x64xf32> to vector<8x64xf32>
    %dot_general3A_329 = arith.constant dense<0.000000e+00> : vector<8x64xf32>
    %dot_general3A_330 = tpu.matmul %broadcast_in_dim3A_328, %convert_element_type3A_326, %dot_general3A_329 {dimension_numbers = #tpu.dot_dimension_numbers<[1], [0], [0], [1], [0, 0, 1, 1], [], []>, transpose_lhs_hint = false} : vector<8x64xf32>, vector<64x64xf32>, vector<8x64xf32> -> vector<8x64xf32>
    %slice3A_331 = vector.extract_strided_slice %dot_general3A_330 {offsets = [0, 0], sizes = [1, 64], strides = [1, 1]} : vector<8x64xf32> to vector<1x64xf32>
    %sub3A_332 = arith.subf %slice3A_331, %floor3A : vector<1x64xf32>
    %mul3A_333 = arith.constant 1.280000e+02 : f32
    %mul3A_334 = vector.broadcast %mul3A_333 : f32 to vector<1x64xf32>
    %mul3A_335 = arith.mulf %sub3A_332, %mul3A_334 : vector<1x64xf32>
    %reduce_sum3A_336 = arith.constant dense<0.000000e+00> : vector<1xf32>
    %reduce_sum3A_337 = vector.multi_reduction <add>, %floor3A, %reduce_sum3A_336 [1] : vector<1x64xf32> to vector<1xf32>
    %broadcast_in_dim3A_338 = vector.shape_cast %reduce_sum3A_337 : vector<1xf32> to vector<1x1xf32>
    %iota3A_339 = tpu.iota {dimensions = array<i32: 0>} : vector<128x1xi32>
    %convert_element_type3A_340 = arith.sitofp %iota3A_339 : vector<128x1xi32> to vector<128x1xf32>
    %iota3A_341 = tpu.iota {dimensions = array<i32: 0>} : vector<128x64xi32>
    %convert_element_type3A_342 = arith.sitofp %iota3A_341 : vector<128x64xi32> to vector<128x64xf32>
    %le3A_343 = vector.broadcast %slice3A_331 : vector<1x64xf32> to vector<128x64xf32>
    %le3A_344 = arith.cmpf ole, %le3A_343, %convert_element_type3A_342 : vector<128x64xf32>
    %convert_element_type3A_345 = arith.extui %le3A_344 : vector<128x64xi1> to vector<128x64xi32>
    %reduce_sum3A_346 = arith.constant dense<0> : vector<128xi32>
    %reduce_sum3A_347 = vector.multi_reduction <add>, %convert_element_type3A_345, %reduce_sum3A_346 [1] : vector<128x64xi32> to vector<128xi32>
    %broadcast_in_dim3A_348 = vector.shape_cast %reduce_sum3A_347 : vector<128xi32> to vector<128x1xi32>
    %lt3A = vector.broadcast %broadcast_in_dim3A_338 : vector<1x1xf32> to vector<128x1xf32>
    %lt3A_349 = arith.cmpf olt, %convert_element_type3A_340, %lt3A : vector<128x1xf32>
    %min3A = arith.constant 63 : i32
    %min3A_350 = vector.broadcast %min3A : i32 to vector<128x1xi32>
    %min3A_351 = arith.minsi %broadcast_in_dim3A_348, %min3A_350 : vector<128x1xi32>
    %jit3A_352 = arith.constant -1 : i32
    %broadcast_in_dim3A_353 = vector.broadcast %jit3A_352 : i32 to vector<128x1xi32>
    %select_n3A_354 = arith.select %lt3A_349, %min3A_351, %broadcast_in_dim3A_353 : vector<128x1xi1>, vector<128x1xi32>
    %swap3A_355 = arith.constant 0 : index
    %swap3A_356 = arith.constant 0 : index
    %swap3A_357 = vector.load %arg3[%swap3A_355, %swap3A_356] : memref<128x1xi32, #tpu.memory_space<vmem>>, vector<128x1xi32>
    tpu.vector_store %arg3[%swap3A_355, %swap3A_356], %select_n3A_354 {strides = array<i32>} : memref<128x1xi32, #tpu.memory_space<vmem>>, vector<128x1xi32>,
    %mul3A_358 = vector.broadcast %mul3A_335 : vector<1x64xf32> to vector<8192x64xf32>
    %mul3A_359 = arith.mulf %convert_element_type3A_39, %mul3A_358 : vector<8192x64xf32>
    %reduce_sum3A_360 = arith.constant dense<0.000000e+00> : vector<8192xf32>
    %reduce_sum3A_361 = vector.multi_reduction <add>, %mul3A_359, %reduce_sum3A_360 [1] : vector<8192x64xf32> to vector<8192xf32>
    %broadcast_in_dim3A_362 = vector.shape_cast %reduce_sum3A_361 : vector<8192xf32> to vector<8192x1xf32>
    %add3A_363 = arith.addf %concatenate3A_316, %broadcast_in_dim3A_362 : vector<8192x1xf32>
    %convert_element_type3A_364 = arith.fptosi %add3A_363 : vector<8192x1xf32> to vector<8192x1xi32>
    %swap3A_365 = arith.constant 0 : index
    %swap3A_366 = arith.constant 0 : index
    %swap3A_367 = vector.load %arg2[%swap3A_365, %swap3A_366] : memref<8192x1xi32, #tpu.memory_space<vmem>>, vector<8192x1xi32>
    tpu.vector_store %arg2[%swap3A_365, %swap3A_366], %convert_element_type3A_364 {strides = array<i32>} : memref<8192x1xi32, #tpu.memory_space<vmem>>, vector<8192x1xi32>,
    return
  }
}

</mosaic_0001>

<sc_bundles>
// kernel: kernel.6.cloned.1.call-start
scs
__scs_entry_jumppad:
0x0: {  	(pc) =	sbr.rel $0x88, $3  }
0x1: {  	(tag) =	ssettag $0x0;
	lr =	simm.s32 $0x1  }
0x2: {  	[smem:$0x3F9D] =	sst lr;
	_ =	strace $0xD0000000  }
0x3: {  	_ = 	snop  }
0x4: {  	_ = 	snop  }
0x5: {  	_ = 	snop  }
0x6: {  	_ = 	snop  }
0x7: {  	_ = 	snop  }
__scs_overlays_trampoline_lowered:
0x8: {  	[smem:$0x3FAC] =	sst s0  }
0x9: {  	[smem:$0x3FAD] =	sst s1  }
0xa: {  	[smem:$0x3FAE] =	sst s2  }
0xb: {  	[smem:$0x3FAF] =	sst s3  }
0xc: {  	[smem:$0x3FB0] =	sst s4  }
0xd: {  	[smem:$0x3FB1] =	sst s5  }
0xe: {  	[smem:$0x3FB2] =	sst s6  }
0xf: {  	[smem:$0x3FB3] =	sst s7  }
0x10: {  	[smem:$0x3FB4] =	sst s8  }
0x11: {  	[smem:$0x3FB5] =	sst s9;
	s0 =	simm.s32 @!p0 $0x0  }
0x12: {  	s1 =	sld [smem:$0x3F9B];
	s0 =	simm.s32 @p0 $0x1  }
0x13: {  	[smem:$0x3FB6] =	sst s0;
	s0 =	simm.s32 @!p1 $0x0  }
0x14: {  	s2 =	sld [smem:$0x3F9A];
	s0 =	simm.s32 @p1 $0x1  }
0x15: {  	[smem:$0x3FB7] =	sst s0;
	s0 =	simm.s32 @!p2 $0x0  }
0x16: {  	s3 =	sld [smem:$0x3FDB];
	s0 =	simm.s32 @p2 $0x1  }
0x17: {  	s4 =	simm.s32 $0x1BF5;
	[smem:$0x3FB9] =	sst s0  }
0x18: {  	s0 =	sld [smem:$0x3F9C];
	_ =	swait.ge [sflag:s4], $0x0  }
0x19: {  	s7 =	sld [smem:$0x3F9D]  }
0x1a: {  	s8 =	sadd.s32 $0xFFFFE003, lr  }
0x1b: {  	s9 =	sadd.s32 $0xFFFFFEF7, lr;
	s5 =	simm.s32 $0xFFFFFFFF;
	p2 =	slt.u32 s8, $0xFFFFF086  }
0x1c: {  	p1 =	slt.u32 s9, $0xF7A;
	s5 =	simm.s32 @!p2 $0x0  }
0x1d: {  	s5 =	simm.s32 @p1 $0x1;
	p0 =	seq.s32 s7, s2  }
0x1e: {  	s7 =	smul.u32 @!p0 $0xF7A, s2;
	p2 =	seq.s32 @!p0 s5, $0x0  }
0x1f: {  	s9 =	smul.u32 $0xF7A, s1;
	s8 =	simm.s32 @!p0 $0x1BF5;
	p2 =	por !p2, p0  }
0x20: {  	[sflag:s8] =	ssyncset.s32 @!p0 $0xFFFFF086;
	s6 =	sadd.s32 @!p0 s3, s7;
	s7 =	simm.s32 @!p0 $0x108  }
0x21: {  	s3 =	sadd.s32 s3, s9;
	s6 =	sadd.s32 @!p0 $0x88, s6;
	s7 =	simm.s32 @p2 $0x1082  }
0x22: {  	[simem:s7], [sflag:s8] =	dma.local @!p0 [hbm:s6], $0xF7A  }
0x23: {  	s9 =	sor.u32 $0xD0000000, s2;
	s6 =	simm.s32 $0x108;
	_ =	swait.ge @!p0 [sflag:s8], $0x0  }
0x24: {  	s3 =	sadd.s32 $0x88, s3;
	s6 =	simm.s32 @!p1 $0x1082;
	[sflag:s4] =	ssyncset.s32 $0xFFFFF086  }
0x25: {  	[simem:s6], [sflag:s4] =	dma.local [hbm:s3], $0xF7A  }
0x26: {  	[smem:$0x3F9D] =	sst s1;
	(tag) =	ssettag s2;
	_ =	strace s9  }
0x27: {  	s1 =	sld [smem:$0x3FAD]  }
0x28: {  	s2 =	sld [smem:$0x3FAE]  }
0x29: {  	s4 =	sld [smem:$0x3FB0]  }
0x2a: {  	p0 =	seq.s32 s5, $0x0;
	s5 =	sld [smem:$0x3FB1]  }
0x2b: {  	s6 =	sld [smem:$0x3FB2]  }
0x2c: {  	s7 =	sld [smem:$0x3FB3]  }
0x2d: {  	s3 =	simm.s32 $0x108;
	s8 =	sld [smem:$0x3FB4]  }
0x2e: {  	s3 =	simm.s32 @!p0 $0x1082;
	s9 =	sld [smem:$0x3FB5]  }
0x2f: {  	lr =	sadd.s32 s0, s3;
	s0 =	sld [smem:$0x3FAC]  }
0x30: {  	s3 =	sld [smem:$0x3FAF]  }
0x31: {  	[smem:$0x3FB8] =	sst s10  }
0x32: {  	s10 =	sld [smem:$0x3FB6];
	_ =	sdelay $0x3  }
0x33: {  	p0 =	seq.s32 s10, $0x1;
	s10 =	sld [smem:$0x3FB8];
	_ =	sdelay $0x3  }
0x34: {  	[smem:$0x3FB8] =	sst s10  }
0x35: {  	s10 =	sld [smem:$0x3FB7];
	_ =	sdelay $0x3  }
0x36: {  	p1 =	seq.s32 s10, $0x1;
	s10 =	sld [smem:$0x3FB8];
	_ =	sdelay $0x3  }
0x37: {  	[smem:$0x3FB8] =	sst s10  }
0x38: {  	s10 =	sld [smem:$0x3FB9]  }
0x39: {  	_ = 	snop;
	(pc) =	sbr.ind lr, $3  }
0x3a: {  	_ = 	snop  }
0x3b: {  	_ = 	snop  }
0x3c: {  	p2 =	seq.s32 s10, $0x1;
	s10 =	sld [smem:$0x3FB8]  }
0x3d: {  	_ =	shalt  }
0x3e: {  	_ =	shalt  }
0x3f: {  	_ =	shalt  }
0x40: {  	_ =	shalt  }
0x41: {  	_ =	shalt  }
0x42: {  	_ =	shalt  }
0x43: {  	_ =	shalt  }
0x44: {  	_ =	shalt  }
0x45: {  	_ =	shalt  }
0x46: {  	_ =	shalt  }
0x47: {  	_ =	shalt  }
0x48: {  	_ =	shalt  }
0x49: {  	_ =	shalt  }
0x4a: {  	_ =	shalt  }
0x4b: {  	_ =	shalt  }
0x4c: {  	_ =	shalt  }
0x4d: {  	_ =	shalt  }
0x4e: {  	_ =	shalt  }
0x4f: {  	_ =	shalt  }
0x50: {  	_ =	shalt  }
0x51: {  	_ =	shalt  }
0x52: {  	_ =	shalt  }
0x53: {  	_ =	shalt  }
0x54: {  	_ =	shalt  }
0x55: {  	_ =	shalt  }
0x56: {  	_ =	shalt  }
0x57: {  	_ =	shalt  }
0x58: {  	_ =	shalt  }
0x59: {  	_ =	shalt  }
0x5a: {  	_ =	shalt  }
0x5b: {  	_ =	shalt  }
0x5c: {  	_ =	shalt  }
0x5d: {  	_ =	shalt  }
0x5e: {  	_ =	shalt  }
0x5f: {  	_ =	shalt  }
0x60: {  	_ =	shalt  }
0x61: {  	_ =	shalt  }
0x62: {  	_ =	shalt  }
0x63: {  	_ =	shalt  }
0x64: {  	_ =	shalt  }
0x65: {  	_ =	shalt  }
0x66: {  	_ =	shalt  }
0x67: {  	_ =	shalt  }
0x68: {  	_ =	shalt  }
0x69: {  	_ =	shalt  }
0x6a: {  	_ =	shalt  }
0x6b: {  	_ =	shalt  }
0x6c: {  	_ =	shalt  }
0x6d: {  	_ =	shalt  }
0x6e: {  	_ =	shalt  }
0x6f: {  	_ =	shalt  }
0x70: {  	_ =	shalt  }
0x71: {  	_ =	shalt  }
0x72: {  	_ =	shalt  }
0x73: {  	_ =	shalt  }
0x74: {  	_ =	shalt  }
0x75: {  	_ =	shalt  }
0x76: {  	_ =	shalt  }
0x77: {  	_ =	shalt  }
0x78: {  	_ =	shalt  }
0x79: {  	_ =	shalt  }
0x7a: {  	_ =	shalt  }
0x7b: {  	_ =	shalt  }
0x7c: {  	_ =	shalt  }
0x7d: {  	_ =	shalt  }
0x7e: {  	_ =	shalt  }
0x7f: {  	_ =	shalt  }
0x80: {  	_ =	shalt  }
0x81: {  	_ =	shalt  }
0x82: {  	_ =	shalt  }
0x83: {  	_ =	shalt  }
0x84: {  	_ =	shalt  }
0x85: {  	_ =	shalt  }
0x86: {  	_ =	shalt  }
0x87: {  	_ =	shalt  }
.Lfunc_end0:
.L_simem_size_0:
called_computation_lowered:
.L_overlay_start_0:
0x88: {  	s2 =	sld [smem:$0x3FD9]  }
0x89: {  	s3 =	sld [smem:$0x3FFE];
	_ =	sdelay $0x1  }
0x8a: {  	s1 =	srdreg.scid  }
0x8b: {  	s0 =	sand.u32 $0x1, s1  }
0x8c: {  	s17 =	sshll.u32 s0, $0xA;
	s2 =	sadd.s32 s3, s2  }
0x8d: {  	s2 =	sadd.s32 s2, s17  }
0x8e: {  	[smem:$0x3FC4] =	sst s2  }
0x8f: {  	_ = 	snop  }
0x90: {  	s2 =	sld [smem:$0x3FC9];
	(tm) =	ssettm $0x1  }
0x91: {  	s18 =	sld [smem:$0x3FFB];
	_ =	sdelay $0x3  }
0x92: {  	_ =	strace s18  }
0x93: {  	s3 =	sld [smem:$0x3FFC];
	_ =	sdelay $0x3  }
0x94: {  	_ =	strace s3  }
0x95: {  	s3 =	sld [smem:$0x3FFD];
	_ =	sdelay $0x3  }
0x96: {  	_ =	strace s3  }
0x97: {  	_ =	strace $0x8FFFFFFF  }
0x98: {  	s19 =	sld [smem:$0x3FDB];
	_ =	sdelay $0x1  }
0x99: {  	s4 =	simm.s32 $_scs_section_size  }
0x9a: {  	s5 =	simm.s32 $_size__tile_overlayer_lowered;
	s6 =	simm.s32 $_tile_overlayer_lowered  }
0x9b: {  	s22 =	simm.s32 $0x1BFF;
	s21 =	sshll.u32 s6, $0x1;
	s3 =	sadd.s32 s4, s19  }
0x9c: {  	s7 =	simm.s32 $0x0;
	s20 =	sshll.u32 s5, $0x1;
	s5 =	sadd.s32 s21, s3  }
0x9d: {  	[timem:s7], [sflag:s22] =	dma.local [hbm:s5], s20  }
0x9e: {  	_ =	swait.ge [sflag:s22], s20  }
0x9f: {  	s4 =	ssub.s32 $0x0, s20;
	[sflag:s22] =	ssyncset.done $0x0  }
0xa0: {  	[sflag:s22] =	ssyncadd.s32 s4;
	_ =	sdelay $0x1  }
0xa1: {  	s23 =	simm.s32 $0x1B8B  }
0xa2: {  	_ =	swait.ge [sflag:s23], $0x1  }
0xa3: {  	[sflag:s23] =	ssyncset.done $0x0  }
0xa4: {  	s25 =	simm.s32 $0x1B8E;
	s24 =	sld [smem:$0x3FFE];
	[sflag:s23] =	ssyncadd.s32 $0xFFFFFFFF  }
0xa5: {  	s26 =	simm.s32 $execute0_lowered;
	[smem:$0x3FD2] =	sst s25  }
0xa6: {  	s5 =	sshll.u32 s26, $0x1;
	_ =	strace $0x80000046;
	[dreg:$0x1] =	wrdreg $0xFFFFFFFF  }
0xa7: {  	s28 =	simm.s32 $_size_execute0_lowered;
	s3 =	sadd.s32 s3, s5;
	[dreg:$0x0] =	wrdreg $0x0  }
0xa8: {  	s5 =	sshll.u32 s28, $0x1;
	[dreg:$0x2] =	wrdreg s3  }
0xa9: {  	[dreg:$0x3] =	wrdreg s5  }
0xaa: {  	[dreg:$0x4] =	wrdreg $0xC0  }
0xab: {  	_ =	task [dreg:s7], $0x5FFFF  }
0xac: {  	[dreg:$0x1] =	wrdreg $0xFFFFFFFF  }
0xad: {  	[dreg:$0x0] =	wrdreg $0x60  }
0xae: {  	[dreg:$0x2] =	wrdreg s2  }
0xaf: {  	[dreg:$0x3] =	wrdreg s24  }
0xb0: {  	[dreg:$0x4] =	wrdreg $0x9  }
0xb1: {  	_ =	task.clear_ibuf [dreg:s7], $0x5FFFF;
	_ =	strace $0x90000046  }
0xb2: {  	s29 =	simm.s32 $0x9;
	_ =	strace $0x80000048  }
0xb3: {  	_ =	swait.ge [sflag:s29], $0x1  }
0xb4: {  	[sflag:s29] =	ssyncadd.s32 $0xFFFFFFFF  }
0xb5: {  	_ =	strace $0x90000048  }
0xb6: {  	_ =	sfence  }
0xb7: {  	s30 =	sld [smem:$0x0];
	_ =	sdelay $0x2  }
0xb8: {  	s31 =	sshll.u32 s1, $0xD;
	s1 =	sshrl.u32 s1, $0x2  }
0xb9: {  	s3 =	sand.u32 $0x4000, s31;
	s1 =	sadd.s32 s1, s30  }
0xba: {  	s0 =	sor.u32 s3, s0;
	s1 =	sshll.u32 s1, $0x11  }
0xbb: {  	s0 =	sor.u32 s1, s0  }
0xbc: {  	s0 =	sadd.s32 $0x8F2B, s0  }
0xbd: {  	[sflag:s0] =	ssyncadd.remote.s32 $0x1  }
0xbe: {  	_ =	sfence.sel $0xFFFF  }
0xbf: {  	[dreg:$0x0] =	wrdreg $0xFFFFFFFF;
	(pc) =	sbr.abs _section_cstart, $3  }
0xc0: {  	[dreg:$0x1] =	wrdreg $0xFFFFFFFF  }
0xc1: {  	_ =	task.clear_ibuf [dreg:s7], $0x2FFFF;
	_ =	strace $0x9FFFFFFF  }
0xc2: {  	(tm) =	ssettm $0x7FFFFFFF  }
0xc3: {  	_ =	shalt  }
tec
execute0_lowered:
.L_overlay_start_1:
0x0: {  	(tag) =	ssettag $0x1  }
0x1: {  	s0 =	rddreg [dreg:$0x0]  }
0x2: {  	s1 =	rddreg [dreg:$0x1];
	s3 =	srdreg.scid  }
0x3: {  	s2 =	simm.s32 $0x0;
	s4 =	stileid.u32;
	s13 =	simm.s32 $0x900  }
0x4: {  	s14 =	simm.s32 $0x1100;
	s15 =	simm.s32 $0x1900;
	s16 =	simm.s32 $0x2100  }
0x5: {  	s17 =	simm.s32 $0x2900;
	s18 =	simm.s32 $0x3100;
	s19 =	simm.s32 $0x3900  }
0x6: {  	s20 =	simm.s32 $0x4100;
	s21 =	simm.s32 $0x4900;
	s22 =	simm.s32 $0x5100  }
0x7: {  	s23 =	simm.s32 $0x5900;
	s24 =	simm.s32 $0x6100;
	s28 =	simm.s32 $0x7900  }
0x8: {  	s29 =	simm.s32 $0x8100;
	s30 =	simm.s32 $0x8900;
	s31 =	simm.s32 $0x9100  }
0x9: {  	s12 =	simm.s32 $0x9900;
	s3 =	sand.u32 $0x1, s3;
	[smem:$0x7FF] =	sst s2  }
0xa: {  	s4 =	sshll.u32 s4, $0x5;
	s6 =	sadd.s32 $0x20600, s1;
	s5 =	sshll.u32 s3, $0x4  }
0xb: {  	_ =	strace $0x80000047;
	s3 =	ssub.s32 $0x2, s3;
	s5 =	sor.u32 s5, s4  }
0xc: {  	s4 =	sadd.s32 $0x20A00, s1;
	s8 =	sshrl.u32 s3, $0x1;
	s10 =	sadd.s32 s6, s5  }
0xd: {  	s7 =	smul.u32 $0x300, s5;
	s5 =	sor.u32 $0x8, s5;
	s3 =	ssub.s32 s3, s8  }
0xe: {  	s8 =	simm.s32 $0x2;
	s9 =	sadd.s32 $0x200, s10;
	[dreg:$0x8] =	wrdreg s10  }
0xf: {  	s6 =	sadd.s32 s6, s5;
	s25 =	smul.u32 $0x300, s5;
	[dreg:$0x3] =	wrdreg s9  }
0x10: {  	s26 =	sadd.s32 $0x208, s10;
	s5 =	sadd.s32 $0x20B00, s1;
	[dreg:$0x5] =	wrdreg s6  }
0x11: {  	s10 =	simm.s32 $0xB100;
	s7 =	sadd.s32 s0, s7;
	[dreg:$0x6] =	wrdreg s26  }
0x12: {  	v2 =	vlaneseq.u32;
	s6 =	sadd.s32 $0x20C00, s1;
	s26 =	simm.s32 $0x7100;
	s9 =	simm.s32 $0xA900  }
0x13: {  	vm0 =	vmmov $0xffff;
	v1 =	vshrl.u32 v2, $0x3;
	[dreg:$0x4] =	wrdreg s7;
	s0 =	sadd.s32 s0, s25;
	s7 =	smax.u32 s3, $0x1  }
0x14: {  	v0 =	vand.u32 $0x7, v2;
	v2 =	vor.u32 $0x8, v2;
	v1 =	vmul.u32 $0x8, v1;
	s3 =	simm.s32 $0x1;
	s25 =	simm.s32 $0x6900;
	[dreg:$0x7] =	wrdreg s0  }
.LBB2_1:
0x15: {  	s11 =	rddreg [dreg:$0x8]  }
0x16: {  	[tilespmem:s2], [sflag:$0x2] =	stream.linear.gather [hbm4b:s11+s2], $0x40, $0x38;
	[tilespmem:$0xC100] =	vst v63  }
0x17: {  	_ =	swait.ge [sflag:s8], $0x40  }
0x18: {  	[sflag:s8] =	ssyncset.done $0x0  }
0x19: {  	s0 =	simm.s32 $0x80;
	s1 =	rddreg [dreg:$0x3];
	[sflag:s8] =	ssyncadd.s32 $0xFFFFFFC0  }
0x1a: {  	[tilespmem:s0], [sflag:$0x2] =	stream.linear.gather [hbm4b:s1+s2], $0x40, $0x38;
	[tilespmem:$0xC100] =	vst v63  }
0x1b: {  	_ =	swait.ge [sflag:s8], $0x40  }
0x1c: {  	[sflag:s8] =	ssyncset.done $0x0  }
0x1d: {  	s0 =	simm.s32 $0x100;
	s1 =	rddreg [dreg:$0x4];
	[sflag:s8] =	ssyncadd.s32 $0xFFFFFFC0  }
0x1e: {  	[tilespmem:s0], [sflag:$0x2] =	stream.linear.gather [hbm4b:s1+s2], $0xC000, $0x38;
	[tilespmem:$0xC100] =	vst v63  }
0x1f: {  	_ =	swait.ge [sflag:s8], $0xC000  }
0x20: {  	[sflag:s8] =	ssyncset.done $0x0  }
0x21: {  	[sflag:s8] =	ssyncadd.s32 $0xFFFF4000  }
0x22: {  	v3 =	vld [tilespmem:$0x0];
	_ =	sdelay $0x4  }
0x23: {  	v4 =	vshrl.u32 v3, $0x3  }
0x24: {  	v4 =	vmul.u32 $0x30, v4  }
0x25: {  	v3 =	vand.u32 $0x7, v3  }
0x26: {  	v3 =	vor.u32 v3, v4  }
0x27: {  	v4 =	vperm.xlane v3, v0;
	_ =	sdelay $0x1  }
0x28: {  	v4 =	vadd.s32 v1, v4;
	_ =	sdelay $0x3  }
0x29: {  	v3 =	vperm.xlane v3, v2  }
0x2a: {  	[hbm4b:s4+s2] =	stream.indirect_vreg.scatter [tilespmem:s0], [sflag:$0x1], $0x80, v4, vm0, $0xb8;
	[tilespmem:$0xC100] =	vst v63  }
0x2b: {  	v3 =	vadd.s32 v1, v3  }
0x2c: {  	[hbm4b:s5+s2] =	stream.indirect_vreg.scatter [tilespmem:s13], [sflag:$0x1], $0x80, v4, vm0, $0xb8;
	[tilespmem:$0xC100] =	vst v63  }
0x2d: {  	_ = 	snop  }
0x2e: {  	[hbm4b:s6+s2] =	stream.indirect_vreg.scatter [tilespmem:s14], [sflag:$0x1], $0x80, v4, vm0, $0xb8;
	[tilespmem:$0xC100] =	vst v63  }
0x2f: {  	_ = 	snop  }
0x30: {  	[hbm4b:s4+s2] =	stream.indirect_vreg.scatter [tilespmem:s15], [sflag:$0x1], $0x80, v3, vm0, $0xb8;
	[tilespmem:$0xC100] =	vst v63  }
0x31: {  	_ = 	snop  }
0x32: {  	[hbm4b:s5+s2] =	stream.indirect_vreg.scatter [tilespmem:s16], [sflag:$0x1], $0x80, v3, vm0, $0xb8;
	[tilespmem:$0xC100] =	vst v63  }
0x33: {  	_ = 	snop  }
0x34: {  	[hbm4b:s6+s2] =	stream.indirect_vreg.scatter [tilespmem:s17], [sflag:$0x1], $0x80, v3, vm0, $0xb8;
	[tilespmem:$0xC100] =	vst v63  }
0x35: {  	v3 =	vld [tilespmem:$0x10];
	_ =	sdelay $0x4  }
0x36: {  	v49 =	vshrl.u32 v3, $0x3  }
0x37: {  	v4 =	vmul.u32 $0x30, v49  }
0x38: {  	v3 =	vand.u32 $0x7, v3  }
0x39: {  	v3 =	vor.u32 v3, v4  }
0x3a: {  	v4 =	vperm.xlane v3, v0;
	_ =	sdelay $0x1  }
0x3b: {  	v4 =	vadd.s32 v1, v4;
	_ =	sdelay $0x3  }
0x3c: {  	v3 =	vperm.xlane v3, v2  }
0x3d: {  	[hbm4b:s4+s2] =	stream.indirect_vreg.scatter [tilespmem:s18], [sflag:$0x1], $0x80, v4, vm0, $0xb8;
	[tilespmem:$0xC100] =	vst v63  }
0x3e: {  	v3 =	vadd.s32 v1, v3  }
0x3f: {  	[hbm4b:s5+s2] =	stream.indirect_vreg.scatter [tilespmem:s19], [sflag:$0x1], $0x80, v4, vm0, $0xb8;
	[tilespmem:$0xC100] =	vst v63  }
0x40: {  	_ = 	snop  }
0x41: {  	[hbm4b:s6+s2] =	stream.indirect_vreg.scatter [tilespmem:s20], [sflag:$0x1], $0x80, v4, vm0, $0xb8;
	[tilespmem:$0xC100] =	vst v63  }
0x42: {  	_ = 	snop  }
0x43: {  	[hbm4b:s4+s2] =	stream.indirect_vreg.scatter [tilespmem:s21], [sflag:$0x1], $0x80, v3, vm0, $0xb8;
	[tilespmem:$0xC100] =	vst v63  }
0x44: {  	_ = 	snop  }
0x45: {  	[hbm4b:s5+s2] =	stream.indirect_vreg.scatter [tilespmem:s22], [sflag:$0x1], $0x80, v3, vm0, $0xb8;
	[tilespmem:$0xC100] =	vst v63  }
0x46: {  	_ = 	snop  }
0x47: {  	[hbm4b:s6+s2] =	stream.indirect_vreg.scatter [tilespmem:s23], [sflag:$0x1], $0x80, v3, vm0, $0xb8;
	[tilespmem:$0xC100] =	vst v63  }
0x48: {  	v3 =	vld [tilespmem:$0x20];
	_ =	sdelay $0x4  }
0x49: {  	v50 =	vshrl.u32 v3, $0x3  }
0x4a: {  	v4 =	vmul.u32 $0x30, v50  }
0x4b: {  	v3 =	vand.u32 $0x7, v3  }
0x4c: {  	v3 =	vor.u32 v3, v4  }
0x4d: {  	v4 =	vperm.xlane v3, v0;
	_ =	sdelay $0x1  }
0x4e: {  	v4 =	vadd.s32 v1, v4;
	_ =	sdelay $0x3  }
0x4f: {  	v3 =	vperm.xlane v3, v2  }
0x50: {  	[hbm4b:s4+s2] =	stream.indirect_vreg.scatter [tilespmem:s24], [sflag:$0x1], $0x80, v4, vm0, $0xb8;
	[tilespmem:$0xC100] =	vst v63  }
0x51: {  	v3 =	vadd.s32 v1, v3  }
0x52: {  	[hbm4b:s5+s2] =	stream.indirect_vreg.scatter [tilespmem:s25], [sflag:$0x1], $0x80, v4, vm0, $0xb8;
	[tilespmem:$0xC100] =	vst v63  }
0x53: {  	_ = 	snop  }
0x54: {  	[hbm4b:s6+s2] =	stream.indirect_vreg.scatter [tilespmem:s26], [sflag:$0x1], $0x80, v4, vm0, $0xb8;
	[tilespmem:$0xC100] =	vst v63  }
0x55: {  	_ = 	snop  }
0x56: {  	[hbm4b:s4+s2] =	stream.indirect_vreg.scatter [tilespmem:s28], [sflag:$0x1], $0x80, v3, vm0, $0xb8;
	[tilespmem:$0xC100] =	vst v63  }
0x57: {  	_ = 	snop  }
0x58: {  	[hbm4b:s5+s2] =	stream.indirect_vreg.scatter [tilespmem:s29], [sflag:$0x1], $0x80, v3, vm0, $0xb8;
	[tilespmem:$0xC100] =	vst v63  }
0x59: {  	_ = 	snop  }
0x5a: {  	[hbm4b:s6+s2] =	stream.indirect_vreg.scatter [tilespmem:s30], [sflag:$0x1], $0x80, v3, vm0, $0xb8;
	[tilespmem:$0xC100] =	vst v63  }
0x5b: {  	v3 =	vld [tilespmem:$0x30];
	_ =	sdelay $0x4  }
0x5c: {  	v51 =	vshrl.u32 v3, $0x3  }
0x5d: {  	v4 =	vmul.u32 $0x30, v51  }
0x5e: {  	v3 =	vand.u32 $0x7, v3  }
0x5f: {  	v3 =	vor.u32 v3, v4  }
0x60: {  	v4 =	vperm.xlane v3, v0;
	_ =	sdelay $0x1  }
0x61: {  	v4 =	vadd.s32 v1, v4;
	_ =	sdelay $0x3  }
0x62: {  	v3 =	vperm.xlane v3, v2  }
0x63: {  	[hbm4b:s4+s2] =	stream.indirect_vreg.scatter [tilespmem:s31], [sflag:$0x1], $0x80, v4, vm0, $0xb8;
	[tilespmem:$0xC100] =	vst v63  }
0x64: {  	v3 =	vadd.s32 v1, v3  }
0x65: {  	[hbm4b:s5+s2] =	stream.indirect_vreg.scatter [tilespmem:s12], [sflag:$0x1], $0x80, v4, vm0, $0xb8;
	[tilespmem:$0xC100] =	vst v63  }
0x66: {  	s1 =	simm.s32 $0xA100  }
0x67: {  	[hbm4b:s6+s2] =	stream.indirect_vreg.scatter [tilespmem:s1], [sflag:$0x1], $0x80, v4, vm0, $0xb8;
	[tilespmem:$0xC100] =	vst v63  }
0x68: {  	_ = 	snop  }
0x69: {  	[hbm4b:s4+s2] =	stream.indirect_vreg.scatter [tilespmem:s9], [sflag:$0x1], $0x80, v3, vm0, $0xb8;
	[tilespmem:$0xC100] =	vst v63  }
0x6a: {  	_ = 	snop  }
0x6b: {  	[hbm4b:s5+s2] =	stream.indirect_vreg.scatter [tilespmem:s10], [sflag:$0x1], $0x80, v3, vm0, $0xb8;
	[tilespmem:$0xC100] =	vst v63  }
0x6c: {  	s11 =	simm.s32 $0xB900  }
0x6d: {  	[hbm4b:s6+s2] =	stream.indirect_vreg.scatter [tilespmem:s11], [sflag:$0x1], $0x80, v3, vm0, $0xb8;
	[tilespmem:$0xC100] =	vst v63  }
0x6e: {  	v3 =	vld [tilespmem:$0x80];
	_ =	sdelay $0x4  }
0x6f: {  	v52 =	vshrl.u32 v3, $0x3  }
0x70: {  	v4 =	vmul.u32 $0x30, v52  }
0x71: {  	v3 =	vand.u32 $0x7, v3  }
0x72: {  	v3 =	vor.u32 v3, v4  }
0x73: {  	v4 =	vperm.xlane v3, v0;
	_ =	sdelay $0x1  }
0x74: {  	v4 =	vadd.s32 v1, v4;
	_ =	sdelay $0x3  }
0x75: {  	v3 =	vperm.xlane v3, v2  }
0x76: {  	[hbm4b:s4+s2] =	stream.indirect_vreg.scatter [tilespmem:s0], [sflag:$0x1], $0x80, v4, vm0, $0xb8;
	[tilespmem:$0xC100] =	vst v63  }
0x77: {  	v3 =	vadd.s32 v1, v3  }
0x78: {  	[hbm4b:s5+s2] =	stream.indirect_vreg.scatter [tilespmem:s13], [sflag:$0x1], $0x80, v4, vm0, $0xb8;
	[tilespmem:$0xC100] =	vst v63  }
0x79: {  	_ = 	snop  }
0x7a: {  	[hbm4b:s6+s2] =	stream.indirect_vreg.scatter [tilespmem:s14], [sflag:$0x1], $0x80, v4, vm0, $0xb8;
	[tilespmem:$0xC100] =	vst v63  }
0x7b: {  	_ = 	snop  }
0x7c: {  	[hbm4b:s4+s2] =	stream.indirect_vreg.scatter [tilespmem:s15], [sflag:$0x1], $0x80, v3, vm0, $0xb8;
	[tilespmem:$0xC100] =	vst v63  }
0x7d: {  	_ = 	snop  }
0x7e: {  	[hbm4b:s5+s2] =	stream.indirect_vreg.scatter [tilespmem:s16], [sflag:$0x1], $0x80, v3, vm0, $0xb8;
	[tilespmem:$0xC100] =	vst v63  }
0x7f: {  	_ = 	snop  }
0x80: {  	[hbm4b:s6+s2] =	stream.indirect_vreg.scatter [tilespmem:s17], [sflag:$0x1], $0x80, v3, vm0, $0xb8;
	[tilespmem:$0xC100] =	vst v63  }
0x81: {  	v3 =	vld [tilespmem:$0x90];
	_ =	sdelay $0x4  }
0x82: {  	v53 =	vshrl.u32 v3, $0x3  }
0x83: {  	v4 =	vmul.u32 $0x30, v53  }
0x84: {  	v3 =	vand.u32 $0x7, v3  }
0x85: {  	v3 =	vor.u32 v3, v4  }
0x86: {  	v4 =	vperm.xlane v3, v0;
	_ =	sdelay $0x1  }
0x87: {  	v4 =	vadd.s32 v1, v4;
	_ =	sdelay $0x3  }
0x88: {  	v3 =	vperm.xlane v3, v2  }
0x89: {  	[hbm4b:s4+s2] =	stream.indirect_vreg.scatter [tilespmem:s18], [sflag:$0x1], $0x80, v4, vm0, $0xb8;
	[tilespmem:$0xC100] =	vst v63  }
0x8a: {  	v3 =	vadd.s32 v1, v3  }
0x8b: {  	[hbm4b:s5+s2] =	stream.indirect_vreg.scatter [tilespmem:s19], [sflag:$0x1], $0x80, v4, vm0, $0xb8;
	[tilespmem:$0xC100] =	vst v63  }
0x8c: {  	_ = 	snop  }
0x8d: {  	[hbm4b:s6+s2] =	stream.indirect_vreg.scatter [tilespmem:s20], [sflag:$0x1], $0x80, v4, vm0, $0xb8;
	[tilespmem:$0xC100] =	vst v63  }
0x8e: {  	_ = 	snop  }
0x8f: {  	[hbm4b:s4+s2] =	stream.indirect_vreg.scatter [tilespmem:s21], [sflag:$0x1], $0x80, v3, vm0, $0xb8;
	[tilespmem:$0xC100] =	vst v63  }
0x90: {  	_ = 	snop  }
0x91: {  	[hbm4b:s5+s2] =	stream.indirect_vreg.scatter [tilespmem:s22], [sflag:$0x1], $0x80, v3, vm0, $0xb8;
	[tilespmem:$0xC100] =	vst v63  }
0x92: {  	_ = 	snop  }
0x93: {  	[hbm4b:s6+s2] =	stream.indirect_vreg.scatter [tilespmem:s23], [sflag:$0x1], $0x80, v3, vm0, $0xb8;
	[tilespmem:$0xC100] =	vst v63  }
0x94: {  	v3 =	vld [tilespmem:$0xA0];
	_ =	sdelay $0x4  }
0x95: {  	v54 =	vshrl.u32 v3, $0x3  }
0x96: {  	v4 =	vmul.u32 $0x30, v54  }
0x97: {  	v3 =	vand.u32 $0x7, v3  }
0x98: {  	v3 =	vor.u32 v3, v4  }
0x99: {  	v4 =	vperm.xlane v3, v0;
	_ =	sdelay $0x1  }
0x9a: {  	v4 =	vadd.s32 v1, v4;
	_ =	sdelay $0x3  }
0x9b: {  	v3 =	vperm.xlane v3, v2  }
0x9c: {  	[hbm4b:s4+s2] =	stream.indirect_vreg.scatter [tilespmem:s24], [sflag:$0x1], $0x80, v4, vm0, $0xb8;
	[tilespmem:$0xC100] =	vst v63  }
0x9d: {  	v3 =	vadd.s32 v1, v3  }
0x9e: {  	[hbm4b:s5+s2] =	stream.indirect_vreg.scatter [tilespmem:s25], [sflag:$0x1], $0x80, v4, vm0, $0xb8;
	[tilespmem:$0xC100] =	vst v63  }
0x9f: {  	_ = 	snop  }
0xa0: {  	[hbm4b:s6+s2] =	stream.indirect_vreg.scatter [tilespmem:s26], [sflag:$0x1], $0x80, v4, vm0, $0xb8;
	[tilespmem:$0xC100] =	vst v63  }
0xa1: {  	_ = 	snop  }
0xa2: {  	[hbm4b:s4+s2] =	stream.indirect_vreg.scatter [tilespmem:s28], [sflag:$0x1], $0x80, v3, vm0, $0xb8;
	[tilespmem:$0xC100] =	vst v63  }
0xa3: {  	_ = 	snop  }
0xa4: {  	[hbm4b:s5+s2] =	stream.indirect_vreg.scatter [tilespmem:s29], [sflag:$0x1], $0x80, v3, vm0, $0xb8;
	[tilespmem:$0xC100] =	vst v63  }
0xa5: {  	_ = 	snop  }
0xa6: {  	[hbm4b:s6+s2] =	stream.indirect_vreg.scatter [tilespmem:s30], [sflag:$0x1], $0x80, v3, vm0, $0xb8;
	[tilespmem:$0xC100] =	vst v63  }
0xa7: {  	v3 =	vld [tilespmem:$0xB0];
	_ =	sdelay $0x4  }
0xa8: {  	v55 =	vshrl.u32 v3, $0x3  }
0xa9: {  	v4 =	vmul.u32 $0x30, v55  }
0xaa: {  	v3 =	vand.u32 $0x7, v3  }
0xab: {  	v3 =	vor.u32 v3, v4  }
0xac: {  	v4 =	vperm.xlane v3, v0;
	_ =	sdelay $0x1  }
0xad: {  	v4 =	vadd.s32 v1, v4;
	_ =	sdelay $0x3  }
0xae: {  	v3 =	vperm.xlane v3, v2  }
0xaf: {  	[hbm4b:s4+s2] =	stream.indirect_vreg.scatter [tilespmem:s31], [sflag:$0x1], $0x80, v4, vm0, $0xb8;
	[tilespmem:$0xC100] =	vst v63  }
0xb0: {  	v3 =	vadd.s32 v1, v3  }
0xb1: {  	[hbm4b:s5+s2] =	stream.indirect_vreg.scatter [tilespmem:s12], [sflag:$0x1], $0x80, v4, vm0, $0xb8;
	[tilespmem:$0xC100] =	vst v63  }
0xb2: {  	s1 =	simm.s32 $0xA100  }
0xb3: {  	[hbm4b:s6+s2] =	stream.indirect_vreg.scatter [tilespmem:s1], [sflag:$0x1], $0x80, v4, vm0, $0xb8;
	[tilespmem:$0xC100] =	vst v63  }
0xb4: {  	_ = 	snop  }
0xb5: {  	[hbm4b:s4+s2] =	stream.indirect_vreg.scatter [tilespmem:s9], [sflag:$0x1], $0x80, v3, vm0, $0xb8;
	[tilespmem:$0xC100] =	vst v63  }
0xb6: {  	_ = 	snop  }
0xb7: {  	[hbm4b:s5+s2] =	stream.indirect_vreg.scatter [tilespmem:s10], [sflag:$0x1], $0x80, v3, vm0, $0xb8;
	[tilespmem:$0xC100] =	vst v63  }
0xb8: {  	s11 =	simm.s32 $0xB900  }
0xb9: {  	[hbm4b:s6+s2] =	stream.indirect_vreg.scatter [tilespmem:s11], [sflag:$0x1], $0x80, v3, vm0, $0xb8;
	[tilespmem:$0xC100] =	vst v63  }
0xba: {  	_ =	swait.ge [sflag:s3], $0xC000  }
0xbb: {  	[sflag:s3] =	ssyncset.done $0x0  }
0xbc: {  	[sflag:s3] =	ssyncadd.s32 $0xFFFF4000  }
0xbd: {  	_ =	swait.ge [sflag:s3], $0xC000  }
0xbe: {  	[sflag:s3] =	ssyncset.done $0x0  }
0xbf: {  	s1 =	rddreg [dreg:$0x5];
	[sflag:s3] =	ssyncadd.s32 $0xFFFF4000  }
0xc0: {  	[tilespmem:s2], [sflag:$0x2] =	stream.linear.gather [hbm4b:s1+s2], $0x40, $0x38;
	[tilespmem:$0xC100] =	vst v63  }
0xc1: {  	_ =	swait.ge [sflag:s8], $0x40  }
0xc2: {  	[sflag:s8] =	ssyncset.done $0x0  }
0xc3: {  	s1 =	simm.s32 $0x80;
	s11 =	rddreg [dreg:$0x6];
	[sflag:s8] =	ssyncadd.s32 $0xFFFFFFC0  }
0xc4: {  	[tilespmem:s1], [sflag:$0x2] =	stream.linear.gather [hbm4b:s11+s2], $0x40, $0x38;
	[tilespmem:$0xC100] =	vst v63  }
0xc5: {  	_ =	swait.ge [sflag:s8], $0x40  }
0xc6: {  	[sflag:s8] =	ssyncset.done $0x0  }
0xc7: {  	s1 =	rddreg [dreg:$0x7];
	[sflag:s8] =	ssyncadd.s32 $0xFFFFFFC0  }
0xc8: {  	[tilespmem:s0], [sflag:$0x2] =	stream.linear.gather [hbm4b:s1+s2], $0xC000, $0x38;
	[tilespmem:$0xC100] =	vst v63  }
0xc9: {  	_ =	swait.ge [sflag:s8], $0xC000  }
0xca: {  	[sflag:s8] =	ssyncset.done $0x0  }
0xcb: {  	[sflag:s8] =	ssyncadd.s32 $0xFFFF4000  }
0xcc: {  	v3 =	vld [tilespmem:$0x0];
	_ =	sdelay $0x4  }
0xcd: {  	v56 =	vshrl.u32 v3, $0x3  }
0xce: {  	v4 =	vmul.u32 $0x30, v56  }
0xcf: {  	v3 =	vand.u32 $0x7, v3  }
0xd0: {  	v3 =	vor.u32 v3, v4  }
0xd1: {  	v4 =	vperm.xlane v3, v0;
	_ =	sdelay $0x1  }
0xd2: {  	v4 =	vadd.s32 v1, v4;
	_ =	sdelay $0x3  }
0xd3: {  	v3 =	vperm.xlane v3, v2  }
0xd4: {  	[hbm4b:s4+s2] =	stream.indirect_vreg.scatter [tilespmem:s0], [sflag:$0x1], $0x80, v4, vm0, $0xb8;
	[tilespmem:$0xC100] =	vst v63  }
0xd5: {  	v3 =	vadd.s32 v1, v3  }
0xd6: {  	[hbm4b:s5+s2] =	stream.indirect_vreg.scatter [tilespmem:s13], [sflag:$0x1], $0x80, v4, vm0, $0xb8;
	[tilespmem:$0xC100] =	vst v63  }
0xd7: {  	_ = 	snop  }
0xd8: {  	[hbm4b:s6+s2] =	stream.indirect_vreg.scatter [tilespmem:s14], [sflag:$0x1], $0x80, v4, vm0, $0xb8;
	[tilespmem:$0xC100] =	vst v63  }
0xd9: {  	_ = 	snop  }
0xda: {  	[hbm4b:s4+s2] =	stream.indirect_vreg.scatter [tilespmem:s15], [sflag:$0x1], $0x80, v3, vm0, $0xb8;
	[tilespmem:$0xC100] =	vst v63  }
0xdb: {  	_ = 	snop  }
0xdc: {  	[hbm4b:s5+s2] =	stream.indirect_vreg.scatter [tilespmem:s16], [sflag:$0x1], $0x80, v3, vm0, $0xb8;
	[tilespmem:$0xC100] =	vst v63  }
0xdd: {  	_ = 	snop  }
0xde: {  	[hbm4b:s6+s2] =	stream.indirect_vreg.scatter [tilespmem:s17], [sflag:$0x1], $0x80, v3, vm0, $0xb8;
	[tilespmem:$0xC100] =	vst v63  }
0xdf: {  	v3 =	vld [tilespmem:$0x10];
	_ =	sdelay $0x4  }
0xe0: {  	v57 =	vshrl.u32 v3, $0x3  }
0xe1: {  	v4 =	vmul.u32 $0x30, v57  }
0xe2: {  	v3 =	vand.u32 $0x7, v3  }
0xe3: {  	v3 =	vor.u32 v3, v4  }
0xe4: {  	v4 =	vperm.xlane v3, v0;
	_ =	sdelay $0x1  }
0xe5: {  	v4 =	vadd.s32 v1, v4;
	_ =	sdelay $0x3  }
0xe6: {  	v3 =	vperm.xlane v3, v2  }
0xe7: {  	[hbm4b:s4+s2] =	stream.indirect_vreg.scatter [tilespmem:s18], [sflag:$0x1], $0x80, v4, vm0, $0xb8;
	[tilespmem:$0xC100] =	vst v63  }
0xe8: {  	v3 =	vadd.s32 v1, v3  }
0xe9: {  	[hbm4b:s5+s2] =	stream.indirect_vreg.scatter [tilespmem:s19], [sflag:$0x1], $0x80, v4, vm0, $0xb8;
	[tilespmem:$0xC100] =	vst v63  }
0xea: {  	_ = 	snop  }
0xeb: {  	[hbm4b:s6+s2] =	stream.indirect_vreg.scatter [tilespmem:s20], [sflag:$0x1], $0x80, v4, vm0, $0xb8;
	[tilespmem:$0xC100] =	vst v63  }
0xec: {  	_ = 	snop  }
0xed: {  	[hbm4b:s4+s2] =	stream.indirect_vreg.scatter [tilespmem:s21], [sflag:$0x1], $0x80, v3, vm0, $0xb8;
	[tilespmem:$0xC100] =	vst v63  }
0xee: {  	_ = 	snop  }
0xef: {  	[hbm4b:s5+s2] =	stream.indirect_vreg.scatter [tilespmem:s22], [sflag:$0x1], $0x80, v3, vm0, $0xb8;
	[tilespmem:$0xC100] =	vst v63  }
0xf0: {  	_ = 	snop  }
0xf1: {  	[hbm4b:s6+s2] =	stream.indirect_vreg.scatter [tilespmem:s23], [sflag:$0x1], $0x80, v3, vm0, $0xb8;
	[tilespmem:$0xC100] =	vst v63  }
0xf2: {  	v3 =	vld [tilespmem:$0x20];
	_ =	sdelay $0x4  }
0xf3: {  	v58 =	vshrl.u32 v3, $0x3  }
0xf4: {  	v4 =	vmul.u32 $0x30, v58  }
0xf5: {  	v3 =	vand.u32 $0x7, v3  }
0xf6: {  	v3 =	vor.u32 v3, v4  }
0xf7: {  	v4 =	vperm.xlane v3, v0;
	_ =	sdelay $0x1  }
0xf8: {  	v4 =	vadd.s32 v1, v4;
	_ =	sdelay $0x3  }
0xf9: {  	v3 =	vperm.xlane v3, v2  }
0xfa: {  	[hbm4b:s4+s2] =	stream.indirect_vreg.scatter [tilespmem:s24], [sflag:$0x1], $0x80, v4, vm0, $0xb8;
	[tilespmem:$0xC100] =	vst v63  }
0xfb: {  	v3 =	vadd.s32 v1, v3  }
0xfc: {  	[hbm4b:s5+s2] =	stream.indirect_vreg.scatter [tilespmem:s25], [sflag:$0x1], $0x80, v4, vm0, $0xb8;
	[tilespmem:$0xC100] =	vst v63  }
0xfd: {  	_ = 	snop  }
0xfe: {  	[hbm4b:s6+s2] =	stream.indirect_vreg.scatter [tilespmem:s26], [sflag:$0x1], $0x80, v4, vm0, $0xb8;
	[tilespmem:$0xC100] =	vst v63  }
0xff: {  	_ = 	snop  }
0x100: {  	[hbm4b:s4+s2] =	stream.indirect_vreg.scatter [tilespmem:s28], [sflag:$0x1], $0x80, v3, vm0, $0xb8;
	[tilespmem:$0xC100] =	vst v63  }
0x101: {  	_ = 	snop  }
0x102: {  	[hbm4b:s5+s2] =	stream.indirect_vreg.scatter [tilespmem:s29], [sflag:$0x1], $0x80, v3, vm0, $0xb8;
	[tilespmem:$0xC100] =	vst v63  }
0x103: {  	_ = 	snop  }
0x104: {  	[hbm4b:s6+s2] =	stream.indirect_vreg.scatter [tilespmem:s30], [sflag:$0x1], $0x80, v3, vm0, $0xb8;
	[tilespmem:$0xC100] =	vst v63  }
0x105: {  	v3 =	vld [tilespmem:$0x30];
	_ =	sdelay $0x4  }
0x106: {  	v59 =	vshrl.u32 v3, $0x3  }
0x107: {  	v4 =	vmul.u32 $0x30, v59  }
0x108: {  	v3 =	vand.u32 $0x7, v3  }
0x109: {  	v3 =	vor.u32 v3, v4  }
0x10a: {  	v4 =	vperm.xlane v3, v0;
	_ =	sdelay $0x1  }
0x10b: {  	v4 =	vadd.s32 v1, v4;
	_ =	sdelay $0x3  }
0x10c: {  	v3 =	vperm.xlane v3, v2  }
0x10d: {  	[hbm4b:s4+s2] =	stream.indirect_vreg.scatter [tilespmem:s31], [sflag:$0x1], $0x80, v4, vm0, $0xb8;
	[tilespmem:$0xC100] =	vst v63  }
0x10e: {  	v3 =	vadd.s32 v1, v3  }
0x10f: {  	[hbm4b:s5+s2] =	stream.indirect_vreg.scatter [tilespmem:s12], [sflag:$0x1], $0x80, v4, vm0, $0xb8;
	[tilespmem:$0xC100] =	vst v63  }
0x110: {  	s1 =	simm.s32 $0xA100  }
0x111: {  	[hbm4b:s6+s2] =	stream.indirect_vreg.scatter [tilespmem:s1], [sflag:$0x1], $0x80, v4, vm0, $0xb8;
	[tilespmem:$0xC100] =	vst v63  }
0x112: {  	_ = 	snop  }
0x113: {  	[hbm4b:s4+s2] =	stream.indirect_vreg.scatter [tilespmem:s9], [sflag:$0x1], $0x80, v3, vm0, $0xb8;
	[tilespmem:$0xC100] =	vst v63  }
0x114: {  	_ = 	snop  }
0x115: {  	[hbm4b:s5+s2] =	stream.indirect_vreg.scatter [tilespmem:s10], [sflag:$0x1], $0x80, v3, vm0, $0xb8;
	[tilespmem:$0xC100] =	vst v63  }
0x116: {  	s11 =	simm.s32 $0xB900  }
0x117: {  	[hbm4b:s6+s2] =	stream.indirect_vreg.scatter [tilespmem:s11], [sflag:$0x1], $0x80, v3, vm0, $0xb8;
	[tilespmem:$0xC100] =	vst v63  }
0x118: {  	v3 =	vld [tilespmem:$0x80];
	_ =	sdelay $0x4  }
0x119: {  	v60 =	vshrl.u32 v3, $0x3  }
0x11a: {  	v4 =	vmul.u32 $0x30, v60  }
0x11b: {  	v3 =	vand.u32 $0x7, v3  }
0x11c: {  	v3 =	vor.u32 v3, v4  }
0x11d: {  	v4 =	vperm.xlane v3, v0;
	_ =	sdelay $0x1  }
0x11e: {  	v4 =	vadd.s32 v1, v4;
	_ =	sdelay $0x3  }
0x11f: {  	v3 =	vperm.xlane v3, v2  }
0x120: {  	[hbm4b:s4+s2] =	stream.indirect_vreg.scatter [tilespmem:s0], [sflag:$0x1], $0x80, v4, vm0, $0xb8;
	[tilespmem:$0xC100] =	vst v63  }
0x121: {  	v3 =	vadd.s32 v1, v3  }
0x122: {  	[hbm4b:s5+s2] =	stream.indirect_vreg.scatter [tilespmem:s13], [sflag:$0x1], $0x80, v4, vm0, $0xb8;
	[tilespmem:$0xC100] =	vst v63  }
0x123: {  	_ = 	snop  }
0x124: {  	[hbm4b:s6+s2] =	stream.indirect_vreg.scatter [tilespmem:s14], [sflag:$0x1], $0x80, v4, vm0, $0xb8;
	[tilespmem:$0xC100] =	vst v63  }
0x125: {  	_ = 	snop  }
0x126: {  	[hbm4b:s4+s2] =	stream.indirect_vreg.scatter [tilespmem:s15], [sflag:$0x1], $0x80, v3, vm0, $0xb8;
	[tilespmem:$0xC100] =	vst v63  }
0x127: {  	_ = 	snop  }
0x128: {  	[hbm4b:s5+s2] =	stream.indirect_vreg.scatter [tilespmem:s16], [sflag:$0x1], $0x80, v3, vm0, $0xb8;
	[tilespmem:$0xC100] =	vst v63  }
0x129: {  	_ = 	snop  }
0x12a: {  	[hbm4b:s6+s2] =	stream.indirect_vreg.scatter [tilespmem:s17], [sflag:$0x1], $0x80, v3, vm0, $0xb8;
	[tilespmem:$0xC100] =	vst v63  }
0x12b: {  	v3 =	vld [tilespmem:$0x90];
	_ =	sdelay $0x4  }
0x12c: {  	v61 =	vshrl.u32 v3, $0x3  }
0x12d: {  	v4 =	vmul.u32 $0x30, v61  }
0x12e: {  	v3 =	vand.u32 $0x7, v3  }
0x12f: {  	v3 =	vor.u32 v3, v4  }
0x130: {  	v4 =	vperm.xlane v3, v0;
	_ =	sdelay $0x1  }
0x131: {  	v4 =	vadd.s32 v1, v4;
	_ =	sdelay $0x3  }
0x132: {  	v3 =	vperm.xlane v3, v2  }
0x133: {  	[hbm4b:s4+s2] =	stream.indirect_vreg.scatter [tilespmem:s18], [sflag:$0x1], $0x80, v4, vm0, $0xb8;
	[tilespmem:$0xC100] =	vst v63  }
0x134: {  	v3 =	vadd.s32 v1, v3  }
0x135: {  	[hbm4b:s5+s2] =	stream.indirect_vreg.scatter [tilespmem:s19], [sflag:$0x1], $0x80, v4, vm0, $0xb8;
	[tilespmem:$0xC100] =	vst v63  }
0x136: {  	_ = 	snop  }
0x137: {  	[hbm4b:s6+s2] =	stream.indirect_vreg.scatter [tilespmem:s20], [sflag:$0x1], $0x80, v4, vm0, $0xb8;
	[tilespmem:$0xC100] =	vst v63  }
0x138: {  	_ = 	snop  }
0x139: {  	[hbm4b:s4+s2] =	stream.indirect_vreg.scatter [tilespmem:s21], [sflag:$0x1], $0x80, v3, vm0, $0xb8;
	[tilespmem:$0xC100] =	vst v63  }
0x13a: {  	_ = 	snop  }
0x13b: {  	[hbm4b:s5+s2] =	stream.indirect_vreg.scatter [tilespmem:s22], [sflag:$0x1], $0x80, v3, vm0, $0xb8;
	[tilespmem:$0xC100] =	vst v63  }
0x13c: {  	_ = 	snop  }
0x13d: {  	[hbm4b:s6+s2] =	stream.indirect_vreg.scatter [tilespmem:s23], [sflag:$0x1], $0x80, v3, vm0, $0xb8;
	[tilespmem:$0xC100] =	vst v63  }
0x13e: {  	v3 =	vld [tilespmem:$0xA0];
	_ =	sdelay $0x4  }
0x13f: {  	v62 =	vshrl.u32 v3, $0x3  }
0x140: {  	v4 =	vmul.u32 $0x30, v62  }
0x141: {  	v3 =	vand.u32 $0x7, v3  }
0x142: {  	v3 =	vor.u32 v3, v4  }
0x143: {  	v4 =	vperm.xlane v3, v0;
	_ =	sdelay $0x1  }
0x144: {  	v4 =	vadd.s32 v1, v4;
	_ =	sdelay $0x3  }
0x145: {  	v3 =	vperm.xlane v3, v2  }
0x146: {  	[hbm4b:s4+s2] =	stream.indirect_vreg.scatter [tilespmem:s24], [sflag:$0x1], $0x80, v4, vm0, $0xb8;
	[tilespmem:$0xC100] =	vst v63  }
0x147: {  	v3 =	vadd.s32 v1, v3  }
0x148: {  	[hbm4b:s5+s2] =	stream.indirect_vreg.scatter [tilespmem:s25], [sflag:$0x1], $0x80, v4, vm0, $0xb8;
	[tilespmem:$0xC100] =	vst v63  }
0x149: {  	_ = 	snop  }
0x14a: {  	[hbm4b:s6+s2] =	stream.indirect_vreg.scatter [tilespmem:s26], [sflag:$0x1], $0x80, v4, vm0, $0xb8;
	[tilespmem:$0xC100] =	vst v63  }
0x14b: {  	_ = 	snop  }
0x14c: {  	[hbm4b:s4+s2] =	stream.indirect_vreg.scatter [tilespmem:s28], [sflag:$0x1], $0x80, v3, vm0, $0xb8;
	[tilespmem:$0xC100] =	vst v63  }
0x14d: {  	_ = 	snop  }
0x14e: {  	[hbm4b:s5+s2] =	stream.indirect_vreg.scatter [tilespmem:s29], [sflag:$0x1], $0x80, v3, vm0, $0xb8;
	[tilespmem:$0xC100] =	vst v63  }
0x14f: {  	_ = 	snop  }
0x150: {  	[hbm4b:s6+s2] =	stream.indirect_vreg.scatter [tilespmem:s30], [sflag:$0x1], $0x80, v3, vm0, $0xb8;
	[tilespmem:$0xC100] =	vst v63  }
0x151: {  	v3 =	vld [tilespmem:$0xB0];
	_ =	sdelay $0x4  }
0x152: {  	v63 =	vshrl.u32 v3, $0x3  }
0x153: {  	v4 =	vmul.u32 $0x30, v63  }
0x154: {  	v3 =	vand.u32 $0x7, v3  }
0x155: {  	v3 =	vor.u32 v3, v4  }
0x156: {  	v4 =	vperm.xlane v3, v0;
	_ =	sdelay $0x1  }
0x157: {  	v4 =	vadd.s32 v1, v4;
	_ =	sdelay $0x3  }
0x158: {  	v3 =	vperm.xlane v3, v2  }
0x159: {  	[hbm4b:s4+s2] =	stream.indirect_vreg.scatter [tilespmem:s31], [sflag:$0x1], $0x80, v4, vm0, $0xb8;
	[tilespmem:$0xC100] =	vst v63  }
0x15a: {  	v3 =	vadd.s32 v1, v3  }
0x15b: {  	[hbm4b:s5+s2] =	stream.indirect_vreg.scatter [tilespmem:s12], [sflag:$0x1], $0x80, v4, vm0, $0xb8;
	[tilespmem:$0xC100] =	vst v63  }
0x15c: {  	_ = 	snop  }
0x15d: {  	[hbm4b:s6+s2] =	stream.indirect_vreg.scatter [tilespmem:s1], [sflag:$0x1], $0x80, v4, vm0, $0xb8;
	[tilespmem:$0xC100] =	vst v63  }
0x15e: {  	_ = 	snop  }
0x15f: {  	[hbm4b:s4+s2] =	stream.indirect_vreg.scatter [tilespmem:s9], [sflag:$0x1], $0x80, v3, vm0, $0xb8;
	[tilespmem:$0xC100] =	vst v63  }
0x160: {  	_ = 	snop  }
0x161: {  	[hbm4b:s5+s2] =	stream.indirect_vreg.scatter [tilespmem:s10], [sflag:$0x1], $0x80, v3, vm0, $0xb8;
	[tilespmem:$0xC100] =	vst v63  }
0x162: {  	_ = 	snop  }
0x163: {  	[hbm4b:s6+s2] =	stream.indirect_vreg.scatter [tilespmem:s11], [sflag:$0x1], $0x80, v3, vm0, $0xb8;
	[tilespmem:$0xC100] =	vst v63  }
0x164: {  	p0 =	sne.s32 s7, $0x1;
	_ =	swait.ge [sflag:s3], $0xC000  }
.Ltmp0:
0x165: {  	[sflag:s3] =	ssyncset.done $0x0;
	(pc) =	sbr.rel @p0 .LBB2_1-.Ltmp0, $4  }
0x166: {  	[sflag:s3] =	ssyncadd.s32 $0xFFFF4000  }
0x167: {  	_ =	swait.ge [sflag:s3], $0xC000  }
0x168: {  	[sflag:s3] =	ssyncset.done $0x0  }
0x169: {  	s7 =	sadd.s32 $0xFFFFFFFF, s7;
	[sflag:s3] =	ssyncadd.s32 $0xFFFF4000  }
0x16a: {  	_ =	sfence.sel $0x180000  }
0x16b: {  	[bflag:$0x0] =	sbarrier.arrive $0xFFFF  }
0x16c: {  	_ =	strace $0x90000047  }
0x16d: {  	s0 =	stileid.u32;
	[bflag:$0x2] =	sbarrier.arrive $0xFFFF  }
0x16e: {  	p0 =	sne.s32 s0, $0x0;
	s0 =	rddreg [dreg:$0x2]  }
0x16f: {  	s0 =	sadd.s32 @!p0 $0x100000, s0  }
0x170: {  	[sflag:s0] =	ssyncadd.tile.s32 @!p0 $0x1;
	_ =	shalt  }
.Lfunc_end2:
_tile_overlayer_lowered:
.L_overlay_start_2:
0x171: {  	(tag) =	ssettag $0x2  }
0x172: {  	s0 =	rddreg [dreg:$0x0];
	s2 =	stileid.u32  }
0x173: {  	s1 =	rddreg [dreg:$0x1];
	p0 =	sne.s32 s2, $0x0  }
0x174: {  	s3 =	rddreg [dreg:$0x2];
	[bflag:$0x3] =	sbarrier.arrive $0xFFFF;
	s2 =	simm.s32 @!p0 $0x1C02  }
0x175: {  	[timem:s3], [sflag:s2] =	dma.local @!p0 [hbm:s0], s1  }
0x176: {  	s0 =	simm.s32 @!p0 $0x2  }
0x177: {  	_ =	swait.ge @!p0 [sflag:s0], s1  }
0x178: {  	s1 =	ssub.s32 @!p0 $0x0, s1;
	[sflag:s0] =	ssyncset.done @!p0 $0x0  }
0x179: {  	[sflag:s0] =	ssyncadd.s32 @!p0 s1  }
0x17a: {  	[bflag:$0x3] =	sbarrier.arrive $0xFFFF  }
0x17b: {  	_ =	shalt  }

// kernel: kernel.9.cloned.1.call-start
scs
__scs_entry_jumppad:
0x0: {  	(pc) =	sbr.rel $0x88, $3  }
0x1: {  	(tag) =	ssettag $0x0;
	lr =	simm.s32 $0x1  }
0x2: {  	[smem:$0x3F9D] =	sst lr;
	_ =	strace $0xD0000000  }
0x3: {  	_ = 	snop  }
0x4: {  	_ = 	snop  }
0x5: {  	_ = 	snop  }
0x6: {  	_ = 	snop  }
0x7: {  	_ = 	snop  }
__scs_overlays_trampoline_lowered:
0x8: {  	[smem:$0x3FAC] =	sst s0  }
0x9: {  	[smem:$0x3FAD] =	sst s1  }
0xa: {  	[smem:$0x3FAE] =	sst s2  }
0xb: {  	[smem:$0x3FAF] =	sst s3  }
0xc: {  	[smem:$0x3FB0] =	sst s4  }
0xd: {  	[smem:$0x3FB1] =	sst s5  }
0xe: {  	[smem:$0x3FB2] =	sst s6  }
0xf: {  	[smem:$0x3FB3] =	sst s7  }
0x10: {  	[smem:$0x3FB4] =	sst s8  }
0x11: {  	[smem:$0x3FB5] =	sst s9;
	s0 =	simm.s32 @!p0 $0x0  }
0x12: {  	s1 =	sld [smem:$0x3F9B];
	s0 =	simm.s32 @p0 $0x1  }
0x13: {  	[smem:$0x3FB6] =	sst s0;
	s0 =	simm.s32 @!p1 $0x0  }
0x14: {  	s2 =	sld [smem:$0x3F9A];
	s0 =	simm.s32 @p1 $0x1  }
0x15: {  	[smem:$0x3FB7] =	sst s0;
	s0 =	simm.s32 @!p2 $0x0  }
0x16: {  	s3 =	sld [smem:$0x3FDB];
	s0 =	simm.s32 @p2 $0x1  }
0x17: {  	s4 =	simm.s32 $0x1BF5;
	[smem:$0x3FB9] =	sst s0  }
0x18: {  	s0 =	sld [smem:$0x3F9C];
	_ =	swait.ge [sflag:s4], $0x0  }
0x19: {  	s7 =	sld [smem:$0x3F9D]  }
0x1a: {  	s8 =	sadd.s32 $0xFFFFE003, lr  }
0x1b: {  	s9 =	sadd.s32 $0xFFFFFEF7, lr;
	s5 =	simm.s32 $0xFFFFFFFF;
	p2 =	slt.u32 s8, $0xFFFFF086  }
0x1c: {  	p1 =	slt.u32 s9, $0xF7A;
	s5 =	simm.s32 @!p2 $0x0  }
0x1d: {  	s5 =	simm.s32 @p1 $0x1;
	p0 =	seq.s32 s7, s2  }
0x1e: {  	s7 =	smul.u32 @!p0 $0xF7A, s2;
	p2 =	seq.s32 @!p0 s5, $0x0  }
0x1f: {  	s9 =	smul.u32 $0xF7A, s1;
	s8 =	simm.s32 @!p0 $0x1BF5;
	p2 =	por !p2, p0  }
0x20: {  	[sflag:s8] =	ssyncset.s32 @!p0 $0xFFFFF086;
	s6 =	sadd.s32 @!p0 s3, s7;
	s7 =	simm.s32 @!p0 $0x108  }
0x21: {  	s3 =	sadd.s32 s3, s9;
	s6 =	sadd.s32 @!p0 $0x88, s6;
	s7 =	simm.s32 @p2 $0x1082  }
0x22: {  	[simem:s7], [sflag:s8] =	dma.local @!p0 [hbm:s6], $0xF7A  }
0x23: {  	s9 =	sor.u32 $0xD0000000, s2;
	s6 =	simm.s32 $0x108;
	_ =	swait.ge @!p0 [sflag:s8], $0x0  }
0x24: {  	s3 =	sadd.s32 $0x88, s3;
	s6 =	simm.s32 @!p1 $0x1082;
	[sflag:s4] =	ssyncset.s32 $0xFFFFF086  }
0x25: {  	[simem:s6], [sflag:s4] =	dma.local [hbm:s3], $0xF7A  }
0x26: {  	[smem:$0x3F9D] =	sst s1;
	(tag) =	ssettag s2;
	_ =	strace s9  }
0x27: {  	s1 =	sld [smem:$0x3FAD]  }
0x28: {  	s2 =	sld [smem:$0x3FAE]  }
0x29: {  	s4 =	sld [smem:$0x3FB0]  }
0x2a: {  	p0 =	seq.s32 s5, $0x0;
	s5 =	sld [smem:$0x3FB1]  }
0x2b: {  	s6 =	sld [smem:$0x3FB2]  }
0x2c: {  	s7 =	sld [smem:$0x3FB3]  }
0x2d: {  	s3 =	simm.s32 $0x108;
	s8 =	sld [smem:$0x3FB4]  }
0x2e: {  	s3 =	simm.s32 @!p0 $0x1082;
	s9 =	sld [smem:$0x3FB5]  }
0x2f: {  	lr =	sadd.s32 s0, s3;
	s0 =	sld [smem:$0x3FAC]  }
0x30: {  	s3 =	sld [smem:$0x3FAF]  }
0x31: {  	[smem:$0x3FB8] =	sst s10  }
0x32: {  	s10 =	sld [smem:$0x3FB6];
	_ =	sdelay $0x3  }
0x33: {  	p0 =	seq.s32 s10, $0x1;
	s10 =	sld [smem:$0x3FB8];
	_ =	sdelay $0x3  }
0x34: {  	[smem:$0x3FB8] =	sst s10  }
0x35: {  	s10 =	sld [smem:$0x3FB7];
	_ =	sdelay $0x3  }
0x36: {  	p1 =	seq.s32 s10, $0x1;
	s10 =	sld [smem:$0x3FB8];
	_ =	sdelay $0x3  }
0x37: {  	[smem:$0x3FB8] =	sst s10  }
0x38: {  	s10 =	sld [smem:$0x3FB9]  }
0x39: {  	_ = 	snop;
	(pc) =	sbr.ind lr, $3  }
0x3a: {  	_ = 	snop  }
0x3b: {  	_ = 	snop  }
0x3c: {  	p2 =	seq.s32 s10, $0x1;
	s10 =	sld [smem:$0x3FB8]  }
0x3d: {  	_ =	shalt  }
0x3e: {  	_ =	shalt  }
0x3f: {  	_ =	shalt  }
0x40: {  	_ =	shalt  }
0x41: {  	_ =	shalt  }
0x42: {  	_ =	shalt  }
0x43: {  	_ =	shalt  }
0x44: {  	_ =	shalt  }
0x45: {  	_ =	shalt  }
0x46: {  	_ =	shalt  }
0x47: {  	_ =	shalt  }
0x48: {  	_ =	shalt  }
0x49: {  	_ =	shalt  }
0x4a: {  	_ =	shalt  }
0x4b: {  	_ =	shalt  }
0x4c: {  	_ =	shalt  }
0x4d: {  	_ =	shalt  }
0x4e: {  	_ =	shalt  }
0x4f: {  	_ =	shalt  }
0x50: {  	_ =	shalt  }
0x51: {  	_ =	shalt  }
0x52: {  	_ =	shalt  }
0x53: {  	_ =	shalt  }
0x54: {  	_ =	shalt  }
0x55: {  	_ =	shalt  }
0x56: {  	_ =	shalt  }
0x57: {  	_ =	shalt  }
0x58: {  	_ =	shalt  }
0x59: {  	_ =	shalt  }
0x5a: {  	_ =	shalt  }
0x5b: {  	_ =	shalt  }
0x5c: {  	_ =	shalt  }
0x5d: {  	_ =	shalt  }
0x5e: {  	_ =	shalt  }
0x5f: {  	_ =	shalt  }
0x60: {  	_ =	shalt  }
0x61: {  	_ =	shalt  }
0x62: {  	_ =	shalt  }
0x63: {  	_ =	shalt  }
0x64: {  	_ =	shalt  }
0x65: {  	_ =	shalt  }
0x66: {  	_ =	shalt  }
0x67: {  	_ =	shalt  }
0x68: {  	_ =	shalt  }
0x69: {  	_ =	shalt  }
0x6a: {  	_ =	shalt  }
0x6b: {  	_ =	shalt  }
0x6c: {  	_ =	shalt  }
0x6d: {  	_ =	shalt  }
0x6e: {  	_ =	shalt  }
0x6f: {  	_ =	shalt  }
0x70: {  	_ =	shalt  }
0x71: {  	_ =	shalt  }
0x72: {  	_ =	shalt  }
0x73: {  	_ =	shalt  }
0x74: {  	_ =	shalt  }
0x75: {  	_ =	shalt  }
0x76: {  	_ =	shalt  }
0x77: {  	_ =	shalt  }
0x78: {  	_ =	shalt  }
0x79: {  	_ =	shalt  }
0x7a: {  	_ =	shalt  }
0x7b: {  	_ =	shalt  }
0x7c: {  	_ =	shalt  }
0x7d: {  	_ =	shalt  }
0x7e: {  	_ =	shalt  }
0x7f: {  	_ =	shalt  }
0x80: {  	_ =	shalt  }
0x81: {  	_ =	shalt  }
0x82: {  	_ =	shalt  }
0x83: {  	_ =	shalt  }
0x84: {  	_ =	shalt  }
0x85: {  	_ =	shalt  }
0x86: {  	_ =	shalt  }
0x87: {  	_ =	shalt  }
.Lfunc_end0:
.L_simem_size_0:
called_computation.1_lowered:
.L_overlay_start_0:
0x88: {  	s2 =	sld [smem:$0x3FD9]  }
0x89: {  	s3 =	sld [smem:$0x3FFE];
	_ =	sdelay $0x1  }
0x8a: {  	s1 =	srdreg.scid  }
0x8b: {  	s0 =	sand.u32 $0x1, s1  }
0x8c: {  	s17 =	sshll.u32 s0, $0xA;
	s2 =	sadd.s32 s3, s2  }
0x8d: {  	s2 =	sadd.s32 s2, s17  }
0x8e: {  	[smem:$0x3FC4] =	sst s2  }
0x8f: {  	_ = 	snop  }
0x90: {  	s2 =	sld [smem:$0x3FD0];
	(tm) =	ssettm $0x1  }
0x91: {  	s18 =	sld [smem:$0x3FFB];
	_ =	sdelay $0x3  }
0x92: {  	_ =	strace s18  }
0x93: {  	s3 =	sld [smem:$0x3FFC];
	_ =	sdelay $0x3  }
0x94: {  	_ =	strace s3  }
0x95: {  	s3 =	sld [smem:$0x3FFD];
	_ =	sdelay $0x3  }
0x96: {  	_ =	strace s3  }
0x97: {  	_ =	strace $0x8FFFFFFF  }
0x98: {  	s19 =	sld [smem:$0x3FDB];
	_ =	sdelay $0x1  }
0x99: {  	s4 =	simm.s32 $_scs_section_size  }
0x9a: {  	s5 =	simm.s32 $_size__tile_overlayer_lowered;
	s6 =	simm.s32 $_tile_overlayer_lowered  }
0x9b: {  	s22 =	simm.s32 $0x1BFF;
	s21 =	sshll.u32 s6, $0x1;
	s3 =	sadd.s32 s4, s19  }
0x9c: {  	s7 =	simm.s32 $0x0;
	s20 =	sshll.u32 s5, $0x1;
	s5 =	sadd.s32 s21, s3  }
0x9d: {  	[timem:s7], [sflag:s22] =	dma.local [hbm:s5], s20  }
0x9e: {  	_ =	swait.ge [sflag:s22], s20  }
0x9f: {  	s4 =	ssub.s32 $0x0, s20;
	[sflag:s22] =	ssyncset.done $0x0  }
0xa0: {  	[sflag:s22] =	ssyncadd.s32 s4;
	_ =	sdelay $0x1  }
0xa1: {  	s23 =	simm.s32 $0x1B8B  }
0xa2: {  	_ =	swait.ge [sflag:s23], $0x1  }
0xa3: {  	[sflag:s23] =	ssyncset.done $0x0  }
0xa4: {  	s25 =	simm.s32 $0x1B8E;
	s24 =	sld [smem:$0x3FFE];
	[sflag:s23] =	ssyncadd.s32 $0xFFFFFFFF  }
0xa5: {  	s26 =	simm.s32 $execute0_lowered;
	[smem:$0x3FD2] =	sst s25  }
0xa6: {  	s5 =	sshll.u32 s26, $0x1;
	_ =	strace $0x80000049;
	[dreg:$0x1] =	wrdreg $0xFFFFFFFF  }
0xa7: {  	s28 =	simm.s32 $_size_execute0_lowered;
	s3 =	sadd.s32 s3, s5;
	[dreg:$0x0] =	wrdreg $0x0  }
0xa8: {  	s5 =	sshll.u32 s28, $0x1;
	[dreg:$0x2] =	wrdreg s3  }
0xa9: {  	[dreg:$0x3] =	wrdreg s5  }
0xaa: {  	[dreg:$0x4] =	wrdreg $0xC0  }
0xab: {  	_ =	task [dreg:s7], $0x5FFFF  }
0xac: {  	[dreg:$0x1] =	wrdreg $0xFFFFFFFF  }
0xad: {  	[dreg:$0x0] =	wrdreg $0x60  }
0xae: {  	[dreg:$0x2] =	wrdreg s24  }
0xaf: {  	[dreg:$0x3] =	wrdreg s2  }
0xb0: {  	[dreg:$0x4] =	wrdreg $0x9  }
0xb1: {  	_ =	task.clear_ibuf [dreg:s7], $0x5FFFF;
	_ =	strace $0x90000049  }
0xb2: {  	s29 =	simm.s32 $0x9;
	_ =	strace $0x8000004B  }
0xb3: {  	_ =	swait.ge [sflag:s29], $0x1  }
0xb4: {  	[sflag:s29] =	ssyncadd.s32 $0xFFFFFFFF  }
0xb5: {  	_ =	strace $0x9000004B  }
0xb6: {  	_ =	sfence  }
0xb7: {  	s30 =	sld [smem:$0x0];
	_ =	sdelay $0x2  }
0xb8: {  	s31 =	sshll.u32 s1, $0xD;
	s1 =	sshrl.u32 s1, $0x2  }
0xb9: {  	s3 =	sand.u32 $0x4000, s31;
	s1 =	sadd.s32 s1, s30  }
0xba: {  	s0 =	sor.u32 s3, s0;
	s1 =	sshll.u32 s1, $0x11  }
0xbb: {  	s0 =	sor.u32 s1, s0  }
0xbc: {  	s0 =	sadd.s32 $0x8F2B, s0  }
0xbd: {  	[sflag:s0] =	ssyncadd.remote.s32 $0x1  }
0xbe: {  	_ =	sfence.sel $0xFFFF  }
0xbf: {  	[dreg:$0x0] =	wrdreg $0xFFFFFFFF;
	(pc) =	sbr.abs _section_cstart, $3  }
0xc0: {  	[dreg:$0x1] =	wrdreg $0xFFFFFFFF  }
0xc1: {  	_ =	task.clear_ibuf [dreg:s7], $0x2FFFF;
	_ =	strace $0x9FFFFFFF  }
0xc2: {  	(tm) =	ssettm $0x7FFFFFFF  }
0xc3: {  	_ =	shalt  }
tec
execute0_lowered:
.L_overlay_start_1:
0x0: {  	(tag) =	ssettag $0x1  }
0x1: {  	s0 =	rddreg [dreg:$0x0]  }
0x2: {  	s1 =	rddreg [dreg:$0x1];
	s2 =	simm.s32 $0x0  }
0x3: {  	s3 =	srdreg.scid;
	s5 =	stileid.u32;
	s28 =	simm.s32 $0x18100  }
0x4: {  	s29 =	simm.s32 $0x18900;
	s30 =	simm.s32 $0x19900;
	s31 =	simm.s32 $0x1A900  }
0x5: {  	[smem:$0x7FF] =	sst s2;
	s4 =	sand.u32 $0x1, s3;
	s3 =	sadd.s32 $0x1A0A00, s0  }
0x6: {  	s5 =	sshll.u32 s5, $0x8;
	s8 =	sadd.s32 $0x20600, s0;
	s6 =	sshll.u32 s4, $0x7  }
0x7: {  	s9 =	sadd.s32 $0x600, s0;
	s4 =	ssub.s32 $0x2, s4;
	s5 =	sor.u32 s6, s5  }
0x8: {  	_ =	strace $0x8000004A;
	s17 =	sshrl.u32 s4, $0x1;
	s10 =	sor.u32 $0x1000, s5  }
0x9: {  	s4 =	ssub.s32 s4, s17;
	s11 =	sshrl.u32 s5, $0x3;
	s12 =	sshll.u32 s5, $0x4  }
0xa: {  	s22 =	sor.u32 $0x40, s5;
	s5 =	sor.u32 $0x1040, s5;
	s17 =	simm.s32 $0x2  }
0xb: {  	s18 =	sshrl.u32 s10, $0x3;
	s7 =	sadd.s32 s8, s11;
	s19 =	sadd.s32 s9, s12  }
0xc: {  	s20 =	sshll.u32 s10, $0x4;
	s21 =	smul.u32 $0x300, s11;
	s23 =	sshrl.u32 s22, $0x3  }
0xd: {  	s25 =	sshrl.u32 s5, $0x3;
	s11 =	sshll.u32 s22, $0x4;
	s5 =	sshll.u32 s5, $0x4  }
0xe: {  	s16 =	smax.u32 s4, $0x1;
	s22 =	simm.s32 $0x15100;
	s4 =	simm.s32 $0x1B100  }
0xf: {  	[dreg:$0x3] =	wrdreg s7;
	s6 =	sadd.s32 s8, s18;
	s7 =	sadd.s32 $0x1A0C00, s0  }
0x10: {  	[dreg:$0x5] =	wrdreg s19;
	s24 =	sadd.s32 s8, s23;
	s8 =	sadd.s32 s8, s25  }
0x11: {  	s26 =	sadd.s32 s9, s11;
	s5 =	sadd.s32 s9, s5;
	[dreg:$0x4] =	wrdreg s6  }
0x12: {  	s19 =	simm.s32 $0x4100;
	s25 =	simm.s32 $0x16900;
	[dreg:$0x8] =	wrdreg s24  }
0x13: {  	s11 =	simm.s32 $0x1A100;
	s6 =	sadd.s32 $0x1A0B00, s0;
	[dreg:$0x9] =	wrdreg s8  }
0x14: {  	s0 =	sadd.s32 s9, s20;
	s10 =	sadd.s32 s1, s21;
	[dreg:$0xa] =	wrdreg s26  }
0x15: {  	[dreg:$0xb] =	wrdreg s5;
	s8 =	simm.s32 $0x14900;
	s24 =	simm.s32 $0x16100  }
0x16: {  	s9 =	simm.s32 $0x17100;
	[dreg:$0x6] =	wrdreg s0;
	s0 =	smul.u32 $0x300, s23  }
0x17: {  	v2 =	vlaneseq.u32;
	s26 =	simm.s32 $0x17900;
	s5 =	simm.s32 $0x1;
	[dreg:$0x7] =	wrdreg s10  }
0x18: {  	vm0 =	vmmov $0xffff;
	v1 =	vshrl.u32 v2, $0x3;
	s23 =	simm.s32 $0x15900;
	s10 =	simm.s32 $0x19100;
	s0 =	sadd.s32 s1, s0  }
0x19: {  	v0 =	vand.u32 $0x7, v2;
	v2 =	vor.u32 $0x8, v2;
	v1 =	vmul.u32 $0x8, v1;
	s1 =	simm.s32 $0x0;
	[dreg:$0xc] =	wrdreg s0;
	s0 =	simm.s32 $0x1B900  }
.LBB2_1:
0x1a: {  	s12 =	rddreg [dreg:$0x3]  }
0x1b: {  	[tilespmem:s2], [sflag:$0x2] =	stream.linear.gather [hbm4b:s12+s2], $0x40, $0x38;
	[tilespmem:$0x1C100] =	vst v63  }
0x1c: {  	_ =	swait.ge [sflag:s17], $0x40  }
0x1d: {  	[sflag:s17] =	ssyncset.done $0x0  }
0x1e: {  	s13 =	simm.s32 $0x80;
	s20 =	rddreg [dreg:$0x4];
	[sflag:s17] =	ssyncadd.s32 $0xFFFFFFC0  }
0x1f: {  	[tilespmem:s13], [sflag:$0x2] =	stream.linear.gather [hbm4b:s20+s2], $0x40, $0x38;
	[tilespmem:$0x1C100] =	vst v63  }
0x20: {  	_ =	swait.ge [sflag:s17], $0x40  }
0x21: {  	[sflag:s17] =	ssyncset.done $0x0  }
0x22: {  	[sflag:s17] =	ssyncadd.s32 $0xFFFFFFC0  }
0x23: {  	v3 =	vld [tilespmem:$0x0];
	_ =	sdelay $0x4  }
0x24: {  	v4 =	vshrl.u32 v3, $0x3  }
0x25: {  	v4 =	vmul.u32 $0x30, v4  }
0x26: {  	v3 =	vand.u32 $0x7, v3  }
0x27: {  	v3 =	vor.u32 v3, v4  }
0x28: {  	v4 =	vperm.xlane v3, v0;
	_ =	sdelay $0x1  }
0x29: {  	v4 =	vadd.s32 v1, v4;
	_ =	sdelay $0x3  }
0x2a: {  	v3 =	vperm.xlane v3, v2  }
0x2b: {  	[tilespmem:s19], [sflag:$0x1] =	stream.indirect_vreg.gather [hbm4b:s3+s2], $0x80, v4, vm0, $0xb8;
	[tilespmem:$0x1C100] =	vst v63  }
0x2c: {  	s21 =	simm.s32 $0x4900;
	v3 =	vadd.s32 v1, v3  }
0x2d: {  	[tilespmem:s21], [sflag:$0x1] =	stream.indirect_vreg.gather [hbm4b:s6+s2], $0x80, v4, vm0, $0xb8;
	[tilespmem:$0x1C100] =	vst v63  }
0x2e: {  	s13 =	simm.s32 $0x5100  }
0x2f: {  	[tilespmem:s13], [sflag:$0x1] =	stream.indirect_vreg.gather [hbm4b:s7+s2], $0x80, v4, vm0, $0xb8;
	[tilespmem:$0x1C100] =	vst v63  }
0x30: {  	s14 =	simm.s32 $0x5900  }
0x31: {  	[tilespmem:s14], [sflag:$0x1] =	stream.indirect_vreg.gather [hbm4b:s3+s2], $0x80, v3, vm0, $0xb8;
	[tilespmem:$0x1C100] =	vst v63  }
0x32: {  	s15 =	simm.s32 $0x6100  }
0x33: {  	[tilespmem:s15], [sflag:$0x1] =	stream.indirect_vreg.gather [hbm4b:s6+s2], $0x80, v3, vm0, $0xb8;
	[tilespmem:$0x1C100] =	vst v63  }
0x34: {  	s18 =	simm.s32 $0x6900  }
0x35: {  	[tilespmem:s18], [sflag:$0x1] =	stream.indirect_vreg.gather [hbm4b:s7+s2], $0x80, v3, vm0, $0xb8;
	[tilespmem:$0x1C100] =	vst v63  }
0x36: {  	v3 =	vld [tilespmem:$0x10];
	_ =	sdelay $0x4  }
0x37: {  	v4 =	vshrl.u32 v3, $0x3  }
0x38: {  	v4 =	vmul.u32 $0x30, v4  }
0x39: {  	v3 =	vand.u32 $0x7, v3  }
0x3a: {  	v3 =	vor.u32 v3, v4  }
0x3b: {  	v4 =	vperm.xlane v3, v0;
	_ =	sdelay $0x1  }
0x3c: {  	v4 =	vadd.s32 v1, v4;
	_ =	sdelay $0x3  }
0x3d: {  	s20 =	simm.s32 $0x7100;
	v3 =	vperm.xlane v3, v2  }
0x3e: {  	[tilespmem:s20], [sflag:$0x1] =	stream.indirect_vreg.gather [hbm4b:s3+s2], $0x80, v4, vm0, $0xb8;
	[tilespmem:$0x1C100] =	vst v63  }
0x3f: {  	s21 =	simm.s32 $0x7900;
	v3 =	vadd.s32 v1, v3  }
0x40: {  	[tilespmem:s21], [sflag:$0x1] =	stream.indirect_vreg.gather [hbm4b:s6+s2], $0x80, v4, vm0, $0xb8;
	[tilespmem:$0x1C100] =	vst v63  }
0x41: {  	s13 =	simm.s32 $0x8100  }
0x42: {  	[tilespmem:s13], [sflag:$0x1] =	stream.indirect_vreg.gather [hbm4b:s7+s2], $0x80, v4, vm0, $0xb8;
	[tilespmem:$0x1C100] =	vst v63  }
0x43: {  	s14 =	simm.s32 $0x8900  }
0x44: {  	[tilespmem:s14], [sflag:$0x1] =	stream.indirect_vreg.gather [hbm4b:s3+s2], $0x80, v3, vm0, $0xb8;
	[tilespmem:$0x1C100] =	vst v63  }
0x45: {  	s15 =	simm.s32 $0x9100  }
0x46: {  	[tilespmem:s15], [sflag:$0x1] =	stream.indirect_vreg.gather [hbm4b:s6+s2], $0x80, v3, vm0, $0xb8;
	[tilespmem:$0x1C100] =	vst v63  }
0x47: {  	s18 =	simm.s32 $0x9900  }
0x48: {  	[tilespmem:s18], [sflag:$0x1] =	stream.indirect_vreg.gather [hbm4b:s7+s2], $0x80, v3, vm0, $0xb8;
	[tilespmem:$0x1C100] =	vst v63  }
0x49: {  	v3 =	vld [tilespmem:$0x20];
	_ =	sdelay $0x4  }
0x4a: {  	v4 =	vshrl.u32 v3, $0x3  }
0x4b: {  	v4 =	vmul.u32 $0x30, v4  }
0x4c: {  	v3 =	vand.u32 $0x7, v3  }
0x4d: {  	v3 =	vor.u32 v3, v4  }
0x4e: {  	v4 =	vperm.xlane v3, v0;
	_ =	sdelay $0x1  }
0x4f: {  	v4 =	vadd.s32 v1, v4;
	_ =	sdelay $0x3  }
0x50: {  	s20 =	simm.s32 $0xA100;
	v3 =	vperm.xlane v3, v2  }
0x51: {  	[tilespmem:s20], [sflag:$0x1] =	stream.indirect_vreg.gather [hbm4b:s3+s2], $0x80, v4, vm0, $0xb8;
	[tilespmem:$0x1C100] =	vst v63  }
0x52: {  	s21 =	simm.s32 $0xA900;
	v3 =	vadd.s32 v1, v3  }
0x53: {  	[tilespmem:s21], [sflag:$0x1] =	stream.indirect_vreg.gather [hbm4b:s6+s2], $0x80, v4, vm0, $0xb8;
	[tilespmem:$0x1C100] =	vst v63  }
0x54: {  	s13 =	simm.s32 $0xB100  }
0x55: {  	[tilespmem:s13], [sflag:$0x1] =	stream.indirect_vreg.gather [hbm4b:s7+s2], $0x80, v4, vm0, $0xb8;
	[tilespmem:$0x1C100] =	vst v63  }
0x56: {  	s14 =	simm.s32 $0xB900  }
0x57: {  	[tilespmem:s14], [sflag:$0x1] =	stream.indirect_vreg.gather [hbm4b:s3+s2], $0x80, v3, vm0, $0xb8;
	[tilespmem:$0x1C100] =	vst v63  }
0x58: {  	s15 =	simm.s32 $0xC100  }
0x59: {  	[tilespmem:s15], [sflag:$0x1] =	stream.indirect_vreg.gather [hbm4b:s6+s2], $0x80, v3, vm0, $0xb8;
	[tilespmem:$0x1C100] =	vst v63  }
0x5a: {  	s18 =	simm.s32 $0xC900  }
0x5b: {  	[tilespmem:s18], [sflag:$0x1] =	stream.indirect_vreg.gather [hbm4b:s7+s2], $0x80, v3, vm0, $0xb8;
	[tilespmem:$0x1C100] =	vst v63  }
0x5c: {  	v3 =	vld [tilespmem:$0x30];
	_ =	sdelay $0x4  }
0x5d: {  	v4 =	vshrl.u32 v3, $0x3  }
0x5e: {  	v4 =	vmul.u32 $0x30, v4  }
0x5f: {  	v3 =	vand.u32 $0x7, v3  }
0x60: {  	v3 =	vor.u32 v3, v4  }
0x61: {  	v4 =	vperm.xlane v3, v0;
	_ =	sdelay $0x1  }
0x62: {  	v4 =	vadd.s32 v1, v4;
	_ =	sdelay $0x3  }
0x63: {  	s20 =	simm.s32 $0xD100;
	v3 =	vperm.xlane v3, v2  }
0x64: {  	[tilespmem:s20], [sflag:$0x1] =	stream.indirect_vreg.gather [hbm4b:s3+s2], $0x80, v4, vm0, $0xb8;
	[tilespmem:$0x1C100] =	vst v63  }
0x65: {  	s21 =	simm.s32 $0xD900;
	v3 =	vadd.s32 v1, v3  }
0x66: {  	[tilespmem:s21], [sflag:$0x1] =	stream.indirect_vreg.gather [hbm4b:s6+s2], $0x80, v4, vm0, $0xb8;
	[tilespmem:$0x1C100] =	vst v63  }
0x67: {  	s13 =	simm.s32 $0xE100  }
0x68: {  	[tilespmem:s13], [sflag:$0x1] =	stream.indirect_vreg.gather [hbm4b:s7+s2], $0x80, v4, vm0, $0xb8;
	[tilespmem:$0x1C100] =	vst v63  }
0x69: {  	s14 =	simm.s32 $0xE900  }
0x6a: {  	[tilespmem:s14], [sflag:$0x1] =	stream.indirect_vreg.gather [hbm4b:s3+s2], $0x80, v3, vm0, $0xb8;
	[tilespmem:$0x1C100] =	vst v63  }
0x6b: {  	s15 =	simm.s32 $0xF100  }
0x6c: {  	[tilespmem:s15], [sflag:$0x1] =	stream.indirect_vreg.gather [hbm4b:s6+s2], $0x80, v3, vm0, $0xb8;
	[tilespmem:$0x1C100] =	vst v63  }
0x6d: {  	s18 =	simm.s32 $0xF900  }
0x6e: {  	[tilespmem:s18], [sflag:$0x1] =	stream.indirect_vreg.gather [hbm4b:s7+s2], $0x80, v3, vm0, $0xb8;
	[tilespmem:$0x1C100] =	vst v63  }
0x6f: {  	v3 =	vld [tilespmem:$0x80];
	_ =	sdelay $0x4  }
0x70: {  	v4 =	vshrl.u32 v3, $0x3  }
0x71: {  	v4 =	vmul.u32 $0x30, v4  }
0x72: {  	v3 =	vand.u32 $0x7, v3  }
0x73: {  	v3 =	vor.u32 v3, v4  }
0x74: {  	v4 =	vperm.xlane v3, v0;
	_ =	sdelay $0x1  }
0x75: {  	v4 =	vadd.s32 v1, v4;
	_ =	sdelay $0x3  }
0x76: {  	s20 =	simm.s32 $0x10100;
	v3 =	vperm.xlane v3, v2  }
0x77: {  	[tilespmem:s20], [sflag:$0x1] =	stream.indirect_vreg.gather [hbm4b:s3+s2], $0x80, v4, vm0, $0xb8;
	[tilespmem:$0x1C100] =	vst v63  }
0x78: {  	s21 =	simm.s32 $0x10900;
	v3 =	vadd.s32 v1, v3  }
0x79: {  	[tilespmem:s21], [sflag:$0x1] =	stream.indirect_vreg.gather [hbm4b:s6+s2], $0x80, v4, vm0, $0xb8;
	[tilespmem:$0x1C100] =	vst v63  }
0x7a: {  	s13 =	simm.s32 $0x11100  }
0x7b: {  	[tilespmem:s13], [sflag:$0x1] =	stream.indirect_vreg.gather [hbm4b:s7+s2], $0x80, v4, vm0, $0xb8;
	[tilespmem:$0x1C100] =	vst v63  }
0x7c: {  	s14 =	simm.s32 $0x11900  }
0x7d: {  	[tilespmem:s14], [sflag:$0x1] =	stream.indirect_vreg.gather [hbm4b:s3+s2], $0x80, v3, vm0, $0xb8;
	[tilespmem:$0x1C100] =	vst v63  }
0x7e: {  	s15 =	simm.s32 $0x12100  }
0x7f: {  	[tilespmem:s15], [sflag:$0x1] =	stream.indirect_vreg.gather [hbm4b:s6+s2], $0x80, v3, vm0, $0xb8;
	[tilespmem:$0x1C100] =	vst v63  }
0x80: {  	s18 =	simm.s32 $0x12900  }
0x81: {  	[tilespmem:s18], [sflag:$0x1] =	stream.indirect_vreg.gather [hbm4b:s7+s2], $0x80, v3, vm0, $0xb8;
	[tilespmem:$0x1C100] =	vst v63  }
0x82: {  	v3 =	vld [tilespmem:$0x90];
	_ =	sdelay $0x4  }
0x83: {  	v4 =	vshrl.u32 v3, $0x3  }
0x84: {  	v4 =	vmul.u32 $0x30, v4  }
0x85: {  	v3 =	vand.u32 $0x7, v3  }
0x86: {  	v3 =	vor.u32 v3, v4  }
0x87: {  	v4 =	vperm.xlane v3, v0;
	_ =	sdelay $0x1  }
0x88: {  	v4 =	vadd.s32 v1, v4;
	_ =	sdelay $0x3  }
0x89: {  	s20 =	simm.s32 $0x13100;
	v3 =	vperm.xlane v3, v2  }
0x8a: {  	[tilespmem:s20], [sflag:$0x1] =	stream.indirect_vreg.gather [hbm4b:s3+s2], $0x80, v4, vm0, $0xb8;
	[tilespmem:$0x1C100] =	vst v63  }
0x8b: {  	s21 =	simm.s32 $0x13900;
	v3 =	vadd.s32 v1, v3  }
0x8c: {  	[tilespmem:s21], [sflag:$0x1] =	stream.indirect_vreg.gather [hbm4b:s6+s2], $0x80, v4, vm0, $0xb8;
	[tilespmem:$0x1C100] =	vst v63  }
0x8d: {  	s13 =	simm.s32 $0x14100  }
0x8e: {  	[tilespmem:s13], [sflag:$0x1] =	stream.indirect_vreg.gather [hbm4b:s7+s2], $0x80, v4, vm0, $0xb8;
	[tilespmem:$0x1C100] =	vst v63  }
0x8f: {  	_ = 	snop  }
0x90: {  	[tilespmem:s8], [sflag:$0x1] =	stream.indirect_vreg.gather [hbm4b:s3+s2], $0x80, v3, vm0, $0xb8;
	[tilespmem:$0x1C100] =	vst v63  }
0x91: {  	_ = 	snop  }
0x92: {  	[tilespmem:s22], [sflag:$0x1] =	stream.indirect_vreg.gather [hbm4b:s6+s2], $0x80, v3, vm0, $0xb8;
	[tilespmem:$0x1C100] =	vst v63  }
0x93: {  	_ = 	snop  }
0x94: {  	[tilespmem:s23], [sflag:$0x1] =	stream.indirect_vreg.gather [hbm4b:s7+s2], $0x80, v3, vm0, $0xb8;
	[tilespmem:$0x1C100] =	vst v63  }
0x95: {  	v3 =	vld [tilespmem:$0xA0];
	_ =	sdelay $0x4  }
0x96: {  	v4 =	vshrl.u32 v3, $0x3  }
0x97: {  	v4 =	vmul.u32 $0x30, v4  }
0x98: {  	v3 =	vand.u32 $0x7, v3  }
0x99: {  	v3 =	vor.u32 v3, v4  }
0x9a: {  	v4 =	vperm.xlane v3, v0;
	_ =	sdelay $0x1  }
0x9b: {  	v4 =	vadd.s32 v1, v4;
	_ =	sdelay $0x3  }
0x9c: {  	v3 =	vperm.xlane v3, v2  }
0x9d: {  	[tilespmem:s24], [sflag:$0x1] =	stream.indirect_vreg.gather [hbm4b:s3+s2], $0x80, v4, vm0, $0xb8;
	[tilespmem:$0x1C100] =	vst v63  }
0x9e: {  	v3 =	vadd.s32 v1, v3  }
0x9f: {  	[tilespmem:s25], [sflag:$0x1] =	stream.indirect_vreg.gather [hbm4b:s6+s2], $0x80, v4, vm0, $0xb8;
	[tilespmem:$0x1C100] =	vst v63  }
0xa0: {  	_ = 	snop  }
0xa1: {  	[tilespmem:s9], [sflag:$0x1] =	stream.indirect_vreg.gather [hbm4b:s7+s2], $0x80, v4, vm0, $0xb8;
	[tilespmem:$0x1C100] =	vst v63  }
0xa2: {  	_ = 	snop  }
0xa3: {  	[tilespmem:s26], [sflag:$0x1] =	stream.indirect_vreg.gather [hbm4b:s3+s2], $0x80, v3, vm0, $0xb8;
	[tilespmem:$0x1C100] =	vst v63  }
0xa4: {  	_ = 	snop  }
0xa5: {  	[tilespmem:s28], [sflag:$0x1] =	stream.indirect_vreg.gather [hbm4b:s6+s2], $0x80, v3, vm0, $0xb8;
	[tilespmem:$0x1C100] =	vst v63  }
0xa6: {  	_ = 	snop  }
0xa7: {  	[tilespmem:s29], [sflag:$0x1] =	stream.indirect_vreg.gather [hbm4b:s7+s2], $0x80, v3, vm0, $0xb8;
	[tilespmem:$0x1C100] =	vst v63  }
0xa8: {  	v3 =	vld [tilespmem:$0xB0];
	_ =	sdelay $0x4  }
0xa9: {  	v4 =	vshrl.u32 v3, $0x3  }
0xaa: {  	v4 =	vmul.u32 $0x30, v4  }
0xab: {  	v3 =	vand.u32 $0x7, v3  }
0xac: {  	v3 =	vor.u32 v3, v4  }
0xad: {  	v4 =	vperm.xlane v3, v0;
	_ =	sdelay $0x1  }
0xae: {  	v4 =	vadd.s32 v1, v4;
	_ =	sdelay $0x3  }
0xaf: {  	v3 =	vperm.xlane v3, v2  }
0xb0: {  	[tilespmem:s10], [sflag:$0x1] =	stream.indirect_vreg.gather [hbm4b:s3+s2], $0x80, v4, vm0, $0xb8;
	[tilespmem:$0x1C100] =	vst v63  }
0xb1: {  	v3 =	vadd.s32 v1, v3  }
0xb2: {  	[tilespmem:s30], [sflag:$0x1] =	stream.indirect_vreg.gather [hbm4b:s6+s2], $0x80, v4, vm0, $0xb8;
	[tilespmem:$0x1C100] =	vst v63  }
0xb3: {  	_ = 	snop  }
0xb4: {  	[tilespmem:s11], [sflag:$0x1] =	stream.indirect_vreg.gather [hbm4b:s7+s2], $0x80, v4, vm0, $0xb8;
	[tilespmem:$0x1C100] =	vst v63  }
0xb5: {  	_ = 	snop  }
0xb6: {  	[tilespmem:s31], [sflag:$0x1] =	stream.indirect_vreg.gather [hbm4b:s3+s2], $0x80, v3, vm0, $0xb8;
	[tilespmem:$0x1C100] =	vst v63  }
0xb7: {  	_ = 	snop  }
0xb8: {  	[tilespmem:s4], [sflag:$0x1] =	stream.indirect_vreg.gather [hbm4b:s6+s2], $0x80, v3, vm0, $0xb8;
	[tilespmem:$0x1C100] =	vst v63  }
0xb9: {  	_ = 	snop  }
0xba: {  	[tilespmem:s0], [sflag:$0x1] =	stream.indirect_vreg.gather [hbm4b:s7+s2], $0x80, v3, vm0, $0xb8;
	[tilespmem:$0x1C100] =	vst v63  }
0xbb: {  	s12 =	simm.s32 $0x100;
	s14 =	rddreg [dreg:$0x5]  }
0xbc: {  	[tilespmem:s12], [sflag:$0x2] =	stream.linear.gather [hbm4b:s14+s2], $0x2000, $0x38;
	[tilespmem:$0x1C100] =	vst v63  }
0xbd: {  	_ =	swait.ge [sflag:s17], $0x2000  }
0xbe: {  	[sflag:s17] =	ssyncset.done $0x0  }
0xbf: {  	s18 =	simm.s32 $0x2100;
	s15 =	rddreg [dreg:$0x6];
	[sflag:s17] =	ssyncadd.s32 $0xFFFFE000  }
0xc0: {  	[tilespmem:s18], [sflag:$0x2] =	stream.linear.gather [hbm4b:s15+s2], $0x2000, $0x38;
	[tilespmem:$0x1C100] =	vst v63  }
0xc1: {  	_ =	swait.ge [sflag:s17], $0x2000  }
0xc2: {  	[sflag:s17] =	ssyncset.done $0x0  }
0xc3: {  	[sflag:s17] =	ssyncadd.s32 $0xFFFFE000  }
0xc4: {  	_ =	swait.ge [sflag:s5], $0xC000  }
0xc5: {  	[sflag:s5] =	ssyncset.done $0x0  }
0xc6: {  	s20 =	simm.s32 $0x0;
	[sflag:s5] =	ssyncadd.s32 $0xFFFF4000  }
0xc7: {  	s13 =	smul.u32 $0x1800, s20;
	_ =	swait.ge [sflag:s5], $0xC000  }
0xc8: {  	s14 =	sand.u32 $0x380, s2;
	[sflag:s5] =	ssyncset.done $0x0  }
0xc9: {  	s14 =	sor.u32 s14, s13;
	[sflag:s5] =	ssyncadd.s32 $0xFFFF4000  }
0xca: {  	v4 =	vld [tilespmem:s14+$0x4110]  }
0xcb: {  	v3 =	vld [tilespmem:s14+$0x10110]  }
0xcc: {  	v6 =	vld [tilespmem:s14+$0x4120]  }
0xcd: {  	v5 =	vld [tilespmem:s14+$0x10120]  }
0xce: {  	v10 =	vld [tilespmem:s14+$0x4130]  }
0xcf: {  	v9 =	vld [tilespmem:s14+$0x10130]  }
0xd0: {  	v12 =	vld [tilespmem:s14+$0x4140]  }
0xd1: {  	v11 =	vld [tilespmem:s14+$0x10140]  }
0xd2: {  	v13 =	vld [tilespmem:s14+$0x4160]  }
0xd3: {  	v14 =	vld [tilespmem:s14+$0x4170]  }
0xd4: {  	v15 =	vld [tilespmem:s14+$0x4500]  }
0xd5: {  	v16 =	vld [tilespmem:s14+$0x4510]  }
0xd6: {  	v17 =	vld [tilespmem:s14+$0x4520]  }
0xd7: {  	v18 =	vld [tilespmem:s14+$0x4530]  }
0xd8: {  	v19 =	vld [tilespmem:s14+$0x4540]  }
0xd9: {  	v20 =	vld [tilespmem:s14+$0x4550]  }
0xda: {  	v21 =	vld [tilespmem:s14+$0x4560]  }
0xdb: {  	v22 =	vld [tilespmem:s14+$0x4570]  }
0xdc: {  	v23 =	vld [tilespmem:s14+$0x4900]  }
0xdd: {  	v24 =	vld [tilespmem:s14+$0x4910]  }
0xde: {  	v25 =	vld [tilespmem:s14+$0x4920]  }
0xdf: {  	v26 =	vld [tilespmem:s14+$0x4930]  }
0xe0: {  	v27 =	vld [tilespmem:s14+$0x4940]  }
0xe1: {  	v28 =	vld [tilespmem:s14+$0x4950]  }
0xe2: {  	v29 =	vld [tilespmem:s14+$0x4960]  }
0xe3: {  	v30 =	vld [tilespmem:s14+$0x4970]  }
0xe4: {  	v31 =	vld [tilespmem:s14+$0x4D00]  }
0xe5: {  	v32 =	vld [tilespmem:s14+$0x4D10]  }
0xe6: {  	v33 =	vld [tilespmem:s14+$0x4D20]  }
0xe7: {  	v34 =	vld [tilespmem:s14+$0x4D30]  }
0xe8: {  	v35 =	vld [tilespmem:s14+$0x4D40]  }
0xe9: {  	v36 =	vld [tilespmem:s14+$0x4D50]  }
0xea: {  	v37 =	vld [tilespmem:s14+$0x4D60]  }
0xeb: {  	v38 =	vld [tilespmem:s14+$0x4D70]  }
0xec: {  	v39 =	vld [tilespmem:s14+$0x5100]  }
0xed: {  	v40 =	vld [tilespmem:s14+$0x5110]  }
0xee: {  	v41 =	vld [tilespmem:s14+$0x5120]  }
0xef: {  	v42 =	vld [tilespmem:s14+$0x5130]  }
0xf0: {  	v43 =	vld [tilespmem:s14+$0x5140]  }
0xf1: {  	v44 =	vld [tilespmem:s14+$0x5150]  }
0xf2: {  	v45 =	vld [tilespmem:s14+$0x5160]  }
0xf3: {  	v46 =	vld [tilespmem:s14+$0x5500]  }
0xf4: {  	v47 =	vld [tilespmem:s14+$0x5510]  }
0xf5: {  	v48 =	vld [tilespmem:s14+$0x11510]  }
0xf6: {  	v49 =	vld [tilespmem:s14+$0x11530]  }
0xf7: {  	v50 =	vld [tilespmem:s14+$0x5530]  }
0xf8: {  	v51 =	vld [tilespmem:s14+$0x5520]  }
0xf9: {  	v7 =	vld [tilespmem:s12+$0x0]  }
0xfa: {  	v8 =	vld [tilespmem:s18+$0x0]  }
0xfb: {  	v52 =	vld [tilespmem:s14+$0x11520]  }
0xfc: {  	v53 =	vld [tilespmem:s14+$0x11500]  }
0xfd: {  	v54 =	vld [tilespmem:s14+$0x5170]  }
0xfe: {  	v55 =	vld [tilespmem:s14+$0x11170];
	v50 =	vmul.f32 v50, v7  }
0xff: {  	v56 =	vld [tilespmem:s14+$0x11160];
	v49 =	vmul.f32 v49, v8;
	v51 =	vmul.f32 v51, v7  }
0x100: {  	v57 =	vld [tilespmem:s14+$0x11150];
	v52 =	vmul.f32 v52, v8;
	v47 =	vmul.f32 v47, v7  }
0x101: {  	v61 =	vld [tilespmem:s14+$0x11100];
	v48 =	vmul.f32 v48, v8;
	v46 =	vmul.f32 v46, v7  }
0x102: {  	v58 =	vld [tilespmem:s14+$0x11140];
	v62 =	vmul.f32 v53, v8;
	v63 =	vmul.f32 v54, v7;
	v49 =	vadd.f32 v49, v50  }
0x103: {  	v53 =	vld [tilespmem:s14+$0x11130];
	v59 =	vmul.f32 v55, v8;
	v45 =	vmul.f32 v45, v7;
	v51 =	vadd.f32 v52, v51  }
0x104: {  	v60 =	vmul.f32 v56, v8;
	v44 =	vmul.f32 v44, v7;
	v56 =	vld [tilespmem:s14+$0x10D60];
	v47 =	vadd.f32 v48, v47;
	[tilespmem:s14+$0x5530] =	vst v49  }
0x105: {  	v43 =	vmul.f32 v43, v7;
	v39 =	vmul.f32 v39, v7;
	v55 =	vld [tilespmem:s14+$0x10970];
	v46 =	vadd.f32 v62, v46;
	[tilespmem:s14+$0x5520] =	vst v51  }
0x106: {  	v61 =	vmul.f32 v61, v8;
	v12 =	vmul.f32 v12, v7;
	v48 =	vld [tilespmem:s14+$0x11120];
	v52 =	vadd.f32 v59, v63;
	[tilespmem:s14+$0x5510] =	vst v47  }
0x107: {  	v11 =	vmul.f32 v11, v8;
	v63 =	vmul.f32 v58, v8;
	v45 =	vadd.f32 v60, v45;
	v58 =	vld [tilespmem:s14+$0x10D50];
	[tilespmem:s14+$0x5500] =	vst v46  }
0x108: {  	v42 =	vmul.f32 v42, v7;
	v62 =	vmul.f32 v57, v8;
	v59 =	vld [tilespmem:s14+$0x10D40];
	v39 =	vadd.f32 v61, v39;
	[tilespmem:s14+$0x5170] =	vst v52  }
0x109: {  	v41 =	vmul.f32 v41, v7;
	v40 =	vmul.f32 v40, v7;
	v60 =	vld [tilespmem:s14+$0x10D30];
	v11 =	vadd.f32 v11, v12;
	[tilespmem:s14+$0x5160] =	vst v45  }
0x10a: {  	v38 =	vmul.f32 v38, v7;
	v61 =	vld [tilespmem:s14+$0x10910];
	v44 =	vadd.f32 v62, v44;
	[tilespmem:s14+$0x5100] =	vst v39;
	v57 =	vmul.f32 v53, v8  }
0x10b: {  	v37 =	vmul.f32 v37, v7;
	v49 =	vld [tilespmem:s14+$0x11110];
	v43 =	vadd.f32 v63, v43;
	[tilespmem:s14+$0x4140] =	vst v11;
	v46 =	vmul.f32 v56, v8  }
0x10c: {  	v36 =	vmul.f32 v36, v7;
	v47 =	vld [tilespmem:s14+$0x10D70];
	[tilespmem:s14+$0x5150] =	vst v44;
	v48 =	vmul.f32 v48, v8;
	v42 =	vadd.f32 v57, v42  }
0x10d: {  	v35 =	vmul.f32 v35, v7;
	v62 =	vld [tilespmem:s14+$0x10D20];
	[tilespmem:s14+$0x5140] =	vst v43;
	v54 =	vmul.f32 v58, v8;
	v37 =	vadd.f32 v46, v37  }
0x10e: {  	v34 =	vmul.f32 v34, v7;
	v63 =	vld [tilespmem:s14+$0x10D10];
	v45 =	vmul.f32 v59, v8;
	v41 =	vadd.f32 v48, v41;
	[tilespmem:s14+$0x5130] =	vst v42  }
0x10f: {  	v33 =	vmul.f32 v33, v7;
	v56 =	vld [tilespmem:s14+$0x10960];
	v44 =	vmul.f32 v60, v8;
	v36 =	vadd.f32 v54, v36;
	[tilespmem:s14+$0x4D60] =	vst v37  }
0x110: {  	v32 =	vmul.f32 v32, v7;
	v53 =	vld [tilespmem:s14+$0x10D00];
	v49 =	vmul.f32 v49, v8;
	v35 =	vadd.f32 v45, v35;
	[tilespmem:s14+$0x5120] =	vst v41  }
0x111: {  	v6 =	vmul.f32 v6, v7;
	v12 =	vld [tilespmem:s14+$0x5560];
	v47 =	vmul.f32 v47, v8;
	v34 =	vadd.f32 v44, v34;
	[tilespmem:s14+$0x4D50] =	vst v36  }
0x112: {  	v5 =	vmul.f32 v5, v8;
	v58 =	vld [tilespmem:s14+$0x10940];
	v43 =	vmul.f32 v62, v8;
	v40 =	vadd.f32 v49, v40;
	[tilespmem:s14+$0x4D40] =	vst v35  }
0x113: {  	v29 =	vmul.f32 v29, v7;
	v59 =	vld [tilespmem:s14+$0x10930];
	v42 =	vmul.f32 v63, v8;
	v38 =	vadd.f32 v47, v38;
	[tilespmem:s14+$0x4D30] =	vst v34  }
0x114: {  	v5 =	vadd.f32 v5, v6;
	v6 =	vld [tilespmem:s14+$0x4100];
	v39 =	vmul.f32 v56, v8;
	v33 =	vadd.f32 v43, v33;
	[tilespmem:s14+$0x5110] =	vst v40  }
0x115: {  	v31 =	vmul.f32 v31, v7;
	v60 =	vld [tilespmem:s14+$0x10920];
	v41 =	vmul.f32 v53, v8;
	v32 =	vadd.f32 v42, v32;
	[tilespmem:s14+$0x4D70] =	vst v38  }
0x116: {  	v24 =	vmul.f32 v24, v7;
	v57 =	vld [tilespmem:s14+$0x10950];
	v34 =	vmul.f32 v61, v8;
	v29 =	vadd.f32 v39, v29;
	[tilespmem:s14+$0x4D20] =	vst v33  }
0x117: {  	v27 =	vmul.f32 v27, v7;
	v62 =	vld [tilespmem:s14+$0x10900];
	v37 =	vmul.f32 v58, v8;
	v31 =	vadd.f32 v41, v31;
	[tilespmem:s14+$0x4D10] =	vst v32  }
0x118: {  	v26 =	vmul.f32 v26, v7;
	v63 =	vld [tilespmem:s14+$0x10570];
	v36 =	vmul.f32 v59, v8;
	v24 =	vadd.f32 v34, v24;
	[tilespmem:s14+$0x4960] =	vst v29  }
0x119: {  	v30 =	vmul.f32 v30, v7;
	v40 =	vmul.f32 v55, v8;
	v27 =	vadd.f32 v37, v27;
	v29 =	vld [tilespmem:s14+$0x10540];
	[tilespmem:s14+$0x4D00] =	vst v31  }
0x11a: {  	v25 =	vmul.f32 v25, v7;
	v35 =	vmul.f32 v60, v8;
	v26 =	vadd.f32 v36, v26;
	v31 =	vld [tilespmem:s14+$0x10560];
	[tilespmem:s14+$0x4910] =	vst v24  }
0x11b: {  	v28 =	vmul.f32 v28, v7;
	v38 =	vmul.f32 v57, v8;
	v30 =	vadd.f32 v40, v30;
	v24 =	vld [tilespmem:s14+$0x10170];
	[tilespmem:s14+$0x4940] =	vst v27  }
0x11c: {  	v23 =	vmul.f32 v23, v7;
	v33 =	vmul.f32 v62, v8;
	v25 =	vadd.f32 v35, v25;
	v27 =	vld [tilespmem:s14+$0x10520];
	[tilespmem:s14+$0x4930] =	vst v26  }
0x11d: {  	v22 =	vmul.f32 v22, v7;
	v32 =	vmul.f32 v63, v8;
	v28 =	vadd.f32 v38, v28;
	[tilespmem:s14+$0x4970] =	vst v30;
	v30 =	vld [tilespmem:s14+$0x10550]  }
0x11e: {  	v19 =	vmul.f32 v19, v7;
	v23 =	vadd.f32 v33, v23;
	[tilespmem:s14+$0x4920] =	vst v25;
	v25 =	vld [tilespmem:s14+$0x10500];
	v29 =	vmul.f32 v29, v8  }
0x11f: {  	v21 =	vmul.f32 v21, v7;
	v22 =	vadd.f32 v32, v22;
	[tilespmem:s14+$0x4950] =	vst v28;
	v28 =	vld [tilespmem:s14+$0x10530];
	v31 =	vmul.f32 v31, v8  }
0x120: {  	v14 =	vmul.f32 v14, v7;
	[tilespmem:s14+$0x4900] =	vst v23;
	v23 =	vld [tilespmem:s14+$0x10160];
	v24 =	vmul.f32 v24, v8;
	v19 =	vadd.f32 v29, v19  }
0x121: {  	v17 =	vmul.f32 v17, v7;
	v26 =	vld [tilespmem:s14+$0x10510];
	[tilespmem:s14+$0x4570] =	vst v22;
	v27 =	vmul.f32 v27, v8;
	v21 =	vadd.f32 v31, v21  }
0x122: {  	v20 =	vmul.f32 v20, v7;
	v22 =	vld [tilespmem:s14+$0x4150];
	v30 =	vmul.f32 v30, v8;
	v14 =	vadd.f32 v24, v14;
	[tilespmem:s14+$0x4540] =	vst v19  }
0x123: {  	v15 =	vmul.f32 v15, v7;
	v25 =	vmul.f32 v25, v8;
	v17 =	vadd.f32 v27, v17;
	v19 =	vld [tilespmem:s14+$0x11550];
	[tilespmem:s14+$0x4560] =	vst v21  }
0x124: {  	v18 =	vmul.f32 v18, v7;
	v28 =	vmul.f32 v28, v8;
	v20 =	vadd.f32 v30, v20;
	v21 =	vld [tilespmem:s14+$0x10150];
	[tilespmem:s14+$0x4170] =	vst v14  }
0x125: {  	v13 =	vmul.f32 v13, v7;
	v23 =	vmul.f32 v23, v8;
	v15 =	vadd.f32 v25, v15;
	[tilespmem:s14+$0x4520] =	vst v17;
	v17 =	vld [tilespmem:s14+$0x5540]  }
0x126: {  	v16 =	vmul.f32 v16, v7;
	v26 =	vmul.f32 v26, v8;
	v18 =	vadd.f32 v28, v18;
	[tilespmem:s14+$0x4550] =	vst v20;
	v20 =	vld [tilespmem:s14+$0x11540]  }
0x127: {  	v10 =	vmul.f32 v10, v7;
	v9 =	vmul.f32 v9, v8;
	v13 =	vadd.f32 v23, v13;
	[tilespmem:s14+$0x4500] =	vst v15;
	v15 =	vld [tilespmem:s14+$0x5550]  }
0x128: {  	v4 =	vmul.f32 v4, v7;
	v3 =	vmul.f32 v3, v8;
	v16 =	vadd.f32 v26, v16;
	[tilespmem:s14+$0x4530] =	vst v18;
	v18 =	vld [tilespmem:s14+$0x11560]  }
0x129: {  	v9 =	vadd.f32 v9, v10;
	v10 =	vmul.f32 v22, v7;
	v14 =	vld [tilespmem:s14+$0x5570];
	[tilespmem:s14+$0x4160] =	vst v13;
	v13 =	vmul.f32 v21, v8  }
0x12a: {  	v3 =	vadd.f32 v3, v4;
	[tilespmem:s14+$0x4510] =	vst v16;
	v16 =	vld [tilespmem:s14+$0x11570]  }
0x12b: {  	s21 =	simm.s32 $0x0;
	[tilespmem:s14+$0x4130] =	vst v9;
	v9 =	vld [tilespmem:s14+$0x10100];
	v11 =	vmul.f32 v17, v7;
	v17 =	vmul.f32 v20, v8;
	v4 =	vadd.f32 v13, v10  }
0x12c: {  	s20 =	simm.s32 $0x80;
	s13 =	smul.u32 $0x1800, s21;
	[tilespmem:s14+$0x4120] =	vst v5;
	v5 =	vmul.f32 v15, v7;
	v10 =	vmul.f32 v19, v8  }
0x12d: {  	s21 =	sand.u32 $0x380, s20;
	v11 =	vadd.f32 v17, v11;
	[tilespmem:s14+$0x4150] =	vst v4;
	v4 =	vmul.f32 v12, v7;
	v12 =	vmul.f32 v18, v8  }
0x12e: {  	s13 =	sor.u32 s21, s13;
	[tilespmem:s14+$0x4110] =	vst v3;
	v5 =	vadd.f32 v10, v5  }
0x12f: {  	v3 =	vld [tilespmem:s13+$0x4110];
	v10 =	vmul.f32 v14, v7;
	[tilespmem:s14+$0x5540] =	vst v11;
	v11 =	vmul.f32 v16, v8;
	v12 =	vadd.f32 v12, v4  }
0x130: {  	v7 =	vmul.f32 v6, v7;
	v8 =	vmul.f32 v9, v8;
	v4 =	vld [tilespmem:s13+$0x10110];
	[tilespmem:s14+$0x5550] =	vst v5  }
0x131: {  	v9 =	vadd.f32 v11, v10;
	v6 =	vld [tilespmem:s13+$0x4120];
	[tilespmem:s14+$0x5560] =	vst v12  }
0x132: {  	v7 =	vadd.f32 v8, v7;
	v5 =	vld [tilespmem:s13+$0x10120]  }
0x133: {  	v8 =	vld [tilespmem:s13+$0x4130];
	[tilespmem:s14+$0x5570] =	vst v9  }
0x134: {  	v18 =	vld [tilespmem:s13+$0x4530];
	[tilespmem:s14+$0x4100] =	vst v7  }
0x135: {  	v7 =	vld [tilespmem:s13+$0x10130]  }
0x136: {  	v10 =	vld [tilespmem:s13+$0x4140]  }
0x137: {  	v9 =	vld [tilespmem:s13+$0x10140]  }
0x138: {  	v12 =	vld [tilespmem:s13+$0x4150]  }
0x139: {  	v11 =	vld [tilespmem:s13+$0x10150]  }
0x13a: {  	v13 =	vld [tilespmem:s13+$0x4160]  }
0x13b: {  	v14 =	vld [tilespmem:s13+$0x4170]  }
0x13c: {  	v15 =	vld [tilespmem:s13+$0x4500]  }
0x13d: {  	v16 =	vld [tilespmem:s13+$0x4510]  }
0x13e: {  	v17 =	vld [tilespmem:s13+$0x4520]  }
0x13f: {  	v19 =	vld [tilespmem:s13+$0x4540]  }
0x140: {  	v20 =	vld [tilespmem:s13+$0x4550]  }
0x141: {  	v21 =	vld [tilespmem:s13+$0x4560]  }
0x142: {  	v22 =	vld [tilespmem:s13+$0x4570]  }
0x143: {  	v23 =	vld [tilespmem:s13+$0x4900]  }
0x144: {  	v24 =	vld [tilespmem:s13+$0x4910]  }
0x145: {  	v25 =	vld [tilespmem:s13+$0x4920]  }
0x146: {  	v26 =	vld [tilespmem:s13+$0x4930]  }
0x147: {  	v27 =	vld [tilespmem:s13+$0x4940]  }
0x148: {  	v28 =	vld [tilespmem:s13+$0x4950]  }
0x149: {  	v29 =	vld [tilespmem:s13+$0x4960]  }
0x14a: {  	v30 =	vld [tilespmem:s13+$0x4970]  }
0x14b: {  	v31 =	vld [tilespmem:s13+$0x4D00]  }
0x14c: {  	v34 =	vld [tilespmem:s13+$0x4D10]  }
0x14d: {  	v35 =	vld [tilespmem:s13+$0x4D20]  }
0x14e: {  	v36 =	vld [tilespmem:s13+$0x4D30]  }
0x14f: {  	v37 =	vld [tilespmem:s13+$0x4D40]  }
0x150: {  	v38 =	vld [tilespmem:s13+$0x4D50]  }
0x151: {  	v39 =	vld [tilespmem:s13+$0x4D60]  }
0x152: {  	v40 =	vld [tilespmem:s13+$0x4D70]  }
0x153: {  	v41 =	vld [tilespmem:s13+$0x5100]  }
0x154: {  	v42 =	vld [tilespmem:s13+$0x5110]  }
0x155: {  	v43 =	vld [tilespmem:s13+$0x5120]  }
0x156: {  	v44 =	vld [tilespmem:s13+$0x5130]  }
0x157: {  	v45 =	vld [tilespmem:s13+$0x5140]  }
0x158: {  	v46 =	vld [tilespmem:s13+$0x5150]  }
0x159: {  	v47 =	vld [tilespmem:s13+$0x5160]  }
0x15a: {  	v48 =	vld [tilespmem:s13+$0x5500]  }
0x15b: {  	v50 =	vld [tilespmem:s13+$0x5510]  }
0x15c: {  	v49 =	vld [tilespmem:s13+$0x11510]  }
0x15d: {  	s14 =	simm.s32 $0x2;
	v51 =	vld [tilespmem:s13+$0x11530]  }
.LBB2_2:
0x15e: {  	p0 =	sne.s32 s14, $0x3F;
	v52 =	vld [tilespmem:s13+$0x5530]  }
0x15f: {  	s12 =	sadd.s32 $0x80, s12;
	v53 =	vld [tilespmem:s13+$0x5520]  }
0x160: {  	s18 =	sadd.s32 $0x80, s18;
	v33 =	vld [tilespmem:s12+$0x0]  }
0x161: {  	v32 =	vld [tilespmem:s18+$0x0]  }
0x162: {  	v54 =	vld [tilespmem:s13+$0x11520]  }
0x163: {  	v55 =	vld [tilespmem:s13+$0x11500]  }
0x164: {  	v56 =	vld [tilespmem:s13+$0x5170]  }
0x165: {  	v57 =	vld [tilespmem:s13+$0x11170];
	v50 =	vmul.f32 v50, v33;
	v53 =	vmul.f32 v53, v33  }
0x166: {  	v52 =	vmul.f32 v52, v33;
	v58 =	vld [tilespmem:s13+$0x11160];
	v51 =	vmul.f32 v51, v32  }
0x167: {  	v49 =	vmul.f32 v49, v32;
	v59 =	vld [tilespmem:s13+$0x11150];
	v54 =	vmul.f32 v54, v32  }
0x168: {  	v48 =	vmul.f32 v48, v33;
	v60 =	vld [tilespmem:s13+$0x11140];
	v55 =	vmul.f32 v55, v32;
	v51 =	vadd.f32 v51, v52  }
0x169: {  	v49 =	vadd.f32 v49, v50;
	v52 =	vld [tilespmem:s13+$0x11130];
	v56 =	vmul.f32 v56, v33;
	v50 =	vadd.f32 v54, v53  }
0x16a: {  	v47 =	vmul.f32 v47, v33;
	v53 =	vld [tilespmem:s13+$0x11120];
	v54 =	vmul.f32 v57, v32;
	v48 =	vadd.f32 v55, v48;
	[tilespmem:s13+$0x5530] =	vst v51  }
0x16b: {  	v46 =	vmul.f32 v46, v33;
	v51 =	vld [tilespmem:s13+$0x11110];
	v55 =	vmul.f32 v58, v32;
	[tilespmem:s13+$0x5520] =	vst v50  }
0x16c: {  	v45 =	vmul.f32 v45, v33;
	v50 =	vld [tilespmem:s13+$0x11100];
	v57 =	vmul.f32 v59, v32;
	v54 =	vadd.f32 v54, v56;
	[tilespmem:s13+$0x5510] =	vst v49  }
0x16d: {  	v44 =	vmul.f32 v44, v33;
	v49 =	vld [tilespmem:s13+$0x10D70];
	v56 =	vmul.f32 v60, v32;
	v47 =	vadd.f32 v55, v47;
	[tilespmem:s13+$0x5500] =	vst v48  }
0x16e: {  	v43 =	vmul.f32 v43, v33;
	v48 =	vld [tilespmem:s13+$0x10D60];
	v52 =	vmul.f32 v52, v32;
	v46 =	vadd.f32 v57, v46;
	[tilespmem:s13+$0x5170] =	vst v54  }
0x16f: {  	v42 =	vmul.f32 v42, v33;
	v54 =	vld [tilespmem:s13+$0x10D50];
	v53 =	vmul.f32 v53, v32;
	v45 =	vadd.f32 v56, v45;
	[tilespmem:s13+$0x5160] =	vst v47  }
0x170: {  	v41 =	vmul.f32 v41, v33;
	v47 =	vld [tilespmem:s13+$0x10D40];
	v51 =	vmul.f32 v51, v32;
	v44 =	vadd.f32 v52, v44;
	[tilespmem:s13+$0x5150] =	vst v46  }
0x171: {  	v40 =	vmul.f32 v40, v33;
	v46 =	vld [tilespmem:s13+$0x10D30];
	v50 =	vmul.f32 v50, v32;
	v43 =	vadd.f32 v53, v43;
	[tilespmem:s13+$0x5140] =	vst v45  }
0x172: {  	v39 =	vmul.f32 v39, v33;
	v45 =	vld [tilespmem:s13+$0x10D20];
	v49 =	vmul.f32 v49, v32;
	v42 =	vadd.f32 v51, v42;
	[tilespmem:s13+$0x5130] =	vst v44  }
0x173: {  	v38 =	vmul.f32 v38, v33;
	v44 =	vld [tilespmem:s13+$0x10D10];
	v48 =	vmul.f32 v48, v32;
	v41 =	vadd.f32 v50, v41;
	[tilespmem:s13+$0x5120] =	vst v43  }
0x174: {  	v37 =	vmul.f32 v37, v33;
	v43 =	vld [tilespmem:s13+$0x10D00];
	v50 =	vmul.f32 v54, v32;
	v40 =	vadd.f32 v49, v40;
	[tilespmem:s13+$0x5110] =	vst v42  }
0x175: {  	v36 =	vmul.f32 v36, v33;
	v42 =	vld [tilespmem:s13+$0x10970];
	v47 =	vmul.f32 v47, v32;
	v39 =	vadd.f32 v48, v39;
	[tilespmem:s13+$0x5100] =	vst v41  }
0x176: {  	v35 =	vmul.f32 v35, v33;
	v41 =	vld [tilespmem:s13+$0x10960];
	v46 =	vmul.f32 v46, v32;
	v38 =	vadd.f32 v50, v38;
	[tilespmem:s13+$0x4D70] =	vst v40  }
0x177: {  	v34 =	vmul.f32 v34, v33;
	v40 =	vld [tilespmem:s13+$0x10950];
	v45 =	vmul.f32 v45, v32;
	v37 =	vadd.f32 v47, v37;
	[tilespmem:s13+$0x4D60] =	vst v39  }
0x178: {  	v31 =	vmul.f32 v31, v33;
	v39 =	vld [tilespmem:s13+$0x10940];
	v44 =	vmul.f32 v44, v32;
	v36 =	vadd.f32 v46, v36;
	[tilespmem:s13+$0x4D50] =	vst v38  }
0x179: {  	v30 =	vmul.f32 v30, v33;
	v38 =	vld [tilespmem:s13+$0x10930];
	v43 =	vmul.f32 v43, v32;
	v35 =	vadd.f32 v45, v35;
	[tilespmem:s13+$0x4D40] =	vst v37  }
0x17a: {  	v29 =	vmul.f32 v29, v33;
	v37 =	vld [tilespmem:s13+$0x10920];
	v42 =	vmul.f32 v42, v32;
	v34 =	vadd.f32 v44, v34;
	[tilespmem:s13+$0x4D30] =	vst v36  }
0x17b: {  	v28 =	vmul.f32 v28, v33;
	v36 =	vld [tilespmem:s13+$0x10910];
	v41 =	vmul.f32 v41, v32;
	v31 =	vadd.f32 v43, v31;
	[tilespmem:s13+$0x4D20] =	vst v35  }
0x17c: {  	v27 =	vmul.f32 v27, v33;
	v35 =	vld [tilespmem:s13+$0x10900];
	v40 =	vmul.f32 v40, v32;
	v30 =	vadd.f32 v42, v30;
	[tilespmem:s13+$0x4D10] =	vst v34  }
0x17d: {  	v26 =	vmul.f32 v26, v33;
	v34 =	vld [tilespmem:s13+$0x10570];
	v39 =	vmul.f32 v39, v32;
	v29 =	vadd.f32 v41, v29;
	[tilespmem:s13+$0x4D00] =	vst v31  }
0x17e: {  	v25 =	vmul.f32 v25, v33;
	v31 =	vld [tilespmem:s13+$0x10560];
	v38 =	vmul.f32 v38, v32;
	v28 =	vadd.f32 v40, v28;
	[tilespmem:s13+$0x4970] =	vst v30  }
0x17f: {  	v24 =	vmul.f32 v24, v33;
	v30 =	vld [tilespmem:s13+$0x10550];
	v37 =	vmul.f32 v37, v32;
	v27 =	vadd.f32 v39, v27;
	[tilespmem:s13+$0x4960] =	vst v29  }
0x180: {  	v23 =	vmul.f32 v23, v33;
	v29 =	vld [tilespmem:s13+$0x10540];
	v36 =	vmul.f32 v36, v32;
	v26 =	vadd.f32 v38, v26;
	[tilespmem:s13+$0x4950] =	vst v28  }
0x181: {  	v22 =	vmul.f32 v22, v33;
	v28 =	vld [tilespmem:s13+$0x10530];
	v35 =	vmul.f32 v35, v32;
	v25 =	vadd.f32 v37, v25;
	[tilespmem:s13+$0x4940] =	vst v27  }
0x182: {  	v21 =	vmul.f32 v21, v33;
	v27 =	vld [tilespmem:s13+$0x10520];
	v34 =	vmul.f32 v34, v32;
	v24 =	vadd.f32 v36, v24;
	[tilespmem:s13+$0x4930] =	vst v26  }
0x183: {  	v20 =	vmul.f32 v20, v33;
	v26 =	vld [tilespmem:s13+$0x10510];
	v31 =	vmul.f32 v31, v32;
	v23 =	vadd.f32 v35, v23;
	[tilespmem:s13+$0x4920] =	vst v25  }
0x184: {  	v19 =	vmul.f32 v19, v33;
	v25 =	vld [tilespmem:s13+$0x10500];
	v30 =	vmul.f32 v30, v32;
	v22 =	vadd.f32 v34, v22;
	[tilespmem:s13+$0x4910] =	vst v24  }
0x185: {  	v18 =	vmul.f32 v18, v33;
	v24 =	vld [tilespmem:s13+$0x10170];
	v29 =	vmul.f32 v29, v32;
	v21 =	vadd.f32 v31, v21;
	[tilespmem:s13+$0x4900] =	vst v23  }
0x186: {  	v17 =	vmul.f32 v17, v33;
	v23 =	vld [tilespmem:s13+$0x10160];
	v28 =	vmul.f32 v28, v32;
	v20 =	vadd.f32 v30, v20;
	[tilespmem:s13+$0x4570] =	vst v22  }
0x187: {  	v16 =	vmul.f32 v16, v33;
	v22 =	vmul.f32 v27, v32;
	v19 =	vadd.f32 v29, v19;
	[tilespmem:s13+$0x4560] =	vst v21;
	v21 =	vld [tilespmem:s13+$0x11540]  }
0x188: {  	v15 =	vmul.f32 v15, v33;
	v26 =	vmul.f32 v26, v32;
	v18 =	vadd.f32 v28, v18;
	[tilespmem:s13+$0x4550] =	vst v20;
	v20 =	vld [tilespmem:s13+$0x11550]  }
0x189: {  	v14 =	vmul.f32 v14, v33;
	v25 =	vmul.f32 v25, v32;
	v17 =	vadd.f32 v22, v17;
	[tilespmem:s13+$0x4540] =	vst v19;
	v19 =	vld [tilespmem:s13+$0x11560]  }
0x18a: {  	v13 =	vmul.f32 v13, v33;
	v22 =	vmul.f32 v24, v32;
	v16 =	vadd.f32 v26, v16;
	[tilespmem:s13+$0x4530] =	vst v18;
	v18 =	vld [tilespmem:s13+$0x11570]  }
0x18b: {  	v12 =	vmul.f32 v12, v33;
	v23 =	vmul.f32 v23, v32;
	v15 =	vadd.f32 v25, v15;
	[tilespmem:s13+$0x4520] =	vst v17;
	v17 =	vld [tilespmem:s13+$0x5540]  }
0x18c: {  	v10 =	vmul.f32 v10, v33;
	v11 =	vmul.f32 v11, v32;
	v14 =	vadd.f32 v22, v14;
	[tilespmem:s13+$0x4510] =	vst v16;
	v16 =	vld [tilespmem:s13+$0x5550]  }
0x18d: {  	v8 =	vmul.f32 v8, v33;
	v9 =	vmul.f32 v9, v32;
	v13 =	vadd.f32 v23, v13;
	[tilespmem:s13+$0x4500] =	vst v15;
	v15 =	vld [tilespmem:s13+$0x5560]  }
0x18e: {  	v6 =	vmul.f32 v6, v33;
	v7 =	vmul.f32 v7, v32;
	v11 =	vadd.f32 v11, v12;
	[tilespmem:s13+$0x4170] =	vst v14;
	v12 =	vld [tilespmem:s13+$0x5570]  }
0x18f: {  	v3 =	vmul.f32 v3, v33;
	v5 =	vmul.f32 v5, v32;
	v9 =	vadd.f32 v9, v10;
	v14 =	vld [tilespmem:s13+$0x4100];
	[tilespmem:s13+$0x4160] =	vst v13  }
0x190: {  	v4 =	vmul.f32 v4, v32;
	v7 =	vadd.f32 v7, v8;
	v10 =	vld [tilespmem:s13+$0x10100];
	[tilespmem:s13+$0x4150] =	vst v11;
	v8 =	vmul.f32 v17, v33  }
0x191: {  	s21 =	sshrl.u32 s14, $0x3;
	v5 =	vadd.f32 v5, v6;
	v6 =	vmul.f32 v21, v32;
	[tilespmem:s13+$0x4140] =	vst v9;
	v9 =	vmul.f32 v16, v33  }
0x192: {  	s20 =	sadd.s32 $0x80, s20;
	s21 =	smul.u32 $0x1800, s21;
	v3 =	vadd.f32 v4, v3;
	v4 =	vmul.f32 v20, v32;
	[tilespmem:s13+$0x4130] =	vst v7;
	v7 =	vmul.f32 v15, v33  }
0x193: {  	s15 =	sand.u32 $0x380, s20;
	[tilespmem:s13+$0x4120] =	vst v5;
	v5 =	vadd.f32 v6, v8;
	v6 =	vmul.f32 v19, v32;
	v8 =	vmul.f32 v12, v33  }
0x194: {  	s15 =	sor.u32 s15, s21;
	v9 =	vadd.f32 v4, v9;
	v12 =	vmul.f32 v18, v32;
	v11 =	vmul.f32 v14, v33;
	[tilespmem:s13+$0x4110] =	vst v3  }
0x195: {  	v3 =	vld [tilespmem:s15+$0x4110];
	v10 =	vmul.f32 v10, v32;
	[tilespmem:s13+$0x5540] =	vst v5;
	v5 =	vadd.f32 v6, v7  }
0x196: {  	v7 =	vadd.f32 v12, v8;
	v4 =	vld [tilespmem:s15+$0x10110];
	[tilespmem:s13+$0x5550] =	vst v9  }
0x197: {  	v6 =	vld [tilespmem:s15+$0x4120];
	v9 =	vadd.f32 v10, v11;
	[tilespmem:s13+$0x5560] =	vst v5  }
0x198: {  	v5 =	vld [tilespmem:s15+$0x10120];
	[tilespmem:s13+$0x5570] =	vst v7  }
0x199: {  	v8 =	vld [tilespmem:s15+$0x4130];
	[tilespmem:s13+$0x4100] =	vst v9;
	s13 =	smov.u32 s15  }
0x19a: {  	v7 =	vld [tilespmem:s13+$0x10130]  }
0x19b: {  	v10 =	vld [tilespmem:s13+$0x4140]  }
0x19c: {  	v9 =	vld [tilespmem:s13+$0x10140]  }
0x19d: {  	v12 =	vld [tilespmem:s13+$0x4150]  }
0x19e: {  	v11 =	vld [tilespmem:s13+$0x10150]  }
0x19f: {  	v13 =	vld [tilespmem:s13+$0x4160]  }
0x1a0: {  	v14 =	vld [tilespmem:s13+$0x4170]  }
0x1a1: {  	v15 =	vld [tilespmem:s13+$0x4500]  }
0x1a2: {  	v16 =	vld [tilespmem:s13+$0x4510]  }
0x1a3: {  	v17 =	vld [tilespmem:s13+$0x4520]  }
0x1a4: {  	v18 =	vld [tilespmem:s13+$0x4530]  }
0x1a5: {  	v19 =	vld [tilespmem:s13+$0x4540]  }
0x1a6: {  	v20 =	vld [tilespmem:s13+$0x4550]  }
0x1a7: {  	v21 =	vld [tilespmem:s13+$0x4560]  }
0x1a8: {  	v22 =	vld [tilespmem:s13+$0x4570]  }
0x1a9: {  	v23 =	vld [tilespmem:s13+$0x4900]  }
0x1aa: {  	v24 =	vld [tilespmem:s13+$0x4910]  }
0x1ab: {  	v25 =	vld [tilespmem:s13+$0x4920]  }
0x1ac: {  	v26 =	vld [tilespmem:s13+$0x4930]  }
0x1ad: {  	v27 =	vld [tilespmem:s13+$0x4940]  }
0x1ae: {  	v28 =	vld [tilespmem:s13+$0x4950]  }
0x1af: {  	v29 =	vld [tilespmem:s13+$0x4960]  }
0x1b0: {  	v30 =	vld [tilespmem:s13+$0x4970]  }
0x1b1: {  	v31 =	vld [tilespmem:s13+$0x4D00]  }
0x1b2: {  	v34 =	vld [tilespmem:s13+$0x4D10]  }
0x1b3: {  	v35 =	vld [tilespmem:s13+$0x4D20]  }
0x1b4: {  	v36 =	vld [tilespmem:s13+$0x4D30]  }
0x1b5: {  	v37 =	vld [tilespmem:s13+$0x4D40]  }
0x1b6: {  	v38 =	vld [tilespmem:s13+$0x4D50]  }
0x1b7: {  	v39 =	vld [tilespmem:s13+$0x4D60]  }
0x1b8: {  	v40 =	vld [tilespmem:s13+$0x4D70]  }
0x1b9: {  	v41 =	vld [tilespmem:s13+$0x5100]  }
0x1ba: {  	v42 =	vld [tilespmem:s13+$0x5110]  }
0x1bb: {  	v43 =	vld [tilespmem:s13+$0x5120]  }
0x1bc: {  	v44 =	vld [tilespmem:s13+$0x5130]  }
0x1bd: {  	v45 =	vld [tilespmem:s13+$0x5140]  }
0x1be: {  	v46 =	vld [tilespmem:s13+$0x5150]  }
.Ltmp0:
0x1bf: {  	v47 =	vld [tilespmem:s13+$0x5160];
	(pc) =	sbr.rel @p0 .LBB2_2-.Ltmp0, $4  }
0x1c0: {  	v48 =	vld [tilespmem:s13+$0x5500]  }
0x1c1: {  	v50 =	vld [tilespmem:s13+$0x5510]  }
0x1c2: {  	v49 =	vld [tilespmem:s13+$0x11510]  }
0x1c3: {  	s14 =	sadd.s32 $0x1, s14;
	v51 =	vld [tilespmem:s13+$0x11530]  }
0x1c4: {  	v52 =	vld [tilespmem:s13+$0x5530]  }
0x1c5: {  	v53 =	vld [tilespmem:s13+$0x5520];
	s12 =	sadd.s32 $0x80, s12  }
0x1c6: {  	s20 =	sadd.s32 $0x80, s18;
	v32 =	vld [tilespmem:s12+$0x0]  }
0x1c7: {  	v33 =	vld [tilespmem:s20+$0x0]  }
0x1c8: {  	v54 =	vld [tilespmem:s13+$0x11520]  }
0x1c9: {  	v55 =	vld [tilespmem:s13+$0x11500]  }
0x1ca: {  	v56 =	vld [tilespmem:s13+$0x5170]  }
0x1cb: {  	v57 =	vld [tilespmem:s13+$0x11170]  }
0x1cc: {  	v58 =	vld [tilespmem:s13+$0x11160];
	v52 =	vmul.f32 v52, v32;
	v51 =	vmul.f32 v51, v33  }
0x1cd: {  	v53 =	vmul.f32 v53, v32;
	v54 =	vmul.f32 v54, v33  }
0x1ce: {  	v59 =	vld [tilespmem:s13+$0x11150];
	v50 =	vmul.f32 v50, v32;
	v49 =	vmul.f32 v49, v33  }
0x1cf: {  	v61 =	vld [tilespmem:s13+$0x11120];
	v48 =	vmul.f32 v48, v32;
	v62 =	vmul.f32 v55, v33;
	v51 =	vadd.f32 v51, v52  }
0x1d0: {  	v60 =	vld [tilespmem:s13+$0x11140];
	v63 =	vmul.f32 v56, v32;
	v57 =	vmul.f32 v57, v33;
	v53 =	vadd.f32 v54, v53  }
0x1d1: {  	v47 =	vmul.f32 v47, v32;
	v58 =	vmul.f32 v58, v33;
	v52 =	vld [tilespmem:s13+$0x11130];
	v49 =	vadd.f32 v49, v50;
	[tilespmem:s13+$0x5530] =	vst v51  }
0x1d2: {  	v46 =	vmul.f32 v46, v32;
	v45 =	vmul.f32 v45, v32;
	v50 =	vld [tilespmem:s13+$0x11100];
	v48 =	vadd.f32 v62, v48;
	[tilespmem:s13+$0x5520] =	vst v53  }
0x1d3: {  	v44 =	vmul.f32 v44, v32;
	v62 =	vmul.f32 v59, v33;
	v47 =	vadd.f32 v58, v47;
	v58 =	vld [tilespmem:s13+$0x10D30];
	[tilespmem:s13+$0x5510] =	vst v49  }
0x1d4: {  	v43 =	vmul.f32 v43, v32;
	v59 =	vmul.f32 v61, v33;
	v51 =	vld [tilespmem:s13+$0x11110];
	v53 =	vadd.f32 v57, v63;
	[tilespmem:s13+$0x5500] =	vst v48  }
0x1d5: {  	v42 =	vmul.f32 v42, v32;
	v49 =	vld [tilespmem:s13+$0x10D70];
	v63 =	vmul.f32 v60, v33;
	v46 =	vadd.f32 v62, v46;
	[tilespmem:s13+$0x5160] =	vst v47  }
0x1d6: {  	v41 =	vmul.f32 v41, v32;
	v48 =	vld [tilespmem:s13+$0x10D60];
	v43 =	vadd.f32 v59, v43;
	[tilespmem:s13+$0x5170] =	vst v53;
	v52 =	vmul.f32 v52, v33  }
0x1d7: {  	v40 =	vmul.f32 v40, v32;
	v57 =	vld [tilespmem:s13+$0x10D40];
	v45 =	vadd.f32 v63, v45;
	[tilespmem:s13+$0x5150] =	vst v46;
	v50 =	vmul.f32 v50, v33  }
0x1d8: {  	v36 =	vmul.f32 v36, v32;
	v60 =	vld [tilespmem:s13+$0x10D20];
	[tilespmem:s13+$0x5120] =	vst v43;
	v46 =	vmul.f32 v58, v33;
	v44 =	vadd.f32 v52, v44  }
0x1d9: {  	v39 =	vmul.f32 v39, v32;
	v62 =	vld [tilespmem:s13+$0x10D00];
	[tilespmem:s13+$0x5140] =	vst v45;
	v51 =	vmul.f32 v51, v33;
	v41 =	vadd.f32 v50, v41  }
0x1da: {  	v38 =	vmul.f32 v38, v32;
	v53 =	vld [tilespmem:s13+$0x10D50];
	v49 =	vmul.f32 v49, v33;
	v36 =	vadd.f32 v46, v36;
	[tilespmem:s13+$0x5130] =	vst v44  }
0x1db: {  	v37 =	vmul.f32 v37, v32;
	v61 =	vld [tilespmem:s13+$0x10D10];
	v48 =	vmul.f32 v48, v33;
	v42 =	vadd.f32 v51, v42;
	[tilespmem:s13+$0x5100] =	vst v41  }
0x1dc: {  	v35 =	vmul.f32 v35, v32;
	v59 =	vld [tilespmem:s13+$0x10910];
	v47 =	vmul.f32 v57, v33;
	v40 =	vadd.f32 v49, v40;
	[tilespmem:s13+$0x4D30] =	vst v36  }
0x1dd: {  	v34 =	vmul.f32 v34, v32;
	v63 =	vld [tilespmem:s13+$0x10970];
	v45 =	vmul.f32 v60, v33;
	v39 =	vadd.f32 v48, v39;
	[tilespmem:s13+$0x5110] =	vst v42  }
0x1de: {  	v55 =	vld [tilespmem:s13+$0x10950];
	v31 =	vmul.f32 v31, v32;
	v43 =	vmul.f32 v62, v33;
	v37 =	vadd.f32 v47, v37;
	[tilespmem:s13+$0x4D70] =	vst v40  }
0x1df: {  	v30 =	vmul.f32 v30, v32;
	v52 =	vld [tilespmem:s13+$0x10960];
	v54 =	vmul.f32 v53, v33;
	v35 =	vadd.f32 v45, v35;
	[tilespmem:s13+$0x4D60] =	vst v39  }
0x1e0: {  	v56 =	vld [tilespmem:s13+$0x10940];
	v29 =	vmul.f32 v29, v32;
	v44 =	vmul.f32 v61, v33;
	v31 =	vadd.f32 v43, v31;
	[tilespmem:s13+$0x4D40] =	vst v37  }
0x1e1: {  	v24 =	vmul.f32 v24, v32;
	v58 =	vld [tilespmem:s13+$0x10920];
	v36 =	vmul.f32 v59, v33;
	v38 =	vadd.f32 v54, v38;
	[tilespmem:s13+$0x4D20] =	vst v35  }
0x1e2: {  	v28 =	vmul.f32 v28, v32;
	v60 =	vld [tilespmem:s13+$0x10900];
	v34 =	vadd.f32 v44, v34;
	v42 =	vmul.f32 v63, v33;
	[tilespmem:s13+$0x4D00] =	vst v31  }
0x1e3: {  	v27 =	vmul.f32 v27, v32;
	v57 =	vld [tilespmem:s13+$0x10930];
	v40 =	vmul.f32 v55, v33;
	v24 =	vadd.f32 v36, v24;
	[tilespmem:s13+$0x4D50] =	vst v38  }
0x1e4: {  	v26 =	vmul.f32 v26, v32;
	v61 =	vld [tilespmem:s13+$0x10570];
	v41 =	vmul.f32 v52, v33;
	[tilespmem:s13+$0x4D10] =	vst v34;
	v30 =	vadd.f32 v42, v30  }
0x1e5: {  	v25 =	vmul.f32 v25, v32;
	v39 =	vmul.f32 v56, v33;
	v28 =	vadd.f32 v40, v28;
	[tilespmem:s13+$0x4910] =	vst v24  }
0x1e6: {  	v23 =	vmul.f32 v23, v32;
	v31 =	vld [tilespmem:s13+$0x10560];
	v37 =	vmul.f32 v58, v33;
	v29 =	vadd.f32 v41, v29;
	[tilespmem:s13+$0x4970] =	vst v30  }
0x1e7: {  	v22 =	vmul.f32 v22, v32;
	v35 =	vmul.f32 v60, v33;
	v27 =	vadd.f32 v39, v27;
	v30 =	vld [tilespmem:s13+$0x10550];
	[tilespmem:s13+$0x4950] =	vst v28  }
0x1e8: {  	v10 =	vmul.f32 v10, v32;
	v38 =	vmul.f32 v57, v33;
	v25 =	vadd.f32 v37, v25;
	[tilespmem:s13+$0x4960] =	vst v29;
	v29 =	vld [tilespmem:s13+$0x10540]  }
0x1e9: {  	v9 =	vmul.f32 v9, v33;
	v34 =	vmul.f32 v61, v33;
	v23 =	vadd.f32 v35, v23;
	v28 =	vld [tilespmem:s13+$0x10530];
	[tilespmem:s13+$0x4940] =	vst v27  }
0x1ea: {  	v21 =	vmul.f32 v21, v32;
	v26 =	vadd.f32 v38, v26;
	v27 =	vld [tilespmem:s13+$0x10520];
	[tilespmem:s13+$0x4920] =	vst v25  }
0x1eb: {  	v9 =	vadd.f32 v9, v10;
	v10 =	vld [tilespmem:s13+$0x10100];
	v24 =	vmul.f32 v31, v33;
	v22 =	vadd.f32 v34, v22;
	[tilespmem:s13+$0x4900] =	vst v23  }
0x1ec: {  	v20 =	vmul.f32 v20, v32;
	[tilespmem:s13+$0x4930] =	vst v26;
	v26 =	vld [tilespmem:s13+$0x10510];
	v23 =	vmul.f32 v30, v33  }
0x1ed: {  	v19 =	vmul.f32 v19, v32;
	v25 =	vld [tilespmem:s13+$0x10500];
	v21 =	vadd.f32 v24, v21;
	[tilespmem:s13+$0x4570] =	vst v22;
	v22 =	vmul.f32 v29, v33  }
0x1ee: {  	v18 =	vmul.f32 v18, v32;
	v31 =	vld [tilespmem:s13+$0x10170];
	v20 =	vadd.f32 v23, v20;
	v23 =	vmul.f32 v28, v33  }
0x1ef: {  	v17 =	vmul.f32 v17, v32;
	v24 =	vld [tilespmem:s13+$0x10160];
	[tilespmem:s13+$0x4560] =	vst v21;
	v19 =	vadd.f32 v22, v19;
	v22 =	vmul.f32 v27, v33  }
0x1f0: {  	v12 =	vmul.f32 v12, v32;
	v11 =	vmul.f32 v11, v33;
	v21 =	vld [tilespmem:s13+$0x11540];
	[tilespmem:s13+$0x4550] =	vst v20;
	v18 =	vadd.f32 v23, v18  }
0x1f1: {  	v16 =	vmul.f32 v16, v32;
	v20 =	vld [tilespmem:s13+$0x11550];
	v23 =	vmul.f32 v26, v33;
	[tilespmem:s13+$0x4540] =	vst v19;
	v17 =	vadd.f32 v22, v17  }
0x1f2: {  	v15 =	vmul.f32 v15, v32;
	v11 =	vadd.f32 v11, v12;
	v19 =	vld [tilespmem:s13+$0x11560];
	[tilespmem:s13+$0x4530] =	vst v18;
	v18 =	vmul.f32 v25, v33  }
0x1f3: {  	v14 =	vmul.f32 v14, v32;
	v22 =	vld [tilespmem:s13+$0x11570];
	v16 =	vadd.f32 v23, v16;
	[tilespmem:s13+$0x4520] =	vst v17;
	v17 =	vmul.f32 v31, v33  }
0x1f4: {  	[tilespmem:s13+$0x4150] =	vst v11;
	v15 =	vadd.f32 v18, v15;
	v18 =	vld [tilespmem:s13+$0x5540]  }
0x1f5: {  	v8 =	vmul.f32 v8, v32;
	v7 =	vmul.f32 v7, v33;
	[tilespmem:s13+$0x4510] =	vst v16;
	v16 =	vld [tilespmem:s13+$0x5550];
	v14 =	vadd.f32 v17, v14  }
0x1f6: {  	v6 =	vmul.f32 v6, v32;
	v5 =	vmul.f32 v5, v33;
	[tilespmem:s13+$0x4500] =	vst v15;
	v15 =	vld [tilespmem:s13+$0x5560]  }
0x1f7: {  	v3 =	vmul.f32 v3, v32;
	v4 =	vmul.f32 v4, v33;
	v7 =	vadd.f32 v7, v8;
	[tilespmem:s13+$0x4170] =	vst v14;
	v14 =	vld [tilespmem:s13+$0x5570]  }
0x1f8: {  	v13 =	vmul.f32 v13, v32;
	v12 =	vld [tilespmem:s13+$0x4100];
	v5 =	vadd.f32 v5, v6;
	[tilespmem:s13+$0x4140] =	vst v9;
	v23 =	vmul.f32 v24, v33  }
0x1f9: {  	v3 =	vadd.f32 v4, v3;
	[tilespmem:s13+$0x4130] =	vst v7;
	v6 =	vmul.f32 v21, v33;
	v8 =	vmul.f32 v18, v32  }
0x1fa: {  	[tilespmem:s13+$0x4120] =	vst v5;
	v13 =	vadd.f32 v23, v13;
	v4 =	vmul.f32 v20, v33;
	v9 =	vmul.f32 v16, v32  }
0x1fb: {  	[tilespmem:s13+$0x4110] =	vst v3;
	v7 =	vmul.f32 v15, v32;
	v5 =	vadd.f32 v6, v8;
	v6 =	vmul.f32 v19, v33  }
0x1fc: {  	[tilespmem:s13+$0x4160] =	vst v13;
	v3 =	vadd.f32 v4, v9;
	v4 =	vmul.f32 v22, v33;
	v8 =	vmul.f32 v14, v32  }
0x1fd: {  	v10 =	vmul.f32 v10, v33;
	v9 =	vmul.f32 v12, v32;
	[tilespmem:s13+$0x5540] =	vst v5;
	v5 =	vadd.f32 v6, v7  }
0x1fe: {  	[tilespmem:s13+$0x5550] =	vst v3;
	v3 =	vadd.f32 v4, v8  }
0x1ff: {  	v4 =	vadd.f32 v10, v9;
	[tilespmem:s13+$0x5560] =	vst v5  }
0x200: {  	[tilespmem:s13+$0x5570] =	vst v3  }
0x201: {  	s21 =	rddreg [dreg:$0x7];
	[tilespmem:s13+$0x4100] =	vst v4;
	s13 =	simm.s32 $0x0  }
0x202: {  	[hbm4b:s21+s13] =	stream.linear.scatter [tilespmem:s19], [sflag:$0x2], $0xC000, $0x38;
	[tilespmem:$0x1C100] =	vst v63  }
0x203: {  	_ =	swait.ge [sflag:s17], $0xC000  }
0x204: {  	[sflag:s17] =	ssyncset.done $0x0  }
0x205: {  	s14 =	rddreg [dreg:$0x8];
	[sflag:s17] =	ssyncadd.s32 $0xFFFF4000  }
0x206: {  	[tilespmem:s13], [sflag:$0x2] =	stream.linear.gather [hbm4b:s14+s13], $0x40, $0x38;
	[tilespmem:$0x1C100] =	vst v63  }
0x207: {  	_ =	swait.ge [sflag:s17], $0x40  }
0x208: {  	[sflag:s17] =	ssyncset.done $0x0  }
0x209: {  	s14 =	simm.s32 $0x80;
	s15 =	rddreg [dreg:$0x9];
	[sflag:s17] =	ssyncadd.s32 $0xFFFFFFC0  }
0x20a: {  	[tilespmem:s14], [sflag:$0x2] =	stream.linear.gather [hbm4b:s15+s13], $0x40, $0x38;
	[tilespmem:$0x1C100] =	vst v63  }
0x20b: {  	_ =	swait.ge [sflag:s17], $0x40  }
0x20c: {  	[sflag:s17] =	ssyncset.done $0x0  }
0x20d: {  	[sflag:s17] =	ssyncadd.s32 $0xFFFFFFC0  }
0x20e: {  	v3 =	vld [tilespmem:$0x0];
	_ =	sdelay $0x4  }
0x20f: {  	v4 =	vshrl.u32 v3, $0x3  }
0x210: {  	v4 =	vmul.u32 $0x30, v4  }
0x211: {  	v3 =	vand.u32 $0x7, v3  }
0x212: {  	v3 =	vor.u32 v3, v4  }
0x213: {  	v4 =	vperm.xlane v3, v0;
	_ =	sdelay $0x1  }
0x214: {  	v4 =	vadd.s32 v1, v4;
	_ =	sdelay $0x3  }
0x215: {  	v3 =	vperm.xlane v3, v2  }
0x216: {  	[tilespmem:s19], [sflag:$0x1] =	stream.indirect_vreg.gather [hbm4b:s3+s13], $0x80, v4, vm0, $0xb8;
	[tilespmem:$0x1C100] =	vst v63  }
0x217: {  	s18 =	simm.s32 $0x4900;
	v3 =	vadd.s32 v1, v3  }
0x218: {  	[tilespmem:s18], [sflag:$0x1] =	stream.indirect_vreg.gather [hbm4b:s6+s13], $0x80, v4, vm0, $0xb8;
	[tilespmem:$0x1C100] =	vst v63  }
0x219: {  	s20 =	simm.s32 $0x5100  }
0x21a: {  	[tilespmem:s20], [sflag:$0x1] =	stream.indirect_vreg.gather [hbm4b:s7+s13], $0x80, v4, vm0, $0xb8;
	[tilespmem:$0x1C100] =	vst v63  }
0x21b: {  	s21 =	simm.s32 $0x5900  }
0x21c: {  	[tilespmem:s21], [sflag:$0x1] =	stream.indirect_vreg.gather [hbm4b:s3+s13], $0x80, v3, vm0, $0xb8;
	[tilespmem:$0x1C100] =	vst v63  }
0x21d: {  	s14 =	simm.s32 $0x6100  }
0x21e: {  	[tilespmem:s14], [sflag:$0x1] =	stream.indirect_vreg.gather [hbm4b:s6+s13], $0x80, v3, vm0, $0xb8;
	[tilespmem:$0x1C100] =	vst v63  }
0x21f: {  	s15 =	simm.s32 $0x6900  }
0x220: {  	[tilespmem:s15], [sflag:$0x1] =	stream.indirect_vreg.gather [hbm4b:s7+s13], $0x80, v3, vm0, $0xb8;
	[tilespmem:$0x1C100] =	vst v63  }
0x221: {  	v3 =	vld [tilespmem:$0x10];
	_ =	sdelay $0x4  }
0x222: {  	v4 =	vshrl.u32 v3, $0x3  }
0x223: {  	v4 =	vmul.u32 $0x30, v4  }
0x224: {  	v3 =	vand.u32 $0x7, v3  }
0x225: {  	v3 =	vor.u32 v3, v4  }
0x226: {  	v4 =	vperm.xlane v3, v0;
	_ =	sdelay $0x1  }
0x227: {  	v4 =	vadd.s32 v1, v4;
	_ =	sdelay $0x3  }
0x228: {  	s18 =	simm.s32 $0x7100;
	v3 =	vperm.xlane v3, v2  }
0x229: {  	[tilespmem:s18], [sflag:$0x1] =	stream.indirect_vreg.gather [hbm4b:s3+s13], $0x80, v4, vm0, $0xb8;
	[tilespmem:$0x1C100] =	vst v63  }
0x22a: {  	s20 =	simm.s32 $0x7900;
	v3 =	vadd.s32 v1, v3  }
0x22b: {  	[tilespmem:s20], [sflag:$0x1] =	stream.indirect_vreg.gather [hbm4b:s6+s13], $0x80, v4, vm0, $0xb8;
	[tilespmem:$0x1C100] =	vst v63  }
0x22c: {  	s21 =	simm.s32 $0x8100  }
0x22d: {  	[tilespmem:s21], [sflag:$0x1] =	stream.indirect_vreg.gather [hbm4b:s7+s13], $0x80, v4, vm0, $0xb8;
	[tilespmem:$0x1C100] =	vst v63  }
0x22e: {  	s14 =	simm.s32 $0x8900  }
0x22f: {  	[tilespmem:s14], [sflag:$0x1] =	stream.indirect_vreg.gather [hbm4b:s3+s13], $0x80, v3, vm0, $0xb8;
	[tilespmem:$0x1C100] =	vst v63  }
0x230: {  	s15 =	simm.s32 $0x9100  }
0x231: {  	[tilespmem:s15], [sflag:$0x1] =	stream.indirect_vreg.gather [hbm4b:s6+s13], $0x80, v3, vm0, $0xb8;
	[tilespmem:$0x1C100] =	vst v63  }
0x232: {  	s18 =	simm.s32 $0x9900  }
0x233: {  	[tilespmem:s18], [sflag:$0x1] =	stream.indirect_vreg.gather [hbm4b:s7+s13], $0x80, v3, vm0, $0xb8;
	[tilespmem:$0x1C100] =	vst v63  }
0x234: {  	v3 =	vld [tilespmem:$0x20];
	_ =	sdelay $0x4  }
0x235: {  	v4 =	vshrl.u32 v3, $0x3  }
0x236: {  	v4 =	vmul.u32 $0x30, v4  }
0x237: {  	v3 =	vand.u32 $0x7, v3  }
0x238: {  	v3 =	vor.u32 v3, v4  }
0x239: {  	v4 =	vperm.xlane v3, v0;
	_ =	sdelay $0x1  }
0x23a: {  	v4 =	vadd.s32 v1, v4;
	_ =	sdelay $0x3  }
0x23b: {  	s20 =	simm.s32 $0xA100;
	v3 =	vperm.xlane v3, v2  }
0x23c: {  	[tilespmem:s20], [sflag:$0x1] =	stream.indirect_vreg.gather [hbm4b:s3+s13], $0x80, v4, vm0, $0xb8;
	[tilespmem:$0x1C100] =	vst v63  }
0x23d: {  	s21 =	simm.s32 $0xA900;
	v3 =	vadd.s32 v1, v3  }
0x23e: {  	[tilespmem:s21], [sflag:$0x1] =	stream.indirect_vreg.gather [hbm4b:s6+s13], $0x80, v4, vm0, $0xb8;
	[tilespmem:$0x1C100] =	vst v63  }
0x23f: {  	s14 =	simm.s32 $0xB100  }
0x240: {  	[tilespmem:s14], [sflag:$0x1] =	stream.indirect_vreg.gather [hbm4b:s7+s13], $0x80, v4, vm0, $0xb8;
	[tilespmem:$0x1C100] =	vst v63  }
0x241: {  	s15 =	simm.s32 $0xB900  }
0x242: {  	[tilespmem:s15], [sflag:$0x1] =	stream.indirect_vreg.gather [hbm4b:s3+s13], $0x80, v3, vm0, $0xb8;
	[tilespmem:$0x1C100] =	vst v63  }
0x243: {  	s18 =	simm.s32 $0xC100  }
0x244: {  	[tilespmem:s18], [sflag:$0x1] =	stream.indirect_vreg.gather [hbm4b:s6+s13], $0x80, v3, vm0, $0xb8;
	[tilespmem:$0x1C100] =	vst v63  }
0x245: {  	s20 =	simm.s32 $0xC900  }
0x246: {  	[tilespmem:s20], [sflag:$0x1] =	stream.indirect_vreg.gather [hbm4b:s7+s13], $0x80, v3, vm0, $0xb8;
	[tilespmem:$0x1C100] =	vst v63  }
0x247: {  	v3 =	vld [tilespmem:$0x30];
	_ =	sdelay $0x4  }
0x248: {  	v4 =	vshrl.u32 v3, $0x3  }
0x249: {  	v4 =	vmul.u32 $0x30, v4  }
0x24a: {  	v3 =	vand.u32 $0x7, v3  }
0x24b: {  	v3 =	vor.u32 v3, v4  }
0x24c: {  	v4 =	vperm.xlane v3, v0;
	_ =	sdelay $0x1  }
0x24d: {  	v4 =	vadd.s32 v1, v4;
	_ =	sdelay $0x3  }
0x24e: {  	s21 =	simm.s32 $0xD100;
	v3 =	vperm.xlane v3, v2  }
0x24f: {  	[tilespmem:s21], [sflag:$0x1] =	stream.indirect_vreg.gather [hbm4b:s3+s13], $0x80, v4, vm0, $0xb8;
	[tilespmem:$0x1C100] =	vst v63  }
0x250: {  	s14 =	simm.s32 $0xD900;
	v3 =	vadd.s32 v1, v3  }
0x251: {  	[tilespmem:s14], [sflag:$0x1] =	stream.indirect_vreg.gather [hbm4b:s6+s13], $0x80, v4, vm0, $0xb8;
	[tilespmem:$0x1C100] =	vst v63  }
0x252: {  	s15 =	simm.s32 $0xE100  }
0x253: {  	[tilespmem:s15], [sflag:$0x1] =	stream.indirect_vreg.gather [hbm4b:s7+s13], $0x80, v4, vm0, $0xb8;
	[tilespmem:$0x1C100] =	vst v63  }
0x254: {  	s18 =	simm.s32 $0xE900  }
0x255: {  	[tilespmem:s18], [sflag:$0x1] =	stream.indirect_vreg.gather [hbm4b:s3+s13], $0x80, v3, vm0, $0xb8;
	[tilespmem:$0x1C100] =	vst v63  }
0x256: {  	s20 =	simm.s32 $0xF100  }
0x257: {  	[tilespmem:s20], [sflag:$0x1] =	stream.indirect_vreg.gather [hbm4b:s6+s13], $0x80, v3, vm0, $0xb8;
	[tilespmem:$0x1C100] =	vst v63  }
0x258: {  	s21 =	simm.s32 $0xF900  }
0x259: {  	[tilespmem:s21], [sflag:$0x1] =	stream.indirect_vreg.gather [hbm4b:s7+s13], $0x80, v3, vm0, $0xb8;
	[tilespmem:$0x1C100] =	vst v63  }
0x25a: {  	v3 =	vld [tilespmem:$0x80];
	_ =	sdelay $0x4  }
0x25b: {  	v4 =	vshrl.u32 v3, $0x3  }
0x25c: {  	v4 =	vmul.u32 $0x30, v4  }
0x25d: {  	v3 =	vand.u32 $0x7, v3  }
0x25e: {  	v3 =	vor.u32 v3, v4  }
0x25f: {  	v4 =	vperm.xlane v3, v0;
	_ =	sdelay $0x1  }
0x260: {  	v4 =	vadd.s32 v1, v4;
	_ =	sdelay $0x3  }
0x261: {  	s14 =	simm.s32 $0x10100;
	v3 =	vperm.xlane v3, v2  }
0x262: {  	[tilespmem:s14], [sflag:$0x1] =	stream.indirect_vreg.gather [hbm4b:s3+s13], $0x80, v4, vm0, $0xb8;
	[tilespmem:$0x1C100] =	vst v63  }
0x263: {  	s15 =	simm.s32 $0x10900;
	v3 =	vadd.s32 v1, v3  }
0x264: {  	[tilespmem:s15], [sflag:$0x1] =	stream.indirect_vreg.gather [hbm4b:s6+s13], $0x80, v4, vm0, $0xb8;
	[tilespmem:$0x1C100] =	vst v63  }
0x265: {  	s18 =	simm.s32 $0x11100  }
0x266: {  	[tilespmem:s18], [sflag:$0x1] =	stream.indirect_vreg.gather [hbm4b:s7+s13], $0x80, v4, vm0, $0xb8;
	[tilespmem:$0x1C100] =	vst v63  }
0x267: {  	s20 =	simm.s32 $0x11900  }
0x268: {  	[tilespmem:s20], [sflag:$0x1] =	stream.indirect_vreg.gather [hbm4b:s3+s13], $0x80, v3, vm0, $0xb8;
	[tilespmem:$0x1C100] =	vst v63  }
0x269: {  	s21 =	simm.s32 $0x12100  }
0x26a: {  	[tilespmem:s21], [sflag:$0x1] =	stream.indirect_vreg.gather [hbm4b:s6+s13], $0x80, v3, vm0, $0xb8;
	[tilespmem:$0x1C100] =	vst v63  }
0x26b: {  	s14 =	simm.s32 $0x12900  }
0x26c: {  	[tilespmem:s14], [sflag:$0x1] =	stream.indirect_vreg.gather [hbm4b:s7+s13], $0x80, v3, vm0, $0xb8;
	[tilespmem:$0x1C100] =	vst v63  }
0x26d: {  	v3 =	vld [tilespmem:$0x90];
	_ =	sdelay $0x4  }
0x26e: {  	v4 =	vshrl.u32 v3, $0x3  }
0x26f: {  	v4 =	vmul.u32 $0x30, v4  }
0x270: {  	v3 =	vand.u32 $0x7, v3  }
0x271: {  	v3 =	vor.u32 v3, v4  }
0x272: {  	v4 =	vperm.xlane v3, v0;
	_ =	sdelay $0x1  }
0x273: {  	v4 =	vadd.s32 v1, v4;
	_ =	sdelay $0x3  }
0x274: {  	s15 =	simm.s32 $0x13100;
	v3 =	vperm.xlane v3, v2  }
0x275: {  	[tilespmem:s15], [sflag:$0x1] =	stream.indirect_vreg.gather [hbm4b:s3+s13], $0x80, v4, vm0, $0xb8;
	[tilespmem:$0x1C100] =	vst v63  }
0x276: {  	s18 =	simm.s32 $0x13900;
	v3 =	vadd.s32 v1, v3  }
0x277: {  	[tilespmem:s18], [sflag:$0x1] =	stream.indirect_vreg.gather [hbm4b:s6+s13], $0x80, v4, vm0, $0xb8;
	[tilespmem:$0x1C100] =	vst v63  }
0x278: {  	s20 =	simm.s32 $0x14100  }
0x279: {  	[tilespmem:s20], [sflag:$0x1] =	stream.indirect_vreg.gather [hbm4b:s7+s13], $0x80, v4, vm0, $0xb8;
	[tilespmem:$0x1C100] =	vst v63  }
0x27a: {  	_ = 	snop  }
0x27b: {  	[tilespmem:s8], [sflag:$0x1] =	stream.indirect_vreg.gather [hbm4b:s3+s13], $0x80, v3, vm0, $0xb8;
	[tilespmem:$0x1C100] =	vst v63  }
0x27c: {  	_ = 	snop  }
0x27d: {  	[tilespmem:s22], [sflag:$0x1] =	stream.indirect_vreg.gather [hbm4b:s6+s13], $0x80, v3, vm0, $0xb8;
	[tilespmem:$0x1C100] =	vst v63  }
0x27e: {  	_ = 	snop  }
0x27f: {  	[tilespmem:s23], [sflag:$0x1] =	stream.indirect_vreg.gather [hbm4b:s7+s13], $0x80, v3, vm0, $0xb8;
	[tilespmem:$0x1C100] =	vst v63  }
0x280: {  	v3 =	vld [tilespmem:$0xA0];
	_ =	sdelay $0x4  }
0x281: {  	v4 =	vshrl.u32 v3, $0x3  }
0x282: {  	v4 =	vmul.u32 $0x30, v4  }
0x283: {  	v3 =	vand.u32 $0x7, v3  }
0x284: {  	v3 =	vor.u32 v3, v4  }
0x285: {  	v4 =	vperm.xlane v3, v0;
	_ =	sdelay $0x1  }
0x286: {  	v4 =	vadd.s32 v1, v4;
	_ =	sdelay $0x3  }
0x287: {  	v3 =	vperm.xlane v3, v2  }
0x288: {  	[tilespmem:s24], [sflag:$0x1] =	stream.indirect_vreg.gather [hbm4b:s3+s13], $0x80, v4, vm0, $0xb8;
	[tilespmem:$0x1C100] =	vst v63  }
0x289: {  	v3 =	vadd.s32 v1, v3  }
0x28a: {  	[tilespmem:s25], [sflag:$0x1] =	stream.indirect_vreg.gather [hbm4b:s6+s13], $0x80, v4, vm0, $0xb8;
	[tilespmem:$0x1C100] =	vst v63  }
0x28b: {  	_ = 	snop  }
0x28c: {  	[tilespmem:s9], [sflag:$0x1] =	stream.indirect_vreg.gather [hbm4b:s7+s13], $0x80, v4, vm0, $0xb8;
	[tilespmem:$0x1C100] =	vst v63  }
0x28d: {  	_ = 	snop  }
0x28e: {  	[tilespmem:s26], [sflag:$0x1] =	stream.indirect_vreg.gather [hbm4b:s3+s13], $0x80, v3, vm0, $0xb8;
	[tilespmem:$0x1C100] =	vst v63  }
0x28f: {  	_ = 	snop  }
0x290: {  	[tilespmem:s28], [sflag:$0x1] =	stream.indirect_vreg.gather [hbm4b:s6+s13], $0x80, v3, vm0, $0xb8;
	[tilespmem:$0x1C100] =	vst v63  }
0x291: {  	_ = 	snop  }
0x292: {  	[tilespmem:s29], [sflag:$0x1] =	stream.indirect_vreg.gather [hbm4b:s7+s13], $0x80, v3, vm0, $0xb8;
	[tilespmem:$0x1C100] =	vst v63  }
0x293: {  	v3 =	vld [tilespmem:$0xB0];
	_ =	sdelay $0x4  }
0x294: {  	v4 =	vshrl.u32 v3, $0x3  }
0x295: {  	v4 =	vmul.u32 $0x30, v4  }
0x296: {  	v3 =	vand.u32 $0x7, v3  }
0x297: {  	v3 =	vor.u32 v3, v4  }
0x298: {  	v4 =	vperm.xlane v3, v0;
	_ =	sdelay $0x1  }
0x299: {  	v4 =	vadd.s32 v1, v4;
	_ =	sdelay $0x3  }
0x29a: {  	v3 =	vperm.xlane v3, v2  }
0x29b: {  	[tilespmem:s10], [sflag:$0x1] =	stream.indirect_vreg.gather [hbm4b:s3+s13], $0x80, v4, vm0, $0xb8;
	[tilespmem:$0x1C100] =	vst v63  }
0x29c: {  	v3 =	vadd.s32 v1, v3  }
0x29d: {  	[tilespmem:s30], [sflag:$0x1] =	stream.indirect_vreg.gather [hbm4b:s6+s13], $0x80, v4, vm0, $0xb8;
	[tilespmem:$0x1C100] =	vst v63  }
0x29e: {  	_ = 	snop  }
0x29f: {  	[tilespmem:s11], [sflag:$0x1] =	stream.indirect_vreg.gather [hbm4b:s7+s13], $0x80, v4, vm0, $0xb8;
	[tilespmem:$0x1C100] =	vst v63  }
0x2a0: {  	_ = 	snop  }
0x2a1: {  	[tilespmem:s31], [sflag:$0x1] =	stream.indirect_vreg.gather [hbm4b:s3+s13], $0x80, v3, vm0, $0xb8;
	[tilespmem:$0x1C100] =	vst v63  }
0x2a2: {  	_ = 	snop  }
0x2a3: {  	[tilespmem:s4], [sflag:$0x1] =	stream.indirect_vreg.gather [hbm4b:s6+s13], $0x80, v3, vm0, $0xb8;
	[tilespmem:$0x1C100] =	vst v63  }
0x2a4: {  	_ = 	snop  }
0x2a5: {  	[tilespmem:s0], [sflag:$0x1] =	stream.indirect_vreg.gather [hbm4b:s7+s13], $0x80, v3, vm0, $0xb8;
	[tilespmem:$0x1C100] =	vst v63  }
0x2a6: {  	s12 =	simm.s32 $0x100;
	s21 =	rddreg [dreg:$0xa]  }
0x2a7: {  	[tilespmem:s12], [sflag:$0x2] =	stream.linear.gather [hbm4b:s21+s13], $0x2000, $0x38;
	[tilespmem:$0x1C100] =	vst v63  }
0x2a8: {  	_ =	swait.ge [sflag:s17], $0x2000  }
0x2a9: {  	[sflag:s17] =	ssyncset.done $0x0  }
0x2aa: {  	s18 =	simm.s32 $0x2100;
	s15 =	rddreg [dreg:$0xb];
	[sflag:s17] =	ssyncadd.s32 $0xFFFFE000  }
0x2ab: {  	[tilespmem:s18], [sflag:$0x2] =	stream.linear.gather [hbm4b:s15+s13], $0x2000, $0x38;
	[tilespmem:$0x1C100] =	vst v63  }
0x2ac: {  	_ =	swait.ge [sflag:s17], $0x2000  }
0x2ad: {  	[sflag:s17] =	ssyncset.done $0x0  }
0x2ae: {  	[sflag:s17] =	ssyncadd.s32 $0xFFFFE000  }
0x2af: {  	_ =	swait.ge [sflag:s5], $0xC000  }
0x2b0: {  	[sflag:s5] =	ssyncset.done $0x0  }
0x2b1: {  	s20 =	simm.s32 $0x0;
	[sflag:s5] =	ssyncadd.s32 $0xFFFF4000  }
0x2b2: {  	s14 =	smul.u32 $0x1800, s20;
	_ =	swait.ge [sflag:s5], $0xC000  }
0x2b3: {  	s13 =	sand.u32 $0x380, s13;
	[sflag:s5] =	ssyncset.done $0x0  }
0x2b4: {  	s14 =	sor.u32 s13, s14;
	[sflag:s5] =	ssyncadd.s32 $0xFFFF4000  }
0x2b5: {  	v4 =	vld [tilespmem:s14+$0x4110]  }
0x2b6: {  	v3 =	vld [tilespmem:s14+$0x10110]  }
0x2b7: {  	v6 =	vld [tilespmem:s14+$0x4120]  }
0x2b8: {  	v5 =	vld [tilespmem:s14+$0x10120]  }
0x2b9: {  	v10 =	vld [tilespmem:s14+$0x4130]  }
0x2ba: {  	v9 =	vld [tilespmem:s14+$0x10130]  }
0x2bb: {  	v12 =	vld [tilespmem:s14+$0x4140]  }
0x2bc: {  	v11 =	vld [tilespmem:s14+$0x10140]  }
0x2bd: {  	v13 =	vld [tilespmem:s14+$0x4160]  }
0x2be: {  	v14 =	vld [tilespmem:s14+$0x4170]  }
0x2bf: {  	v15 =	vld [tilespmem:s14+$0x4500]  }
0x2c0: {  	v16 =	vld [tilespmem:s14+$0x4510]  }
0x2c1: {  	v17 =	vld [tilespmem:s14+$0x4520]  }
0x2c2: {  	v18 =	vld [tilespmem:s14+$0x4530]  }
0x2c3: {  	v19 =	vld [tilespmem:s14+$0x4540]  }
0x2c4: {  	v20 =	vld [tilespmem:s14+$0x4550]  }
0x2c5: {  	v21 =	vld [tilespmem:s14+$0x4560]  }
0x2c6: {  	v22 =	vld [tilespmem:s14+$0x4570]  }
0x2c7: {  	v23 =	vld [tilespmem:s14+$0x4900]  }
0x2c8: {  	v24 =	vld [tilespmem:s14+$0x4910]  }
0x2c9: {  	v25 =	vld [tilespmem:s14+$0x4920]  }
0x2ca: {  	v26 =	vld [tilespmem:s14+$0x4930]  }
0x2cb: {  	v27 =	vld [tilespmem:s14+$0x4940]  }
0x2cc: {  	v28 =	vld [tilespmem:s14+$0x4950]  }
0x2cd: {  	v29 =	vld [tilespmem:s14+$0x4960]  }
0x2ce: {  	v30 =	vld [tilespmem:s14+$0x4970]  }
0x2cf: {  	v31 =	vld [tilespmem:s14+$0x4D00]  }
0x2d0: {  	v32 =	vld [tilespmem:s14+$0x4D10]  }
0x2d1: {  	v33 =	vld [tilespmem:s14+$0x4D20]  }
0x2d2: {  	v34 =	vld [tilespmem:s14+$0x4D30]  }
0x2d3: {  	v35 =	vld [tilespmem:s14+$0x4D40]  }
0x2d4: {  	v36 =	vld [tilespmem:s14+$0x4D50]  }
0x2d5: {  	v37 =	vld [tilespmem:s14+$0x4D60]  }
0x2d6: {  	v38 =	vld [tilespmem:s14+$0x4D70]  }
0x2d7: {  	v39 =	vld [tilespmem:s14+$0x5100]  }
0x2d8: {  	v40 =	vld [tilespmem:s14+$0x5110]  }
0x2d9: {  	v41 =	vld [tilespmem:s14+$0x5120]  }
0x2da: {  	v42 =	vld [tilespmem:s14+$0x5130]  }
0x2db: {  	v43 =	vld [tilespmem:s14+$0x5140]  }
0x2dc: {  	v44 =	vld [tilespmem:s14+$0x5150]  }
0x2dd: {  	v45 =	vld [tilespmem:s14+$0x5160]  }
0x2de: {  	v46 =	vld [tilespmem:s14+$0x5500]  }
0x2df: {  	v47 =	vld [tilespmem:s14+$0x5510]  }
0x2e0: {  	v48 =	vld [tilespmem:s14+$0x11510]  }
0x2e1: {  	v49 =	vld [tilespmem:s14+$0x11530]  }
0x2e2: {  	v50 =	vld [tilespmem:s14+$0x5530]  }
0x2e3: {  	v51 =	vld [tilespmem:s14+$0x5520]  }
0x2e4: {  	v7 =	vld [tilespmem:s12+$0x0]  }
0x2e5: {  	v8 =	vld [tilespmem:s18+$0x0]  }
0x2e6: {  	v52 =	vld [tilespmem:s14+$0x11520]  }
0x2e7: {  	v62 =	vld [tilespmem:s14+$0x11500]  }
0x2e8: {  	v63 =	vld [tilespmem:s14+$0x5170]  }
0x2e9: {  	v60 =	vld [tilespmem:s14+$0x11170];
	v50 =	vmul.f32 v50, v7  }
0x2ea: {  	v61 =	vld [tilespmem:s14+$0x11160];
	v49 =	vmul.f32 v49, v8;
	v51 =	vmul.f32 v51, v7  }
0x2eb: {  	v57 =	vld [tilespmem:s14+$0x11150];
	v52 =	vmul.f32 v52, v8;
	v47 =	vmul.f32 v47, v7  }
0x2ec: {  	v58 =	vld [tilespmem:s14+$0x11140];
	v48 =	vmul.f32 v48, v8;
	v46 =	vmul.f32 v46, v7  }
0x2ed: {  	v53 =	vld [tilespmem:s14+$0x11130];
	v62 =	vmul.f32 v62, v8;
	v63 =	vmul.f32 v63, v7;
	v49 =	vadd.f32 v49, v50  }
0x2ee: {  	v56 =	vld [tilespmem:s14+$0x10D60];
	v59 =	vmul.f32 v60, v8;
	v45 =	vmul.f32 v45, v7;
	v51 =	vadd.f32 v52, v51  }
0x2ef: {  	v55 =	vld [tilespmem:s14+$0x10970];
	v60 =	vmul.f32 v61, v8;
	v44 =	vmul.f32 v44, v7;
	v47 =	vadd.f32 v48, v47;
	[tilespmem:s14+$0x5530] =	vst v49  }
0x2f0: {  	v61 =	vld [tilespmem:s14+$0x11100];
	v43 =	vmul.f32 v43, v7;
	v42 =	vmul.f32 v42, v7;
	v46 =	vadd.f32 v62, v46;
	[tilespmem:s14+$0x5520] =	vst v51  }
0x2f1: {  	v12 =	vmul.f32 v12, v7;
	v11 =	vmul.f32 v11, v8;
	v48 =	vld [tilespmem:s14+$0x11120];
	v52 =	vadd.f32 v59, v63;
	[tilespmem:s14+$0x5510] =	vst v47  }
0x2f2: {  	v62 =	vmul.f32 v57, v8;
	v63 =	vmul.f32 v58, v8;
	v45 =	vadd.f32 v60, v45;
	v58 =	vld [tilespmem:s14+$0x10D50];
	[tilespmem:s14+$0x5500] =	vst v46  }
0x2f3: {  	v41 =	vmul.f32 v41, v7;
	v40 =	vmul.f32 v40, v7;
	v59 =	vld [tilespmem:s14+$0x10D40];
	v11 =	vadd.f32 v11, v12;
	[tilespmem:s14+$0x5170] =	vst v52  }
0x2f4: {  	v39 =	vmul.f32 v39, v7;
	v57 =	vmul.f32 v53, v8;
	v60 =	vld [tilespmem:s14+$0x10D30];
	v44 =	vadd.f32 v62, v44;
	[tilespmem:s14+$0x5160] =	vst v45  }
0x2f5: {  	v37 =	vmul.f32 v37, v7;
	v53 =	vld [tilespmem:s14+$0x10D00];
	v43 =	vadd.f32 v63, v43;
	v46 =	vmul.f32 v56, v8;
	[tilespmem:s14+$0x4140] =	vst v11  }
0x2f6: {  	v38 =	vmul.f32 v38, v7;
	v49 =	vld [tilespmem:s14+$0x11110];
	v42 =	vadd.f32 v57, v42;
	v61 =	vmul.f32 v61, v8;
	[tilespmem:s14+$0x5150] =	vst v44  }
0x2f7: {  	v36 =	vmul.f32 v36, v7;
	v47 =	vld [tilespmem:s14+$0x10D70];
	[tilespmem:s14+$0x5140] =	vst v43;
	v37 =	vadd.f32 v46, v37;
	v48 =	vmul.f32 v48, v8  }
0x2f8: {  	v35 =	vmul.f32 v35, v7;
	v62 =	vld [tilespmem:s14+$0x10D20];
	[tilespmem:s14+$0x5130] =	vst v42;
	v39 =	vadd.f32 v61, v39;
	v54 =	vmul.f32 v58, v8  }
0x2f9: {  	v34 =	vmul.f32 v34, v7;
	v63 =	vld [tilespmem:s14+$0x10D10];
	v45 =	vmul.f32 v59, v8;
	[tilespmem:s14+$0x4D60] =	vst v37;
	v41 =	vadd.f32 v48, v41  }
0x2fa: {  	v33 =	vmul.f32 v33, v7;
	v56 =	vld [tilespmem:s14+$0x10960];
	v44 =	vmul.f32 v60, v8;
	[tilespmem:s14+$0x5100] =	vst v39;
	v36 =	vadd.f32 v54, v36  }
0x2fb: {  	v32 =	vmul.f32 v32, v7;
	v12 =	vld [tilespmem:s14+$0x5560];
	v49 =	vmul.f32 v49, v8;
	v35 =	vadd.f32 v45, v35;
	[tilespmem:s14+$0x5120] =	vst v41  }
0x2fc: {  	v6 =	vmul.f32 v6, v7;
	v58 =	vld [tilespmem:s14+$0x10940];
	v47 =	vmul.f32 v47, v8;
	v34 =	vadd.f32 v44, v34;
	[tilespmem:s14+$0x4D50] =	vst v36  }
0x2fd: {  	v5 =	vmul.f32 v5, v8;
	v59 =	vld [tilespmem:s14+$0x10930];
	v43 =	vmul.f32 v62, v8;
	v40 =	vadd.f32 v49, v40;
	[tilespmem:s14+$0x4D40] =	vst v35  }
0x2fe: {  	v29 =	vmul.f32 v29, v7;
	v60 =	vld [tilespmem:s14+$0x10920];
	v42 =	vmul.f32 v63, v8;
	v38 =	vadd.f32 v47, v38;
	[tilespmem:s14+$0x4D30] =	vst v34  }
0x2ff: {  	v5 =	vadd.f32 v5, v6;
	v6 =	vld [tilespmem:s14+$0x4100];
	v39 =	vmul.f32 v56, v8;
	v33 =	vadd.f32 v43, v33;
	[tilespmem:s14+$0x5110] =	vst v40  }
0x300: {  	v31 =	vmul.f32 v31, v7;
	v61 =	vld [tilespmem:s14+$0x10910];
	v41 =	vmul.f32 v53, v8;
	v32 =	vadd.f32 v42, v32;
	[tilespmem:s14+$0x4D70] =	vst v38  }
0x301: {  	v27 =	vmul.f32 v27, v7;
	v57 =	vld [tilespmem:s14+$0x10950];
	v29 =	vadd.f32 v39, v29;
	v37 =	vmul.f32 v58, v8;
	[tilespmem:s14+$0x4D20] =	vst v33  }
0x302: {  	v26 =	vmul.f32 v26, v7;
	v62 =	vld [tilespmem:s14+$0x10900];
	v36 =	vmul.f32 v59, v8;
	v31 =	vadd.f32 v41, v31;
	[tilespmem:s14+$0x4D10] =	vst v32  }
0x303: {  	v25 =	vmul.f32 v25, v7;
	v63 =	vld [tilespmem:s14+$0x10570];
	v35 =	vmul.f32 v60, v8;
	[tilespmem:s14+$0x4960] =	vst v29;
	v27 =	vadd.f32 v37, v27  }
0x304: {  	v30 =	vmul.f32 v30, v7;
	v40 =	vmul.f32 v55, v8;
	v29 =	vld [tilespmem:s14+$0x10540];
	v26 =	vadd.f32 v36, v26;
	[tilespmem:s14+$0x4D00] =	vst v31  }
0x305: {  	v24 =	vmul.f32 v24, v7;
	v34 =	vmul.f32 v61, v8;
	v25 =	vadd.f32 v35, v25;
	v31 =	vld [tilespmem:s14+$0x10560];
	[tilespmem:s14+$0x4940] =	vst v27  }
0x306: {  	v28 =	vmul.f32 v28, v7;
	v38 =	vmul.f32 v57, v8;
	v30 =	vadd.f32 v40, v30;
	v27 =	vld [tilespmem:s14+$0x10520];
	[tilespmem:s14+$0x4930] =	vst v26  }
0x307: {  	v23 =	vmul.f32 v23, v7;
	v33 =	vmul.f32 v62, v8;
	v24 =	vadd.f32 v34, v24;
	v26 =	vld [tilespmem:s14+$0x10510];
	[tilespmem:s14+$0x4920] =	vst v25  }
0x308: {  	v22 =	vmul.f32 v22, v7;
	v32 =	vmul.f32 v63, v8;
	v28 =	vadd.f32 v38, v28;
	[tilespmem:s14+$0x4970] =	vst v30;
	v30 =	vld [tilespmem:s14+$0x10550]  }
0x309: {  	v19 =	vmul.f32 v19, v7;
	v23 =	vadd.f32 v33, v23;
	v25 =	vld [tilespmem:s14+$0x10500];
	[tilespmem:s14+$0x4910] =	vst v24;
	v29 =	vmul.f32 v29, v8  }
0x30a: {  	v21 =	vmul.f32 v21, v7;
	v22 =	vadd.f32 v32, v22;
	[tilespmem:s14+$0x4950] =	vst v28;
	v28 =	vld [tilespmem:s14+$0x10530];
	v31 =	vmul.f32 v31, v8  }
0x30b: {  	v17 =	vmul.f32 v17, v7;
	[tilespmem:s14+$0x4900] =	vst v23;
	v23 =	vld [tilespmem:s14+$0x10160];
	v19 =	vadd.f32 v29, v19;
	v27 =	vmul.f32 v27, v8  }
0x30c: {  	v16 =	vmul.f32 v16, v7;
	v24 =	vld [tilespmem:s14+$0x10170];
	[tilespmem:s14+$0x4570] =	vst v22;
	v26 =	vmul.f32 v26, v8;
	v21 =	vadd.f32 v31, v21  }
0x30d: {  	v20 =	vmul.f32 v20, v7;
	v22 =	vld [tilespmem:s14+$0x4150];
	v30 =	vmul.f32 v30, v8;
	[tilespmem:s14+$0x4540] =	vst v19;
	v17 =	vadd.f32 v27, v17  }
0x30e: {  	v15 =	vmul.f32 v15, v7;
	v25 =	vmul.f32 v25, v8;
	v19 =	vld [tilespmem:s14+$0x11550];
	v16 =	vadd.f32 v26, v16;
	[tilespmem:s14+$0x4560] =	vst v21  }
0x30f: {  	v18 =	vmul.f32 v18, v7;
	v28 =	vmul.f32 v28, v8;
	v20 =	vadd.f32 v30, v20;
	v21 =	vld [tilespmem:s14+$0x10150];
	[tilespmem:s14+$0x4520] =	vst v17  }
0x310: {  	v13 =	vmul.f32 v13, v7;
	v23 =	vmul.f32 v23, v8;
	v15 =	vadd.f32 v25, v15;
	v17 =	vld [tilespmem:s14+$0x5540];
	[tilespmem:s14+$0x4510] =	vst v16  }
0x311: {  	v14 =	vmul.f32 v14, v7;
	v24 =	vmul.f32 v24, v8;
	v18 =	vadd.f32 v28, v18;
	[tilespmem:s14+$0x4550] =	vst v20;
	v20 =	vld [tilespmem:s14+$0x11540]  }
0x312: {  	v10 =	vmul.f32 v10, v7;
	v9 =	vmul.f32 v9, v8;
	v13 =	vadd.f32 v23, v13;
	[tilespmem:s14+$0x4500] =	vst v15;
	v15 =	vld [tilespmem:s14+$0x5550]  }
0x313: {  	v4 =	vmul.f32 v4, v7;
	v3 =	vmul.f32 v3, v8;
	v14 =	vadd.f32 v24, v14;
	[tilespmem:s14+$0x4530] =	vst v18;
	v18 =	vld [tilespmem:s14+$0x11560]  }
0x314: {  	v9 =	vadd.f32 v9, v10;
	v10 =	vmul.f32 v22, v7;
	v16 =	vld [tilespmem:s14+$0x11570];
	[tilespmem:s14+$0x4160] =	vst v13;
	v13 =	vmul.f32 v21, v8  }
0x315: {  	v3 =	vadd.f32 v3, v4;
	[tilespmem:s14+$0x4170] =	vst v14;
	v14 =	vld [tilespmem:s14+$0x5570]  }
0x316: {  	s21 =	simm.s32 $0x0;
	[tilespmem:s14+$0x4130] =	vst v9;
	v9 =	vld [tilespmem:s14+$0x10100];
	v11 =	vmul.f32 v17, v7;
	v17 =	vmul.f32 v20, v8;
	v4 =	vadd.f32 v13, v10  }
0x317: {  	s20 =	simm.s32 $0x80;
	s13 =	smul.u32 $0x1800, s21;
	[tilespmem:s14+$0x4120] =	vst v5;
	v5 =	vmul.f32 v15, v7;
	v10 =	vmul.f32 v19, v8  }
0x318: {  	s15 =	sand.u32 $0x380, s20;
	v11 =	vadd.f32 v17, v11;
	[tilespmem:s14+$0x4150] =	vst v4;
	v4 =	vmul.f32 v12, v7;
	v12 =	vmul.f32 v18, v8  }
0x319: {  	s13 =	sor.u32 s15, s13;
	[tilespmem:s14+$0x4110] =	vst v3;
	v5 =	vadd.f32 v10, v5  }
0x31a: {  	v3 =	vld [tilespmem:s13+$0x4110];
	v10 =	vmul.f32 v14, v7;
	[tilespmem:s14+$0x5540] =	vst v11;
	v11 =	vmul.f32 v16, v8;
	v12 =	vadd.f32 v12, v4  }
0x31b: {  	v7 =	vmul.f32 v6, v7;
	v8 =	vmul.f32 v9, v8;
	v4 =	vld [tilespmem:s13+$0x10110];
	[tilespmem:s14+$0x5550] =	vst v5  }
0x31c: {  	v9 =	vadd.f32 v11, v10;
	v6 =	vld [tilespmem:s13+$0x4120];
	[tilespmem:s14+$0x5560] =	vst v12  }
0x31d: {  	v7 =	vadd.f32 v8, v7;
	v5 =	vld [tilespmem:s13+$0x10120]  }
0x31e: {  	v8 =	vld [tilespmem:s13+$0x4130];
	[tilespmem:s14+$0x5570] =	vst v9  }
0x31f: {  	v18 =	vld [tilespmem:s13+$0x4530];
	[tilespmem:s14+$0x4100] =	vst v7  }
0x320: {  	v7 =	vld [tilespmem:s13+$0x10130]  }
0x321: {  	v10 =	vld [tilespmem:s13+$0x4140]  }
0x322: {  	v9 =	vld [tilespmem:s13+$0x10140]  }
0x323: {  	v12 =	vld [tilespmem:s13+$0x4150]  }
0x324: {  	v11 =	vld [tilespmem:s13+$0x10150]  }
0x325: {  	v13 =	vld [tilespmem:s13+$0x4160]  }
0x326: {  	v14 =	vld [tilespmem:s13+$0x4170]  }
0x327: {  	v15 =	vld [tilespmem:s13+$0x4500]  }
0x328: {  	v16 =	vld [tilespmem:s13+$0x4510]  }
0x329: {  	v17 =	vld [tilespmem:s13+$0x4520]  }
0x32a: {  	v19 =	vld [tilespmem:s13+$0x4540]  }
0x32b: {  	v20 =	vld [tilespmem:s13+$0x4550]  }
0x32c: {  	v21 =	vld [tilespmem:s13+$0x4560]  }
0x32d: {  	v22 =	vld [tilespmem:s13+$0x4570]  }
0x32e: {  	v23 =	vld [tilespmem:s13+$0x4900]  }
0x32f: {  	v24 =	vld [tilespmem:s13+$0x4910]  }
0x330: {  	v25 =	vld [tilespmem:s13+$0x4920]  }
0x331: {  	v26 =	vld [tilespmem:s13+$0x4930]  }
0x332: {  	v27 =	vld [tilespmem:s13+$0x4940]  }
0x333: {  	v28 =	vld [tilespmem:s13+$0x4950]  }
0x334: {  	v29 =	vld [tilespmem:s13+$0x4960]  }
0x335: {  	v30 =	vld [tilespmem:s13+$0x4970]  }
0x336: {  	v31 =	vld [tilespmem:s13+$0x4D00]  }
0x337: {  	v34 =	vld [tilespmem:s13+$0x4D10]  }
0x338: {  	v35 =	vld [tilespmem:s13+$0x4D20]  }
0x339: {  	v36 =	vld [tilespmem:s13+$0x4D30]  }
0x33a: {  	v37 =	vld [tilespmem:s13+$0x4D40]  }
0x33b: {  	v38 =	vld [tilespmem:s13+$0x4D50]  }
0x33c: {  	v39 =	vld [tilespmem:s13+$0x4D60]  }
0x33d: {  	v40 =	vld [tilespmem:s13+$0x4D70]  }
0x33e: {  	v41 =	vld [tilespmem:s13+$0x5100]  }
0x33f: {  	v42 =	vld [tilespmem:s13+$0x5110]  }
0x340: {  	v43 =	vld [tilespmem:s13+$0x5120]  }
0x341: {  	v44 =	vld [tilespmem:s13+$0x5130]  }
0x342: {  	v45 =	vld [tilespmem:s13+$0x5140]  }
0x343: {  	v46 =	vld [tilespmem:s13+$0x5150]  }
0x344: {  	v47 =	vld [tilespmem:s13+$0x5160]  }
0x345: {  	v48 =	vld [tilespmem:s13+$0x5500]  }
0x346: {  	v50 =	vld [tilespmem:s13+$0x5510]  }
0x347: {  	v49 =	vld [tilespmem:s13+$0x11510]  }
0x348: {  	s14 =	simm.s32 $0x2;
	v51 =	vld [tilespmem:s13+$0x11530]  }
.LBB2_4:
0x349: {  	p0 =	sne.s32 s14, $0x3F;
	v52 =	vld [tilespmem:s13+$0x5530]  }
0x34a: {  	s12 =	sadd.s32 $0x80, s12;
	v53 =	vld [tilespmem:s13+$0x5520]  }
0x34b: {  	s18 =	sadd.s32 $0x80, s18;
	v33 =	vld [tilespmem:s12+$0x0]  }
0x34c: {  	v32 =	vld [tilespmem:s18+$0x0]  }
0x34d: {  	v54 =	vld [tilespmem:s13+$0x11520]  }
0x34e: {  	v55 =	vld [tilespmem:s13+$0x11500]  }
0x34f: {  	v56 =	vld [tilespmem:s13+$0x5170]  }
0x350: {  	v57 =	vld [tilespmem:s13+$0x11170];
	v50 =	vmul.f32 v50, v33;
	v53 =	vmul.f32 v53, v33  }
0x351: {  	v52 =	vmul.f32 v52, v33;
	v58 =	vld [tilespmem:s13+$0x11160];
	v51 =	vmul.f32 v51, v32  }
0x352: {  	v49 =	vmul.f32 v49, v32;
	v59 =	vld [tilespmem:s13+$0x11150];
	v54 =	vmul.f32 v54, v32  }
0x353: {  	v48 =	vmul.f32 v48, v33;
	v60 =	vld [tilespmem:s13+$0x11140];
	v55 =	vmul.f32 v55, v32;
	v51 =	vadd.f32 v51, v52  }
0x354: {  	v49 =	vadd.f32 v49, v50;
	v52 =	vld [tilespmem:s13+$0x11130];
	v56 =	vmul.f32 v56, v33;
	v50 =	vadd.f32 v54, v53  }
0x355: {  	v47 =	vmul.f32 v47, v33;
	v53 =	vld [tilespmem:s13+$0x11120];
	v54 =	vmul.f32 v57, v32;
	v48 =	vadd.f32 v55, v48;
	[tilespmem:s13+$0x5530] =	vst v51  }
0x356: {  	v46 =	vmul.f32 v46, v33;
	v51 =	vld [tilespmem:s13+$0x11110];
	v55 =	vmul.f32 v58, v32;
	[tilespmem:s13+$0x5520] =	vst v50  }
0x357: {  	v45 =	vmul.f32 v45, v33;
	v50 =	vld [tilespmem:s13+$0x11100];
	v57 =	vmul.f32 v59, v32;
	v54 =	vadd.f32 v54, v56;
	[tilespmem:s13+$0x5510] =	vst v49  }
0x358: {  	v44 =	vmul.f32 v44, v33;
	v49 =	vld [tilespmem:s13+$0x10D70];
	v56 =	vmul.f32 v60, v32;
	v47 =	vadd.f32 v55, v47;
	[tilespmem:s13+$0x5500] =	vst v48  }
0x359: {  	v43 =	vmul.f32 v43, v33;
	v48 =	vld [tilespmem:s13+$0x10D60];
	v52 =	vmul.f32 v52, v32;
	v46 =	vadd.f32 v57, v46;
	[tilespmem:s13+$0x5170] =	vst v54  }
0x35a: {  	v42 =	vmul.f32 v42, v33;
	v54 =	vld [tilespmem:s13+$0x10D50];
	v53 =	vmul.f32 v53, v32;
	v45 =	vadd.f32 v56, v45;
	[tilespmem:s13+$0x5160] =	vst v47  }
0x35b: {  	v41 =	vmul.f32 v41, v33;
	v47 =	vld [tilespmem:s13+$0x10D40];
	v51 =	vmul.f32 v51, v32;
	v44 =	vadd.f32 v52, v44;
	[tilespmem:s13+$0x5150] =	vst v46  }
0x35c: {  	v40 =	vmul.f32 v40, v33;
	v46 =	vld [tilespmem:s13+$0x10D30];
	v50 =	vmul.f32 v50, v32;
	v43 =	vadd.f32 v53, v43;
	[tilespmem:s13+$0x5140] =	vst v45  }
0x35d: {  	v39 =	vmul.f32 v39, v33;
	v45 =	vld [tilespmem:s13+$0x10D20];
	v49 =	vmul.f32 v49, v32;
	v42 =	vadd.f32 v51, v42;
	[tilespmem:s13+$0x5130] =	vst v44  }
0x35e: {  	v38 =	vmul.f32 v38, v33;
	v44 =	vld [tilespmem:s13+$0x10D10];
	v48 =	vmul.f32 v48, v32;
	v41 =	vadd.f32 v50, v41;
	[tilespmem:s13+$0x5120] =	vst v43  }
0x35f: {  	v37 =	vmul.f32 v37, v33;
	v43 =	vld [tilespmem:s13+$0x10D00];
	v50 =	vmul.f32 v54, v32;
	v40 =	vadd.f32 v49, v40;
	[tilespmem:s13+$0x5110] =	vst v42  }
0x360: {  	v36 =	vmul.f32 v36, v33;
	v42 =	vld [tilespmem:s13+$0x10970];
	v47 =	vmul.f32 v47, v32;
	v39 =	vadd.f32 v48, v39;
	[tilespmem:s13+$0x5100] =	vst v41  }
0x361: {  	v35 =	vmul.f32 v35, v33;
	v41 =	vld [tilespmem:s13+$0x10960];
	v46 =	vmul.f32 v46, v32;
	v38 =	vadd.f32 v50, v38;
	[tilespmem:s13+$0x4D70] =	vst v40  }
0x362: {  	v34 =	vmul.f32 v34, v33;
	v40 =	vld [tilespmem:s13+$0x10950];
	v45 =	vmul.f32 v45, v32;
	v37 =	vadd.f32 v47, v37;
	[tilespmem:s13+$0x4D60] =	vst v39  }
0x363: {  	v31 =	vmul.f32 v31, v33;
	v39 =	vld [tilespmem:s13+$0x10940];
	v44 =	vmul.f32 v44, v32;
	v36 =	vadd.f32 v46, v36;
	[tilespmem:s13+$0x4D50] =	vst v38  }
0x364: {  	v30 =	vmul.f32 v30, v33;
	v38 =	vld [tilespmem:s13+$0x10930];
	v43 =	vmul.f32 v43, v32;
	v35 =	vadd.f32 v45, v35;
	[tilespmem:s13+$0x4D40] =	vst v37  }
0x365: {  	v29 =	vmul.f32 v29, v33;
	v37 =	vld [tilespmem:s13+$0x10920];
	v42 =	vmul.f32 v42, v32;
	v34 =	vadd.f32 v44, v34;
	[tilespmem:s13+$0x4D30] =	vst v36  }
0x366: {  	v28 =	vmul.f32 v28, v33;
	v36 =	vld [tilespmem:s13+$0x10910];
	v41 =	vmul.f32 v41, v32;
	v31 =	vadd.f32 v43, v31;
	[tilespmem:s13+$0x4D20] =	vst v35  }
0x367: {  	v27 =	vmul.f32 v27, v33;
	v35 =	vld [tilespmem:s13+$0x10900];
	v40 =	vmul.f32 v40, v32;
	v30 =	vadd.f32 v42, v30;
	[tilespmem:s13+$0x4D10] =	vst v34  }
0x368: {  	v26 =	vmul.f32 v26, v33;
	v34 =	vld [tilespmem:s13+$0x10570];
	v39 =	vmul.f32 v39, v32;
	v29 =	vadd.f32 v41, v29;
	[tilespmem:s13+$0x4D00] =	vst v31  }
0x369: {  	v25 =	vmul.f32 v25, v33;
	v31 =	vld [tilespmem:s13+$0x10560];
	v38 =	vmul.f32 v38, v32;
	v28 =	vadd.f32 v40, v28;
	[tilespmem:s13+$0x4970] =	vst v30  }
0x36a: {  	v24 =	vmul.f32 v24, v33;
	v30 =	vld [tilespmem:s13+$0x10550];
	v37 =	vmul.f32 v37, v32;
	v27 =	vadd.f32 v39, v27;
	[tilespmem:s13+$0x4960] =	vst v29  }
0x36b: {  	v23 =	vmul.f32 v23, v33;
	v29 =	vld [tilespmem:s13+$0x10540];
	v36 =	vmul.f32 v36, v32;
	v26 =	vadd.f32 v38, v26;
	[tilespmem:s13+$0x4950] =	vst v28  }
0x36c: {  	v22 =	vmul.f32 v22, v33;
	v28 =	vld [tilespmem:s13+$0x10530];
	v35 =	vmul.f32 v35, v32;
	v25 =	vadd.f32 v37, v25;
	[tilespmem:s13+$0x4940] =	vst v27  }
0x36d: {  	v21 =	vmul.f32 v21, v33;
	v27 =	vld [tilespmem:s13+$0x10520];
	v34 =	vmul.f32 v34, v32;
	v24 =	vadd.f32 v36, v24;
	[tilespmem:s13+$0x4930] =	vst v26  }
0x36e: {  	v20 =	vmul.f32 v20, v33;
	v26 =	vld [tilespmem:s13+$0x10510];
	v31 =	vmul.f32 v31, v32;
	v23 =	vadd.f32 v35, v23;
	[tilespmem:s13+$0x4920] =	vst v25  }
0x36f: {  	v19 =	vmul.f32 v19, v33;
	v25 =	vld [tilespmem:s13+$0x10500];
	v30 =	vmul.f32 v30, v32;
	v22 =	vadd.f32 v34, v22;
	[tilespmem:s13+$0x4910] =	vst v24  }
0x370: {  	v18 =	vmul.f32 v18, v33;
	v24 =	vld [tilespmem:s13+$0x10170];
	v29 =	vmul.f32 v29, v32;
	v21 =	vadd.f32 v31, v21;
	[tilespmem:s13+$0x4900] =	vst v23  }
0x371: {  	v17 =	vmul.f32 v17, v33;
	v23 =	vld [tilespmem:s13+$0x10160];
	v28 =	vmul.f32 v28, v32;
	v20 =	vadd.f32 v30, v20;
	[tilespmem:s13+$0x4570] =	vst v22  }
0x372: {  	v16 =	vmul.f32 v16, v33;
	v22 =	vmul.f32 v27, v32;
	v19 =	vadd.f32 v29, v19;
	[tilespmem:s13+$0x4560] =	vst v21;
	v21 =	vld [tilespmem:s13+$0x11540]  }
0x373: {  	v15 =	vmul.f32 v15, v33;
	v26 =	vmul.f32 v26, v32;
	v18 =	vadd.f32 v28, v18;
	[tilespmem:s13+$0x4550] =	vst v20;
	v20 =	vld [tilespmem:s13+$0x11550]  }
0x374: {  	v14 =	vmul.f32 v14, v33;
	v25 =	vmul.f32 v25, v32;
	v17 =	vadd.f32 v22, v17;
	[tilespmem:s13+$0x4540] =	vst v19;
	v19 =	vld [tilespmem:s13+$0x11560]  }
0x375: {  	v13 =	vmul.f32 v13, v33;
	v22 =	vmul.f32 v24, v32;
	v16 =	vadd.f32 v26, v16;
	[tilespmem:s13+$0x4530] =	vst v18;
	v18 =	vld [tilespmem:s13+$0x11570]  }
0x376: {  	v12 =	vmul.f32 v12, v33;
	v23 =	vmul.f32 v23, v32;
	v15 =	vadd.f32 v25, v15;
	[tilespmem:s13+$0x4520] =	vst v17;
	v17 =	vld [tilespmem:s13+$0x5540]  }
0x377: {  	v10 =	vmul.f32 v10, v33;
	v11 =	vmul.f32 v11, v32;
	v14 =	vadd.f32 v22, v14;
	[tilespmem:s13+$0x4510] =	vst v16;
	v16 =	vld [tilespmem:s13+$0x5550]  }
0x378: {  	v8 =	vmul.f32 v8, v33;
	v9 =	vmul.f32 v9, v32;
	v13 =	vadd.f32 v23, v13;
	[tilespmem:s13+$0x4500] =	vst v15;
	v15 =	vld [tilespmem:s13+$0x5560]  }
0x379: {  	v6 =	vmul.f32 v6, v33;
	v7 =	vmul.f32 v7, v32;
	v11 =	vadd.f32 v11, v12;
	[tilespmem:s13+$0x4170] =	vst v14;
	v12 =	vld [tilespmem:s13+$0x5570]  }
0x37a: {  	v3 =	vmul.f32 v3, v33;
	v5 =	vmul.f32 v5, v32;
	v9 =	vadd.f32 v9, v10;
	v14 =	vld [tilespmem:s13+$0x4100];
	[tilespmem:s13+$0x4160] =	vst v13  }
0x37b: {  	v4 =	vmul.f32 v4, v32;
	v7 =	vadd.f32 v7, v8;
	v10 =	vld [tilespmem:s13+$0x10100];
	[tilespmem:s13+$0x4150] =	vst v11;
	v8 =	vmul.f32 v17, v33  }
0x37c: {  	s15 =	sshrl.u32 s14, $0x3;
	v5 =	vadd.f32 v5, v6;
	v6 =	vmul.f32 v21, v32;
	[tilespmem:s13+$0x4140] =	vst v9;
	v9 =	vmul.f32 v16, v33  }
0x37d: {  	s20 =	sadd.s32 $0x80, s20;
	s15 =	smul.u32 $0x1800, s15;
	v3 =	vadd.f32 v4, v3;
	v4 =	vmul.f32 v20, v32;
	[tilespmem:s13+$0x4130] =	vst v7;
	v7 =	vmul.f32 v15, v33  }
0x37e: {  	s21 =	sand.u32 $0x380, s20;
	[tilespmem:s13+$0x4120] =	vst v5;
	v5 =	vadd.f32 v6, v8;
	v6 =	vmul.f32 v19, v32;
	v8 =	vmul.f32 v12, v33  }
0x37f: {  	s15 =	sor.u32 s21, s15;
	v9 =	vadd.f32 v4, v9;
	v12 =	vmul.f32 v18, v32;
	v11 =	vmul.f32 v14, v33;
	[tilespmem:s13+$0x4110] =	vst v3  }
0x380: {  	v3 =	vld [tilespmem:s15+$0x4110];
	v10 =	vmul.f32 v10, v32;
	[tilespmem:s13+$0x5540] =	vst v5;
	v5 =	vadd.f32 v6, v7  }
0x381: {  	v7 =	vadd.f32 v12, v8;
	v4 =	vld [tilespmem:s15+$0x10110];
	[tilespmem:s13+$0x5550] =	vst v9  }
0x382: {  	v6 =	vld [tilespmem:s15+$0x4120];
	v9 =	vadd.f32 v10, v11;
	[tilespmem:s13+$0x5560] =	vst v5  }
0x383: {  	v5 =	vld [tilespmem:s15+$0x10120];
	[tilespmem:s13+$0x5570] =	vst v7  }
0x384: {  	v8 =	vld [tilespmem:s15+$0x4130];
	[tilespmem:s13+$0x4100] =	vst v9;
	s13 =	smov.u32 s15  }
0x385: {  	v7 =	vld [tilespmem:s13+$0x10130]  }
0x386: {  	v10 =	vld [tilespmem:s13+$0x4140]  }
0x387: {  	v9 =	vld [tilespmem:s13+$0x10140]  }
0x388: {  	v12 =	vld [tilespmem:s13+$0x4150]  }
0x389: {  	v11 =	vld [tilespmem:s13+$0x10150]  }
0x38a: {  	v13 =	vld [tilespmem:s13+$0x4160]  }
0x38b: {  	v14 =	vld [tilespmem:s13+$0x4170]  }
0x38c: {  	v15 =	vld [tilespmem:s13+$0x4500]  }
0x38d: {  	v16 =	vld [tilespmem:s13+$0x4510]  }
0x38e: {  	v17 =	vld [tilespmem:s13+$0x4520]  }
0x38f: {  	v18 =	vld [tilespmem:s13+$0x4530]  }
0x390: {  	v19 =	vld [tilespmem:s13+$0x4540]  }
0x391: {  	v20 =	vld [tilespmem:s13+$0x4550]  }
0x392: {  	v21 =	vld [tilespmem:s13+$0x4560]  }
0x393: {  	v22 =	vld [tilespmem:s13+$0x4570]  }
0x394: {  	v23 =	vld [tilespmem:s13+$0x4900]  }
0x395: {  	v24 =	vld [tilespmem:s13+$0x4910]  }
0x396: {  	v25 =	vld [tilespmem:s13+$0x4920]  }
0x397: {  	v26 =	vld [tilespmem:s13+$0x4930]  }
0x398: {  	v27 =	vld [tilespmem:s13+$0x4940]  }
0x399: {  	v28 =	vld [tilespmem:s13+$0x4950]  }
0x39a: {  	v29 =	vld [tilespmem:s13+$0x4960]  }
0x39b: {  	v30 =	vld [tilespmem:s13+$0x4970]  }
0x39c: {  	v31 =	vld [tilespmem:s13+$0x4D00]  }
0x39d: {  	v34 =	vld [tilespmem:s13+$0x4D10]  }
0x39e: {  	v35 =	vld [tilespmem:s13+$0x4D20]  }
0x39f: {  	v36 =	vld [tilespmem:s13+$0x4D30]  }
0x3a0: {  	v37 =	vld [tilespmem:s13+$0x4D40]  }
0x3a1: {  	v38 =	vld [tilespmem:s13+$0x4D50]  }
0x3a2: {  	v39 =	vld [tilespmem:s13+$0x4D60]  }
0x3a3: {  	v40 =	vld [tilespmem:s13+$0x4D70]  }
0x3a4: {  	v41 =	vld [tilespmem:s13+$0x5100]  }
0x3a5: {  	v42 =	vld [tilespmem:s13+$0x5110]  }
0x3a6: {  	v43 =	vld [tilespmem:s13+$0x5120]  }
0x3a7: {  	v44 =	vld [tilespmem:s13+$0x5130]  }
0x3a8: {  	v45 =	vld [tilespmem:s13+$0x5140]  }
0x3a9: {  	v46 =	vld [tilespmem:s13+$0x5150]  }
.Ltmp1:
0x3aa: {  	v47 =	vld [tilespmem:s13+$0x5160];
	(pc) =	sbr.rel @p0 .LBB2_4-.Ltmp1, $4  }
0x3ab: {  	v48 =	vld [tilespmem:s13+$0x5500]  }
0x3ac: {  	v50 =	vld [tilespmem:s13+$0x5510]  }
0x3ad: {  	v49 =	vld [tilespmem:s13+$0x11510]  }
0x3ae: {  	s14 =	sadd.s32 $0x1, s14;
	v51 =	vld [tilespmem:s13+$0x11530]  }
0x3af: {  	v52 =	vld [tilespmem:s13+$0x5530]  }
0x3b0: {  	v53 =	vld [tilespmem:s13+$0x5520];
	s12 =	sadd.s32 $0x80, s12  }
0x3b1: {  	s20 =	sadd.s32 $0x80, s18;
	v32 =	vld [tilespmem:s12+$0x0]  }
0x3b2: {  	v33 =	vld [tilespmem:s20+$0x0]  }
0x3b3: {  	v54 =	vld [tilespmem:s13+$0x11520];
	_ =	sdelay $0x1  }
0x3b4: {  	v55 =	vld [tilespmem:s13+$0x11500]  }
0x3b5: {  	v56 =	vld [tilespmem:s13+$0x5170]  }
0x3b6: {  	v58 =	vld [tilespmem:s13+$0x11160];
	v52 =	vmul.f32 v52, v32;
	v51 =	vmul.f32 v51, v33  }
0x3b7: {  	v57 =	vld [tilespmem:s13+$0x11170];
	v53 =	vmul.f32 v53, v32;
	v54 =	vmul.f32 v54, v33  }
0x3b8: {  	v59 =	vld [tilespmem:s13+$0x11150];
	v50 =	vmul.f32 v50, v32;
	v49 =	vmul.f32 v49, v33  }
0x3b9: {  	v60 =	vld [tilespmem:s13+$0x11140];
	v48 =	vmul.f32 v48, v32;
	v62 =	vmul.f32 v55, v33;
	v51 =	vadd.f32 v51, v52  }
0x3ba: {  	v61 =	vld [tilespmem:s13+$0x11120];
	v63 =	vmul.f32 v56, v32;
	v47 =	vmul.f32 v47, v32;
	v53 =	vadd.f32 v54, v53  }
0x3bb: {  	v58 =	vmul.f32 v58, v33;
	v55 =	vld [tilespmem:s13+$0x10560];
	v12 =	vmul.f32 v12, v32;
	v49 =	vadd.f32 v49, v50;
	[tilespmem:s13+$0x5530] =	vst v51  }
0x3bc: {  	v56 =	vld [tilespmem:s13+$0x10550];
	v11 =	vmul.f32 v11, v33;
	v10 =	vmul.f32 v10, v32;
	v48 =	vadd.f32 v62, v48;
	[tilespmem:s13+$0x5520] =	vst v53  }
0x3bd: {  	v9 =	vmul.f32 v9, v33;
	v8 =	vmul.f32 v8, v32;
	v52 =	vld [tilespmem:s13+$0x11130];
	v47 =	vadd.f32 v58, v47;
	[tilespmem:s13+$0x5510] =	vst v49  }
0x3be: {  	v7 =	vmul.f32 v7, v33;
	v6 =	vmul.f32 v6, v32;
	v50 =	vld [tilespmem:s13+$0x11100];
	v11 =	vadd.f32 v11, v12;
	[tilespmem:s13+$0x5500] =	vst v48  }
0x3bf: {  	v5 =	vmul.f32 v5, v33;
	v3 =	vmul.f32 v3, v32;
	v58 =	vld [tilespmem:s13+$0x10D20];
	v9 =	vadd.f32 v9, v10;
	[tilespmem:s13+$0x5160] =	vst v47  }
0x3c0: {  	v4 =	vmul.f32 v4, v33;
	v62 =	vmul.f32 v59, v33;
	v59 =	vld [tilespmem:s13+$0x10D10];
	v7 =	vadd.f32 v7, v8;
	[tilespmem:s13+$0x4150] =	vst v11  }
0x3c1: {  	v57 =	vmul.f32 v57, v33;
	v54 =	vld [tilespmem:s13+$0x10570];
	v5 =	vadd.f32 v5, v6;
	[tilespmem:s13+$0x4140] =	vst v9  }
0x3c2: {  	v46 =	vmul.f32 v46, v32;
	v3 =	vadd.f32 v4, v3;
	v51 =	vld [tilespmem:s13+$0x11110];
	[tilespmem:s13+$0x4130] =	vst v7  }
0x3c3: {  	v45 =	vmul.f32 v45, v32;
	v49 =	vld [tilespmem:s13+$0x10D70];
	v53 =	vadd.f32 v57, v63;
	v63 =	vmul.f32 v60, v33;
	[tilespmem:s13+$0x4120] =	vst v5  }
0x3c4: {  	v43 =	vmul.f32 v43, v32;
	v48 =	vld [tilespmem:s13+$0x10D60];
	v46 =	vadd.f32 v62, v46;
	v57 =	vmul.f32 v61, v33;
	[tilespmem:s13+$0x4110] =	vst v3  }
0x3c5: {  	v44 =	vmul.f32 v44, v32;
	v47 =	vld [tilespmem:s13+$0x10D40];
	[tilespmem:s13+$0x5170] =	vst v53;
	v45 =	vadd.f32 v63, v45;
	v52 =	vmul.f32 v52, v33  }
0x3c6: {  	v41 =	vmul.f32 v41, v32;
	v60 =	vld [tilespmem:s13+$0x10D00];
	[tilespmem:s13+$0x5150] =	vst v46;
	v43 =	vadd.f32 v57, v43;
	v50 =	vmul.f32 v50, v33  }
0x3c7: {  	v35 =	vmul.f32 v35, v32;
	v61 =	vld [tilespmem:s13+$0x10970];
	[tilespmem:s13+$0x5140] =	vst v45;
	v45 =	vmul.f32 v58, v33;
	v44 =	vadd.f32 v52, v44  }
0x3c8: {  	v42 =	vmul.f32 v42, v32;
	v53 =	vld [tilespmem:s13+$0x10D50];
	[tilespmem:s13+$0x5120] =	vst v43;
	v51 =	vmul.f32 v51, v33;
	v41 =	vadd.f32 v50, v41  }
0x3c9: {  	v40 =	vmul.f32 v40, v32;
	v46 =	vld [tilespmem:s13+$0x10D30];
	v49 =	vmul.f32 v49, v33;
	v35 =	vadd.f32 v45, v35;
	[tilespmem:s13+$0x5130] =	vst v44  }
0x3ca: {  	v39 =	vmul.f32 v39, v32;
	v62 =	vld [tilespmem:s13+$0x10960];
	v48 =	vmul.f32 v48, v33;
	v42 =	vadd.f32 v51, v42;
	[tilespmem:s13+$0x5100] =	vst v41  }
0x3cb: {  	v37 =	vmul.f32 v37, v32;
	v57 =	vld [tilespmem:s13+$0x10540];
	v47 =	vmul.f32 v47, v33;
	v40 =	vadd.f32 v49, v40;
	[tilespmem:s13+$0x4D20] =	vst v35  }
0x3cc: {  	v31 =	vmul.f32 v31, v32;
	v58 =	vld [tilespmem:s13+$0x10530];
	v43 =	vmul.f32 v60, v33;
	v39 =	vadd.f32 v48, v39;
	[tilespmem:s13+$0x5110] =	vst v42  }
0x3cd: {  	v38 =	vmul.f32 v38, v32;
	v50 =	vld [tilespmem:s13+$0x10930];
	v63 =	vmul.f32 v53, v33;
	v37 =	vadd.f32 v47, v37;
	[tilespmem:s13+$0x4D70] =	vst v40  }
0x3ce: {  	v36 =	vmul.f32 v36, v32;
	v60 =	vld [tilespmem:s13+$0x10510];
	v46 =	vmul.f32 v46, v33;
	v31 =	vadd.f32 v43, v31;
	[tilespmem:s13+$0x4D60] =	vst v39  }
0x3cf: {  	v34 =	vmul.f32 v34, v32;
	v52 =	vld [tilespmem:s13+$0x10910];
	v44 =	vmul.f32 v59, v33;
	v38 =	vadd.f32 v63, v38;
	[tilespmem:s13+$0x4D40] =	vst v37  }
0x3d0: {  	v29 =	vmul.f32 v29, v32;
	v45 =	vld [tilespmem:s13+$0x5540];
	v41 =	vmul.f32 v62, v33;
	v36 =	vadd.f32 v46, v36;
	[tilespmem:s13+$0x4D00] =	vst v31  }
0x3d1: {  	v21 =	vmul.f32 v21, v32;
	v48 =	vld [tilespmem:s13+$0x10950];
	v62 =	vmul.f32 v55, v33;
	v34 =	vadd.f32 v44, v34;
	[tilespmem:s13+$0x4D50] =	vst v38  }
0x3d2: {  	v30 =	vmul.f32 v30, v32;
	v49 =	vld [tilespmem:s13+$0x10940];
	v42 =	vmul.f32 v61, v33;
	v29 =	vadd.f32 v41, v29;
	[tilespmem:s13+$0x4D30] =	vst v36  }
0x3d3: {  	v16 =	vmul.f32 v16, v32;
	v51 =	vld [tilespmem:s13+$0x10920];
	v21 =	vadd.f32 v62, v21;
	v41 =	vmul.f32 v60, v33;
	[tilespmem:s13+$0x4D10] =	vst v34  }
0x3d4: {  	v26 =	vmul.f32 v26, v32;
	v53 =	vld [tilespmem:s13+$0x10900];
	v30 =	vadd.f32 v42, v30;
	[tilespmem:s13+$0x4960] =	vst v29;
	v38 =	vmul.f32 v50, v33  }
0x3d5: {  	v24 =	vmul.f32 v24, v32;
	v59 =	vld [tilespmem:s13+$0x10520];
	v36 =	vmul.f32 v52, v33;
	[tilespmem:s13+$0x4560] =	vst v21;
	v16 =	vadd.f32 v41, v16  }
0x3d6: {  	v22 =	vmul.f32 v22, v32;
	v43 =	vld [tilespmem:s13+$0x11570];
	v34 =	vmul.f32 v54, v33;
	[tilespmem:s13+$0x4970] =	vst v30;
	v26 =	vadd.f32 v38, v26  }
0x3d7: {  	v28 =	vmul.f32 v28, v32;
	v61 =	vld [tilespmem:s13+$0x10500];
	v40 =	vmul.f32 v48, v33;
	v24 =	vadd.f32 v36, v24;
	[tilespmem:s13+$0x4510] =	vst v16  }
0x3d8: {  	v27 =	vmul.f32 v27, v32;
	v63 =	vld [tilespmem:s13+$0x10170];
	v39 =	vmul.f32 v49, v33;
	v22 =	vadd.f32 v34, v22;
	[tilespmem:s13+$0x4930] =	vst v26  }
0x3d9: {  	v25 =	vmul.f32 v25, v32;
	v46 =	vld [tilespmem:s13+$0x5550];
	v37 =	vmul.f32 v51, v33;
	v28 =	vadd.f32 v40, v28;
	[tilespmem:s13+$0x4910] =	vst v24  }
0x3da: {  	v23 =	vmul.f32 v23, v32;
	v50 =	vld [tilespmem:s13+$0x10100];
	v35 =	vmul.f32 v53, v33;
	v27 =	vadd.f32 v39, v27;
	[tilespmem:s13+$0x4570] =	vst v22  }
0x3db: {  	v20 =	vmul.f32 v20, v32;
	v48 =	vld [tilespmem:s13+$0x5560];
	v30 =	vmul.f32 v56, v33;
	v25 =	vadd.f32 v37, v25;
	[tilespmem:s13+$0x4950] =	vst v28  }
0x3dc: {  	v19 =	vmul.f32 v19, v32;
	v51 =	vld [tilespmem:s13+$0x4100];
	v23 =	vadd.f32 v35, v23;
	v35 =	vmul.f32 v57, v33;
	[tilespmem:s13+$0x4940] =	vst v27  }
0x3dd: {  	v18 =	vmul.f32 v18, v32;
	v34 =	vld [tilespmem:s13+$0x10160];
	v37 =	vmul.f32 v58, v33;
	v20 =	vadd.f32 v30, v20;
	[tilespmem:s13+$0x4920] =	vst v25  }
0x3de: {  	v17 =	vmul.f32 v17, v32;
	v36 =	vld [tilespmem:s13+$0x11540];
	v39 =	vmul.f32 v59, v33;
	[tilespmem:s13+$0x4900] =	vst v23;
	v19 =	vadd.f32 v35, v19  }
0x3df: {  	v15 =	vmul.f32 v15, v32;
	v38 =	vld [tilespmem:s13+$0x11550];
	v42 =	vmul.f32 v61, v33;
	v18 =	vadd.f32 v37, v18;
	[tilespmem:s13+$0x4550] =	vst v20  }
0x3e0: {  	v14 =	vmul.f32 v14, v32;
	v40 =	vld [tilespmem:s13+$0x11560];
	v44 =	vmul.f32 v63, v33;
	v17 =	vadd.f32 v39, v17;
	[tilespmem:s13+$0x4540] =	vst v19  }
0x3e1: {  	v49 =	vld [tilespmem:s13+$0x5570];
	v15 =	vadd.f32 v42, v15;
	v10 =	vmul.f32 v50, v33;
	v61 =	vmul.f32 v51, v32;
	[tilespmem:s13+$0x4530] =	vst v18  }
0x3e2: {  	v13 =	vmul.f32 v13, v32;
	v14 =	vadd.f32 v44, v14;
	[tilespmem:s13+$0x4520] =	vst v17;
	v47 =	vmul.f32 v34, v33  }
0x3e3: {  	v52 =	vmul.f32 v45, v32;
	[tilespmem:s13+$0x4500] =	vst v15;
	v53 =	vmul.f32 v36, v33;
	v63 =	vadd.f32 v10, v61  }
0x3e4: {  	v54 =	vmul.f32 v46, v32;
	[tilespmem:s13+$0x4170] =	vst v14;
	v55 =	vmul.f32 v38, v33;
	v13 =	vadd.f32 v47, v13  }
0x3e5: {  	v56 =	vmul.f32 v48, v32;
	v58 =	vmul.f32 v40, v33;
	v57 =	vadd.f32 v53, v52;
	[tilespmem:s13+$0x4100] =	vst v63  }
0x3e6: {  	v60 =	vmul.f32 v43, v33;
	v59 =	vmul.f32 v49, v32;
	v3 =	vadd.f32 v55, v54;
	[tilespmem:s13+$0x4160] =	vst v13  }
0x3e7: {  	v62 =	vadd.f32 v58, v56;
	[tilespmem:s13+$0x5540] =	vst v57  }
0x3e8: {  	s1 =	sadd.s32 $0x1, s1;
	[tilespmem:s13+$0x5550] =	vst v3;
	v3 =	vadd.f32 v60, v59  }
0x3e9: {  	p0 =	sne.s32 s1, s16;
	[tilespmem:s13+$0x5560] =	vst v62  }
.Ltmp2:
0x3ea: {  	s21 =	rddreg [dreg:$0xc];
	[tilespmem:s13+$0x5570] =	vst v3;
	(pc) =	sbr.rel @p0 .LBB2_1-.Ltmp2, $4  }
0x3eb: {  	[hbm4b:s21+s2] =	stream.linear.scatter [tilespmem:s19], [sflag:$0x2], $0xC000, $0x38;
	[tilespmem:$0x1C100] =	vst v63  }
0x3ec: {  	_ =	swait.ge [sflag:s17], $0xC000  }
0x3ed: {  	[sflag:s17] =	ssyncset.done $0x0  }
0x3ee: {  	[sflag:s17] =	ssyncadd.s32 $0xFFFF4000  }
0x3ef: {  	_ =	sfence.sel $0x180000  }
0x3f0: {  	[bflag:$0x0] =	sbarrier.arrive $0xFFFF  }
0x3f1: {  	_ =	strace $0x9000004A  }
0x3f2: {  	s0 =	stileid.u32;
	[bflag:$0x2] =	sbarrier.arrive $0xFFFF  }
0x3f3: {  	p0 =	sne.s32 s0, $0x0;
	s0 =	rddreg [dreg:$0x2]  }
0x3f4: {  	s0 =	sadd.s32 @!p0 $0x100000, s0  }
0x3f5: {  	[sflag:s0] =	ssyncadd.tile.s32 @!p0 $0x1;
	_ =	shalt  }
.Lfunc_end2:
_tile_overlayer_lowered:
.L_overlay_start_2:
0x3f6: {  	(tag) =	ssettag $0x2  }
0x3f7: {  	s0 =	rddreg [dreg:$0x0];
	s2 =	stileid.u32  }
0x3f8: {  	s1 =	rddreg [dreg:$0x1];
	p0 =	sne.s32 s2, $0x0  }
0x3f9: {  	s3 =	rddreg [dreg:$0x2];
	[bflag:$0x3] =	sbarrier.arrive $0xFFFF;
	s2 =	simm.s32 @!p0 $0x1C02  }
0x3fa: {  	[timem:s3], [sflag:s2] =	dma.local @!p0 [hbm:s0], s1  }
0x3fb: {  	s0 =	simm.s32 @!p0 $0x2  }
0x3fc: {  	_ =	swait.ge @!p0 [sflag:s0], s1  }
0x3fd: {  	s1 =	ssub.s32 @!p0 $0x0, s1;
	[sflag:s0] =	ssyncset.done @!p0 $0x0  }
0x3fe: {  	[sflag:s0] =	ssyncadd.s32 @!p0 s1  }
0x3ff: {  	[bflag:$0x3] =	sbarrier.arrive $0xFFFF  }
0x400: {  	_ =	shalt  }

</sc_bundles>
